<compile_context>
chip_gen: v7x
topology: tpu7x:2x2x1
jax: 0.10.2.dev20260603
libtpu: 0.0.44.dev20260713+nightly
codegen_flags: <defaults>
</compile_context>

<pallas_src>
import jax
import jax.numpy as jnp
import numpy as np
from jax import lax
from jax.experimental import pallas as pl
from jax.experimental.pallas import tpu as pltpu
from jax.experimental.pallas import tpu_sc as plsc

_B, _K, _C = 128, 32768, 3
_DROP = 2048
_KEEP = _K - _DROP
_NW = 32
_NC = 2
_BATCHES_PER_W = _B // _NW
_CHUNK = 15360
_NCHUNK = _KEEP // _CHUNK
_PAIRS = _CHUNK // 32
_KEEPW = _KEEP // 2



_ROT_A = (13, 15, 26, 6)
_ROT_B = (17, 29, 16, 24)


def _threefry2x32(k1, k2, x0, x1):
    ks = (np.uint32(k1), np.uint32(k2),
          np.uint32(k1) ^ np.uint32(k2) ^ np.uint32(0x1BD11BDA))
    x0 = x0 + ks[0]
    x1 = x1 + ks[1]
    sched = ((_ROT_A, ks[1], ks[2], 1), (_ROT_B, ks[2], ks[0], 2),
             (_ROT_A, ks[0], ks[1], 3), (_ROT_B, ks[1], ks[2], 4),
             (_ROT_A, ks[2], ks[0], 5))
    for rots, a0, a1, i in sched:
        for r in rots:
            x0 = x0 + x1
            x1 = x0 ^ ((x1 << np.uint32(r)) | (x1 >> np.uint32(32 - r)))
        x0 = x0 + a0
        x1 = x1 + a1 + np.uint32(i)
    return x0, x1


def _split(key, n):
    b1, b2 = _threefry2x32(key[0], key[1], np.zeros(n, np.uint32),
                           np.arange(n, dtype=np.uint32))
    return np.stack([b1, b2], axis=1)


def _permutation(key, n):
    x = np.arange(n, dtype=np.int32)
    for _ in range(2):
        key, sub = _split(key, 2)
        b1, b2 = _threefry2x32(sub[0], sub[1], np.zeros(n, np.uint32),
                               np.arange(n, dtype=np.uint32))
        x = x[np.argsort(b1 ^ b2, kind="stable")]
    return x


def _compute_idx() -> np.ndarray:
    keys = _split(np.array([0, 42], np.uint32), _B)
    return np.stack([_permutation(keys[b], _K)[:_KEEP] for b in range(_B)])


_IDX = _compute_idx()


def _pack_idx16(idx: np.ndarray) -> np.ndarray:
    blocks = idx.reshape(-1, 2, 16)
    packed = np.empty((blocks.shape[0], 32), np.int16)
    packed[:, 0::2] = blocks[:, 0, :]
    packed[:, 1::2] = blocks[:, 1, :]
    return packed.reshape(-1)


_IDX16 = _pack_idx16(_IDX)
_IDX32 = _IDX16.view(np.int32)


def _body(x_hbm, idx_hbm, out_hbm, pl0, pl1, ix0, ix1, ov0, ov1,
          sem_p0, sem_p1, sem_x0, sem_x1, sem_o0, sem_o1):
    wid = lax.axis_index("s") * _NC + lax.axis_index("c")
    plane_v = (pl0, pl1)
    idx_v = (ix0, ix1)
    out_v = (ov0, ov1)
    sem_p = (sem_p0, sem_p1)
    sem_x = (sem_x0, sem_x1)
    sem_o = (sem_o0, sem_o1)

    b0 = wid * _BATCHES_PER_W
    ntasks = 3 * _BATCHES_PER_W

    def plane_load(t):
        return pltpu.async_copy(
            x_hbm.at[t % 3, b0 + t // 3], plane_v[t % 2], sem_p[t % 2])

    def idx_load(j):
        return pltpu.async_copy(
            idx_hbm.at[pl.ds((b0 + j) * _KEEPW, _KEEPW)], idx_v[j % 2],
            sem_x[j % 2])

    pending_idx = [idx_load(0), None]
    pending_plane = [plane_load(0), plane_load(1)]
    pending_out = [None, None]
    out_parity = 0

    for t in range(ntasks):
        j, c = t // 3, t % 3
        b = b0 + j
        if c == 0:
            pending_idx[j % 2].wait()
            if j + 1 < _BATCHES_PER_W:
                pending_idx[(j + 1) % 2] = idx_load(j + 1)
        pending_plane[t % 2].wait()

        for ch in range(_NCHUNK):
            q = out_parity
            out_parity ^= 1
            if pending_out[q] is not None:
                pending_out[q].wait()

            @plsc.parallel_loop(0, _PAIRS, 1, unroll=8)
            def _(k, _q=q, _jp=j % 2, _tp=t % 2, _ch=ch):
                w16 = idx_v[_jp][pl.ds(_ch * (_CHUNK // 2) + k * 16, 16)]
                rows = plsc.unpack(plsc.bitcast(w16, jnp.int16),
                                   format=plsc.PackFormat.INTERLEAVED,
                                   preferred_element_type=jnp.int32)
                for half in range(2):
                    vals = plsc.load_gather(plane_v[_tp], [rows[half]])
                    out_v[_q][pl.ds(k * 32 + half * 16, 16)] = vals

            pending_out[q] = pltpu.async_copy(
                out_v[q],
                out_hbm.at[c, b, pl.ds(ch * _CHUNK, _CHUNK)], sem_o[q])

        if t + 2 < ntasks:
            pending_plane[t % 2] = plane_load(t + 2)

    for q in range(2):
        if pending_out[q] is not None:
            pending_out[q].wait()


@jax.jit
def _gather(xp, idx):
    mesh = plsc.VectorSubcoreMesh(core_axis_name="c", subcore_axis_name="s")
    f = pl.kernel(
        _body,
        out_type=jax.ShapeDtypeStruct((_C, _B, _KEEP), jnp.float32),
        mesh=mesh,
        compiler_params=pltpu.CompilerParams(needs_layout_passes=False),
        scratch_types=[
            pltpu.VMEM((_K,), jnp.float32),
            pltpu.VMEM((_K,), jnp.float32),
            pltpu.VMEM((_KEEPW,), jnp.int32),
            pltpu.VMEM((_KEEPW,), jnp.int32),
            pltpu.VMEM((_CHUNK,), jnp.float32),
            pltpu.VMEM((_CHUNK,), jnp.float32),
            pltpu.SemaphoreType.DMA,
            pltpu.SemaphoreType.DMA,
            pltpu.SemaphoreType.DMA,
            pltpu.SemaphoreType.DMA,
            pltpu.SemaphoreType.DMA,
            pltpu.SemaphoreType.DMA,
        ],
    )
    return f(xp, idx)


def kernel(x):
    xp = jnp.transpose(x, (2, 0, 1))
    op = _gather(xp, jnp.asarray(_IDX32))
    return lax.stop_gradient(jnp.transpose(op, (1, 2, 0)))

# --- scband reference (transcript-rebuilt; emitter-appended) ---
"""Pipeline reference for scband-srsdefense-24670292148722 (READ-ONLY COPY).

The authoritative reference and input builder live on the scoring server;
editing this copy changes nothing except your own understanding.
"""

import jax, jax.numpy as jnp
import numpy as np

DROP_NUM = 2048

def setup_inputs(seed: int = 0) -> dict:
    key = jax.random.key(seed)
    x = jax.random.normal(key, (128, 32768, 3), dtype=jnp.float32)
    return {"x": x}

def reference(x):
    # SRSDefense.forward: randomly drop DROP_NUM points from each point cloud.
    # torch uses np.random.choice(K, K-drop_num, replace=False) per batch element;
    # equivalent in distribution to taking the first K-drop_num entries of a random permutation.
    B, K, _ = x.shape
    keep = K - DROP_NUM
    keys = jax.random.split(jax.random.key(42), B)
    perms = jax.vmap(lambda k: jax.random.permutation(k, K))(keys)  # int32 [B, K]
    idx = perms[:, :keep]  # [B, keep]
    out = jnp.take_along_axis(x, idx[:, :, None], axis=1)  # gather [B, keep, 3]
    # torch forward runs under torch.no_grad()
    return jax.lax.stop_gradient(out)

if __name__ == "__main__":
    import jax
    _d = setup_inputs()
    print(jax.jit(kernel)(*tuple(_d.values())))

</pallas_src>

<mosaic_0001>
#map = affine_map<(d0, d1) -> (0, 0, 0)>
#map1 = affine_map<(d0, d1) -> (0)>
module attributes {stable_mosaic.version = 14 : i64} {
  func.func @_body(%arg0: i32, %arg1: i32, %arg2: memref<3x128x32768xf32, #tpu.memory_space<hbm>>, %arg3: memref<1966080xi32, #tpu.memory_space<hbm>>, %arg4: memref<3x128x30720xf32, #tpu.memory_space<hbm>>, %arg5: memref<32768xf32, #tpu.memory_space<vmem>>, %arg6: memref<32768xf32, #tpu.memory_space<vmem>>, %arg7: memref<15360xi32, #tpu.memory_space<vmem>>, %arg8: memref<15360xi32, #tpu.memory_space<vmem>>, %arg9: memref<15360xf32, #tpu.memory_space<vmem>>, %arg10: memref<15360xf32, #tpu.memory_space<vmem>>, %arg11: memref<!tpu.dma_semaphore, #tpu.memory_space<semaphore_mem>>, %arg12: memref<!tpu.dma_semaphore, #tpu.memory_space<semaphore_mem>>, %arg13: memref<!tpu.dma_semaphore, #tpu.memory_space<semaphore_mem>>, %arg14: memref<!tpu.dma_semaphore, #tpu.memory_space<semaphore_mem>>, %arg15: memref<!tpu.dma_semaphore, #tpu.memory_space<semaphore_mem>>, %arg16: memref<!tpu.dma_semaphore, #tpu.memory_space<semaphore_mem>>) attributes {dimension_semantics = [#tpu.dimension_semantics<core_parallel>, #tpu.dimension_semantics<subcore_parallel>], iteration_bounds = array<i64: 2, 16>, scalar_prefetch = 0 : i64, scratch_operands = 12 : i64, tpu.core_type = #tpu.core_type<sc_vector_subcore>, window_params = [{transform_indices = #map}, {transform_indices = #map1}, {transform_indices = #map}]} {
    %mul3A = arith.constant 2 : i32
    %mul3A_0 = arith.muli %arg1, %mul3A : i32
    %add3A = arith.addi %mul3A_0, %arg0 : i32
    %mul3A_1 = arith.constant 4 : i32
    %mul3A_2 = arith.muli %add3A, %mul3A_1 : i32
    %add3A_3 = arith.constant 0 : i32
    %add3A_4 = arith.addi %mul3A_2, %add3A_3 : i32
    %mul3A_5 = arith.constant 15360 : i32
    %mul3A_6 = arith.muli %add3A_4, %mul3A_5 : i32
    %dma_start3A = tpu.memref_slice %arg3[%mul3A_6] : memref<1966080xi32, #tpu.memory_space<hbm>> -> memref<15360xi32, #tpu.memory_space<hbm>>
    %dma_start3A_7 = tpu.memref_slice %arg3[%mul3A_6] : memref<1966080xi32, #tpu.memory_space<hbm>> -> memref<15360xi32, #tpu.memory_space<hbm>>
    tpu.enqueue_dma source(%dma_start3A_7 : memref<15360xi32, #tpu.memory_space<hbm>>) target(%arg7 : memref<15360xi32, #tpu.memory_space<vmem>>) target_semaphore(%arg13 : memref<!tpu.dma_semaphore, #tpu.memory_space<semaphore_mem>>)
    %add3A_8 = arith.constant 0 : i32
    %add3A_9 = arith.addi %mul3A_2, %add3A_8 : i32
    %dma_start3A_10 = arith.constant 0 : i32
    %dma_start3A_11 = arith.constant 0 : i32
    %dma_start3A_12 = tpu.memref_slice %arg2[%dma_start3A_10, %add3A_9, %dma_start3A_11] : memref<3x128x32768xf32, #tpu.memory_space<hbm>> -> memref<1x1x32768xf32, #tpu.memory_space<hbm>>
    %dma_start3A_13 = tpu.memref_squeeze %dma_start3A_12 : memref<1x1x32768xf32, #tpu.memory_space<hbm>> -> memref<32768xf32, #tpu.memory_space<hbm>>
    %dma_start3A_14 = arith.constant 0 : i32
    %dma_start3A_15 = tpu.memref_slice %arg2[%dma_start3A_10, %add3A_9, %dma_start3A_14] : memref<3x128x32768xf32, #tpu.memory_space<hbm>> -> memref<1x1x32768xf32, #tpu.memory_space<hbm>>
    %dma_start3A_16 = tpu.memref_squeeze %dma_start3A_15 : memref<1x1x32768xf32, #tpu.memory_space<hbm>> -> memref<32768xf32, #tpu.memory_space<hbm>>
    tpu.enqueue_dma source(%dma_start3A_16 : memref<32768xf32, #tpu.memory_space<hbm>>) target(%arg5 : memref<32768xf32, #tpu.memory_space<vmem>>) target_semaphore(%arg11 : memref<!tpu.dma_semaphore, #tpu.memory_space<semaphore_mem>>)
    %add3A_17 = arith.constant 0 : i32
    %add3A_18 = arith.addi %mul3A_2, %add3A_17 : i32
    %dma_start3A_19 = arith.constant 1 : i32
    %dma_start3A_20 = arith.constant 0 : i32
    %dma_start3A_21 = tpu.memref_slice %arg2[%dma_start3A_19, %add3A_18, %dma_start3A_20] : memref<3x128x32768xf32, #tpu.memory_space<hbm>> -> memref<1x1x32768xf32, #tpu.memory_space<hbm>>
    %dma_start3A_22 = tpu.memref_squeeze %dma_start3A_21 : memref<1x1x32768xf32, #tpu.memory_space<hbm>> -> memref<32768xf32, #tpu.memory_space<hbm>>
    %dma_start3A_23 = arith.constant 0 : i32
    %dma_start3A_24 = tpu.memref_slice %arg2[%dma_start3A_19, %add3A_18, %dma_start3A_23] : memref<3x128x32768xf32, #tpu.memory_space<hbm>> -> memref<1x1x32768xf32, #tpu.memory_space<hbm>>
    %dma_start3A_25 = tpu.memref_squeeze %dma_start3A_24 : memref<1x1x32768xf32, #tpu.memory_space<hbm>> -> memref<32768xf32, #tpu.memory_space<hbm>>
    tpu.enqueue_dma source(%dma_start3A_25 : memref<32768xf32, #tpu.memory_space<hbm>>) target(%arg6 : memref<32768xf32, #tpu.memory_space<vmem>>) target_semaphore(%arg12 : memref<!tpu.dma_semaphore, #tpu.memory_space<semaphore_mem>>)
    %add3A_26 = arith.constant 0 : i32
    %add3A_27 = arith.addi %mul3A_2, %add3A_26 : i32
    %dma_wait3A = tpu.memref_slice %arg3[%mul3A_6] : memref<1966080xi32, #tpu.memory_space<hbm>> -> memref<15360xi32, #tpu.memory_space<hbm>>
    %dma_wait3A_28 = tpu.memref_slice %arg3[%mul3A_6] : memref<1966080xi32, #tpu.memory_space<hbm>> -> memref<15360xi32, #tpu.memory_space<hbm>>
    tpu.wait_dma2 semaphore(%arg13 : memref<!tpu.dma_semaphore, #tpu.memory_space<semaphore_mem>>) src(%dma_wait3A_28 : memref<15360xi32, #tpu.memory_space<hbm>>) dst(%arg7 : memref<15360xi32, #tpu.memory_space<vmem>>)
    %add3A_29 = arith.constant 1 : i32
    %add3A_30 = arith.addi %mul3A_2, %add3A_29 : i32
    %mul3A_31 = arith.constant 15360 : i32
    %mul3A_32 = arith.muli %add3A_30, %mul3A_31 : i32
    %dma_start3A_33 = tpu.memref_slice %arg3[%mul3A_32] : memref<1966080xi32, #tpu.memory_space<hbm>> -> memref<15360xi32, #tpu.memory_space<hbm>>
    %dma_start3A_34 = tpu.memref_slice %arg3[%mul3A_32] : memref<1966080xi32, #tpu.memory_space<hbm>> -> memref<15360xi32, #tpu.memory_space<hbm>>
    tpu.enqueue_dma source(%dma_start3A_34 : memref<15360xi32, #tpu.memory_space<hbm>>) target(%arg8 : memref<15360xi32, #tpu.memory_space<vmem>>) target_semaphore(%arg14 : memref<!tpu.dma_semaphore, #tpu.memory_space<semaphore_mem>>)
    %dma_wait3A_35 = arith.constant 0 : i32
    %dma_wait3A_36 = arith.constant 0 : i32
    %dma_wait3A_37 = tpu.memref_slice %arg2[%dma_wait3A_35, %add3A_9, %dma_wait3A_36] : memref<3x128x32768xf32, #tpu.memory_space<hbm>> -> memref<1x1x32768xf32, #tpu.memory_space<hbm>>
    %dma_wait3A_38 = tpu.memref_squeeze %dma_wait3A_37 : memref<1x1x32768xf32, #tpu.memory_space<hbm>> -> memref<32768xf32, #tpu.memory_space<hbm>>
    %dma_wait3A_39 = arith.constant 0 : i32
    %dma_wait3A_40 = tpu.memref_slice %arg2[%dma_wait3A_35, %add3A_9, %dma_wait3A_39] : memref<3x128x32768xf32, #tpu.memory_space<hbm>> -> memref<1x1x32768xf32, #tpu.memory_space<hbm>>
    %dma_wait3A_41 = tpu.memref_squeeze %dma_wait3A_40 : memref<1x1x32768xf32, #tpu.memory_space<hbm>> -> memref<32768xf32, #tpu.memory_space<hbm>>
    tpu.wait_dma2 semaphore(%arg11 : memref<!tpu.dma_semaphore, #tpu.memory_space<semaphore_mem>>) src(%dma_wait3A_41 : memref<32768xf32, #tpu.memory_space<hbm>>) dst(%arg5 : memref<32768xf32, #tpu.memory_space<vmem>>)
    %parallel_loop3A = arith.constant 0 : i32
    %parallel_loop3A_42 = arith.constant 480 : i32
    %parallel_loop3A_43 = arith.constant 1 : i32
    scf.for %parallel_loop3A_656 = %parallel_loop3A to %parallel_loop3A_42 step %parallel_loop3A_43  : i32 {
      %parallel_loop3A_657 = arith.constant 16 : i32
      %parallel_loop3A_658 = arith.muli %parallel_loop3A_656, %parallel_loop3A_657 : i32
      %parallel_loop3A_659 = arith.constant 0 : i32
      %parallel_loop3A_660 = arith.addi %parallel_loop3A_659, %parallel_loop3A_658 : i32
      %parallel_loop3A_661 = arith.index_cast %parallel_loop3A_660 : i32 to index
      %parallel_loop3A_662 = tpu.vector_load %arg7[%parallel_loop3A_661] {strides = array<i32>} : memref<15360xi32, #tpu.memory_space<vmem>>, vector<16xi32>,
      %parallel_loop3A_663 = vector.bitcast %parallel_loop3A_662 : vector<16xi32> to vector<32xi16>
      %parallel_loop3A_664 = tpu.unpack_subelements %parallel_loop3A_663, 0 {pack_format = #tpu.pack_format<interleaved>} : vector<32xi16> -> vector<16xi32>
      %parallel_loop3A_665 = tpu.unpack_subelements %parallel_loop3A_663, 1 {pack_format = #tpu.pack_format<interleaved>} : vector<32xi16> -> vector<16xi32>
      %parallel_loop3A_666 = tpu.vector_load_idx %arg5[%parallel_loop3A_664] : memref<32768xf32, #tpu.memory_space<vmem>>[vector<16xi32>], vector<16xf32>,
      %parallel_loop3A_667 = arith.constant 32 : i32
      %parallel_loop3A_668 = arith.muli %parallel_loop3A_656, %parallel_loop3A_667 : i32
      %parallel_loop3A_669 = arith.constant 0 : i32
      %parallel_loop3A_670 = arith.addi %parallel_loop3A_668, %parallel_loop3A_669 : i32
      %parallel_loop3A_671 = arith.index_cast %parallel_loop3A_670 : i32 to index
      %parallel_loop3A_672 = tpu.vector_load %arg9[%parallel_loop3A_671] {strides = array<i32>} : memref<15360xf32, #tpu.memory_space<vmem>>, vector<16xf32>,
      tpu.vector_store %arg9[%parallel_loop3A_671], %parallel_loop3A_666 {strides = array<i32>} : memref<15360xf32, #tpu.memory_space<vmem>>, vector<16xf32>,
      %parallel_loop3A_673 = tpu.vector_load_idx %arg5[%parallel_loop3A_665] : memref<32768xf32, #tpu.memory_space<vmem>>[vector<16xi32>], vector<16xf32>,
      %parallel_loop3A_674 = arith.constant 32 : i32
      %parallel_loop3A_675 = arith.muli %parallel_loop3A_656, %parallel_loop3A_674 : i32
      %parallel_loop3A_676 = arith.constant 16 : i32
      %parallel_loop3A_677 = arith.addi %parallel_loop3A_675, %parallel_loop3A_676 : i32
      %parallel_loop3A_678 = arith.index_cast %parallel_loop3A_677 : i32 to index
      %parallel_loop3A_679 = tpu.vector_load %arg9[%parallel_loop3A_678] {strides = array<i32>} : memref<15360xf32, #tpu.memory_space<vmem>>, vector<16xf32>,
      tpu.vector_store %arg9[%parallel_loop3A_678], %parallel_loop3A_673 {strides = array<i32>} : memref<15360xf32, #tpu.memory_space<vmem>>, vector<16xf32>,
    } {sc.loop_unroll_factor = 8 : i64, sc.parallel_access}
    %dma_start3A_44 = arith.constant 0 : i32
    %dma_start3A_45 = arith.constant 0 : i32
    %dma_start3A_46 = tpu.memref_slice %arg4[%dma_start3A_44, %add3A_27, %dma_start3A_45] : memref<3x128x30720xf32, #tpu.memory_space<hbm>> -> memref<1x1x15360xf32, #tpu.memory_space<hbm>>
    %dma_start3A_47 = tpu.memref_squeeze %dma_start3A_46 : memref<1x1x15360xf32, #tpu.memory_space<hbm>> -> memref<15360xf32, #tpu.memory_space<hbm>>
    %dma_start3A_48 = arith.constant 0 : i32
    %dma_start3A_49 = tpu.memref_slice %arg4[%dma_start3A_44, %add3A_27, %dma_start3A_48] : memref<3x128x30720xf32, #tpu.memory_space<hbm>> -> memref<1x1x15360xf32, #tpu.memory_space<hbm>>
    %dma_start3A_50 = tpu.memref_squeeze %dma_start3A_49 : memref<1x1x15360xf32, #tpu.memory_space<hbm>> -> memref<15360xf32, #tpu.memory_space<hbm>>
    tpu.enqueue_dma source(%arg9 : memref<15360xf32, #tpu.memory_space<vmem>>) target(%dma_start3A_50 : memref<15360xf32, #tpu.memory_space<hbm>>) target_semaphore(%arg15 : memref<!tpu.dma_semaphore, #tpu.memory_space<semaphore_mem>>)
    %parallel_loop3A_51 = arith.constant 0 : i32
    %parallel_loop3A_52 = arith.constant 480 : i32
    %parallel_loop3A_53 = arith.constant 1 : i32
    scf.for %parallel_loop3A_656 = %parallel_loop3A_51 to %parallel_loop3A_52 step %parallel_loop3A_53  : i32 {
      %parallel_loop3A_657 = arith.constant 16 : i32
      %parallel_loop3A_658 = arith.muli %parallel_loop3A_656, %parallel_loop3A_657 : i32
      %parallel_loop3A_659 = arith.constant 7680 : i32
      %parallel_loop3A_660 = arith.addi %parallel_loop3A_659, %parallel_loop3A_658 : i32
      %parallel_loop3A_661 = arith.index_cast %parallel_loop3A_660 : i32 to index
      %parallel_loop3A_662 = tpu.vector_load %arg7[%parallel_loop3A_661] {strides = array<i32>} : memref<15360xi32, #tpu.memory_space<vmem>>, vector<16xi32>,
      %parallel_loop3A_663 = vector.bitcast %parallel_loop3A_662 : vector<16xi32> to vector<32xi16>
      %parallel_loop3A_664 = tpu.unpack_subelements %parallel_loop3A_663, 0 {pack_format = #tpu.pack_format<interleaved>} : vector<32xi16> -> vector<16xi32>
      %parallel_loop3A_665 = tpu.unpack_subelements %parallel_loop3A_663, 1 {pack_format = #tpu.pack_format<interleaved>} : vector<32xi16> -> vector<16xi32>
      %parallel_loop3A_666 = tpu.vector_load_idx %arg5[%parallel_loop3A_664] : memref<32768xf32, #tpu.memory_space<vmem>>[vector<16xi32>], vector<16xf32>,
      %parallel_loop3A_667 = arith.constant 32 : i32
      %parallel_loop3A_668 = arith.muli %parallel_loop3A_656, %parallel_loop3A_667 : i32
      %parallel_loop3A_669 = arith.constant 0 : i32
      %parallel_loop3A_670 = arith.addi %parallel_loop3A_668, %parallel_loop3A_669 : i32
      %parallel_loop3A_671 = arith.index_cast %parallel_loop3A_670 : i32 to index
      %parallel_loop3A_672 = tpu.vector_load %arg10[%parallel_loop3A_671] {strides = array<i32>} : memref<15360xf32, #tpu.memory_space<vmem>>, vector<16xf32>,
      tpu.vector_store %arg10[%parallel_loop3A_671], %parallel_loop3A_666 {strides = array<i32>} : memref<15360xf32, #tpu.memory_space<vmem>>, vector<16xf32>,
      %parallel_loop3A_673 = tpu.vector_load_idx %arg5[%parallel_loop3A_665] : memref<32768xf32, #tpu.memory_space<vmem>>[vector<16xi32>], vector<16xf32>,
      %parallel_loop3A_674 = arith.constant 32 : i32
      %parallel_loop3A_675 = arith.muli %parallel_loop3A_656, %parallel_loop3A_674 : i32
      %parallel_loop3A_676 = arith.constant 16 : i32
      %parallel_loop3A_677 = arith.addi %parallel_loop3A_675, %parallel_loop3A_676 : i32
      %parallel_loop3A_678 = arith.index_cast %parallel_loop3A_677 : i32 to index
      %parallel_loop3A_679 = tpu.vector_load %arg10[%parallel_loop3A_678] {strides = array<i32>} : memref<15360xf32, #tpu.memory_space<vmem>>, vector<16xf32>,
      tpu.vector_store %arg10[%parallel_loop3A_678], %parallel_loop3A_673 {strides = array<i32>} : memref<15360xf32, #tpu.memory_space<vmem>>, vector<16xf32>,
    } {sc.loop_unroll_factor = 8 : i64, sc.parallel_access}
    %dma_start3A_54 = arith.constant 0 : i32
    %dma_start3A_55 = arith.constant 15360 : i32
    %dma_start3A_56 = tpu.memref_slice %arg4[%dma_start3A_54, %add3A_27, %dma_start3A_55] : memref<3x128x30720xf32, #tpu.memory_space<hbm>> -> memref<1x1x15360xf32, #tpu.memory_space<hbm>>
    %dma_start3A_57 = tpu.memref_squeeze %dma_start3A_56 : memref<1x1x15360xf32, #tpu.memory_space<hbm>> -> memref<15360xf32, #tpu.memory_space<hbm>>
    %dma_start3A_58 = arith.constant 15360 : i32
    %dma_start3A_59 = tpu.memref_slice %arg4[%dma_start3A_54, %add3A_27, %dma_start3A_58] : memref<3x128x30720xf32, #tpu.memory_space<hbm>> -> memref<1x1x15360xf32, #tpu.memory_space<hbm>>
    %dma_start3A_60 = tpu.memref_squeeze %dma_start3A_59 : memref<1x1x15360xf32, #tpu.memory_space<hbm>> -> memref<15360xf32, #tpu.memory_space<hbm>>
    tpu.enqueue_dma source(%arg10 : memref<15360xf32, #tpu.memory_space<vmem>>) target(%dma_start3A_60 : memref<15360xf32, #tpu.memory_space<hbm>>) target_semaphore(%arg16 : memref<!tpu.dma_semaphore, #tpu.memory_space<semaphore_mem>>)
    %add3A_61 = arith.constant 0 : i32
    %add3A_62 = arith.addi %mul3A_2, %add3A_61 : i32
    %dma_start3A_63 = arith.constant 2 : i32
    %dma_start3A_64 = arith.constant 0 : i32
    %dma_start3A_65 = tpu.memref_slice %arg2[%dma_start3A_63, %add3A_62, %dma_start3A_64] : memref<3x128x32768xf32, #tpu.memory_space<hbm>> -> memref<1x1x32768xf32, #tpu.memory_space<hbm>>
    %dma_start3A_66 = tpu.memref_squeeze %dma_start3A_65 : memref<1x1x32768xf32, #tpu.memory_space<hbm>> -> memref<32768xf32, #tpu.memory_space<hbm>>
    %dma_start3A_67 = arith.constant 0 : i32
    %dma_start3A_68 = tpu.memref_slice %arg2[%dma_start3A_63, %add3A_62, %dma_start3A_67] : memref<3x128x32768xf32, #tpu.memory_space<hbm>> -> memref<1x1x32768xf32, #tpu.memory_space<hbm>>
    %dma_start3A_69 = tpu.memref_squeeze %dma_start3A_68 : memref<1x1x32768xf32, #tpu.memory_space<hbm>> -> memref<32768xf32, #tpu.memory_space<hbm>>
    tpu.enqueue_dma source(%dma_start3A_69 : memref<32768xf32, #tpu.memory_space<hbm>>) target(%arg5 : memref<32768xf32, #tpu.memory_space<vmem>>) target_semaphore(%arg11 : memref<!tpu.dma_semaphore, #tpu.memory_space<semaphore_mem>>)
    %add3A_70 = arith.constant 0 : i32
    %add3A_71 = arith.addi %mul3A_2, %add3A_70 : i32
    %dma_wait3A_72 = arith.constant 1 : i32
    %dma_wait3A_73 = arith.constant 0 : i32
    %dma_wait3A_74 = tpu.memref_slice %arg2[%dma_wait3A_72, %add3A_18, %dma_wait3A_73] : memref<3x128x32768xf32, #tpu.memory_space<hbm>> -> memref<1x1x32768xf32, #tpu.memory_space<hbm>>
    %dma_wait3A_75 = tpu.memref_squeeze %dma_wait3A_74 : memref<1x1x32768xf32, #tpu.memory_space<hbm>> -> memref<32768xf32, #tpu.memory_space<hbm>>
    %dma_wait3A_76 = arith.constant 0 : i32
    %dma_wait3A_77 = tpu.memref_slice %arg2[%dma_wait3A_72, %add3A_18, %dma_wait3A_76] : memref<3x128x32768xf32, #tpu.memory_space<hbm>> -> memref<1x1x32768xf32, #tpu.memory_space<hbm>>
    %dma_wait3A_78 = tpu.memref_squeeze %dma_wait3A_77 : memref<1x1x32768xf32, #tpu.memory_space<hbm>> -> memref<32768xf32, #tpu.memory_space<hbm>>
    tpu.wait_dma2 semaphore(%arg12 : memref<!tpu.dma_semaphore, #tpu.memory_space<semaphore_mem>>) src(%dma_wait3A_78 : memref<32768xf32, #tpu.memory_space<hbm>>) dst(%arg6 : memref<32768xf32, #tpu.memory_space<vmem>>)
    %dma_wait3A_79 = arith.constant 0 : i32
    %dma_wait3A_80 = arith.constant 0 : i32
    %dma_wait3A_81 = tpu.memref_slice %arg4[%dma_wait3A_79, %add3A_27, %dma_wait3A_80] : memref<3x128x30720xf32, #tpu.memory_space<hbm>> -> memref<1x1x15360xf32, #tpu.memory_space<hbm>>
    %dma_wait3A_82 = tpu.memref_squeeze %dma_wait3A_81 : memref<1x1x15360xf32, #tpu.memory_space<hbm>> -> memref<15360xf32, #tpu.memory_space<hbm>>
    %dma_wait3A_83 = arith.constant 0 : i32
    %dma_wait3A_84 = tpu.memref_slice %arg4[%dma_wait3A_79, %add3A_27, %dma_wait3A_83] : memref<3x128x30720xf32, #tpu.memory_space<hbm>> -> memref<1x1x15360xf32, #tpu.memory_space<hbm>>
    %dma_wait3A_85 = tpu.memref_squeeze %dma_wait3A_84 : memref<1x1x15360xf32, #tpu.memory_space<hbm>> -> memref<15360xf32, #tpu.memory_space<hbm>>
    tpu.wait_dma2 semaphore(%arg15 : memref<!tpu.dma_semaphore, #tpu.memory_space<semaphore_mem>>) src(%arg9 : memref<15360xf32, #tpu.memory_space<vmem>>) dst(%dma_wait3A_85 : memref<15360xf32, #tpu.memory_space<hbm>>)
    %parallel_loop3A_86 = arith.constant 0 : i32
    %parallel_loop3A_87 = arith.constant 480 : i32
    %parallel_loop3A_88 = arith.constant 1 : i32
    scf.for %parallel_loop3A_656 = %parallel_loop3A_86 to %parallel_loop3A_87 step %parallel_loop3A_88  : i32 {
      %parallel_loop3A_657 = arith.constant 16 : i32
      %parallel_loop3A_658 = arith.muli %parallel_loop3A_656, %parallel_loop3A_657 : i32
      %parallel_loop3A_659 = arith.constant 0 : i32
      %parallel_loop3A_660 = arith.addi %parallel_loop3A_659, %parallel_loop3A_658 : i32
      %parallel_loop3A_661 = arith.index_cast %parallel_loop3A_660 : i32 to index
      %parallel_loop3A_662 = tpu.vector_load %arg7[%parallel_loop3A_661] {strides = array<i32>} : memref<15360xi32, #tpu.memory_space<vmem>>, vector<16xi32>,
      %parallel_loop3A_663 = vector.bitcast %parallel_loop3A_662 : vector<16xi32> to vector<32xi16>
      %parallel_loop3A_664 = tpu.unpack_subelements %parallel_loop3A_663, 0 {pack_format = #tpu.pack_format<interleaved>} : vector<32xi16> -> vector<16xi32>
      %parallel_loop3A_665 = tpu.unpack_subelements %parallel_loop3A_663, 1 {pack_format = #tpu.pack_format<interleaved>} : vector<32xi16> -> vector<16xi32>
      %parallel_loop3A_666 = tpu.vector_load_idx %arg6[%parallel_loop3A_664] : memref<32768xf32, #tpu.memory_space<vmem>>[vector<16xi32>], vector<16xf32>,
      %parallel_loop3A_667 = arith.constant 32 : i32
      %parallel_loop3A_668 = arith.muli %parallel_loop3A_656, %parallel_loop3A_667 : i32
      %parallel_loop3A_669 = arith.constant 0 : i32
      %parallel_loop3A_670 = arith.addi %parallel_loop3A_668, %parallel_loop3A_669 : i32
      %parallel_loop3A_671 = arith.index_cast %parallel_loop3A_670 : i32 to index
      %parallel_loop3A_672 = tpu.vector_load %arg9[%parallel_loop3A_671] {strides = array<i32>} : memref<15360xf32, #tpu.memory_space<vmem>>, vector<16xf32>,
      tpu.vector_store %arg9[%parallel_loop3A_671], %parallel_loop3A_666 {strides = array<i32>} : memref<15360xf32, #tpu.memory_space<vmem>>, vector<16xf32>,
      %parallel_loop3A_673 = tpu.vector_load_idx %arg6[%parallel_loop3A_665] : memref<32768xf32, #tpu.memory_space<vmem>>[vector<16xi32>], vector<16xf32>,
      %parallel_loop3A_674 = arith.constant 32 : i32
      %parallel_loop3A_675 = arith.muli %parallel_loop3A_656, %parallel_loop3A_674 : i32
      %parallel_loop3A_676 = arith.constant 16 : i32
      %parallel_loop3A_677 = arith.addi %parallel_loop3A_675, %parallel_loop3A_676 : i32
      %parallel_loop3A_678 = arith.index_cast %parallel_loop3A_677 : i32 to index
      %parallel_loop3A_679 = tpu.vector_load %arg9[%parallel_loop3A_678] {strides = array<i32>} : memref<15360xf32, #tpu.memory_space<vmem>>, vector<16xf32>,
      tpu.vector_store %arg9[%parallel_loop3A_678], %parallel_loop3A_673 {strides = array<i32>} : memref<15360xf32, #tpu.memory_space<vmem>>, vector<16xf32>,
    } {sc.loop_unroll_factor = 8 : i64, sc.parallel_access}
    %dma_start3A_89 = arith.constant 1 : i32
    %dma_start3A_90 = arith.constant 0 : i32
    %dma_start3A_91 = tpu.memref_slice %arg4[%dma_start3A_89, %add3A_71, %dma_start3A_90] : memref<3x128x30720xf32, #tpu.memory_space<hbm>> -> memref<1x1x15360xf32, #tpu.memory_space<hbm>>
    %dma_start3A_92 = tpu.memref_squeeze %dma_start3A_91 : memref<1x1x15360xf32, #tpu.memory_space<hbm>> -> memref<15360xf32, #tpu.memory_space<hbm>>
    %dma_start3A_93 = arith.constant 0 : i32
    %dma_start3A_94 = tpu.memref_slice %arg4[%dma_start3A_89, %add3A_71, %dma_start3A_93] : memref<3x128x30720xf32, #tpu.memory_space<hbm>> -> memref<1x1x15360xf32, #tpu.memory_space<hbm>>
    %dma_start3A_95 = tpu.memref_squeeze %dma_start3A_94 : memref<1x1x15360xf32, #tpu.memory_space<hbm>> -> memref<15360xf32, #tpu.memory_space<hbm>>
    tpu.enqueue_dma source(%arg9 : memref<15360xf32, #tpu.memory_space<vmem>>) target(%dma_start3A_95 : memref<15360xf32, #tpu.memory_space<hbm>>) target_semaphore(%arg15 : memref<!tpu.dma_semaphore, #tpu.memory_space<semaphore_mem>>)
    %dma_wait3A_96 = arith.constant 0 : i32
    %dma_wait3A_97 = arith.constant 15360 : i32
    %dma_wait3A_98 = tpu.memref_slice %arg4[%dma_wait3A_96, %add3A_27, %dma_wait3A_97] : memref<3x128x30720xf32, #tpu.memory_space<hbm>> -> memref<1x1x15360xf32, #tpu.memory_space<hbm>>
    %dma_wait3A_99 = tpu.memref_squeeze %dma_wait3A_98 : memref<1x1x15360xf32, #tpu.memory_space<hbm>> -> memref<15360xf32, #tpu.memory_space<hbm>>
    %dma_wait3A_100 = arith.constant 15360 : i32
    %dma_wait3A_101 = tpu.memref_slice %arg4[%dma_wait3A_96, %add3A_27, %dma_wait3A_100] : memref<3x128x30720xf32, #tpu.memory_space<hbm>> -> memref<1x1x15360xf32, #tpu.memory_space<hbm>>
    %dma_wait3A_102 = tpu.memref_squeeze %dma_wait3A_101 : memref<1x1x15360xf32, #tpu.memory_space<hbm>> -> memref<15360xf32, #tpu.memory_space<hbm>>
    tpu.wait_dma2 semaphore(%arg16 : memref<!tpu.dma_semaphore, #tpu.memory_space<semaphore_mem>>) src(%arg10 : memref<15360xf32, #tpu.memory_space<vmem>>) dst(%dma_wait3A_102 : memref<15360xf32, #tpu.memory_space<hbm>>)
    %parallel_loop3A_103 = arith.constant 0 : i32
    %parallel_loop3A_104 = arith.constant 480 : i32
    %parallel_loop3A_105 = arith.constant 1 : i32
    scf.for %parallel_loop3A_656 = %parallel_loop3A_103 to %parallel_loop3A_104 step %parallel_loop3A_105  : i32 {
      %parallel_loop3A_657 = arith.constant 16 : i32
      %parallel_loop3A_658 = arith.muli %parallel_loop3A_656, %parallel_loop3A_657 : i32
      %parallel_loop3A_659 = arith.constant 7680 : i32
      %parallel_loop3A_660 = arith.addi %parallel_loop3A_659, %parallel_loop3A_658 : i32
      %parallel_loop3A_661 = arith.index_cast %parallel_loop3A_660 : i32 to index
      %parallel_loop3A_662 = tpu.vector_load %arg7[%parallel_loop3A_661] {strides = array<i32>} : memref<15360xi32, #tpu.memory_space<vmem>>, vector<16xi32>,
      %parallel_loop3A_663 = vector.bitcast %parallel_loop3A_662 : vector<16xi32> to vector<32xi16>
      %parallel_loop3A_664 = tpu.unpack_subelements %parallel_loop3A_663, 0 {pack_format = #tpu.pack_format<interleaved>} : vector<32xi16> -> vector<16xi32>
      %parallel_loop3A_665 = tpu.unpack_subelements %parallel_loop3A_663, 1 {pack_format = #tpu.pack_format<interleaved>} : vector<32xi16> -> vector<16xi32>
      %parallel_loop3A_666 = tpu.vector_load_idx %arg6[%parallel_loop3A_664] : memref<32768xf32, #tpu.memory_space<vmem>>[vector<16xi32>], vector<16xf32>,
      %parallel_loop3A_667 = arith.constant 32 : i32
      %parallel_loop3A_668 = arith.muli %parallel_loop3A_656, %parallel_loop3A_667 : i32
      %parallel_loop3A_669 = arith.constant 0 : i32
      %parallel_loop3A_670 = arith.addi %parallel_loop3A_668, %parallel_loop3A_669 : i32
      %parallel_loop3A_671 = arith.index_cast %parallel_loop3A_670 : i32 to index
      %parallel_loop3A_672 = tpu.vector_load %arg10[%parallel_loop3A_671] {strides = array<i32>} : memref<15360xf32, #tpu.memory_space<vmem>>, vector<16xf32>,
      tpu.vector_store %arg10[%parallel_loop3A_671], %parallel_loop3A_666 {strides = array<i32>} : memref<15360xf32, #tpu.memory_space<vmem>>, vector<16xf32>,
      %parallel_loop3A_673 = tpu.vector_load_idx %arg6[%parallel_loop3A_665] : memref<32768xf32, #tpu.memory_space<vmem>>[vector<16xi32>], vector<16xf32>,
      %parallel_loop3A_674 = arith.constant 32 : i32
      %parallel_loop3A_675 = arith.muli %parallel_loop3A_656, %parallel_loop3A_674 : i32
      %parallel_loop3A_676 = arith.constant 16 : i32
      %parallel_loop3A_677 = arith.addi %parallel_loop3A_675, %parallel_loop3A_676 : i32
      %parallel_loop3A_678 = arith.index_cast %parallel_loop3A_677 : i32 to index
      %parallel_loop3A_679 = tpu.vector_load %arg10[%parallel_loop3A_678] {strides = array<i32>} : memref<15360xf32, #tpu.memory_space<vmem>>, vector<16xf32>,
      tpu.vector_store %arg10[%parallel_loop3A_678], %parallel_loop3A_673 {strides = array<i32>} : memref<15360xf32, #tpu.memory_space<vmem>>, vector<16xf32>,
    } {sc.loop_unroll_factor = 8 : i64, sc.parallel_access}
    %dma_start3A_106 = arith.constant 1 : i32
    %dma_start3A_107 = arith.constant 15360 : i32
    %dma_start3A_108 = tpu.memref_slice %arg4[%dma_start3A_106, %add3A_71, %dma_start3A_107] : memref<3x128x30720xf32, #tpu.memory_space<hbm>> -> memref<1x1x15360xf32, #tpu.memory_space<hbm>>
    %dma_start3A_109 = tpu.memref_squeeze %dma_start3A_108 : memref<1x1x15360xf32, #tpu.memory_space<hbm>> -> memref<15360xf32, #tpu.memory_space<hbm>>
    %dma_start3A_110 = arith.constant 15360 : i32
    %dma_start3A_111 = tpu.memref_slice %arg4[%dma_start3A_106, %add3A_71, %dma_start3A_110] : memref<3x128x30720xf32, #tpu.memory_space<hbm>> -> memref<1x1x15360xf32, #tpu.memory_space<hbm>>
    %dma_start3A_112 = tpu.memref_squeeze %dma_start3A_111 : memref<1x1x15360xf32, #tpu.memory_space<hbm>> -> memref<15360xf32, #tpu.memory_space<hbm>>
    tpu.enqueue_dma source(%arg10 : memref<15360xf32, #tpu.memory_space<vmem>>) target(%dma_start3A_112 : memref<15360xf32, #tpu.memory_space<hbm>>) target_semaphore(%arg16 : memref<!tpu.dma_semaphore, #tpu.memory_space<semaphore_mem>>)
    %add3A_113 = arith.constant 1 : i32
    %add3A_114 = arith.addi %mul3A_2, %add3A_113 : i32
    %dma_start3A_115 = arith.constant 0 : i32
    %dma_start3A_116 = arith.constant 0 : i32
    %dma_start3A_117 = tpu.memref_slice %arg2[%dma_start3A_115, %add3A_114, %dma_start3A_116] : memref<3x128x32768xf32, #tpu.memory_space<hbm>> -> memref<1x1x32768xf32, #tpu.memory_space<hbm>>
    %dma_start3A_118 = tpu.memref_squeeze %dma_start3A_117 : memref<1x1x32768xf32, #tpu.memory_space<hbm>> -> memref<32768xf32, #tpu.memory_space<hbm>>
    %dma_start3A_119 = arith.constant 0 : i32
    %dma_start3A_120 = tpu.memref_slice %arg2[%dma_start3A_115, %add3A_114, %dma_start3A_119] : memref<3x128x32768xf32, #tpu.memory_space<hbm>> -> memref<1x1x32768xf32, #tpu.memory_space<hbm>>
    %dma_start3A_121 = tpu.memref_squeeze %dma_start3A_120 : memref<1x1x32768xf32, #tpu.memory_space<hbm>> -> memref<32768xf32, #tpu.memory_space<hbm>>
    tpu.enqueue_dma source(%dma_start3A_121 : memref<32768xf32, #tpu.memory_space<hbm>>) target(%arg6 : memref<32768xf32, #tpu.memory_space<vmem>>) target_semaphore(%arg12 : memref<!tpu.dma_semaphore, #tpu.memory_space<semaphore_mem>>)
    %add3A_122 = arith.constant 0 : i32
    %add3A_123 = arith.addi %mul3A_2, %add3A_122 : i32
    %dma_wait3A_124 = arith.constant 2 : i32
    %dma_wait3A_125 = arith.constant 0 : i32
    %dma_wait3A_126 = tpu.memref_slice %arg2[%dma_wait3A_124, %add3A_62, %dma_wait3A_125] : memref<3x128x32768xf32, #tpu.memory_space<hbm>> -> memref<1x1x32768xf32, #tpu.memory_space<hbm>>
    %dma_wait3A_127 = tpu.memref_squeeze %dma_wait3A_126 : memref<1x1x32768xf32, #tpu.memory_space<hbm>> -> memref<32768xf32, #tpu.memory_space<hbm>>
    %dma_wait3A_128 = arith.constant 0 : i32
    %dma_wait3A_129 = tpu.memref_slice %arg2[%dma_wait3A_124, %add3A_62, %dma_wait3A_128] : memref<3x128x32768xf32, #tpu.memory_space<hbm>> -> memref<1x1x32768xf32, #tpu.memory_space<hbm>>
    %dma_wait3A_130 = tpu.memref_squeeze %dma_wait3A_129 : memref<1x1x32768xf32, #tpu.memory_space<hbm>> -> memref<32768xf32, #tpu.memory_space<hbm>>
    tpu.wait_dma2 semaphore(%arg11 : memref<!tpu.dma_semaphore, #tpu.memory_space<semaphore_mem>>) src(%dma_wait3A_130 : memref<32768xf32, #tpu.memory_space<hbm>>) dst(%arg5 : memref<32768xf32, #tpu.memory_space<vmem>>)
    %dma_wait3A_131 = arith.constant 1 : i32
    %dma_wait3A_132 = arith.constant 0 : i32
    %dma_wait3A_133 = tpu.memref_slice %arg4[%dma_wait3A_131, %add3A_71, %dma_wait3A_132] : memref<3x128x30720xf32, #tpu.memory_space<hbm>> -> memref<1x1x15360xf32, #tpu.memory_space<hbm>>
    %dma_wait3A_134 = tpu.memref_squeeze %dma_wait3A_133 : memref<1x1x15360xf32, #tpu.memory_space<hbm>> -> memref<15360xf32, #tpu.memory_space<hbm>>
    %dma_wait3A_135 = arith.constant 0 : i32
    %dma_wait3A_136 = tpu.memref_slice %arg4[%dma_wait3A_131, %add3A_71, %dma_wait3A_135] : memref<3x128x30720xf32, #tpu.memory_space<hbm>> -> memref<1x1x15360xf32, #tpu.memory_space<hbm>>
    %dma_wait3A_137 = tpu.memref_squeeze %dma_wait3A_136 : memref<1x1x15360xf32, #tpu.memory_space<hbm>> -> memref<15360xf32, #tpu.memory_space<hbm>>
    tpu.wait_dma2 semaphore(%arg15 : memref<!tpu.dma_semaphore, #tpu.memory_space<semaphore_mem>>) src(%arg9 : memref<15360xf32, #tpu.memory_space<vmem>>) dst(%dma_wait3A_137 : memref<15360xf32, #tpu.memory_space<hbm>>)
    %parallel_loop3A_138 = arith.constant 0 : i32
    %parallel_loop3A_139 = arith.constant 480 : i32
    %parallel_loop3A_140 = arith.constant 1 : i32
    scf.for %parallel_loop3A_656 = %parallel_loop3A_138 to %parallel_loop3A_139 step %parallel_loop3A_140  : i32 {
      %parallel_loop3A_657 = arith.constant 16 : i32
      %parallel_loop3A_658 = arith.muli %parallel_loop3A_656, %parallel_loop3A_657 : i32
      %parallel_loop3A_659 = arith.constant 0 : i32
      %parallel_loop3A_660 = arith.addi %parallel_loop3A_659, %parallel_loop3A_658 : i32
      %parallel_loop3A_661 = arith.index_cast %parallel_loop3A_660 : i32 to index
      %parallel_loop3A_662 = tpu.vector_load %arg7[%parallel_loop3A_661] {strides = array<i32>} : memref<15360xi32, #tpu.memory_space<vmem>>, vector<16xi32>,
      %parallel_loop3A_663 = vector.bitcast %parallel_loop3A_662 : vector<16xi32> to vector<32xi16>
      %parallel_loop3A_664 = tpu.unpack_subelements %parallel_loop3A_663, 0 {pack_format = #tpu.pack_format<interleaved>} : vector<32xi16> -> vector<16xi32>
      %parallel_loop3A_665 = tpu.unpack_subelements %parallel_loop3A_663, 1 {pack_format = #tpu.pack_format<interleaved>} : vector<32xi16> -> vector<16xi32>
      %parallel_loop3A_666 = tpu.vector_load_idx %arg5[%parallel_loop3A_664] : memref<32768xf32, #tpu.memory_space<vmem>>[vector<16xi32>], vector<16xf32>,
      %parallel_loop3A_667 = arith.constant 32 : i32
      %parallel_loop3A_668 = arith.muli %parallel_loop3A_656, %parallel_loop3A_667 : i32
      %parallel_loop3A_669 = arith.constant 0 : i32
      %parallel_loop3A_670 = arith.addi %parallel_loop3A_668, %parallel_loop3A_669 : i32
      %parallel_loop3A_671 = arith.index_cast %parallel_loop3A_670 : i32 to index
      %parallel_loop3A_672 = tpu.vector_load %arg9[%parallel_loop3A_671] {strides = array<i32>} : memref<15360xf32, #tpu.memory_space<vmem>>, vector<16xf32>,
      tpu.vector_store %arg9[%parallel_loop3A_671], %parallel_loop3A_666 {strides = array<i32>} : memref<15360xf32, #tpu.memory_space<vmem>>, vector<16xf32>,
      %parallel_loop3A_673 = tpu.vector_load_idx %arg5[%parallel_loop3A_665] : memref<32768xf32, #tpu.memory_space<vmem>>[vector<16xi32>], vector<16xf32>,
      %parallel_loop3A_674 = arith.constant 32 : i32
      %parallel_loop3A_675 = arith.muli %parallel_loop3A_656, %parallel_loop3A_674 : i32
      %parallel_loop3A_676 = arith.constant 16 : i32
      %parallel_loop3A_677 = arith.addi %parallel_loop3A_675, %parallel_loop3A_676 : i32
      %parallel_loop3A_678 = arith.index_cast %parallel_loop3A_677 : i32 to index
      %parallel_loop3A_679 = tpu.vector_load %arg9[%parallel_loop3A_678] {strides = array<i32>} : memref<15360xf32, #tpu.memory_space<vmem>>, vector<16xf32>,
      tpu.vector_store %arg9[%parallel_loop3A_678], %parallel_loop3A_673 {strides = array<i32>} : memref<15360xf32, #tpu.memory_space<vmem>>, vector<16xf32>,
    } {sc.loop_unroll_factor = 8 : i64, sc.parallel_access}
    %dma_start3A_141 = arith.constant 2 : i32
    %dma_start3A_142 = arith.constant 0 : i32
    %dma_start3A_143 = tpu.memref_slice %arg4[%dma_start3A_141, %add3A_123, %dma_start3A_142] : memref<3x128x30720xf32, #tpu.memory_space<hbm>> -> memref<1x1x15360xf32, #tpu.memory_space<hbm>>
    %dma_start3A_144 = tpu.memref_squeeze %dma_start3A_143 : memref<1x1x15360xf32, #tpu.memory_space<hbm>> -> memref<15360xf32, #tpu.memory_space<hbm>>
    %dma_start3A_145 = arith.constant 0 : i32
    %dma_start3A_146 = tpu.memref_slice %arg4[%dma_start3A_141, %add3A_123, %dma_start3A_145] : memref<3x128x30720xf32, #tpu.memory_space<hbm>> -> memref<1x1x15360xf32, #tpu.memory_space<hbm>>
    %dma_start3A_147 = tpu.memref_squeeze %dma_start3A_146 : memref<1x1x15360xf32, #tpu.memory_space<hbm>> -> memref<15360xf32, #tpu.memory_space<hbm>>
    tpu.enqueue_dma source(%arg9 : memref<15360xf32, #tpu.memory_space<vmem>>) target(%dma_start3A_147 : memref<15360xf32, #tpu.memory_space<hbm>>) target_semaphore(%arg15 : memref<!tpu.dma_semaphore, #tpu.memory_space<semaphore_mem>>)
    %dma_wait3A_148 = arith.constant 1 : i32
    %dma_wait3A_149 = arith.constant 15360 : i32
    %dma_wait3A_150 = tpu.memref_slice %arg4[%dma_wait3A_148, %add3A_71, %dma_wait3A_149] : memref<3x128x30720xf32, #tpu.memory_space<hbm>> -> memref<1x1x15360xf32, #tpu.memory_space<hbm>>
    %dma_wait3A_151 = tpu.memref_squeeze %dma_wait3A_150 : memref<1x1x15360xf32, #tpu.memory_space<hbm>> -> memref<15360xf32, #tpu.memory_space<hbm>>
    %dma_wait3A_152 = arith.constant 15360 : i32
    %dma_wait3A_153 = tpu.memref_slice %arg4[%dma_wait3A_148, %add3A_71, %dma_wait3A_152] : memref<3x128x30720xf32, #tpu.memory_space<hbm>> -> memref<1x1x15360xf32, #tpu.memory_space<hbm>>
    %dma_wait3A_154 = tpu.memref_squeeze %dma_wait3A_153 : memref<1x1x15360xf32, #tpu.memory_space<hbm>> -> memref<15360xf32, #tpu.memory_space<hbm>>
    tpu.wait_dma2 semaphore(%arg16 : memref<!tpu.dma_semaphore, #tpu.memory_space<semaphore_mem>>) src(%arg10 : memref<15360xf32, #tpu.memory_space<vmem>>) dst(%dma_wait3A_154 : memref<15360xf32, #tpu.memory_space<hbm>>)
    %parallel_loop3A_155 = arith.constant 0 : i32
    %parallel_loop3A_156 = arith.constant 480 : i32
    %parallel_loop3A_157 = arith.constant 1 : i32
    scf.for %parallel_loop3A_656 = %parallel_loop3A_155 to %parallel_loop3A_156 step %parallel_loop3A_157  : i32 {
      %parallel_loop3A_657 = arith.constant 16 : i32
      %parallel_loop3A_658 = arith.muli %parallel_loop3A_656, %parallel_loop3A_657 : i32
      %parallel_loop3A_659 = arith.constant 7680 : i32
      %parallel_loop3A_660 = arith.addi %parallel_loop3A_659, %parallel_loop3A_658 : i32
      %parallel_loop3A_661 = arith.index_cast %parallel_loop3A_660 : i32 to index
      %parallel_loop3A_662 = tpu.vector_load %arg7[%parallel_loop3A_661] {strides = array<i32>} : memref<15360xi32, #tpu.memory_space<vmem>>, vector<16xi32>,
      %parallel_loop3A_663 = vector.bitcast %parallel_loop3A_662 : vector<16xi32> to vector<32xi16>
      %parallel_loop3A_664 = tpu.unpack_subelements %parallel_loop3A_663, 0 {pack_format = #tpu.pack_format<interleaved>} : vector<32xi16> -> vector<16xi32>
      %parallel_loop3A_665 = tpu.unpack_subelements %parallel_loop3A_663, 1 {pack_format = #tpu.pack_format<interleaved>} : vector<32xi16> -> vector<16xi32>
      %parallel_loop3A_666 = tpu.vector_load_idx %arg5[%parallel_loop3A_664] : memref<32768xf32, #tpu.memory_space<vmem>>[vector<16xi32>], vector<16xf32>,
      %parallel_loop3A_667 = arith.constant 32 : i32
      %parallel_loop3A_668 = arith.muli %parallel_loop3A_656, %parallel_loop3A_667 : i32
      %parallel_loop3A_669 = arith.constant 0 : i32
      %parallel_loop3A_670 = arith.addi %parallel_loop3A_668, %parallel_loop3A_669 : i32
      %parallel_loop3A_671 = arith.index_cast %parallel_loop3A_670 : i32 to index
      %parallel_loop3A_672 = tpu.vector_load %arg10[%parallel_loop3A_671] {strides = array<i32>} : memref<15360xf32, #tpu.memory_space<vmem>>, vector<16xf32>,
      tpu.vector_store %arg10[%parallel_loop3A_671], %parallel_loop3A_666 {strides = array<i32>} : memref<15360xf32, #tpu.memory_space<vmem>>, vector<16xf32>,
      %parallel_loop3A_673 = tpu.vector_load_idx %arg5[%parallel_loop3A_665] : memref<32768xf32, #tpu.memory_space<vmem>>[vector<16xi32>], vector<16xf32>,
      %parallel_loop3A_674 = arith.constant 32 : i32
      %parallel_loop3A_675 = arith.muli %parallel_loop3A_656, %parallel_loop3A_674 : i32
      %parallel_loop3A_676 = arith.constant 16 : i32
      %parallel_loop3A_677 = arith.addi %parallel_loop3A_675, %parallel_loop3A_676 : i32
      %parallel_loop3A_678 = arith.index_cast %parallel_loop3A_677 : i32 to index
      %parallel_loop3A_679 = tpu.vector_load %arg10[%parallel_loop3A_678] {strides = array<i32>} : memref<15360xf32, #tpu.memory_space<vmem>>, vector<16xf32>,
      tpu.vector_store %arg10[%parallel_loop3A_678], %parallel_loop3A_673 {strides = array<i32>} : memref<15360xf32, #tpu.memory_space<vmem>>, vector<16xf32>,
    } {sc.loop_unroll_factor = 8 : i64, sc.parallel_access}
    %dma_start3A_158 = arith.constant 2 : i32
    %dma_start3A_159 = arith.constant 15360 : i32
    %dma_start3A_160 = tpu.memref_slice %arg4[%dma_start3A_158, %add3A_123, %dma_start3A_159] : memref<3x128x30720xf32, #tpu.memory_space<hbm>> -> memref<1x1x15360xf32, #tpu.memory_space<hbm>>
    %dma_start3A_161 = tpu.memref_squeeze %dma_start3A_160 : memref<1x1x15360xf32, #tpu.memory_space<hbm>> -> memref<15360xf32, #tpu.memory_space<hbm>>
    %dma_start3A_162 = arith.constant 15360 : i32
    %dma_start3A_163 = tpu.memref_slice %arg4[%dma_start3A_158, %add3A_123, %dma_start3A_162] : memref<3x128x30720xf32, #tpu.memory_space<hbm>> -> memref<1x1x15360xf32, #tpu.memory_space<hbm>>
    %dma_start3A_164 = tpu.memref_squeeze %dma_start3A_163 : memref<1x1x15360xf32, #tpu.memory_space<hbm>> -> memref<15360xf32, #tpu.memory_space<hbm>>
    tpu.enqueue_dma source(%arg10 : memref<15360xf32, #tpu.memory_space<vmem>>) target(%dma_start3A_164 : memref<15360xf32, #tpu.memory_space<hbm>>) target_semaphore(%arg16 : memref<!tpu.dma_semaphore, #tpu.memory_space<semaphore_mem>>)
    %add3A_165 = arith.constant 1 : i32
    %add3A_166 = arith.addi %mul3A_2, %add3A_165 : i32
    %dma_start3A_167 = arith.constant 1 : i32
    %dma_start3A_168 = arith.constant 0 : i32
    %dma_start3A_169 = tpu.memref_slice %arg2[%dma_start3A_167, %add3A_166, %dma_start3A_168] : memref<3x128x32768xf32, #tpu.memory_space<hbm>> -> memref<1x1x32768xf32, #tpu.memory_space<hbm>>
    %dma_start3A_170 = tpu.memref_squeeze %dma_start3A_169 : memref<1x1x32768xf32, #tpu.memory_space<hbm>> -> memref<32768xf32, #tpu.memory_space<hbm>>
    %dma_start3A_171 = arith.constant 0 : i32
    %dma_start3A_172 = tpu.memref_slice %arg2[%dma_start3A_167, %add3A_166, %dma_start3A_171] : memref<3x128x32768xf32, #tpu.memory_space<hbm>> -> memref<1x1x32768xf32, #tpu.memory_space<hbm>>
    %dma_start3A_173 = tpu.memref_squeeze %dma_start3A_172 : memref<1x1x32768xf32, #tpu.memory_space<hbm>> -> memref<32768xf32, #tpu.memory_space<hbm>>
    tpu.enqueue_dma source(%dma_start3A_173 : memref<32768xf32, #tpu.memory_space<hbm>>) target(%arg5 : memref<32768xf32, #tpu.memory_space<vmem>>) target_semaphore(%arg11 : memref<!tpu.dma_semaphore, #tpu.memory_space<semaphore_mem>>)
    %add3A_174 = arith.constant 1 : i32
    %add3A_175 = arith.addi %mul3A_2, %add3A_174 : i32
    %dma_wait3A_176 = tpu.memref_slice %arg3[%mul3A_32] : memref<1966080xi32, #tpu.memory_space<hbm>> -> memref<15360xi32, #tpu.memory_space<hbm>>
    %dma_wait3A_177 = tpu.memref_slice %arg3[%mul3A_32] : memref<1966080xi32, #tpu.memory_space<hbm>> -> memref<15360xi32, #tpu.memory_space<hbm>>
    tpu.wait_dma2 semaphore(%arg14 : memref<!tpu.dma_semaphore, #tpu.memory_space<semaphore_mem>>) src(%dma_wait3A_177 : memref<15360xi32, #tpu.memory_space<hbm>>) dst(%arg8 : memref<15360xi32, #tpu.memory_space<vmem>>)
    %add3A_178 = arith.constant 2 : i32
    %add3A_179 = arith.addi %mul3A_2, %add3A_178 : i32
    %mul3A_180 = arith.constant 15360 : i32
    %mul3A_181 = arith.muli %add3A_179, %mul3A_180 : i32
    %dma_start3A_182 = tpu.memref_slice %arg3[%mul3A_181] : memref<1966080xi32, #tpu.memory_space<hbm>> -> memref<15360xi32, #tpu.memory_space<hbm>>
    %dma_start3A_183 = tpu.memref_slice %arg3[%mul3A_181] : memref<1966080xi32, #tpu.memory_space<hbm>> -> memref<15360xi32, #tpu.memory_space<hbm>>
    tpu.enqueue_dma source(%dma_start3A_183 : memref<15360xi32, #tpu.memory_space<hbm>>) target(%arg7 : memref<15360xi32, #tpu.memory_space<vmem>>) target_semaphore(%arg13 : memref<!tpu.dma_semaphore, #tpu.memory_space<semaphore_mem>>)
    %dma_wait3A_184 = arith.constant 0 : i32
    %dma_wait3A_185 = arith.constant 0 : i32
    %dma_wait3A_186 = tpu.memref_slice %arg2[%dma_wait3A_184, %add3A_114, %dma_wait3A_185] : memref<3x128x32768xf32, #tpu.memory_space<hbm>> -> memref<1x1x32768xf32, #tpu.memory_space<hbm>>
    %dma_wait3A_187 = tpu.memref_squeeze %dma_wait3A_186 : memref<1x1x32768xf32, #tpu.memory_space<hbm>> -> memref<32768xf32, #tpu.memory_space<hbm>>
    %dma_wait3A_188 = arith.constant 0 : i32
    %dma_wait3A_189 = tpu.memref_slice %arg2[%dma_wait3A_184, %add3A_114, %dma_wait3A_188] : memref<3x128x32768xf32, #tpu.memory_space<hbm>> -> memref<1x1x32768xf32, #tpu.memory_space<hbm>>
    %dma_wait3A_190 = tpu.memref_squeeze %dma_wait3A_189 : memref<1x1x32768xf32, #tpu.memory_space<hbm>> -> memref<32768xf32, #tpu.memory_space<hbm>>
    tpu.wait_dma2 semaphore(%arg12 : memref<!tpu.dma_semaphore, #tpu.memory_space<semaphore_mem>>) src(%dma_wait3A_190 : memref<32768xf32, #tpu.memory_space<hbm>>) dst(%arg6 : memref<32768xf32, #tpu.memory_space<vmem>>)
    %dma_wait3A_191 = arith.constant 2 : i32
    %dma_wait3A_192 = arith.constant 0 : i32
    %dma_wait3A_193 = tpu.memref_slice %arg4[%dma_wait3A_191, %add3A_123, %dma_wait3A_192] : memref<3x128x30720xf32, #tpu.memory_space<hbm>> -> memref<1x1x15360xf32, #tpu.memory_space<hbm>>
    %dma_wait3A_194 = tpu.memref_squeeze %dma_wait3A_193 : memref<1x1x15360xf32, #tpu.memory_space<hbm>> -> memref<15360xf32, #tpu.memory_space<hbm>>
    %dma_wait3A_195 = arith.constant 0 : i32
    %dma_wait3A_196 = tpu.memref_slice %arg4[%dma_wait3A_191, %add3A_123, %dma_wait3A_195] : memref<3x128x30720xf32, #tpu.memory_space<hbm>> -> memref<1x1x15360xf32, #tpu.memory_space<hbm>>
    %dma_wait3A_197 = tpu.memref_squeeze %dma_wait3A_196 : memref<1x1x15360xf32, #tpu.memory_space<hbm>> -> memref<15360xf32, #tpu.memory_space<hbm>>
    tpu.wait_dma2 semaphore(%arg15 : memref<!tpu.dma_semaphore, #tpu.memory_space<semaphore_mem>>) src(%arg9 : memref<15360xf32, #tpu.memory_space<vmem>>) dst(%dma_wait3A_197 : memref<15360xf32, #tpu.memory_space<hbm>>)
    %parallel_loop3A_198 = arith.constant 0 : i32
    %parallel_loop3A_199 = arith.constant 480 : i32
    %parallel_loop3A_200 = arith.constant 1 : i32
    scf.for %parallel_loop3A_656 = %parallel_loop3A_198 to %parallel_loop3A_199 step %parallel_loop3A_200  : i32 {
      %parallel_loop3A_657 = arith.constant 16 : i32
      %parallel_loop3A_658 = arith.muli %parallel_loop3A_656, %parallel_loop3A_657 : i32
      %parallel_loop3A_659 = arith.constant 0 : i32
      %parallel_loop3A_660 = arith.addi %parallel_loop3A_659, %parallel_loop3A_658 : i32
      %parallel_loop3A_661 = arith.index_cast %parallel_loop3A_660 : i32 to index
      %parallel_loop3A_662 = tpu.vector_load %arg8[%parallel_loop3A_661] {strides = array<i32>} : memref<15360xi32, #tpu.memory_space<vmem>>, vector<16xi32>,
      %parallel_loop3A_663 = vector.bitcast %parallel_loop3A_662 : vector<16xi32> to vector<32xi16>
      %parallel_loop3A_664 = tpu.unpack_subelements %parallel_loop3A_663, 0 {pack_format = #tpu.pack_format<interleaved>} : vector<32xi16> -> vector<16xi32>
      %parallel_loop3A_665 = tpu.unpack_subelements %parallel_loop3A_663, 1 {pack_format = #tpu.pack_format<interleaved>} : vector<32xi16> -> vector<16xi32>
      %parallel_loop3A_666 = tpu.vector_load_idx %arg6[%parallel_loop3A_664] : memref<32768xf32, #tpu.memory_space<vmem>>[vector<16xi32>], vector<16xf32>,
      %parallel_loop3A_667 = arith.constant 32 : i32
      %parallel_loop3A_668 = arith.muli %parallel_loop3A_656, %parallel_loop3A_667 : i32
      %parallel_loop3A_669 = arith.constant 0 : i32
      %parallel_loop3A_670 = arith.addi %parallel_loop3A_668, %parallel_loop3A_669 : i32
      %parallel_loop3A_671 = arith.index_cast %parallel_loop3A_670 : i32 to index
      %parallel_loop3A_672 = tpu.vector_load %arg9[%parallel_loop3A_671] {strides = array<i32>} : memref<15360xf32, #tpu.memory_space<vmem>>, vector<16xf32>,
      tpu.vector_store %arg9[%parallel_loop3A_671], %parallel_loop3A_666 {strides = array<i32>} : memref<15360xf32, #tpu.memory_space<vmem>>, vector<16xf32>,
      %parallel_loop3A_673 = tpu.vector_load_idx %arg6[%parallel_loop3A_665] : memref<32768xf32, #tpu.memory_space<vmem>>[vector<16xi32>], vector<16xf32>,
      %parallel_loop3A_674 = arith.constant 32 : i32
      %parallel_loop3A_675 = arith.muli %parallel_loop3A_656, %parallel_loop3A_674 : i32
      %parallel_loop3A_676 = arith.constant 16 : i32
      %parallel_loop3A_677 = arith.addi %parallel_loop3A_675, %parallel_loop3A_676 : i32
      %parallel_loop3A_678 = arith.index_cast %parallel_loop3A_677 : i32 to index
      %parallel_loop3A_679 = tpu.vector_load %arg9[%parallel_loop3A_678] {strides = array<i32>} : memref<15360xf32, #tpu.memory_space<vmem>>, vector<16xf32>,
      tpu.vector_store %arg9[%parallel_loop3A_678], %parallel_loop3A_673 {strides = array<i32>} : memref<15360xf32, #tpu.memory_space<vmem>>, vector<16xf32>,
    } {sc.loop_unroll_factor = 8 : i64, sc.parallel_access}
    %dma_start3A_201 = arith.constant 0 : i32
    %dma_start3A_202 = arith.constant 0 : i32
    %dma_start3A_203 = tpu.memref_slice %arg4[%dma_start3A_201, %add3A_175, %dma_start3A_202] : memref<3x128x30720xf32, #tpu.memory_space<hbm>> -> memref<1x1x15360xf32, #tpu.memory_space<hbm>>
    %dma_start3A_204 = tpu.memref_squeeze %dma_start3A_203 : memref<1x1x15360xf32, #tpu.memory_space<hbm>> -> memref<15360xf32, #tpu.memory_space<hbm>>
    %dma_start3A_205 = arith.constant 0 : i32
    %dma_start3A_206 = tpu.memref_slice %arg4[%dma_start3A_201, %add3A_175, %dma_start3A_205] : memref<3x128x30720xf32, #tpu.memory_space<hbm>> -> memref<1x1x15360xf32, #tpu.memory_space<hbm>>
    %dma_start3A_207 = tpu.memref_squeeze %dma_start3A_206 : memref<1x1x15360xf32, #tpu.memory_space<hbm>> -> memref<15360xf32, #tpu.memory_space<hbm>>
    tpu.enqueue_dma source(%arg9 : memref<15360xf32, #tpu.memory_space<vmem>>) target(%dma_start3A_207 : memref<15360xf32, #tpu.memory_space<hbm>>) target_semaphore(%arg15 : memref<!tpu.dma_semaphore, #tpu.memory_space<semaphore_mem>>)
    %dma_wait3A_208 = arith.constant 2 : i32
    %dma_wait3A_209 = arith.constant 15360 : i32
    %dma_wait3A_210 = tpu.memref_slice %arg4[%dma_wait3A_208, %add3A_123, %dma_wait3A_209] : memref<3x128x30720xf32, #tpu.memory_space<hbm>> -> memref<1x1x15360xf32, #tpu.memory_space<hbm>>
    %dma_wait3A_211 = tpu.memref_squeeze %dma_wait3A_210 : memref<1x1x15360xf32, #tpu.memory_space<hbm>> -> memref<15360xf32, #tpu.memory_space<hbm>>
    %dma_wait3A_212 = arith.constant 15360 : i32
    %dma_wait3A_213 = tpu.memref_slice %arg4[%dma_wait3A_208, %add3A_123, %dma_wait3A_212] : memref<3x128x30720xf32, #tpu.memory_space<hbm>> -> memref<1x1x15360xf32, #tpu.memory_space<hbm>>
    %dma_wait3A_214 = tpu.memref_squeeze %dma_wait3A_213 : memref<1x1x15360xf32, #tpu.memory_space<hbm>> -> memref<15360xf32, #tpu.memory_space<hbm>>
    tpu.wait_dma2 semaphore(%arg16 : memref<!tpu.dma_semaphore, #tpu.memory_space<semaphore_mem>>) src(%arg10 : memref<15360xf32, #tpu.memory_space<vmem>>) dst(%dma_wait3A_214 : memref<15360xf32, #tpu.memory_space<hbm>>)
    %parallel_loop3A_215 = arith.constant 0 : i32
    %parallel_loop3A_216 = arith.constant 480 : i32
    %parallel_loop3A_217 = arith.constant 1 : i32
    scf.for %parallel_loop3A_656 = %parallel_loop3A_215 to %parallel_loop3A_216 step %parallel_loop3A_217  : i32 {
      %parallel_loop3A_657 = arith.constant 16 : i32
      %parallel_loop3A_658 = arith.muli %parallel_loop3A_656, %parallel_loop3A_657 : i32
      %parallel_loop3A_659 = arith.constant 7680 : i32
      %parallel_loop3A_660 = arith.addi %parallel_loop3A_659, %parallel_loop3A_658 : i32
      %parallel_loop3A_661 = arith.index_cast %parallel_loop3A_660 : i32 to index
      %parallel_loop3A_662 = tpu.vector_load %arg8[%parallel_loop3A_661] {strides = array<i32>} : memref<15360xi32, #tpu.memory_space<vmem>>, vector<16xi32>,
      %parallel_loop3A_663 = vector.bitcast %parallel_loop3A_662 : vector<16xi32> to vector<32xi16>
      %parallel_loop3A_664 = tpu.unpack_subelements %parallel_loop3A_663, 0 {pack_format = #tpu.pack_format<interleaved>} : vector<32xi16> -> vector<16xi32>
      %parallel_loop3A_665 = tpu.unpack_subelements %parallel_loop3A_663, 1 {pack_format = #tpu.pack_format<interleaved>} : vector<32xi16> -> vector<16xi32>
      %parallel_loop3A_666 = tpu.vector_load_idx %arg6[%parallel_loop3A_664] : memref<32768xf32, #tpu.memory_space<vmem>>[vector<16xi32>], vector<16xf32>,
      %parallel_loop3A_667 = arith.constant 32 : i32
      %parallel_loop3A_668 = arith.muli %parallel_loop3A_656, %parallel_loop3A_667 : i32
      %parallel_loop3A_669 = arith.constant 0 : i32
      %parallel_loop3A_670 = arith.addi %parallel_loop3A_668, %parallel_loop3A_669 : i32
      %parallel_loop3A_671 = arith.index_cast %parallel_loop3A_670 : i32 to index
      %parallel_loop3A_672 = tpu.vector_load %arg10[%parallel_loop3A_671] {strides = array<i32>} : memref<15360xf32, #tpu.memory_space<vmem>>, vector<16xf32>,
      tpu.vector_store %arg10[%parallel_loop3A_671], %parallel_loop3A_666 {strides = array<i32>} : memref<15360xf32, #tpu.memory_space<vmem>>, vector<16xf32>,
      %parallel_loop3A_673 = tpu.vector_load_idx %arg6[%parallel_loop3A_665] : memref<32768xf32, #tpu.memory_space<vmem>>[vector<16xi32>], vector<16xf32>,
      %parallel_loop3A_674 = arith.constant 32 : i32
      %parallel_loop3A_675 = arith.muli %parallel_loop3A_656, %parallel_loop3A_674 : i32
      %parallel_loop3A_676 = arith.constant 16 : i32
      %parallel_loop3A_677 = arith.addi %parallel_loop3A_675, %parallel_loop3A_676 : i32
      %parallel_loop3A_678 = arith.index_cast %parallel_loop3A_677 : i32 to index
      %parallel_loop3A_679 = tpu.vector_load %arg10[%parallel_loop3A_678] {strides = array<i32>} : memref<15360xf32, #tpu.memory_space<vmem>>, vector<16xf32>,
      tpu.vector_store %arg10[%parallel_loop3A_678], %parallel_loop3A_673 {strides = array<i32>} : memref<15360xf32, #tpu.memory_space<vmem>>, vector<16xf32>,
    } {sc.loop_unroll_factor = 8 : i64, sc.parallel_access}
    %dma_start3A_218 = arith.constant 0 : i32
    %dma_start3A_219 = arith.constant 15360 : i32
    %dma_start3A_220 = tpu.memref_slice %arg4[%dma_start3A_218, %add3A_175, %dma_start3A_219] : memref<3x128x30720xf32, #tpu.memory_space<hbm>> -> memref<1x1x15360xf32, #tpu.memory_space<hbm>>
    %dma_start3A_221 = tpu.memref_squeeze %dma_start3A_220 : memref<1x1x15360xf32, #tpu.memory_space<hbm>> -> memref<15360xf32, #tpu.memory_space<hbm>>
    %dma_start3A_222 = arith.constant 15360 : i32
    %dma_start3A_223 = tpu.memref_slice %arg4[%dma_start3A_218, %add3A_175, %dma_start3A_222] : memref<3x128x30720xf32, #tpu.memory_space<hbm>> -> memref<1x1x15360xf32, #tpu.memory_space<hbm>>
    %dma_start3A_224 = tpu.memref_squeeze %dma_start3A_223 : memref<1x1x15360xf32, #tpu.memory_space<hbm>> -> memref<15360xf32, #tpu.memory_space<hbm>>
    tpu.enqueue_dma source(%arg10 : memref<15360xf32, #tpu.memory_space<vmem>>) target(%dma_start3A_224 : memref<15360xf32, #tpu.memory_space<hbm>>) target_semaphore(%arg16 : memref<!tpu.dma_semaphore, #tpu.memory_space<semaphore_mem>>)
    %add3A_225 = arith.constant 1 : i32
    %add3A_226 = arith.addi %mul3A_2, %add3A_225 : i32
    %dma_start3A_227 = arith.constant 2 : i32
    %dma_start3A_228 = arith.constant 0 : i32
    %dma_start3A_229 = tpu.memref_slice %arg2[%dma_start3A_227, %add3A_226, %dma_start3A_228] : memref<3x128x32768xf32, #tpu.memory_space<hbm>> -> memref<1x1x32768xf32, #tpu.memory_space<hbm>>
    %dma_start3A_230 = tpu.memref_squeeze %dma_start3A_229 : memref<1x1x32768xf32, #tpu.memory_space<hbm>> -> memref<32768xf32, #tpu.memory_space<hbm>>
    %dma_start3A_231 = arith.constant 0 : i32
    %dma_start3A_232 = tpu.memref_slice %arg2[%dma_start3A_227, %add3A_226, %dma_start3A_231] : memref<3x128x32768xf32, #tpu.memory_space<hbm>> -> memref<1x1x32768xf32, #tpu.memory_space<hbm>>
    %dma_start3A_233 = tpu.memref_squeeze %dma_start3A_232 : memref<1x1x32768xf32, #tpu.memory_space<hbm>> -> memref<32768xf32, #tpu.memory_space<hbm>>
    tpu.enqueue_dma source(%dma_start3A_233 : memref<32768xf32, #tpu.memory_space<hbm>>) target(%arg6 : memref<32768xf32, #tpu.memory_space<vmem>>) target_semaphore(%arg12 : memref<!tpu.dma_semaphore, #tpu.memory_space<semaphore_mem>>)
    %add3A_234 = arith.constant 1 : i32
    %add3A_235 = arith.addi %mul3A_2, %add3A_234 : i32
    %dma_wait3A_236 = arith.constant 1 : i32
    %dma_wait3A_237 = arith.constant 0 : i32
    %dma_wait3A_238 = tpu.memref_slice %arg2[%dma_wait3A_236, %add3A_166, %dma_wait3A_237] : memref<3x128x32768xf32, #tpu.memory_space<hbm>> -> memref<1x1x32768xf32, #tpu.memory_space<hbm>>
    %dma_wait3A_239 = tpu.memref_squeeze %dma_wait3A_238 : memref<1x1x32768xf32, #tpu.memory_space<hbm>> -> memref<32768xf32, #tpu.memory_space<hbm>>
    %dma_wait3A_240 = arith.constant 0 : i32
    %dma_wait3A_241 = tpu.memref_slice %arg2[%dma_wait3A_236, %add3A_166, %dma_wait3A_240] : memref<3x128x32768xf32, #tpu.memory_space<hbm>> -> memref<1x1x32768xf32, #tpu.memory_space<hbm>>
    %dma_wait3A_242 = tpu.memref_squeeze %dma_wait3A_241 : memref<1x1x32768xf32, #tpu.memory_space<hbm>> -> memref<32768xf32, #tpu.memory_space<hbm>>
    tpu.wait_dma2 semaphore(%arg11 : memref<!tpu.dma_semaphore, #tpu.memory_space<semaphore_mem>>) src(%dma_wait3A_242 : memref<32768xf32, #tpu.memory_space<hbm>>) dst(%arg5 : memref<32768xf32, #tpu.memory_space<vmem>>)
    %dma_wait3A_243 = arith.constant 0 : i32
    %dma_wait3A_244 = arith.constant 0 : i32
    %dma_wait3A_245 = tpu.memref_slice %arg4[%dma_wait3A_243, %add3A_175, %dma_wait3A_244] : memref<3x128x30720xf32, #tpu.memory_space<hbm>> -> memref<1x1x15360xf32, #tpu.memory_space<hbm>>
    %dma_wait3A_246 = tpu.memref_squeeze %dma_wait3A_245 : memref<1x1x15360xf32, #tpu.memory_space<hbm>> -> memref<15360xf32, #tpu.memory_space<hbm>>
    %dma_wait3A_247 = arith.constant 0 : i32
    %dma_wait3A_248 = tpu.memref_slice %arg4[%dma_wait3A_243, %add3A_175, %dma_wait3A_247] : memref<3x128x30720xf32, #tpu.memory_space<hbm>> -> memref<1x1x15360xf32, #tpu.memory_space<hbm>>
    %dma_wait3A_249 = tpu.memref_squeeze %dma_wait3A_248 : memref<1x1x15360xf32, #tpu.memory_space<hbm>> -> memref<15360xf32, #tpu.memory_space<hbm>>
    tpu.wait_dma2 semaphore(%arg15 : memref<!tpu.dma_semaphore, #tpu.memory_space<semaphore_mem>>) src(%arg9 : memref<15360xf32, #tpu.memory_space<vmem>>) dst(%dma_wait3A_249 : memref<15360xf32, #tpu.memory_space<hbm>>)
    %parallel_loop3A_250 = arith.constant 0 : i32
    %parallel_loop3A_251 = arith.constant 480 : i32
    %parallel_loop3A_252 = arith.constant 1 : i32
    scf.for %parallel_loop3A_656 = %parallel_loop3A_250 to %parallel_loop3A_251 step %parallel_loop3A_252  : i32 {
      %parallel_loop3A_657 = arith.constant 16 : i32
      %parallel_loop3A_658 = arith.muli %parallel_loop3A_656, %parallel_loop3A_657 : i32
      %parallel_loop3A_659 = arith.constant 0 : i32
      %parallel_loop3A_660 = arith.addi %parallel_loop3A_659, %parallel_loop3A_658 : i32
      %parallel_loop3A_661 = arith.index_cast %parallel_loop3A_660 : i32 to index
      %parallel_loop3A_662 = tpu.vector_load %arg8[%parallel_loop3A_661] {strides = array<i32>} : memref<15360xi32, #tpu.memory_space<vmem>>, vector<16xi32>,
      %parallel_loop3A_663 = vector.bitcast %parallel_loop3A_662 : vector<16xi32> to vector<32xi16>
      %parallel_loop3A_664 = tpu.unpack_subelements %parallel_loop3A_663, 0 {pack_format = #tpu.pack_format<interleaved>} : vector<32xi16> -> vector<16xi32>
      %parallel_loop3A_665 = tpu.unpack_subelements %parallel_loop3A_663, 1 {pack_format = #tpu.pack_format<interleaved>} : vector<32xi16> -> vector<16xi32>
      %parallel_loop3A_666 = tpu.vector_load_idx %arg5[%parallel_loop3A_664] : memref<32768xf32, #tpu.memory_space<vmem>>[vector<16xi32>], vector<16xf32>,
      %parallel_loop3A_667 = arith.constant 32 : i32
      %parallel_loop3A_668 = arith.muli %parallel_loop3A_656, %parallel_loop3A_667 : i32
      %parallel_loop3A_669 = arith.constant 0 : i32
      %parallel_loop3A_670 = arith.addi %parallel_loop3A_668, %parallel_loop3A_669 : i32
      %parallel_loop3A_671 = arith.index_cast %parallel_loop3A_670 : i32 to index
      %parallel_loop3A_672 = tpu.vector_load %arg9[%parallel_loop3A_671] {strides = array<i32>} : memref<15360xf32, #tpu.memory_space<vmem>>, vector<16xf32>,
      tpu.vector_store %arg9[%parallel_loop3A_671], %parallel_loop3A_666 {strides = array<i32>} : memref<15360xf32, #tpu.memory_space<vmem>>, vector<16xf32>,
      %parallel_loop3A_673 = tpu.vector_load_idx %arg5[%parallel_loop3A_665] : memref<32768xf32, #tpu.memory_space<vmem>>[vector<16xi32>], vector<16xf32>,
      %parallel_loop3A_674 = arith.constant 32 : i32
      %parallel_loop3A_675 = arith.muli %parallel_loop3A_656, %parallel_loop3A_674 : i32
      %parallel_loop3A_676 = arith.constant 16 : i32
      %parallel_loop3A_677 = arith.addi %parallel_loop3A_675, %parallel_loop3A_676 : i32
      %parallel_loop3A_678 = arith.index_cast %parallel_loop3A_677 : i32 to index
      %parallel_loop3A_679 = tpu.vector_load %arg9[%parallel_loop3A_678] {strides = array<i32>} : memref<15360xf32, #tpu.memory_space<vmem>>, vector<16xf32>,
      tpu.vector_store %arg9[%parallel_loop3A_678], %parallel_loop3A_673 {strides = array<i32>} : memref<15360xf32, #tpu.memory_space<vmem>>, vector<16xf32>,
    } {sc.loop_unroll_factor = 8 : i64, sc.parallel_access}
    %dma_start3A_253 = arith.constant 1 : i32
    %dma_start3A_254 = arith.constant 0 : i32
    %dma_start3A_255 = tpu.memref_slice %arg4[%dma_start3A_253, %add3A_235, %dma_start3A_254] : memref<3x128x30720xf32, #tpu.memory_space<hbm>> -> memref<1x1x15360xf32, #tpu.memory_space<hbm>>
    %dma_start3A_256 = tpu.memref_squeeze %dma_start3A_255 : memref<1x1x15360xf32, #tpu.memory_space<hbm>> -> memref<15360xf32, #tpu.memory_space<hbm>>
    %dma_start3A_257 = arith.constant 0 : i32
    %dma_start3A_258 = tpu.memref_slice %arg4[%dma_start3A_253, %add3A_235, %dma_start3A_257] : memref<3x128x30720xf32, #tpu.memory_space<hbm>> -> memref<1x1x15360xf32, #tpu.memory_space<hbm>>
    %dma_start3A_259 = tpu.memref_squeeze %dma_start3A_258 : memref<1x1x15360xf32, #tpu.memory_space<hbm>> -> memref<15360xf32, #tpu.memory_space<hbm>>
    tpu.enqueue_dma source(%arg9 : memref<15360xf32, #tpu.memory_space<vmem>>) target(%dma_start3A_259 : memref<15360xf32, #tpu.memory_space<hbm>>) target_semaphore(%arg15 : memref<!tpu.dma_semaphore, #tpu.memory_space<semaphore_mem>>)
    %dma_wait3A_260 = arith.constant 0 : i32
    %dma_wait3A_261 = arith.constant 15360 : i32
    %dma_wait3A_262 = tpu.memref_slice %arg4[%dma_wait3A_260, %add3A_175, %dma_wait3A_261] : memref<3x128x30720xf32, #tpu.memory_space<hbm>> -> memref<1x1x15360xf32, #tpu.memory_space<hbm>>
    %dma_wait3A_263 = tpu.memref_squeeze %dma_wait3A_262 : memref<1x1x15360xf32, #tpu.memory_space<hbm>> -> memref<15360xf32, #tpu.memory_space<hbm>>
    %dma_wait3A_264 = arith.constant 15360 : i32
    %dma_wait3A_265 = tpu.memref_slice %arg4[%dma_wait3A_260, %add3A_175, %dma_wait3A_264] : memref<3x128x30720xf32, #tpu.memory_space<hbm>> -> memref<1x1x15360xf32, #tpu.memory_space<hbm>>
    %dma_wait3A_266 = tpu.memref_squeeze %dma_wait3A_265 : memref<1x1x15360xf32, #tpu.memory_space<hbm>> -> memref<15360xf32, #tpu.memory_space<hbm>>
    tpu.wait_dma2 semaphore(%arg16 : memref<!tpu.dma_semaphore, #tpu.memory_space<semaphore_mem>>) src(%arg10 : memref<15360xf32, #tpu.memory_space<vmem>>) dst(%dma_wait3A_266 : memref<15360xf32, #tpu.memory_space<hbm>>)
    %parallel_loop3A_267 = arith.constant 0 : i32
    %parallel_loop3A_268 = arith.constant 480 : i32
    %parallel_loop3A_269 = arith.constant 1 : i32
    scf.for %parallel_loop3A_656 = %parallel_loop3A_267 to %parallel_loop3A_268 step %parallel_loop3A_269  : i32 {
      %parallel_loop3A_657 = arith.constant 16 : i32
      %parallel_loop3A_658 = arith.muli %parallel_loop3A_656, %parallel_loop3A_657 : i32
      %parallel_loop3A_659 = arith.constant 7680 : i32
      %parallel_loop3A_660 = arith.addi %parallel_loop3A_659, %parallel_loop3A_658 : i32
      %parallel_loop3A_661 = arith.index_cast %parallel_loop3A_660 : i32 to index
      %parallel_loop3A_662 = tpu.vector_load %arg8[%parallel_loop3A_661] {strides = array<i32>} : memref<15360xi32, #tpu.memory_space<vmem>>, vector<16xi32>,
      %parallel_loop3A_663 = vector.bitcast %parallel_loop3A_662 : vector<16xi32> to vector<32xi16>
      %parallel_loop3A_664 = tpu.unpack_subelements %parallel_loop3A_663, 0 {pack_format = #tpu.pack_format<interleaved>} : vector<32xi16> -> vector<16xi32>
      %parallel_loop3A_665 = tpu.unpack_subelements %parallel_loop3A_663, 1 {pack_format = #tpu.pack_format<interleaved>} : vector<32xi16> -> vector<16xi32>
      %parallel_loop3A_666 = tpu.vector_load_idx %arg5[%parallel_loop3A_664] : memref<32768xf32, #tpu.memory_space<vmem>>[vector<16xi32>], vector<16xf32>,
      %parallel_loop3A_667 = arith.constant 32 : i32
      %parallel_loop3A_668 = arith.muli %parallel_loop3A_656, %parallel_loop3A_667 : i32
      %parallel_loop3A_669 = arith.constant 0 : i32
      %parallel_loop3A_670 = arith.addi %parallel_loop3A_668, %parallel_loop3A_669 : i32
      %parallel_loop3A_671 = arith.index_cast %parallel_loop3A_670 : i32 to index
      %parallel_loop3A_672 = tpu.vector_load %arg10[%parallel_loop3A_671] {strides = array<i32>} : memref<15360xf32, #tpu.memory_space<vmem>>, vector<16xf32>,
      tpu.vector_store %arg10[%parallel_loop3A_671], %parallel_loop3A_666 {strides = array<i32>} : memref<15360xf32, #tpu.memory_space<vmem>>, vector<16xf32>,
      %parallel_loop3A_673 = tpu.vector_load_idx %arg5[%parallel_loop3A_665] : memref<32768xf32, #tpu.memory_space<vmem>>[vector<16xi32>], vector<16xf32>,
      %parallel_loop3A_674 = arith.constant 32 : i32
      %parallel_loop3A_675 = arith.muli %parallel_loop3A_656, %parallel_loop3A_674 : i32
      %parallel_loop3A_676 = arith.constant 16 : i32
      %parallel_loop3A_677 = arith.addi %parallel_loop3A_675, %parallel_loop3A_676 : i32
      %parallel_loop3A_678 = arith.index_cast %parallel_loop3A_677 : i32 to index
      %parallel_loop3A_679 = tpu.vector_load %arg10[%parallel_loop3A_678] {strides = array<i32>} : memref<15360xf32, #tpu.memory_space<vmem>>, vector<16xf32>,
      tpu.vector_store %arg10[%parallel_loop3A_678], %parallel_loop3A_673 {strides = array<i32>} : memref<15360xf32, #tpu.memory_space<vmem>>, vector<16xf32>,
    } {sc.loop_unroll_factor = 8 : i64, sc.parallel_access}
    %dma_start3A_270 = arith.constant 1 : i32
    %dma_start3A_271 = arith.constant 15360 : i32
    %dma_start3A_272 = tpu.memref_slice %arg4[%dma_start3A_270, %add3A_235, %dma_start3A_271] : memref<3x128x30720xf32, #tpu.memory_space<hbm>> -> memref<1x1x15360xf32, #tpu.memory_space<hbm>>
    %dma_start3A_273 = tpu.memref_squeeze %dma_start3A_272 : memref<1x1x15360xf32, #tpu.memory_space<hbm>> -> memref<15360xf32, #tpu.memory_space<hbm>>
    %dma_start3A_274 = arith.constant 15360 : i32
    %dma_start3A_275 = tpu.memref_slice %arg4[%dma_start3A_270, %add3A_235, %dma_start3A_274] : memref<3x128x30720xf32, #tpu.memory_space<hbm>> -> memref<1x1x15360xf32, #tpu.memory_space<hbm>>
    %dma_start3A_276 = tpu.memref_squeeze %dma_start3A_275 : memref<1x1x15360xf32, #tpu.memory_space<hbm>> -> memref<15360xf32, #tpu.memory_space<hbm>>
    tpu.enqueue_dma source(%arg10 : memref<15360xf32, #tpu.memory_space<vmem>>) target(%dma_start3A_276 : memref<15360xf32, #tpu.memory_space<hbm>>) target_semaphore(%arg16 : memref<!tpu.dma_semaphore, #tpu.memory_space<semaphore_mem>>)
    %add3A_277 = arith.constant 2 : i32
    %add3A_278 = arith.addi %mul3A_2, %add3A_277 : i32
    %dma_start3A_279 = arith.constant 0 : i32
    %dma_start3A_280 = arith.constant 0 : i32
    %dma_start3A_281 = tpu.memref_slice %arg2[%dma_start3A_279, %add3A_278, %dma_start3A_280] : memref<3x128x32768xf32, #tpu.memory_space<hbm>> -> memref<1x1x32768xf32, #tpu.memory_space<hbm>>
    %dma_start3A_282 = tpu.memref_squeeze %dma_start3A_281 : memref<1x1x32768xf32, #tpu.memory_space<hbm>> -> memref<32768xf32, #tpu.memory_space<hbm>>
    %dma_start3A_283 = arith.constant 0 : i32
    %dma_start3A_284 = tpu.memref_slice %arg2[%dma_start3A_279, %add3A_278, %dma_start3A_283] : memref<3x128x32768xf32, #tpu.memory_space<hbm>> -> memref<1x1x32768xf32, #tpu.memory_space<hbm>>
    %dma_start3A_285 = tpu.memref_squeeze %dma_start3A_284 : memref<1x1x32768xf32, #tpu.memory_space<hbm>> -> memref<32768xf32, #tpu.memory_space<hbm>>
    tpu.enqueue_dma source(%dma_start3A_285 : memref<32768xf32, #tpu.memory_space<hbm>>) target(%arg5 : memref<32768xf32, #tpu.memory_space<vmem>>) target_semaphore(%arg11 : memref<!tpu.dma_semaphore, #tpu.memory_space<semaphore_mem>>)
    %add3A_286 = arith.constant 1 : i32
    %add3A_287 = arith.addi %mul3A_2, %add3A_286 : i32
    %dma_wait3A_288 = arith.constant 2 : i32
    %dma_wait3A_289 = arith.constant 0 : i32
    %dma_wait3A_290 = tpu.memref_slice %arg2[%dma_wait3A_288, %add3A_226, %dma_wait3A_289] : memref<3x128x32768xf32, #tpu.memory_space<hbm>> -> memref<1x1x32768xf32, #tpu.memory_space<hbm>>
    %dma_wait3A_291 = tpu.memref_squeeze %dma_wait3A_290 : memref<1x1x32768xf32, #tpu.memory_space<hbm>> -> memref<32768xf32, #tpu.memory_space<hbm>>
    %dma_wait3A_292 = arith.constant 0 : i32
    %dma_wait3A_293 = tpu.memref_slice %arg2[%dma_wait3A_288, %add3A_226, %dma_wait3A_292] : memref<3x128x32768xf32, #tpu.memory_space<hbm>> -> memref<1x1x32768xf32, #tpu.memory_space<hbm>>
    %dma_wait3A_294 = tpu.memref_squeeze %dma_wait3A_293 : memref<1x1x32768xf32, #tpu.memory_space<hbm>> -> memref<32768xf32, #tpu.memory_space<hbm>>
    tpu.wait_dma2 semaphore(%arg12 : memref<!tpu.dma_semaphore, #tpu.memory_space<semaphore_mem>>) src(%dma_wait3A_294 : memref<32768xf32, #tpu.memory_space<hbm>>) dst(%arg6 : memref<32768xf32, #tpu.memory_space<vmem>>)
    %dma_wait3A_295 = arith.constant 1 : i32
    %dma_wait3A_296 = arith.constant 0 : i32
    %dma_wait3A_297 = tpu.memref_slice %arg4[%dma_wait3A_295, %add3A_235, %dma_wait3A_296] : memref<3x128x30720xf32, #tpu.memory_space<hbm>> -> memref<1x1x15360xf32, #tpu.memory_space<hbm>>
    %dma_wait3A_298 = tpu.memref_squeeze %dma_wait3A_297 : memref<1x1x15360xf32, #tpu.memory_space<hbm>> -> memref<15360xf32, #tpu.memory_space<hbm>>
    %dma_wait3A_299 = arith.constant 0 : i32
    %dma_wait3A_300 = tpu.memref_slice %arg4[%dma_wait3A_295, %add3A_235, %dma_wait3A_299] : memref<3x128x30720xf32, #tpu.memory_space<hbm>> -> memref<1x1x15360xf32, #tpu.memory_space<hbm>>
    %dma_wait3A_301 = tpu.memref_squeeze %dma_wait3A_300 : memref<1x1x15360xf32, #tpu.memory_space<hbm>> -> memref<15360xf32, #tpu.memory_space<hbm>>
    tpu.wait_dma2 semaphore(%arg15 : memref<!tpu.dma_semaphore, #tpu.memory_space<semaphore_mem>>) src(%arg9 : memref<15360xf32, #tpu.memory_space<vmem>>) dst(%dma_wait3A_301 : memref<15360xf32, #tpu.memory_space<hbm>>)
    %parallel_loop3A_302 = arith.constant 0 : i32
    %parallel_loop3A_303 = arith.constant 480 : i32
    %parallel_loop3A_304 = arith.constant 1 : i32
    scf.for %parallel_loop3A_656 = %parallel_loop3A_302 to %parallel_loop3A_303 step %parallel_loop3A_304  : i32 {
      %parallel_loop3A_657 = arith.constant 16 : i32
      %parallel_loop3A_658 = arith.muli %parallel_loop3A_656, %parallel_loop3A_657 : i32
      %parallel_loop3A_659 = arith.constant 0 : i32
      %parallel_loop3A_660 = arith.addi %parallel_loop3A_659, %parallel_loop3A_658 : i32
      %parallel_loop3A_661 = arith.index_cast %parallel_loop3A_660 : i32 to index
      %parallel_loop3A_662 = tpu.vector_load %arg8[%parallel_loop3A_661] {strides = array<i32>} : memref<15360xi32, #tpu.memory_space<vmem>>, vector<16xi32>,
      %parallel_loop3A_663 = vector.bitcast %parallel_loop3A_662 : vector<16xi32> to vector<32xi16>
      %parallel_loop3A_664 = tpu.unpack_subelements %parallel_loop3A_663, 0 {pack_format = #tpu.pack_format<interleaved>} : vector<32xi16> -> vector<16xi32>
      %parallel_loop3A_665 = tpu.unpack_subelements %parallel_loop3A_663, 1 {pack_format = #tpu.pack_format<interleaved>} : vector<32xi16> -> vector<16xi32>
      %parallel_loop3A_666 = tpu.vector_load_idx %arg6[%parallel_loop3A_664] : memref<32768xf32, #tpu.memory_space<vmem>>[vector<16xi32>], vector<16xf32>,
      %parallel_loop3A_667 = arith.constant 32 : i32
      %parallel_loop3A_668 = arith.muli %parallel_loop3A_656, %parallel_loop3A_667 : i32
      %parallel_loop3A_669 = arith.constant 0 : i32
      %parallel_loop3A_670 = arith.addi %parallel_loop3A_668, %parallel_loop3A_669 : i32
      %parallel_loop3A_671 = arith.index_cast %parallel_loop3A_670 : i32 to index
      %parallel_loop3A_672 = tpu.vector_load %arg9[%parallel_loop3A_671] {strides = array<i32>} : memref<15360xf32, #tpu.memory_space<vmem>>, vector<16xf32>,
      tpu.vector_store %arg9[%parallel_loop3A_671], %parallel_loop3A_666 {strides = array<i32>} : memref<15360xf32, #tpu.memory_space<vmem>>, vector<16xf32>,
      %parallel_loop3A_673 = tpu.vector_load_idx %arg6[%parallel_loop3A_665] : memref<32768xf32, #tpu.memory_space<vmem>>[vector<16xi32>], vector<16xf32>,
      %parallel_loop3A_674 = arith.constant 32 : i32
      %parallel_loop3A_675 = arith.muli %parallel_loop3A_656, %parallel_loop3A_674 : i32
      %parallel_loop3A_676 = arith.constant 16 : i32
      %parallel_loop3A_677 = arith.addi %parallel_loop3A_675, %parallel_loop3A_676 : i32
      %parallel_loop3A_678 = arith.index_cast %parallel_loop3A_677 : i32 to index
      %parallel_loop3A_679 = tpu.vector_load %arg9[%parallel_loop3A_678] {strides = array<i32>} : memref<15360xf32, #tpu.memory_space<vmem>>, vector<16xf32>,
      tpu.vector_store %arg9[%parallel_loop3A_678], %parallel_loop3A_673 {strides = array<i32>} : memref<15360xf32, #tpu.memory_space<vmem>>, vector<16xf32>,
    } {sc.loop_unroll_factor = 8 : i64, sc.parallel_access}
    %dma_start3A_305 = arith.constant 2 : i32
    %dma_start3A_306 = arith.constant 0 : i32
    %dma_start3A_307 = tpu.memref_slice %arg4[%dma_start3A_305, %add3A_287, %dma_start3A_306] : memref<3x128x30720xf32, #tpu.memory_space<hbm>> -> memref<1x1x15360xf32, #tpu.memory_space<hbm>>
    %dma_start3A_308 = tpu.memref_squeeze %dma_start3A_307 : memref<1x1x15360xf32, #tpu.memory_space<hbm>> -> memref<15360xf32, #tpu.memory_space<hbm>>
    %dma_start3A_309 = arith.constant 0 : i32
    %dma_start3A_310 = tpu.memref_slice %arg4[%dma_start3A_305, %add3A_287, %dma_start3A_309] : memref<3x128x30720xf32, #tpu.memory_space<hbm>> -> memref<1x1x15360xf32, #tpu.memory_space<hbm>>
    %dma_start3A_311 = tpu.memref_squeeze %dma_start3A_310 : memref<1x1x15360xf32, #tpu.memory_space<hbm>> -> memref<15360xf32, #tpu.memory_space<hbm>>
    tpu.enqueue_dma source(%arg9 : memref<15360xf32, #tpu.memory_space<vmem>>) target(%dma_start3A_311 : memref<15360xf32, #tpu.memory_space<hbm>>) target_semaphore(%arg15 : memref<!tpu.dma_semaphore, #tpu.memory_space<semaphore_mem>>)
    %dma_wait3A_312 = arith.constant 1 : i32
    %dma_wait3A_313 = arith.constant 15360 : i32
    %dma_wait3A_314 = tpu.memref_slice %arg4[%dma_wait3A_312, %add3A_235, %dma_wait3A_313] : memref<3x128x30720xf32, #tpu.memory_space<hbm>> -> memref<1x1x15360xf32, #tpu.memory_space<hbm>>
    %dma_wait3A_315 = tpu.memref_squeeze %dma_wait3A_314 : memref<1x1x15360xf32, #tpu.memory_space<hbm>> -> memref<15360xf32, #tpu.memory_space<hbm>>
    %dma_wait3A_316 = arith.constant 15360 : i32
    %dma_wait3A_317 = tpu.memref_slice %arg4[%dma_wait3A_312, %add3A_235, %dma_wait3A_316] : memref<3x128x30720xf32, #tpu.memory_space<hbm>> -> memref<1x1x15360xf32, #tpu.memory_space<hbm>>
    %dma_wait3A_318 = tpu.memref_squeeze %dma_wait3A_317 : memref<1x1x15360xf32, #tpu.memory_space<hbm>> -> memref<15360xf32, #tpu.memory_space<hbm>>
    tpu.wait_dma2 semaphore(%arg16 : memref<!tpu.dma_semaphore, #tpu.memory_space<semaphore_mem>>) src(%arg10 : memref<15360xf32, #tpu.memory_space<vmem>>) dst(%dma_wait3A_318 : memref<15360xf32, #tpu.memory_space<hbm>>)
    %parallel_loop3A_319 = arith.constant 0 : i32
    %parallel_loop3A_320 = arith.constant 480 : i32
    %parallel_loop3A_321 = arith.constant 1 : i32
    scf.for %parallel_loop3A_656 = %parallel_loop3A_319 to %parallel_loop3A_320 step %parallel_loop3A_321  : i32 {
      %parallel_loop3A_657 = arith.constant 16 : i32
      %parallel_loop3A_658 = arith.muli %parallel_loop3A_656, %parallel_loop3A_657 : i32
      %parallel_loop3A_659 = arith.constant 7680 : i32
      %parallel_loop3A_660 = arith.addi %parallel_loop3A_659, %parallel_loop3A_658 : i32
      %parallel_loop3A_661 = arith.index_cast %parallel_loop3A_660 : i32 to index
      %parallel_loop3A_662 = tpu.vector_load %arg8[%parallel_loop3A_661] {strides = array<i32>} : memref<15360xi32, #tpu.memory_space<vmem>>, vector<16xi32>,
      %parallel_loop3A_663 = vector.bitcast %parallel_loop3A_662 : vector<16xi32> to vector<32xi16>
      %parallel_loop3A_664 = tpu.unpack_subelements %parallel_loop3A_663, 0 {pack_format = #tpu.pack_format<interleaved>} : vector<32xi16> -> vector<16xi32>
      %parallel_loop3A_665 = tpu.unpack_subelements %parallel_loop3A_663, 1 {pack_format = #tpu.pack_format<interleaved>} : vector<32xi16> -> vector<16xi32>
      %parallel_loop3A_666 = tpu.vector_load_idx %arg6[%parallel_loop3A_664] : memref<32768xf32, #tpu.memory_space<vmem>>[vector<16xi32>], vector<16xf32>,
      %parallel_loop3A_667 = arith.constant 32 : i32
      %parallel_loop3A_668 = arith.muli %parallel_loop3A_656, %parallel_loop3A_667 : i32
      %parallel_loop3A_669 = arith.constant 0 : i32
      %parallel_loop3A_670 = arith.addi %parallel_loop3A_668, %parallel_loop3A_669 : i32
      %parallel_loop3A_671 = arith.index_cast %parallel_loop3A_670 : i32 to index
      %parallel_loop3A_672 = tpu.vector_load %arg10[%parallel_loop3A_671] {strides = array<i32>} : memref<15360xf32, #tpu.memory_space<vmem>>, vector<16xf32>,
      tpu.vector_store %arg10[%parallel_loop3A_671], %parallel_loop3A_666 {strides = array<i32>} : memref<15360xf32, #tpu.memory_space<vmem>>, vector<16xf32>,
      %parallel_loop3A_673 = tpu.vector_load_idx %arg6[%parallel_loop3A_665] : memref<32768xf32, #tpu.memory_space<vmem>>[vector<16xi32>], vector<16xf32>,
      %parallel_loop3A_674 = arith.constant 32 : i32
      %parallel_loop3A_675 = arith.muli %parallel_loop3A_656, %parallel_loop3A_674 : i32
      %parallel_loop3A_676 = arith.constant 16 : i32
      %parallel_loop3A_677 = arith.addi %parallel_loop3A_675, %parallel_loop3A_676 : i32
      %parallel_loop3A_678 = arith.index_cast %parallel_loop3A_677 : i32 to index
      %parallel_loop3A_679 = tpu.vector_load %arg10[%parallel_loop3A_678] {strides = array<i32>} : memref<15360xf32, #tpu.memory_space<vmem>>, vector<16xf32>,
      tpu.vector_store %arg10[%parallel_loop3A_678], %parallel_loop3A_673 {strides = array<i32>} : memref<15360xf32, #tpu.memory_space<vmem>>, vector<16xf32>,
    } {sc.loop_unroll_factor = 8 : i64, sc.parallel_access}
    %dma_start3A_322 = arith.constant 2 : i32
    %dma_start3A_323 = arith.constant 15360 : i32
    %dma_start3A_324 = tpu.memref_slice %arg4[%dma_start3A_322, %add3A_287, %dma_start3A_323] : memref<3x128x30720xf32, #tpu.memory_space<hbm>> -> memref<1x1x15360xf32, #tpu.memory_space<hbm>>
    %dma_start3A_325 = tpu.memref_squeeze %dma_start3A_324 : memref<1x1x15360xf32, #tpu.memory_space<hbm>> -> memref<15360xf32, #tpu.memory_space<hbm>>
    %dma_start3A_326 = arith.constant 15360 : i32
    %dma_start3A_327 = tpu.memref_slice %arg4[%dma_start3A_322, %add3A_287, %dma_start3A_326] : memref<3x128x30720xf32, #tpu.memory_space<hbm>> -> memref<1x1x15360xf32, #tpu.memory_space<hbm>>
    %dma_start3A_328 = tpu.memref_squeeze %dma_start3A_327 : memref<1x1x15360xf32, #tpu.memory_space<hbm>> -> memref<15360xf32, #tpu.memory_space<hbm>>
    tpu.enqueue_dma source(%arg10 : memref<15360xf32, #tpu.memory_space<vmem>>) target(%dma_start3A_328 : memref<15360xf32, #tpu.memory_space<hbm>>) target_semaphore(%arg16 : memref<!tpu.dma_semaphore, #tpu.memory_space<semaphore_mem>>)
    %add3A_329 = arith.constant 2 : i32
    %add3A_330 = arith.addi %mul3A_2, %add3A_329 : i32
    %dma_start3A_331 = arith.constant 1 : i32
    %dma_start3A_332 = arith.constant 0 : i32
    %dma_start3A_333 = tpu.memref_slice %arg2[%dma_start3A_331, %add3A_330, %dma_start3A_332] : memref<3x128x32768xf32, #tpu.memory_space<hbm>> -> memref<1x1x32768xf32, #tpu.memory_space<hbm>>
    %dma_start3A_334 = tpu.memref_squeeze %dma_start3A_333 : memref<1x1x32768xf32, #tpu.memory_space<hbm>> -> memref<32768xf32, #tpu.memory_space<hbm>>
    %dma_start3A_335 = arith.constant 0 : i32
    %dma_start3A_336 = tpu.memref_slice %arg2[%dma_start3A_331, %add3A_330, %dma_start3A_335] : memref<3x128x32768xf32, #tpu.memory_space<hbm>> -> memref<1x1x32768xf32, #tpu.memory_space<hbm>>
    %dma_start3A_337 = tpu.memref_squeeze %dma_start3A_336 : memref<1x1x32768xf32, #tpu.memory_space<hbm>> -> memref<32768xf32, #tpu.memory_space<hbm>>
    tpu.enqueue_dma source(%dma_start3A_337 : memref<32768xf32, #tpu.memory_space<hbm>>) target(%arg6 : memref<32768xf32, #tpu.memory_space<vmem>>) target_semaphore(%arg12 : memref<!tpu.dma_semaphore, #tpu.memory_space<semaphore_mem>>)
    %add3A_338 = arith.constant 2 : i32
    %add3A_339 = arith.addi %mul3A_2, %add3A_338 : i32
    %dma_wait3A_340 = tpu.memref_slice %arg3[%mul3A_181] : memref<1966080xi32, #tpu.memory_space<hbm>> -> memref<15360xi32, #tpu.memory_space<hbm>>
    %dma_wait3A_341 = tpu.memref_slice %arg3[%mul3A_181] : memref<1966080xi32, #tpu.memory_space<hbm>> -> memref<15360xi32, #tpu.memory_space<hbm>>
    tpu.wait_dma2 semaphore(%arg13 : memref<!tpu.dma_semaphore, #tpu.memory_space<semaphore_mem>>) src(%dma_wait3A_341 : memref<15360xi32, #tpu.memory_space<hbm>>) dst(%arg7 : memref<15360xi32, #tpu.memory_space<vmem>>)
    %add3A_342 = arith.constant 3 : i32
    %add3A_343 = arith.addi %mul3A_2, %add3A_342 : i32
    %mul3A_344 = arith.constant 15360 : i32
    %mul3A_345 = arith.muli %add3A_343, %mul3A_344 : i32
    %dma_start3A_346 = tpu.memref_slice %arg3[%mul3A_345] : memref<1966080xi32, #tpu.memory_space<hbm>> -> memref<15360xi32, #tpu.memory_space<hbm>>
    %dma_start3A_347 = tpu.memref_slice %arg3[%mul3A_345] : memref<1966080xi32, #tpu.memory_space<hbm>> -> memref<15360xi32, #tpu.memory_space<hbm>>
    tpu.enqueue_dma source(%dma_start3A_347 : memref<15360xi32, #tpu.memory_space<hbm>>) target(%arg8 : memref<15360xi32, #tpu.memory_space<vmem>>) target_semaphore(%arg14 : memref<!tpu.dma_semaphore, #tpu.memory_space<semaphore_mem>>)
    %dma_wait3A_348 = arith.constant 0 : i32
    %dma_wait3A_349 = arith.constant 0 : i32
    %dma_wait3A_350 = tpu.memref_slice %arg2[%dma_wait3A_348, %add3A_278, %dma_wait3A_349] : memref<3x128x32768xf32, #tpu.memory_space<hbm>> -> memref<1x1x32768xf32, #tpu.memory_space<hbm>>
    %dma_wait3A_351 = tpu.memref_squeeze %dma_wait3A_350 : memref<1x1x32768xf32, #tpu.memory_space<hbm>> -> memref<32768xf32, #tpu.memory_space<hbm>>
    %dma_wait3A_352 = arith.constant 0 : i32
    %dma_wait3A_353 = tpu.memref_slice %arg2[%dma_wait3A_348, %add3A_278, %dma_wait3A_352] : memref<3x128x32768xf32, #tpu.memory_space<hbm>> -> memref<1x1x32768xf32, #tpu.memory_space<hbm>>
    %dma_wait3A_354 = tpu.memref_squeeze %dma_wait3A_353 : memref<1x1x32768xf32, #tpu.memory_space<hbm>> -> memref<32768xf32, #tpu.memory_space<hbm>>
    tpu.wait_dma2 semaphore(%arg11 : memref<!tpu.dma_semaphore, #tpu.memory_space<semaphore_mem>>) src(%dma_wait3A_354 : memref<32768xf32, #tpu.memory_space<hbm>>) dst(%arg5 : memref<32768xf32, #tpu.memory_space<vmem>>)
    %dma_wait3A_355 = arith.constant 2 : i32
    %dma_wait3A_356 = arith.constant 0 : i32
    %dma_wait3A_357 = tpu.memref_slice %arg4[%dma_wait3A_355, %add3A_287, %dma_wait3A_356] : memref<3x128x30720xf32, #tpu.memory_space<hbm>> -> memref<1x1x15360xf32, #tpu.memory_space<hbm>>
    %dma_wait3A_358 = tpu.memref_squeeze %dma_wait3A_357 : memref<1x1x15360xf32, #tpu.memory_space<hbm>> -> memref<15360xf32, #tpu.memory_space<hbm>>
    %dma_wait3A_359 = arith.constant 0 : i32
    %dma_wait3A_360 = tpu.memref_slice %arg4[%dma_wait3A_355, %add3A_287, %dma_wait3A_359] : memref<3x128x30720xf32, #tpu.memory_space<hbm>> -> memref<1x1x15360xf32, #tpu.memory_space<hbm>>
    %dma_wait3A_361 = tpu.memref_squeeze %dma_wait3A_360 : memref<1x1x15360xf32, #tpu.memory_space<hbm>> -> memref<15360xf32, #tpu.memory_space<hbm>>
    tpu.wait_dma2 semaphore(%arg15 : memref<!tpu.dma_semaphore, #tpu.memory_space<semaphore_mem>>) src(%arg9 : memref<15360xf32, #tpu.memory_space<vmem>>) dst(%dma_wait3A_361 : memref<15360xf32, #tpu.memory_space<hbm>>)
    %parallel_loop3A_362 = arith.constant 0 : i32
    %parallel_loop3A_363 = arith.constant 480 : i32
    %parallel_loop3A_364 = arith.constant 1 : i32
    scf.for %parallel_loop3A_656 = %parallel_loop3A_362 to %parallel_loop3A_363 step %parallel_loop3A_364  : i32 {
      %parallel_loop3A_657 = arith.constant 16 : i32
      %parallel_loop3A_658 = arith.muli %parallel_loop3A_656, %parallel_loop3A_657 : i32
      %parallel_loop3A_659 = arith.constant 0 : i32
      %parallel_loop3A_660 = arith.addi %parallel_loop3A_659, %parallel_loop3A_658 : i32
      %parallel_loop3A_661 = arith.index_cast %parallel_loop3A_660 : i32 to index
      %parallel_loop3A_662 = tpu.vector_load %arg7[%parallel_loop3A_661] {strides = array<i32>} : memref<15360xi32, #tpu.memory_space<vmem>>, vector<16xi32>,
      %parallel_loop3A_663 = vector.bitcast %parallel_loop3A_662 : vector<16xi32> to vector<32xi16>
      %parallel_loop3A_664 = tpu.unpack_subelements %parallel_loop3A_663, 0 {pack_format = #tpu.pack_format<interleaved>} : vector<32xi16> -> vector<16xi32>
      %parallel_loop3A_665 = tpu.unpack_subelements %parallel_loop3A_663, 1 {pack_format = #tpu.pack_format<interleaved>} : vector<32xi16> -> vector<16xi32>
      %parallel_loop3A_666 = tpu.vector_load_idx %arg5[%parallel_loop3A_664] : memref<32768xf32, #tpu.memory_space<vmem>>[vector<16xi32>], vector<16xf32>,
      %parallel_loop3A_667 = arith.constant 32 : i32
      %parallel_loop3A_668 = arith.muli %parallel_loop3A_656, %parallel_loop3A_667 : i32
      %parallel_loop3A_669 = arith.constant 0 : i32
      %parallel_loop3A_670 = arith.addi %parallel_loop3A_668, %parallel_loop3A_669 : i32
      %parallel_loop3A_671 = arith.index_cast %parallel_loop3A_670 : i32 to index
      %parallel_loop3A_672 = tpu.vector_load %arg9[%parallel_loop3A_671] {strides = array<i32>} : memref<15360xf32, #tpu.memory_space<vmem>>, vector<16xf32>,
      tpu.vector_store %arg9[%parallel_loop3A_671], %parallel_loop3A_666 {strides = array<i32>} : memref<15360xf32, #tpu.memory_space<vmem>>, vector<16xf32>,
      %parallel_loop3A_673 = tpu.vector_load_idx %arg5[%parallel_loop3A_665] : memref<32768xf32, #tpu.memory_space<vmem>>[vector<16xi32>], vector<16xf32>,
      %parallel_loop3A_674 = arith.constant 32 : i32
      %parallel_loop3A_675 = arith.muli %parallel_loop3A_656, %parallel_loop3A_674 : i32
      %parallel_loop3A_676 = arith.constant 16 : i32
      %parallel_loop3A_677 = arith.addi %parallel_loop3A_675, %parallel_loop3A_676 : i32
      %parallel_loop3A_678 = arith.index_cast %parallel_loop3A_677 : i32 to index
      %parallel_loop3A_679 = tpu.vector_load %arg9[%parallel_loop3A_678] {strides = array<i32>} : memref<15360xf32, #tpu.memory_space<vmem>>, vector<16xf32>,
      tpu.vector_store %arg9[%parallel_loop3A_678], %parallel_loop3A_673 {strides = array<i32>} : memref<15360xf32, #tpu.memory_space<vmem>>, vector<16xf32>,
    } {sc.loop_unroll_factor = 8 : i64, sc.parallel_access}
    %dma_start3A_365 = arith.constant 0 : i32
    %dma_start3A_366 = arith.constant 0 : i32
    %dma_start3A_367 = tpu.memref_slice %arg4[%dma_start3A_365, %add3A_339, %dma_start3A_366] : memref<3x128x30720xf32, #tpu.memory_space<hbm>> -> memref<1x1x15360xf32, #tpu.memory_space<hbm>>
    %dma_start3A_368 = tpu.memref_squeeze %dma_start3A_367 : memref<1x1x15360xf32, #tpu.memory_space<hbm>> -> memref<15360xf32, #tpu.memory_space<hbm>>
    %dma_start3A_369 = arith.constant 0 : i32
    %dma_start3A_370 = tpu.memref_slice %arg4[%dma_start3A_365, %add3A_339, %dma_start3A_369] : memref<3x128x30720xf32, #tpu.memory_space<hbm>> -> memref<1x1x15360xf32, #tpu.memory_space<hbm>>
    %dma_start3A_371 = tpu.memref_squeeze %dma_start3A_370 : memref<1x1x15360xf32, #tpu.memory_space<hbm>> -> memref<15360xf32, #tpu.memory_space<hbm>>
    tpu.enqueue_dma source(%arg9 : memref<15360xf32, #tpu.memory_space<vmem>>) target(%dma_start3A_371 : memref<15360xf32, #tpu.memory_space<hbm>>) target_semaphore(%arg15 : memref<!tpu.dma_semaphore, #tpu.memory_space<semaphore_mem>>)
    %dma_wait3A_372 = arith.constant 2 : i32
    %dma_wait3A_373 = arith.constant 15360 : i32
    %dma_wait3A_374 = tpu.memref_slice %arg4[%dma_wait3A_372, %add3A_287, %dma_wait3A_373] : memref<3x128x30720xf32, #tpu.memory_space<hbm>> -> memref<1x1x15360xf32, #tpu.memory_space<hbm>>
    %dma_wait3A_375 = tpu.memref_squeeze %dma_wait3A_374 : memref<1x1x15360xf32, #tpu.memory_space<hbm>> -> memref<15360xf32, #tpu.memory_space<hbm>>
    %dma_wait3A_376 = arith.constant 15360 : i32
    %dma_wait3A_377 = tpu.memref_slice %arg4[%dma_wait3A_372, %add3A_287, %dma_wait3A_376] : memref<3x128x30720xf32, #tpu.memory_space<hbm>> -> memref<1x1x15360xf32, #tpu.memory_space<hbm>>
    %dma_wait3A_378 = tpu.memref_squeeze %dma_wait3A_377 : memref<1x1x15360xf32, #tpu.memory_space<hbm>> -> memref<15360xf32, #tpu.memory_space<hbm>>
    tpu.wait_dma2 semaphore(%arg16 : memref<!tpu.dma_semaphore, #tpu.memory_space<semaphore_mem>>) src(%arg10 : memref<15360xf32, #tpu.memory_space<vmem>>) dst(%dma_wait3A_378 : memref<15360xf32, #tpu.memory_space<hbm>>)
    %parallel_loop3A_379 = arith.constant 0 : i32
    %parallel_loop3A_380 = arith.constant 480 : i32
    %parallel_loop3A_381 = arith.constant 1 : i32
    scf.for %parallel_loop3A_656 = %parallel_loop3A_379 to %parallel_loop3A_380 step %parallel_loop3A_381  : i32 {
      %parallel_loop3A_657 = arith.constant 16 : i32
      %parallel_loop3A_658 = arith.muli %parallel_loop3A_656, %parallel_loop3A_657 : i32
      %parallel_loop3A_659 = arith.constant 7680 : i32
      %parallel_loop3A_660 = arith.addi %parallel_loop3A_659, %parallel_loop3A_658 : i32
      %parallel_loop3A_661 = arith.index_cast %parallel_loop3A_660 : i32 to index
      %parallel_loop3A_662 = tpu.vector_load %arg7[%parallel_loop3A_661] {strides = array<i32>} : memref<15360xi32, #tpu.memory_space<vmem>>, vector<16xi32>,
      %parallel_loop3A_663 = vector.bitcast %parallel_loop3A_662 : vector<16xi32> to vector<32xi16>
      %parallel_loop3A_664 = tpu.unpack_subelements %parallel_loop3A_663, 0 {pack_format = #tpu.pack_format<interleaved>} : vector<32xi16> -> vector<16xi32>
      %parallel_loop3A_665 = tpu.unpack_subelements %parallel_loop3A_663, 1 {pack_format = #tpu.pack_format<interleaved>} : vector<32xi16> -> vector<16xi32>
      %parallel_loop3A_666 = tpu.vector_load_idx %arg5[%parallel_loop3A_664] : memref<32768xf32, #tpu.memory_space<vmem>>[vector<16xi32>], vector<16xf32>,
      %parallel_loop3A_667 = arith.constant 32 : i32
      %parallel_loop3A_668 = arith.muli %parallel_loop3A_656, %parallel_loop3A_667 : i32
      %parallel_loop3A_669 = arith.constant 0 : i32
      %parallel_loop3A_670 = arith.addi %parallel_loop3A_668, %parallel_loop3A_669 : i32
      %parallel_loop3A_671 = arith.index_cast %parallel_loop3A_670 : i32 to index
      %parallel_loop3A_672 = tpu.vector_load %arg10[%parallel_loop3A_671] {strides = array<i32>} : memref<15360xf32, #tpu.memory_space<vmem>>, vector<16xf32>,
      tpu.vector_store %arg10[%parallel_loop3A_671], %parallel_loop3A_666 {strides = array<i32>} : memref<15360xf32, #tpu.memory_space<vmem>>, vector<16xf32>,
      %parallel_loop3A_673 = tpu.vector_load_idx %arg5[%parallel_loop3A_665] : memref<32768xf32, #tpu.memory_space<vmem>>[vector<16xi32>], vector<16xf32>,
      %parallel_loop3A_674 = arith.constant 32 : i32
      %parallel_loop3A_675 = arith.muli %parallel_loop3A_656, %parallel_loop3A_674 : i32
      %parallel_loop3A_676 = arith.constant 16 : i32
      %parallel_loop3A_677 = arith.addi %parallel_loop3A_675, %parallel_loop3A_676 : i32
      %parallel_loop3A_678 = arith.index_cast %parallel_loop3A_677 : i32 to index
      %parallel_loop3A_679 = tpu.vector_load %arg10[%parallel_loop3A_678] {strides = array<i32>} : memref<15360xf32, #tpu.memory_space<vmem>>, vector<16xf32>,
      tpu.vector_store %arg10[%parallel_loop3A_678], %parallel_loop3A_673 {strides = array<i32>} : memref<15360xf32, #tpu.memory_space<vmem>>, vector<16xf32>,
    } {sc.loop_unroll_factor = 8 : i64, sc.parallel_access}
    %dma_start3A_382 = arith.constant 0 : i32
    %dma_start3A_383 = arith.constant 15360 : i32
    %dma_start3A_384 = tpu.memref_slice %arg4[%dma_start3A_382, %add3A_339, %dma_start3A_383] : memref<3x128x30720xf32, #tpu.memory_space<hbm>> -> memref<1x1x15360xf32, #tpu.memory_space<hbm>>
    %dma_start3A_385 = tpu.memref_squeeze %dma_start3A_384 : memref<1x1x15360xf32, #tpu.memory_space<hbm>> -> memref<15360xf32, #tpu.memory_space<hbm>>
    %dma_start3A_386 = arith.constant 15360 : i32
    %dma_start3A_387 = tpu.memref_slice %arg4[%dma_start3A_382, %add3A_339, %dma_start3A_386] : memref<3x128x30720xf32, #tpu.memory_space<hbm>> -> memref<1x1x15360xf32, #tpu.memory_space<hbm>>
    %dma_start3A_388 = tpu.memref_squeeze %dma_start3A_387 : memref<1x1x15360xf32, #tpu.memory_space<hbm>> -> memref<15360xf32, #tpu.memory_space<hbm>>
    tpu.enqueue_dma source(%arg10 : memref<15360xf32, #tpu.memory_space<vmem>>) target(%dma_start3A_388 : memref<15360xf32, #tpu.memory_space<hbm>>) target_semaphore(%arg16 : memref<!tpu.dma_semaphore, #tpu.memory_space<semaphore_mem>>)
    %add3A_389 = arith.constant 2 : i32
    %add3A_390 = arith.addi %mul3A_2, %add3A_389 : i32
    %dma_start3A_391 = arith.constant 2 : i32
    %dma_start3A_392 = arith.constant 0 : i32
    %dma_start3A_393 = tpu.memref_slice %arg2[%dma_start3A_391, %add3A_390, %dma_start3A_392] : memref<3x128x32768xf32, #tpu.memory_space<hbm>> -> memref<1x1x32768xf32, #tpu.memory_space<hbm>>
    %dma_start3A_394 = tpu.memref_squeeze %dma_start3A_393 : memref<1x1x32768xf32, #tpu.memory_space<hbm>> -> memref<32768xf32, #tpu.memory_space<hbm>>
    %dma_start3A_395 = arith.constant 0 : i32
    %dma_start3A_396 = tpu.memref_slice %arg2[%dma_start3A_391, %add3A_390, %dma_start3A_395] : memref<3x128x32768xf32, #tpu.memory_space<hbm>> -> memref<1x1x32768xf32, #tpu.memory_space<hbm>>
    %dma_start3A_397 = tpu.memref_squeeze %dma_start3A_396 : memref<1x1x32768xf32, #tpu.memory_space<hbm>> -> memref<32768xf32, #tpu.memory_space<hbm>>
    tpu.enqueue_dma source(%dma_start3A_397 : memref<32768xf32, #tpu.memory_space<hbm>>) target(%arg5 : memref<32768xf32, #tpu.memory_space<vmem>>) target_semaphore(%arg11 : memref<!tpu.dma_semaphore, #tpu.memory_space<semaphore_mem>>)
    %add3A_398 = arith.constant 2 : i32
    %add3A_399 = arith.addi %mul3A_2, %add3A_398 : i32
    %dma_wait3A_400 = arith.constant 1 : i32
    %dma_wait3A_401 = arith.constant 0 : i32
    %dma_wait3A_402 = tpu.memref_slice %arg2[%dma_wait3A_400, %add3A_330, %dma_wait3A_401] : memref<3x128x32768xf32, #tpu.memory_space<hbm>> -> memref<1x1x32768xf32, #tpu.memory_space<hbm>>
    %dma_wait3A_403 = tpu.memref_squeeze %dma_wait3A_402 : memref<1x1x32768xf32, #tpu.memory_space<hbm>> -> memref<32768xf32, #tpu.memory_space<hbm>>
    %dma_wait3A_404 = arith.constant 0 : i32
    %dma_wait3A_405 = tpu.memref_slice %arg2[%dma_wait3A_400, %add3A_330, %dma_wait3A_404] : memref<3x128x32768xf32, #tpu.memory_space<hbm>> -> memref<1x1x32768xf32, #tpu.memory_space<hbm>>
    %dma_wait3A_406 = tpu.memref_squeeze %dma_wait3A_405 : memref<1x1x32768xf32, #tpu.memory_space<hbm>> -> memref<32768xf32, #tpu.memory_space<hbm>>
    tpu.wait_dma2 semaphore(%arg12 : memref<!tpu.dma_semaphore, #tpu.memory_space<semaphore_mem>>) src(%dma_wait3A_406 : memref<32768xf32, #tpu.memory_space<hbm>>) dst(%arg6 : memref<32768xf32, #tpu.memory_space<vmem>>)
    %dma_wait3A_407 = arith.constant 0 : i32
    %dma_wait3A_408 = arith.constant 0 : i32
    %dma_wait3A_409 = tpu.memref_slice %arg4[%dma_wait3A_407, %add3A_339, %dma_wait3A_408] : memref<3x128x30720xf32, #tpu.memory_space<hbm>> -> memref<1x1x15360xf32, #tpu.memory_space<hbm>>
    %dma_wait3A_410 = tpu.memref_squeeze %dma_wait3A_409 : memref<1x1x15360xf32, #tpu.memory_space<hbm>> -> memref<15360xf32, #tpu.memory_space<hbm>>
    %dma_wait3A_411 = arith.constant 0 : i32
    %dma_wait3A_412 = tpu.memref_slice %arg4[%dma_wait3A_407, %add3A_339, %dma_wait3A_411] : memref<3x128x30720xf32, #tpu.memory_space<hbm>> -> memref<1x1x15360xf32, #tpu.memory_space<hbm>>
    %dma_wait3A_413 = tpu.memref_squeeze %dma_wait3A_412 : memref<1x1x15360xf32, #tpu.memory_space<hbm>> -> memref<15360xf32, #tpu.memory_space<hbm>>
    tpu.wait_dma2 semaphore(%arg15 : memref<!tpu.dma_semaphore, #tpu.memory_space<semaphore_mem>>) src(%arg9 : memref<15360xf32, #tpu.memory_space<vmem>>) dst(%dma_wait3A_413 : memref<15360xf32, #tpu.memory_space<hbm>>)
    %parallel_loop3A_414 = arith.constant 0 : i32
    %parallel_loop3A_415 = arith.constant 480 : i32
    %parallel_loop3A_416 = arith.constant 1 : i32
    scf.for %parallel_loop3A_656 = %parallel_loop3A_414 to %parallel_loop3A_415 step %parallel_loop3A_416  : i32 {
      %parallel_loop3A_657 = arith.constant 16 : i32
      %parallel_loop3A_658 = arith.muli %parallel_loop3A_656, %parallel_loop3A_657 : i32
      %parallel_loop3A_659 = arith.constant 0 : i32
      %parallel_loop3A_660 = arith.addi %parallel_loop3A_659, %parallel_loop3A_658 : i32
      %parallel_loop3A_661 = arith.index_cast %parallel_loop3A_660 : i32 to index
      %parallel_loop3A_662 = tpu.vector_load %arg7[%parallel_loop3A_661] {strides = array<i32>} : memref<15360xi32, #tpu.memory_space<vmem>>, vector<16xi32>,
      %parallel_loop3A_663 = vector.bitcast %parallel_loop3A_662 : vector<16xi32> to vector<32xi16>
      %parallel_loop3A_664 = tpu.unpack_subelements %parallel_loop3A_663, 0 {pack_format = #tpu.pack_format<interleaved>} : vector<32xi16> -> vector<16xi32>
      %parallel_loop3A_665 = tpu.unpack_subelements %parallel_loop3A_663, 1 {pack_format = #tpu.pack_format<interleaved>} : vector<32xi16> -> vector<16xi32>
      %parallel_loop3A_666 = tpu.vector_load_idx %arg6[%parallel_loop3A_664] : memref<32768xf32, #tpu.memory_space<vmem>>[vector<16xi32>], vector<16xf32>,
      %parallel_loop3A_667 = arith.constant 32 : i32
      %parallel_loop3A_668 = arith.muli %parallel_loop3A_656, %parallel_loop3A_667 : i32
      %parallel_loop3A_669 = arith.constant 0 : i32
      %parallel_loop3A_670 = arith.addi %parallel_loop3A_668, %parallel_loop3A_669 : i32
      %parallel_loop3A_671 = arith.index_cast %parallel_loop3A_670 : i32 to index
      %parallel_loop3A_672 = tpu.vector_load %arg9[%parallel_loop3A_671] {strides = array<i32>} : memref<15360xf32, #tpu.memory_space<vmem>>, vector<16xf32>,
      tpu.vector_store %arg9[%parallel_loop3A_671], %parallel_loop3A_666 {strides = array<i32>} : memref<15360xf32, #tpu.memory_space<vmem>>, vector<16xf32>,
      %parallel_loop3A_673 = tpu.vector_load_idx %arg6[%parallel_loop3A_665] : memref<32768xf32, #tpu.memory_space<vmem>>[vector<16xi32>], vector<16xf32>,
      %parallel_loop3A_674 = arith.constant 32 : i32
      %parallel_loop3A_675 = arith.muli %parallel_loop3A_656, %parallel_loop3A_674 : i32
      %parallel_loop3A_676 = arith.constant 16 : i32
      %parallel_loop3A_677 = arith.addi %parallel_loop3A_675, %parallel_loop3A_676 : i32
      %parallel_loop3A_678 = arith.index_cast %parallel_loop3A_677 : i32 to index
      %parallel_loop3A_679 = tpu.vector_load %arg9[%parallel_loop3A_678] {strides = array<i32>} : memref<15360xf32, #tpu.memory_space<vmem>>, vector<16xf32>,
      tpu.vector_store %arg9[%parallel_loop3A_678], %parallel_loop3A_673 {strides = array<i32>} : memref<15360xf32, #tpu.memory_space<vmem>>, vector<16xf32>,
    } {sc.loop_unroll_factor = 8 : i64, sc.parallel_access}
    %dma_start3A_417 = arith.constant 1 : i32
    %dma_start3A_418 = arith.constant 0 : i32
    %dma_start3A_419 = tpu.memref_slice %arg4[%dma_start3A_417, %add3A_399, %dma_start3A_418] : memref<3x128x30720xf32, #tpu.memory_space<hbm>> -> memref<1x1x15360xf32, #tpu.memory_space<hbm>>
    %dma_start3A_420 = tpu.memref_squeeze %dma_start3A_419 : memref<1x1x15360xf32, #tpu.memory_space<hbm>> -> memref<15360xf32, #tpu.memory_space<hbm>>
    %dma_start3A_421 = arith.constant 0 : i32
    %dma_start3A_422 = tpu.memref_slice %arg4[%dma_start3A_417, %add3A_399, %dma_start3A_421] : memref<3x128x30720xf32, #tpu.memory_space<hbm>> -> memref<1x1x15360xf32, #tpu.memory_space<hbm>>
    %dma_start3A_423 = tpu.memref_squeeze %dma_start3A_422 : memref<1x1x15360xf32, #tpu.memory_space<hbm>> -> memref<15360xf32, #tpu.memory_space<hbm>>
    tpu.enqueue_dma source(%arg9 : memref<15360xf32, #tpu.memory_space<vmem>>) target(%dma_start3A_423 : memref<15360xf32, #tpu.memory_space<hbm>>) target_semaphore(%arg15 : memref<!tpu.dma_semaphore, #tpu.memory_space<semaphore_mem>>)
    %dma_wait3A_424 = arith.constant 0 : i32
    %dma_wait3A_425 = arith.constant 15360 : i32
    %dma_wait3A_426 = tpu.memref_slice %arg4[%dma_wait3A_424, %add3A_339, %dma_wait3A_425] : memref<3x128x30720xf32, #tpu.memory_space<hbm>> -> memref<1x1x15360xf32, #tpu.memory_space<hbm>>
    %dma_wait3A_427 = tpu.memref_squeeze %dma_wait3A_426 : memref<1x1x15360xf32, #tpu.memory_space<hbm>> -> memref<15360xf32, #tpu.memory_space<hbm>>
    %dma_wait3A_428 = arith.constant 15360 : i32
    %dma_wait3A_429 = tpu.memref_slice %arg4[%dma_wait3A_424, %add3A_339, %dma_wait3A_428] : memref<3x128x30720xf32, #tpu.memory_space<hbm>> -> memref<1x1x15360xf32, #tpu.memory_space<hbm>>
    %dma_wait3A_430 = tpu.memref_squeeze %dma_wait3A_429 : memref<1x1x15360xf32, #tpu.memory_space<hbm>> -> memref<15360xf32, #tpu.memory_space<hbm>>
    tpu.wait_dma2 semaphore(%arg16 : memref<!tpu.dma_semaphore, #tpu.memory_space<semaphore_mem>>) src(%arg10 : memref<15360xf32, #tpu.memory_space<vmem>>) dst(%dma_wait3A_430 : memref<15360xf32, #tpu.memory_space<hbm>>)
    %parallel_loop3A_431 = arith.constant 0 : i32
    %parallel_loop3A_432 = arith.constant 480 : i32
    %parallel_loop3A_433 = arith.constant 1 : i32
    scf.for %parallel_loop3A_656 = %parallel_loop3A_431 to %parallel_loop3A_432 step %parallel_loop3A_433  : i32 {
      %parallel_loop3A_657 = arith.constant 16 : i32
      %parallel_loop3A_658 = arith.muli %parallel_loop3A_656, %parallel_loop3A_657 : i32
      %parallel_loop3A_659 = arith.constant 7680 : i32
      %parallel_loop3A_660 = arith.addi %parallel_loop3A_659, %parallel_loop3A_658 : i32
      %parallel_loop3A_661 = arith.index_cast %parallel_loop3A_660 : i32 to index
      %parallel_loop3A_662 = tpu.vector_load %arg7[%parallel_loop3A_661] {strides = array<i32>} : memref<15360xi32, #tpu.memory_space<vmem>>, vector<16xi32>,
      %parallel_loop3A_663 = vector.bitcast %parallel_loop3A_662 : vector<16xi32> to vector<32xi16>
      %parallel_loop3A_664 = tpu.unpack_subelements %parallel_loop3A_663, 0 {pack_format = #tpu.pack_format<interleaved>} : vector<32xi16> -> vector<16xi32>
      %parallel_loop3A_665 = tpu.unpack_subelements %parallel_loop3A_663, 1 {pack_format = #tpu.pack_format<interleaved>} : vector<32xi16> -> vector<16xi32>
      %parallel_loop3A_666 = tpu.vector_load_idx %arg6[%parallel_loop3A_664] : memref<32768xf32, #tpu.memory_space<vmem>>[vector<16xi32>], vector<16xf32>,
      %parallel_loop3A_667 = arith.constant 32 : i32
      %parallel_loop3A_668 = arith.muli %parallel_loop3A_656, %parallel_loop3A_667 : i32
      %parallel_loop3A_669 = arith.constant 0 : i32
      %parallel_loop3A_670 = arith.addi %parallel_loop3A_668, %parallel_loop3A_669 : i32
      %parallel_loop3A_671 = arith.index_cast %parallel_loop3A_670 : i32 to index
      %parallel_loop3A_672 = tpu.vector_load %arg10[%parallel_loop3A_671] {strides = array<i32>} : memref<15360xf32, #tpu.memory_space<vmem>>, vector<16xf32>,
      tpu.vector_store %arg10[%parallel_loop3A_671], %parallel_loop3A_666 {strides = array<i32>} : memref<15360xf32, #tpu.memory_space<vmem>>, vector<16xf32>,
      %parallel_loop3A_673 = tpu.vector_load_idx %arg6[%parallel_loop3A_665] : memref<32768xf32, #tpu.memory_space<vmem>>[vector<16xi32>], vector<16xf32>,
      %parallel_loop3A_674 = arith.constant 32 : i32
      %parallel_loop3A_675 = arith.muli %parallel_loop3A_656, %parallel_loop3A_674 : i32
      %parallel_loop3A_676 = arith.constant 16 : i32
      %parallel_loop3A_677 = arith.addi %parallel_loop3A_675, %parallel_loop3A_676 : i32
      %parallel_loop3A_678 = arith.index_cast %parallel_loop3A_677 : i32 to index
      %parallel_loop3A_679 = tpu.vector_load %arg10[%parallel_loop3A_678] {strides = array<i32>} : memref<15360xf32, #tpu.memory_space<vmem>>, vector<16xf32>,
      tpu.vector_store %arg10[%parallel_loop3A_678], %parallel_loop3A_673 {strides = array<i32>} : memref<15360xf32, #tpu.memory_space<vmem>>, vector<16xf32>,
    } {sc.loop_unroll_factor = 8 : i64, sc.parallel_access}
    %dma_start3A_434 = arith.constant 1 : i32
    %dma_start3A_435 = arith.constant 15360 : i32
    %dma_start3A_436 = tpu.memref_slice %arg4[%dma_start3A_434, %add3A_399, %dma_start3A_435] : memref<3x128x30720xf32, #tpu.memory_space<hbm>> -> memref<1x1x15360xf32, #tpu.memory_space<hbm>>
    %dma_start3A_437 = tpu.memref_squeeze %dma_start3A_436 : memref<1x1x15360xf32, #tpu.memory_space<hbm>> -> memref<15360xf32, #tpu.memory_space<hbm>>
    %dma_start3A_438 = arith.constant 15360 : i32
    %dma_start3A_439 = tpu.memref_slice %arg4[%dma_start3A_434, %add3A_399, %dma_start3A_438] : memref<3x128x30720xf32, #tpu.memory_space<hbm>> -> memref<1x1x15360xf32, #tpu.memory_space<hbm>>
    %dma_start3A_440 = tpu.memref_squeeze %dma_start3A_439 : memref<1x1x15360xf32, #tpu.memory_space<hbm>> -> memref<15360xf32, #tpu.memory_space<hbm>>
    tpu.enqueue_dma source(%arg10 : memref<15360xf32, #tpu.memory_space<vmem>>) target(%dma_start3A_440 : memref<15360xf32, #tpu.memory_space<hbm>>) target_semaphore(%arg16 : memref<!tpu.dma_semaphore, #tpu.memory_space<semaphore_mem>>)
    %add3A_441 = arith.constant 3 : i32
    %add3A_442 = arith.addi %mul3A_2, %add3A_441 : i32
    %dma_start3A_443 = arith.constant 0 : i32
    %dma_start3A_444 = arith.constant 0 : i32
    %dma_start3A_445 = tpu.memref_slice %arg2[%dma_start3A_443, %add3A_442, %dma_start3A_444] : memref<3x128x32768xf32, #tpu.memory_space<hbm>> -> memref<1x1x32768xf32, #tpu.memory_space<hbm>>
    %dma_start3A_446 = tpu.memref_squeeze %dma_start3A_445 : memref<1x1x32768xf32, #tpu.memory_space<hbm>> -> memref<32768xf32, #tpu.memory_space<hbm>>
    %dma_start3A_447 = arith.constant 0 : i32
    %dma_start3A_448 = tpu.memref_slice %arg2[%dma_start3A_443, %add3A_442, %dma_start3A_447] : memref<3x128x32768xf32, #tpu.memory_space<hbm>> -> memref<1x1x32768xf32, #tpu.memory_space<hbm>>
    %dma_start3A_449 = tpu.memref_squeeze %dma_start3A_448 : memref<1x1x32768xf32, #tpu.memory_space<hbm>> -> memref<32768xf32, #tpu.memory_space<hbm>>
    tpu.enqueue_dma source(%dma_start3A_449 : memref<32768xf32, #tpu.memory_space<hbm>>) target(%arg6 : memref<32768xf32, #tpu.memory_space<vmem>>) target_semaphore(%arg12 : memref<!tpu.dma_semaphore, #tpu.memory_space<semaphore_mem>>)
    %add3A_450 = arith.constant 2 : i32
    %add3A_451 = arith.addi %mul3A_2, %add3A_450 : i32
    %dma_wait3A_452 = arith.constant 2 : i32
    %dma_wait3A_453 = arith.constant 0 : i32
    %dma_wait3A_454 = tpu.memref_slice %arg2[%dma_wait3A_452, %add3A_390, %dma_wait3A_453] : memref<3x128x32768xf32, #tpu.memory_space<hbm>> -> memref<1x1x32768xf32, #tpu.memory_space<hbm>>
    %dma_wait3A_455 = tpu.memref_squeeze %dma_wait3A_454 : memref<1x1x32768xf32, #tpu.memory_space<hbm>> -> memref<32768xf32, #tpu.memory_space<hbm>>
    %dma_wait3A_456 = arith.constant 0 : i32
    %dma_wait3A_457 = tpu.memref_slice %arg2[%dma_wait3A_452, %add3A_390, %dma_wait3A_456] : memref<3x128x32768xf32, #tpu.memory_space<hbm>> -> memref<1x1x32768xf32, #tpu.memory_space<hbm>>
    %dma_wait3A_458 = tpu.memref_squeeze %dma_wait3A_457 : memref<1x1x32768xf32, #tpu.memory_space<hbm>> -> memref<32768xf32, #tpu.memory_space<hbm>>
    tpu.wait_dma2 semaphore(%arg11 : memref<!tpu.dma_semaphore, #tpu.memory_space<semaphore_mem>>) src(%dma_wait3A_458 : memref<32768xf32, #tpu.memory_space<hbm>>) dst(%arg5 : memref<32768xf32, #tpu.memory_space<vmem>>)
    %dma_wait3A_459 = arith.constant 1 : i32
    %dma_wait3A_460 = arith.constant 0 : i32
    %dma_wait3A_461 = tpu.memref_slice %arg4[%dma_wait3A_459, %add3A_399, %dma_wait3A_460] : memref<3x128x30720xf32, #tpu.memory_space<hbm>> -> memref<1x1x15360xf32, #tpu.memory_space<hbm>>
    %dma_wait3A_462 = tpu.memref_squeeze %dma_wait3A_461 : memref<1x1x15360xf32, #tpu.memory_space<hbm>> -> memref<15360xf32, #tpu.memory_space<hbm>>
    %dma_wait3A_463 = arith.constant 0 : i32
    %dma_wait3A_464 = tpu.memref_slice %arg4[%dma_wait3A_459, %add3A_399, %dma_wait3A_463] : memref<3x128x30720xf32, #tpu.memory_space<hbm>> -> memref<1x1x15360xf32, #tpu.memory_space<hbm>>
    %dma_wait3A_465 = tpu.memref_squeeze %dma_wait3A_464 : memref<1x1x15360xf32, #tpu.memory_space<hbm>> -> memref<15360xf32, #tpu.memory_space<hbm>>
    tpu.wait_dma2 semaphore(%arg15 : memref<!tpu.dma_semaphore, #tpu.memory_space<semaphore_mem>>) src(%arg9 : memref<15360xf32, #tpu.memory_space<vmem>>) dst(%dma_wait3A_465 : memref<15360xf32, #tpu.memory_space<hbm>>)
    %parallel_loop3A_466 = arith.constant 0 : i32
    %parallel_loop3A_467 = arith.constant 480 : i32
    %parallel_loop3A_468 = arith.constant 1 : i32
    scf.for %parallel_loop3A_656 = %parallel_loop3A_466 to %parallel_loop3A_467 step %parallel_loop3A_468  : i32 {
      %parallel_loop3A_657 = arith.constant 16 : i32
      %parallel_loop3A_658 = arith.muli %parallel_loop3A_656, %parallel_loop3A_657 : i32
      %parallel_loop3A_659 = arith.constant 0 : i32
      %parallel_loop3A_660 = arith.addi %parallel_loop3A_659, %parallel_loop3A_658 : i32
      %parallel_loop3A_661 = arith.index_cast %parallel_loop3A_660 : i32 to index
      %parallel_loop3A_662 = tpu.vector_load %arg7[%parallel_loop3A_661] {strides = array<i32>} : memref<15360xi32, #tpu.memory_space<vmem>>, vector<16xi32>,
      %parallel_loop3A_663 = vector.bitcast %parallel_loop3A_662 : vector<16xi32> to vector<32xi16>
      %parallel_loop3A_664 = tpu.unpack_subelements %parallel_loop3A_663, 0 {pack_format = #tpu.pack_format<interleaved>} : vector<32xi16> -> vector<16xi32>
      %parallel_loop3A_665 = tpu.unpack_subelements %parallel_loop3A_663, 1 {pack_format = #tpu.pack_format<interleaved>} : vector<32xi16> -> vector<16xi32>
      %parallel_loop3A_666 = tpu.vector_load_idx %arg5[%parallel_loop3A_664] : memref<32768xf32, #tpu.memory_space<vmem>>[vector<16xi32>], vector<16xf32>,
      %parallel_loop3A_667 = arith.constant 32 : i32
      %parallel_loop3A_668 = arith.muli %parallel_loop3A_656, %parallel_loop3A_667 : i32
      %parallel_loop3A_669 = arith.constant 0 : i32
      %parallel_loop3A_670 = arith.addi %parallel_loop3A_668, %parallel_loop3A_669 : i32
      %parallel_loop3A_671 = arith.index_cast %parallel_loop3A_670 : i32 to index
      %parallel_loop3A_672 = tpu.vector_load %arg9[%parallel_loop3A_671] {strides = array<i32>} : memref<15360xf32, #tpu.memory_space<vmem>>, vector<16xf32>,
      tpu.vector_store %arg9[%parallel_loop3A_671], %parallel_loop3A_666 {strides = array<i32>} : memref<15360xf32, #tpu.memory_space<vmem>>, vector<16xf32>,
      %parallel_loop3A_673 = tpu.vector_load_idx %arg5[%parallel_loop3A_665] : memref<32768xf32, #tpu.memory_space<vmem>>[vector<16xi32>], vector<16xf32>,
      %parallel_loop3A_674 = arith.constant 32 : i32
      %parallel_loop3A_675 = arith.muli %parallel_loop3A_656, %parallel_loop3A_674 : i32
      %parallel_loop3A_676 = arith.constant 16 : i32
      %parallel_loop3A_677 = arith.addi %parallel_loop3A_675, %parallel_loop3A_676 : i32
      %parallel_loop3A_678 = arith.index_cast %parallel_loop3A_677 : i32 to index
      %parallel_loop3A_679 = tpu.vector_load %arg9[%parallel_loop3A_678] {strides = array<i32>} : memref<15360xf32, #tpu.memory_space<vmem>>, vector<16xf32>,
      tpu.vector_store %arg9[%parallel_loop3A_678], %parallel_loop3A_673 {strides = array<i32>} : memref<15360xf32, #tpu.memory_space<vmem>>, vector<16xf32>,
    } {sc.loop_unroll_factor = 8 : i64, sc.parallel_access}
    %dma_start3A_469 = arith.constant 2 : i32
    %dma_start3A_470 = arith.constant 0 : i32
    %dma_start3A_471 = tpu.memref_slice %arg4[%dma_start3A_469, %add3A_451, %dma_start3A_470] : memref<3x128x30720xf32, #tpu.memory_space<hbm>> -> memref<1x1x15360xf32, #tpu.memory_space<hbm>>
    %dma_start3A_472 = tpu.memref_squeeze %dma_start3A_471 : memref<1x1x15360xf32, #tpu.memory_space<hbm>> -> memref<15360xf32, #tpu.memory_space<hbm>>
    %dma_start3A_473 = arith.constant 0 : i32
    %dma_start3A_474 = tpu.memref_slice %arg4[%dma_start3A_469, %add3A_451, %dma_start3A_473] : memref<3x128x30720xf32, #tpu.memory_space<hbm>> -> memref<1x1x15360xf32, #tpu.memory_space<hbm>>
    %dma_start3A_475 = tpu.memref_squeeze %dma_start3A_474 : memref<1x1x15360xf32, #tpu.memory_space<hbm>> -> memref<15360xf32, #tpu.memory_space<hbm>>
    tpu.enqueue_dma source(%arg9 : memref<15360xf32, #tpu.memory_space<vmem>>) target(%dma_start3A_475 : memref<15360xf32, #tpu.memory_space<hbm>>) target_semaphore(%arg15 : memref<!tpu.dma_semaphore, #tpu.memory_space<semaphore_mem>>)
    %dma_wait3A_476 = arith.constant 1 : i32
    %dma_wait3A_477 = arith.constant 15360 : i32
    %dma_wait3A_478 = tpu.memref_slice %arg4[%dma_wait3A_476, %add3A_399, %dma_wait3A_477] : memref<3x128x30720xf32, #tpu.memory_space<hbm>> -> memref<1x1x15360xf32, #tpu.memory_space<hbm>>
    %dma_wait3A_479 = tpu.memref_squeeze %dma_wait3A_478 : memref<1x1x15360xf32, #tpu.memory_space<hbm>> -> memref<15360xf32, #tpu.memory_space<hbm>>
    %dma_wait3A_480 = arith.constant 15360 : i32
    %dma_wait3A_481 = tpu.memref_slice %arg4[%dma_wait3A_476, %add3A_399, %dma_wait3A_480] : memref<3x128x30720xf32, #tpu.memory_space<hbm>> -> memref<1x1x15360xf32, #tpu.memory_space<hbm>>
    %dma_wait3A_482 = tpu.memref_squeeze %dma_wait3A_481 : memref<1x1x15360xf32, #tpu.memory_space<hbm>> -> memref<15360xf32, #tpu.memory_space<hbm>>
    tpu.wait_dma2 semaphore(%arg16 : memref<!tpu.dma_semaphore, #tpu.memory_space<semaphore_mem>>) src(%arg10 : memref<15360xf32, #tpu.memory_space<vmem>>) dst(%dma_wait3A_482 : memref<15360xf32, #tpu.memory_space<hbm>>)
    %parallel_loop3A_483 = arith.constant 0 : i32
    %parallel_loop3A_484 = arith.constant 480 : i32
    %parallel_loop3A_485 = arith.constant 1 : i32
    scf.for %parallel_loop3A_656 = %parallel_loop3A_483 to %parallel_loop3A_484 step %parallel_loop3A_485  : i32 {
      %parallel_loop3A_657 = arith.constant 16 : i32
      %parallel_loop3A_658 = arith.muli %parallel_loop3A_656, %parallel_loop3A_657 : i32
      %parallel_loop3A_659 = arith.constant 7680 : i32
      %parallel_loop3A_660 = arith.addi %parallel_loop3A_659, %parallel_loop3A_658 : i32
      %parallel_loop3A_661 = arith.index_cast %parallel_loop3A_660 : i32 to index
      %parallel_loop3A_662 = tpu.vector_load %arg7[%parallel_loop3A_661] {strides = array<i32>} : memref<15360xi32, #tpu.memory_space<vmem>>, vector<16xi32>,
      %parallel_loop3A_663 = vector.bitcast %parallel_loop3A_662 : vector<16xi32> to vector<32xi16>
      %parallel_loop3A_664 = tpu.unpack_subelements %parallel_loop3A_663, 0 {pack_format = #tpu.pack_format<interleaved>} : vector<32xi16> -> vector<16xi32>
      %parallel_loop3A_665 = tpu.unpack_subelements %parallel_loop3A_663, 1 {pack_format = #tpu.pack_format<interleaved>} : vector<32xi16> -> vector<16xi32>
      %parallel_loop3A_666 = tpu.vector_load_idx %arg5[%parallel_loop3A_664] : memref<32768xf32, #tpu.memory_space<vmem>>[vector<16xi32>], vector<16xf32>,
      %parallel_loop3A_667 = arith.constant 32 : i32
      %parallel_loop3A_668 = arith.muli %parallel_loop3A_656, %parallel_loop3A_667 : i32
      %parallel_loop3A_669 = arith.constant 0 : i32
      %parallel_loop3A_670 = arith.addi %parallel_loop3A_668, %parallel_loop3A_669 : i32
      %parallel_loop3A_671 = arith.index_cast %parallel_loop3A_670 : i32 to index
      %parallel_loop3A_672 = tpu.vector_load %arg10[%parallel_loop3A_671] {strides = array<i32>} : memref<15360xf32, #tpu.memory_space<vmem>>, vector<16xf32>,
      tpu.vector_store %arg10[%parallel_loop3A_671], %parallel_loop3A_666 {strides = array<i32>} : memref<15360xf32, #tpu.memory_space<vmem>>, vector<16xf32>,
      %parallel_loop3A_673 = tpu.vector_load_idx %arg5[%parallel_loop3A_665] : memref<32768xf32, #tpu.memory_space<vmem>>[vector<16xi32>], vector<16xf32>,
      %parallel_loop3A_674 = arith.constant 32 : i32
      %parallel_loop3A_675 = arith.muli %parallel_loop3A_656, %parallel_loop3A_674 : i32
      %parallel_loop3A_676 = arith.constant 16 : i32
      %parallel_loop3A_677 = arith.addi %parallel_loop3A_675, %parallel_loop3A_676 : i32
      %parallel_loop3A_678 = arith.index_cast %parallel_loop3A_677 : i32 to index
      %parallel_loop3A_679 = tpu.vector_load %arg10[%parallel_loop3A_678] {strides = array<i32>} : memref<15360xf32, #tpu.memory_space<vmem>>, vector<16xf32>,
      tpu.vector_store %arg10[%parallel_loop3A_678], %parallel_loop3A_673 {strides = array<i32>} : memref<15360xf32, #tpu.memory_space<vmem>>, vector<16xf32>,
    } {sc.loop_unroll_factor = 8 : i64, sc.parallel_access}
    %dma_start3A_486 = arith.constant 2 : i32
    %dma_start3A_487 = arith.constant 15360 : i32
    %dma_start3A_488 = tpu.memref_slice %arg4[%dma_start3A_486, %add3A_451, %dma_start3A_487] : memref<3x128x30720xf32, #tpu.memory_space<hbm>> -> memref<1x1x15360xf32, #tpu.memory_space<hbm>>
    %dma_start3A_489 = tpu.memref_squeeze %dma_start3A_488 : memref<1x1x15360xf32, #tpu.memory_space<hbm>> -> memref<15360xf32, #tpu.memory_space<hbm>>
    %dma_start3A_490 = arith.constant 15360 : i32
    %dma_start3A_491 = tpu.memref_slice %arg4[%dma_start3A_486, %add3A_451, %dma_start3A_490] : memref<3x128x30720xf32, #tpu.memory_space<hbm>> -> memref<1x1x15360xf32, #tpu.memory_space<hbm>>
    %dma_start3A_492 = tpu.memref_squeeze %dma_start3A_491 : memref<1x1x15360xf32, #tpu.memory_space<hbm>> -> memref<15360xf32, #tpu.memory_space<hbm>>
    tpu.enqueue_dma source(%arg10 : memref<15360xf32, #tpu.memory_space<vmem>>) target(%dma_start3A_492 : memref<15360xf32, #tpu.memory_space<hbm>>) target_semaphore(%arg16 : memref<!tpu.dma_semaphore, #tpu.memory_space<semaphore_mem>>)
    %add3A_493 = arith.constant 3 : i32
    %add3A_494 = arith.addi %mul3A_2, %add3A_493 : i32
    %dma_start3A_495 = arith.constant 1 : i32
    %dma_start3A_496 = arith.constant 0 : i32
    %dma_start3A_497 = tpu.memref_slice %arg2[%dma_start3A_495, %add3A_494, %dma_start3A_496] : memref<3x128x32768xf32, #tpu.memory_space<hbm>> -> memref<1x1x32768xf32, #tpu.memory_space<hbm>>
    %dma_start3A_498 = tpu.memref_squeeze %dma_start3A_497 : memref<1x1x32768xf32, #tpu.memory_space<hbm>> -> memref<32768xf32, #tpu.memory_space<hbm>>
    %dma_start3A_499 = arith.constant 0 : i32
    %dma_start3A_500 = tpu.memref_slice %arg2[%dma_start3A_495, %add3A_494, %dma_start3A_499] : memref<3x128x32768xf32, #tpu.memory_space<hbm>> -> memref<1x1x32768xf32, #tpu.memory_space<hbm>>
    %dma_start3A_501 = tpu.memref_squeeze %dma_start3A_500 : memref<1x1x32768xf32, #tpu.memory_space<hbm>> -> memref<32768xf32, #tpu.memory_space<hbm>>
    tpu.enqueue_dma source(%dma_start3A_501 : memref<32768xf32, #tpu.memory_space<hbm>>) target(%arg5 : memref<32768xf32, #tpu.memory_space<vmem>>) target_semaphore(%arg11 : memref<!tpu.dma_semaphore, #tpu.memory_space<semaphore_mem>>)
    %add3A_502 = arith.constant 3 : i32
    %add3A_503 = arith.addi %mul3A_2, %add3A_502 : i32
    %dma_wait3A_504 = tpu.memref_slice %arg3[%mul3A_345] : memref<1966080xi32, #tpu.memory_space<hbm>> -> memref<15360xi32, #tpu.memory_space<hbm>>
    %dma_wait3A_505 = tpu.memref_slice %arg3[%mul3A_345] : memref<1966080xi32, #tpu.memory_space<hbm>> -> memref<15360xi32, #tpu.memory_space<hbm>>
    tpu.wait_dma2 semaphore(%arg14 : memref<!tpu.dma_semaphore, #tpu.memory_space<semaphore_mem>>) src(%dma_wait3A_505 : memref<15360xi32, #tpu.memory_space<hbm>>) dst(%arg8 : memref<15360xi32, #tpu.memory_space<vmem>>)
    %dma_wait3A_506 = arith.constant 0 : i32
    %dma_wait3A_507 = arith.constant 0 : i32
    %dma_wait3A_508 = tpu.memref_slice %arg2[%dma_wait3A_506, %add3A_442, %dma_wait3A_507] : memref<3x128x32768xf32, #tpu.memory_space<hbm>> -> memref<1x1x32768xf32, #tpu.memory_space<hbm>>
    %dma_wait3A_509 = tpu.memref_squeeze %dma_wait3A_508 : memref<1x1x32768xf32, #tpu.memory_space<hbm>> -> memref<32768xf32, #tpu.memory_space<hbm>>
    %dma_wait3A_510 = arith.constant 0 : i32
    %dma_wait3A_511 = tpu.memref_slice %arg2[%dma_wait3A_506, %add3A_442, %dma_wait3A_510] : memref<3x128x32768xf32, #tpu.memory_space<hbm>> -> memref<1x1x32768xf32, #tpu.memory_space<hbm>>
    %dma_wait3A_512 = tpu.memref_squeeze %dma_wait3A_511 : memref<1x1x32768xf32, #tpu.memory_space<hbm>> -> memref<32768xf32, #tpu.memory_space<hbm>>
    tpu.wait_dma2 semaphore(%arg12 : memref<!tpu.dma_semaphore, #tpu.memory_space<semaphore_mem>>) src(%dma_wait3A_512 : memref<32768xf32, #tpu.memory_space<hbm>>) dst(%arg6 : memref<32768xf32, #tpu.memory_space<vmem>>)
    %dma_wait3A_513 = arith.constant 2 : i32
    %dma_wait3A_514 = arith.constant 0 : i32
    %dma_wait3A_515 = tpu.memref_slice %arg4[%dma_wait3A_513, %add3A_451, %dma_wait3A_514] : memref<3x128x30720xf32, #tpu.memory_space<hbm>> -> memref<1x1x15360xf32, #tpu.memory_space<hbm>>
    %dma_wait3A_516 = tpu.memref_squeeze %dma_wait3A_515 : memref<1x1x15360xf32, #tpu.memory_space<hbm>> -> memref<15360xf32, #tpu.memory_space<hbm>>
    %dma_wait3A_517 = arith.constant 0 : i32
    %dma_wait3A_518 = tpu.memref_slice %arg4[%dma_wait3A_513, %add3A_451, %dma_wait3A_517] : memref<3x128x30720xf32, #tpu.memory_space<hbm>> -> memref<1x1x15360xf32, #tpu.memory_space<hbm>>
    %dma_wait3A_519 = tpu.memref_squeeze %dma_wait3A_518 : memref<1x1x15360xf32, #tpu.memory_space<hbm>> -> memref<15360xf32, #tpu.memory_space<hbm>>
    tpu.wait_dma2 semaphore(%arg15 : memref<!tpu.dma_semaphore, #tpu.memory_space<semaphore_mem>>) src(%arg9 : memref<15360xf32, #tpu.memory_space<vmem>>) dst(%dma_wait3A_519 : memref<15360xf32, #tpu.memory_space<hbm>>)
    %parallel_loop3A_520 = arith.constant 0 : i32
    %parallel_loop3A_521 = arith.constant 480 : i32
    %parallel_loop3A_522 = arith.constant 1 : i32
    scf.for %parallel_loop3A_656 = %parallel_loop3A_520 to %parallel_loop3A_521 step %parallel_loop3A_522  : i32 {
      %parallel_loop3A_657 = arith.constant 16 : i32
      %parallel_loop3A_658 = arith.muli %parallel_loop3A_656, %parallel_loop3A_657 : i32
      %parallel_loop3A_659 = arith.constant 0 : i32
      %parallel_loop3A_660 = arith.addi %parallel_loop3A_659, %parallel_loop3A_658 : i32
      %parallel_loop3A_661 = arith.index_cast %parallel_loop3A_660 : i32 to index
      %parallel_loop3A_662 = tpu.vector_load %arg8[%parallel_loop3A_661] {strides = array<i32>} : memref<15360xi32, #tpu.memory_space<vmem>>, vector<16xi32>,
      %parallel_loop3A_663 = vector.bitcast %parallel_loop3A_662 : vector<16xi32> to vector<32xi16>
      %parallel_loop3A_664 = tpu.unpack_subelements %parallel_loop3A_663, 0 {pack_format = #tpu.pack_format<interleaved>} : vector<32xi16> -> vector<16xi32>
      %parallel_loop3A_665 = tpu.unpack_subelements %parallel_loop3A_663, 1 {pack_format = #tpu.pack_format<interleaved>} : vector<32xi16> -> vector<16xi32>
      %parallel_loop3A_666 = tpu.vector_load_idx %arg6[%parallel_loop3A_664] : memref<32768xf32, #tpu.memory_space<vmem>>[vector<16xi32>], vector<16xf32>,
      %parallel_loop3A_667 = arith.constant 32 : i32
      %parallel_loop3A_668 = arith.muli %parallel_loop3A_656, %parallel_loop3A_667 : i32
      %parallel_loop3A_669 = arith.constant 0 : i32
      %parallel_loop3A_670 = arith.addi %parallel_loop3A_668, %parallel_loop3A_669 : i32
      %parallel_loop3A_671 = arith.index_cast %parallel_loop3A_670 : i32 to index
      %parallel_loop3A_672 = tpu.vector_load %arg9[%parallel_loop3A_671] {strides = array<i32>} : memref<15360xf32, #tpu.memory_space<vmem>>, vector<16xf32>,
      tpu.vector_store %arg9[%parallel_loop3A_671], %parallel_loop3A_666 {strides = array<i32>} : memref<15360xf32, #tpu.memory_space<vmem>>, vector<16xf32>,
      %parallel_loop3A_673 = tpu.vector_load_idx %arg6[%parallel_loop3A_665] : memref<32768xf32, #tpu.memory_space<vmem>>[vector<16xi32>], vector<16xf32>,
      %parallel_loop3A_674 = arith.constant 32 : i32
      %parallel_loop3A_675 = arith.muli %parallel_loop3A_656, %parallel_loop3A_674 : i32
      %parallel_loop3A_676 = arith.constant 16 : i32
      %parallel_loop3A_677 = arith.addi %parallel_loop3A_675, %parallel_loop3A_676 : i32
      %parallel_loop3A_678 = arith.index_cast %parallel_loop3A_677 : i32 to index
      %parallel_loop3A_679 = tpu.vector_load %arg9[%parallel_loop3A_678] {strides = array<i32>} : memref<15360xf32, #tpu.memory_space<vmem>>, vector<16xf32>,
      tpu.vector_store %arg9[%parallel_loop3A_678], %parallel_loop3A_673 {strides = array<i32>} : memref<15360xf32, #tpu.memory_space<vmem>>, vector<16xf32>,
    } {sc.loop_unroll_factor = 8 : i64, sc.parallel_access}
    %dma_start3A_523 = arith.constant 0 : i32
    %dma_start3A_524 = arith.constant 0 : i32
    %dma_start3A_525 = tpu.memref_slice %arg4[%dma_start3A_523, %add3A_503, %dma_start3A_524] : memref<3x128x30720xf32, #tpu.memory_space<hbm>> -> memref<1x1x15360xf32, #tpu.memory_space<hbm>>
    %dma_start3A_526 = tpu.memref_squeeze %dma_start3A_525 : memref<1x1x15360xf32, #tpu.memory_space<hbm>> -> memref<15360xf32, #tpu.memory_space<hbm>>
    %dma_start3A_527 = arith.constant 0 : i32
    %dma_start3A_528 = tpu.memref_slice %arg4[%dma_start3A_523, %add3A_503, %dma_start3A_527] : memref<3x128x30720xf32, #tpu.memory_space<hbm>> -> memref<1x1x15360xf32, #tpu.memory_space<hbm>>
    %dma_start3A_529 = tpu.memref_squeeze %dma_start3A_528 : memref<1x1x15360xf32, #tpu.memory_space<hbm>> -> memref<15360xf32, #tpu.memory_space<hbm>>
    tpu.enqueue_dma source(%arg9 : memref<15360xf32, #tpu.memory_space<vmem>>) target(%dma_start3A_529 : memref<15360xf32, #tpu.memory_space<hbm>>) target_semaphore(%arg15 : memref<!tpu.dma_semaphore, #tpu.memory_space<semaphore_mem>>)
    %dma_wait3A_530 = arith.constant 2 : i32
    %dma_wait3A_531 = arith.constant 15360 : i32
    %dma_wait3A_532 = tpu.memref_slice %arg4[%dma_wait3A_530, %add3A_451, %dma_wait3A_531] : memref<3x128x30720xf32, #tpu.memory_space<hbm>> -> memref<1x1x15360xf32, #tpu.memory_space<hbm>>
    %dma_wait3A_533 = tpu.memref_squeeze %dma_wait3A_532 : memref<1x1x15360xf32, #tpu.memory_space<hbm>> -> memref<15360xf32, #tpu.memory_space<hbm>>
    %dma_wait3A_534 = arith.constant 15360 : i32
    %dma_wait3A_535 = tpu.memref_slice %arg4[%dma_wait3A_530, %add3A_451, %dma_wait3A_534] : memref<3x128x30720xf32, #tpu.memory_space<hbm>> -> memref<1x1x15360xf32, #tpu.memory_space<hbm>>
    %dma_wait3A_536 = tpu.memref_squeeze %dma_wait3A_535 : memref<1x1x15360xf32, #tpu.memory_space<hbm>> -> memref<15360xf32, #tpu.memory_space<hbm>>
    tpu.wait_dma2 semaphore(%arg16 : memref<!tpu.dma_semaphore, #tpu.memory_space<semaphore_mem>>) src(%arg10 : memref<15360xf32, #tpu.memory_space<vmem>>) dst(%dma_wait3A_536 : memref<15360xf32, #tpu.memory_space<hbm>>)
    %parallel_loop3A_537 = arith.constant 0 : i32
    %parallel_loop3A_538 = arith.constant 480 : i32
    %parallel_loop3A_539 = arith.constant 1 : i32
    scf.for %parallel_loop3A_656 = %parallel_loop3A_537 to %parallel_loop3A_538 step %parallel_loop3A_539  : i32 {
      %parallel_loop3A_657 = arith.constant 16 : i32
      %parallel_loop3A_658 = arith.muli %parallel_loop3A_656, %parallel_loop3A_657 : i32
      %parallel_loop3A_659 = arith.constant 7680 : i32
      %parallel_loop3A_660 = arith.addi %parallel_loop3A_659, %parallel_loop3A_658 : i32
      %parallel_loop3A_661 = arith.index_cast %parallel_loop3A_660 : i32 to index
      %parallel_loop3A_662 = tpu.vector_load %arg8[%parallel_loop3A_661] {strides = array<i32>} : memref<15360xi32, #tpu.memory_space<vmem>>, vector<16xi32>,
      %parallel_loop3A_663 = vector.bitcast %parallel_loop3A_662 : vector<16xi32> to vector<32xi16>
      %parallel_loop3A_664 = tpu.unpack_subelements %parallel_loop3A_663, 0 {pack_format = #tpu.pack_format<interleaved>} : vector<32xi16> -> vector<16xi32>
      %parallel_loop3A_665 = tpu.unpack_subelements %parallel_loop3A_663, 1 {pack_format = #tpu.pack_format<interleaved>} : vector<32xi16> -> vector<16xi32>
      %parallel_loop3A_666 = tpu.vector_load_idx %arg6[%parallel_loop3A_664] : memref<32768xf32, #tpu.memory_space<vmem>>[vector<16xi32>], vector<16xf32>,
      %parallel_loop3A_667 = arith.constant 32 : i32
      %parallel_loop3A_668 = arith.muli %parallel_loop3A_656, %parallel_loop3A_667 : i32
      %parallel_loop3A_669 = arith.constant 0 : i32
      %parallel_loop3A_670 = arith.addi %parallel_loop3A_668, %parallel_loop3A_669 : i32
      %parallel_loop3A_671 = arith.index_cast %parallel_loop3A_670 : i32 to index
      %parallel_loop3A_672 = tpu.vector_load %arg10[%parallel_loop3A_671] {strides = array<i32>} : memref<15360xf32, #tpu.memory_space<vmem>>, vector<16xf32>,
      tpu.vector_store %arg10[%parallel_loop3A_671], %parallel_loop3A_666 {strides = array<i32>} : memref<15360xf32, #tpu.memory_space<vmem>>, vector<16xf32>,
      %parallel_loop3A_673 = tpu.vector_load_idx %arg6[%parallel_loop3A_665] : memref<32768xf32, #tpu.memory_space<vmem>>[vector<16xi32>], vector<16xf32>,
      %parallel_loop3A_674 = arith.constant 32 : i32
      %parallel_loop3A_675 = arith.muli %parallel_loop3A_656, %parallel_loop3A_674 : i32
      %parallel_loop3A_676 = arith.constant 16 : i32
      %parallel_loop3A_677 = arith.addi %parallel_loop3A_675, %parallel_loop3A_676 : i32
      %parallel_loop3A_678 = arith.index_cast %parallel_loop3A_677 : i32 to index
      %parallel_loop3A_679 = tpu.vector_load %arg10[%parallel_loop3A_678] {strides = array<i32>} : memref<15360xf32, #tpu.memory_space<vmem>>, vector<16xf32>,
      tpu.vector_store %arg10[%parallel_loop3A_678], %parallel_loop3A_673 {strides = array<i32>} : memref<15360xf32, #tpu.memory_space<vmem>>, vector<16xf32>,
    } {sc.loop_unroll_factor = 8 : i64, sc.parallel_access}
    %dma_start3A_540 = arith.constant 0 : i32
    %dma_start3A_541 = arith.constant 15360 : i32
    %dma_start3A_542 = tpu.memref_slice %arg4[%dma_start3A_540, %add3A_503, %dma_start3A_541] : memref<3x128x30720xf32, #tpu.memory_space<hbm>> -> memref<1x1x15360xf32, #tpu.memory_space<hbm>>
    %dma_start3A_543 = tpu.memref_squeeze %dma_start3A_542 : memref<1x1x15360xf32, #tpu.memory_space<hbm>> -> memref<15360xf32, #tpu.memory_space<hbm>>
    %dma_start3A_544 = arith.constant 15360 : i32
    %dma_start3A_545 = tpu.memref_slice %arg4[%dma_start3A_540, %add3A_503, %dma_start3A_544] : memref<3x128x30720xf32, #tpu.memory_space<hbm>> -> memref<1x1x15360xf32, #tpu.memory_space<hbm>>
    %dma_start3A_546 = tpu.memref_squeeze %dma_start3A_545 : memref<1x1x15360xf32, #tpu.memory_space<hbm>> -> memref<15360xf32, #tpu.memory_space<hbm>>
    tpu.enqueue_dma source(%arg10 : memref<15360xf32, #tpu.memory_space<vmem>>) target(%dma_start3A_546 : memref<15360xf32, #tpu.memory_space<hbm>>) target_semaphore(%arg16 : memref<!tpu.dma_semaphore, #tpu.memory_space<semaphore_mem>>)
    %add3A_547 = arith.constant 3 : i32
    %add3A_548 = arith.addi %mul3A_2, %add3A_547 : i32
    %dma_start3A_549 = arith.constant 2 : i32
    %dma_start3A_550 = arith.constant 0 : i32
    %dma_start3A_551 = tpu.memref_slice %arg2[%dma_start3A_549, %add3A_548, %dma_start3A_550] : memref<3x128x32768xf32, #tpu.memory_space<hbm>> -> memref<1x1x32768xf32, #tpu.memory_space<hbm>>
    %dma_start3A_552 = tpu.memref_squeeze %dma_start3A_551 : memref<1x1x32768xf32, #tpu.memory_space<hbm>> -> memref<32768xf32, #tpu.memory_space<hbm>>
    %dma_start3A_553 = arith.constant 0 : i32
    %dma_start3A_554 = tpu.memref_slice %arg2[%dma_start3A_549, %add3A_548, %dma_start3A_553] : memref<3x128x32768xf32, #tpu.memory_space<hbm>> -> memref<1x1x32768xf32, #tpu.memory_space<hbm>>
    %dma_start3A_555 = tpu.memref_squeeze %dma_start3A_554 : memref<1x1x32768xf32, #tpu.memory_space<hbm>> -> memref<32768xf32, #tpu.memory_space<hbm>>
    tpu.enqueue_dma source(%dma_start3A_555 : memref<32768xf32, #tpu.memory_space<hbm>>) target(%arg6 : memref<32768xf32, #tpu.memory_space<vmem>>) target_semaphore(%arg12 : memref<!tpu.dma_semaphore, #tpu.memory_space<semaphore_mem>>)
    %add3A_556 = arith.constant 3 : i32
    %add3A_557 = arith.addi %mul3A_2, %add3A_556 : i32
    %dma_wait3A_558 = arith.constant 1 : i32
    %dma_wait3A_559 = arith.constant 0 : i32
    %dma_wait3A_560 = tpu.memref_slice %arg2[%dma_wait3A_558, %add3A_494, %dma_wait3A_559] : memref<3x128x32768xf32, #tpu.memory_space<hbm>> -> memref<1x1x32768xf32, #tpu.memory_space<hbm>>
    %dma_wait3A_561 = tpu.memref_squeeze %dma_wait3A_560 : memref<1x1x32768xf32, #tpu.memory_space<hbm>> -> memref<32768xf32, #tpu.memory_space<hbm>>
    %dma_wait3A_562 = arith.constant 0 : i32
    %dma_wait3A_563 = tpu.memref_slice %arg2[%dma_wait3A_558, %add3A_494, %dma_wait3A_562] : memref<3x128x32768xf32, #tpu.memory_space<hbm>> -> memref<1x1x32768xf32, #tpu.memory_space<hbm>>
    %dma_wait3A_564 = tpu.memref_squeeze %dma_wait3A_563 : memref<1x1x32768xf32, #tpu.memory_space<hbm>> -> memref<32768xf32, #tpu.memory_space<hbm>>
    tpu.wait_dma2 semaphore(%arg11 : memref<!tpu.dma_semaphore, #tpu.memory_space<semaphore_mem>>) src(%dma_wait3A_564 : memref<32768xf32, #tpu.memory_space<hbm>>) dst(%arg5 : memref<32768xf32, #tpu.memory_space<vmem>>)
    %dma_wait3A_565 = arith.constant 0 : i32
    %dma_wait3A_566 = arith.constant 0 : i32
    %dma_wait3A_567 = tpu.memref_slice %arg4[%dma_wait3A_565, %add3A_503, %dma_wait3A_566] : memref<3x128x30720xf32, #tpu.memory_space<hbm>> -> memref<1x1x15360xf32, #tpu.memory_space<hbm>>
    %dma_wait3A_568 = tpu.memref_squeeze %dma_wait3A_567 : memref<1x1x15360xf32, #tpu.memory_space<hbm>> -> memref<15360xf32, #tpu.memory_space<hbm>>
    %dma_wait3A_569 = arith.constant 0 : i32
    %dma_wait3A_570 = tpu.memref_slice %arg4[%dma_wait3A_565, %add3A_503, %dma_wait3A_569] : memref<3x128x30720xf32, #tpu.memory_space<hbm>> -> memref<1x1x15360xf32, #tpu.memory_space<hbm>>
    %dma_wait3A_571 = tpu.memref_squeeze %dma_wait3A_570 : memref<1x1x15360xf32, #tpu.memory_space<hbm>> -> memref<15360xf32, #tpu.memory_space<hbm>>
    tpu.wait_dma2 semaphore(%arg15 : memref<!tpu.dma_semaphore, #tpu.memory_space<semaphore_mem>>) src(%arg9 : memref<15360xf32, #tpu.memory_space<vmem>>) dst(%dma_wait3A_571 : memref<15360xf32, #tpu.memory_space<hbm>>)
    %parallel_loop3A_572 = arith.constant 0 : i32
    %parallel_loop3A_573 = arith.constant 480 : i32
    %parallel_loop3A_574 = arith.constant 1 : i32
    scf.for %parallel_loop3A_656 = %parallel_loop3A_572 to %parallel_loop3A_573 step %parallel_loop3A_574  : i32 {
      %parallel_loop3A_657 = arith.constant 16 : i32
      %parallel_loop3A_658 = arith.muli %parallel_loop3A_656, %parallel_loop3A_657 : i32
      %parallel_loop3A_659 = arith.constant 0 : i32
      %parallel_loop3A_660 = arith.addi %parallel_loop3A_659, %parallel_loop3A_658 : i32
      %parallel_loop3A_661 = arith.index_cast %parallel_loop3A_660 : i32 to index
      %parallel_loop3A_662 = tpu.vector_load %arg8[%parallel_loop3A_661] {strides = array<i32>} : memref<15360xi32, #tpu.memory_space<vmem>>, vector<16xi32>,
      %parallel_loop3A_663 = vector.bitcast %parallel_loop3A_662 : vector<16xi32> to vector<32xi16>
      %parallel_loop3A_664 = tpu.unpack_subelements %parallel_loop3A_663, 0 {pack_format = #tpu.pack_format<interleaved>} : vector<32xi16> -> vector<16xi32>
      %parallel_loop3A_665 = tpu.unpack_subelements %parallel_loop3A_663, 1 {pack_format = #tpu.pack_format<interleaved>} : vector<32xi16> -> vector<16xi32>
      %parallel_loop3A_666 = tpu.vector_load_idx %arg5[%parallel_loop3A_664] : memref<32768xf32, #tpu.memory_space<vmem>>[vector<16xi32>], vector<16xf32>,
      %parallel_loop3A_667 = arith.constant 32 : i32
      %parallel_loop3A_668 = arith.muli %parallel_loop3A_656, %parallel_loop3A_667 : i32
      %parallel_loop3A_669 = arith.constant 0 : i32
      %parallel_loop3A_670 = arith.addi %parallel_loop3A_668, %parallel_loop3A_669 : i32
      %parallel_loop3A_671 = arith.index_cast %parallel_loop3A_670 : i32 to index
      %parallel_loop3A_672 = tpu.vector_load %arg9[%parallel_loop3A_671] {strides = array<i32>} : memref<15360xf32, #tpu.memory_space<vmem>>, vector<16xf32>,
      tpu.vector_store %arg9[%parallel_loop3A_671], %parallel_loop3A_666 {strides = array<i32>} : memref<15360xf32, #tpu.memory_space<vmem>>, vector<16xf32>,
      %parallel_loop3A_673 = tpu.vector_load_idx %arg5[%parallel_loop3A_665] : memref<32768xf32, #tpu.memory_space<vmem>>[vector<16xi32>], vector<16xf32>,
      %parallel_loop3A_674 = arith.constant 32 : i32
      %parallel_loop3A_675 = arith.muli %parallel_loop3A_656, %parallel_loop3A_674 : i32
      %parallel_loop3A_676 = arith.constant 16 : i32
      %parallel_loop3A_677 = arith.addi %parallel_loop3A_675, %parallel_loop3A_676 : i32
      %parallel_loop3A_678 = arith.index_cast %parallel_loop3A_677 : i32 to index
      %parallel_loop3A_679 = tpu.vector_load %arg9[%parallel_loop3A_678] {strides = array<i32>} : memref<15360xf32, #tpu.memory_space<vmem>>, vector<16xf32>,
      tpu.vector_store %arg9[%parallel_loop3A_678], %parallel_loop3A_673 {strides = array<i32>} : memref<15360xf32, #tpu.memory_space<vmem>>, vector<16xf32>,
    } {sc.loop_unroll_factor = 8 : i64, sc.parallel_access}
    %dma_start3A_575 = arith.constant 1 : i32
    %dma_start3A_576 = arith.constant 0 : i32
    %dma_start3A_577 = tpu.memref_slice %arg4[%dma_start3A_575, %add3A_557, %dma_start3A_576] : memref<3x128x30720xf32, #tpu.memory_space<hbm>> -> memref<1x1x15360xf32, #tpu.memory_space<hbm>>
    %dma_start3A_578 = tpu.memref_squeeze %dma_start3A_577 : memref<1x1x15360xf32, #tpu.memory_space<hbm>> -> memref<15360xf32, #tpu.memory_space<hbm>>
    %dma_start3A_579 = arith.constant 0 : i32
    %dma_start3A_580 = tpu.memref_slice %arg4[%dma_start3A_575, %add3A_557, %dma_start3A_579] : memref<3x128x30720xf32, #tpu.memory_space<hbm>> -> memref<1x1x15360xf32, #tpu.memory_space<hbm>>
    %dma_start3A_581 = tpu.memref_squeeze %dma_start3A_580 : memref<1x1x15360xf32, #tpu.memory_space<hbm>> -> memref<15360xf32, #tpu.memory_space<hbm>>
    tpu.enqueue_dma source(%arg9 : memref<15360xf32, #tpu.memory_space<vmem>>) target(%dma_start3A_581 : memref<15360xf32, #tpu.memory_space<hbm>>) target_semaphore(%arg15 : memref<!tpu.dma_semaphore, #tpu.memory_space<semaphore_mem>>)
    %dma_wait3A_582 = arith.constant 0 : i32
    %dma_wait3A_583 = arith.constant 15360 : i32
    %dma_wait3A_584 = tpu.memref_slice %arg4[%dma_wait3A_582, %add3A_503, %dma_wait3A_583] : memref<3x128x30720xf32, #tpu.memory_space<hbm>> -> memref<1x1x15360xf32, #tpu.memory_space<hbm>>
    %dma_wait3A_585 = tpu.memref_squeeze %dma_wait3A_584 : memref<1x1x15360xf32, #tpu.memory_space<hbm>> -> memref<15360xf32, #tpu.memory_space<hbm>>
    %dma_wait3A_586 = arith.constant 15360 : i32
    %dma_wait3A_587 = tpu.memref_slice %arg4[%dma_wait3A_582, %add3A_503, %dma_wait3A_586] : memref<3x128x30720xf32, #tpu.memory_space<hbm>> -> memref<1x1x15360xf32, #tpu.memory_space<hbm>>
    %dma_wait3A_588 = tpu.memref_squeeze %dma_wait3A_587 : memref<1x1x15360xf32, #tpu.memory_space<hbm>> -> memref<15360xf32, #tpu.memory_space<hbm>>
    tpu.wait_dma2 semaphore(%arg16 : memref<!tpu.dma_semaphore, #tpu.memory_space<semaphore_mem>>) src(%arg10 : memref<15360xf32, #tpu.memory_space<vmem>>) dst(%dma_wait3A_588 : memref<15360xf32, #tpu.memory_space<hbm>>)
    %parallel_loop3A_589 = arith.constant 0 : i32
    %parallel_loop3A_590 = arith.constant 480 : i32
    %parallel_loop3A_591 = arith.constant 1 : i32
    scf.for %parallel_loop3A_656 = %parallel_loop3A_589 to %parallel_loop3A_590 step %parallel_loop3A_591  : i32 {
      %parallel_loop3A_657 = arith.constant 16 : i32
      %parallel_loop3A_658 = arith.muli %parallel_loop3A_656, %parallel_loop3A_657 : i32
      %parallel_loop3A_659 = arith.constant 7680 : i32
      %parallel_loop3A_660 = arith.addi %parallel_loop3A_659, %parallel_loop3A_658 : i32
      %parallel_loop3A_661 = arith.index_cast %parallel_loop3A_660 : i32 to index
      %parallel_loop3A_662 = tpu.vector_load %arg8[%parallel_loop3A_661] {strides = array<i32>} : memref<15360xi32, #tpu.memory_space<vmem>>, vector<16xi32>,
      %parallel_loop3A_663 = vector.bitcast %parallel_loop3A_662 : vector<16xi32> to vector<32xi16>
      %parallel_loop3A_664 = tpu.unpack_subelements %parallel_loop3A_663, 0 {pack_format = #tpu.pack_format<interleaved>} : vector<32xi16> -> vector<16xi32>
      %parallel_loop3A_665 = tpu.unpack_subelements %parallel_loop3A_663, 1 {pack_format = #tpu.pack_format<interleaved>} : vector<32xi16> -> vector<16xi32>
      %parallel_loop3A_666 = tpu.vector_load_idx %arg5[%parallel_loop3A_664] : memref<32768xf32, #tpu.memory_space<vmem>>[vector<16xi32>], vector<16xf32>,
      %parallel_loop3A_667 = arith.constant 32 : i32
      %parallel_loop3A_668 = arith.muli %parallel_loop3A_656, %parallel_loop3A_667 : i32
      %parallel_loop3A_669 = arith.constant 0 : i32
      %parallel_loop3A_670 = arith.addi %parallel_loop3A_668, %parallel_loop3A_669 : i32
      %parallel_loop3A_671 = arith.index_cast %parallel_loop3A_670 : i32 to index
      %parallel_loop3A_672 = tpu.vector_load %arg10[%parallel_loop3A_671] {strides = array<i32>} : memref<15360xf32, #tpu.memory_space<vmem>>, vector<16xf32>,
      tpu.vector_store %arg10[%parallel_loop3A_671], %parallel_loop3A_666 {strides = array<i32>} : memref<15360xf32, #tpu.memory_space<vmem>>, vector<16xf32>,
      %parallel_loop3A_673 = tpu.vector_load_idx %arg5[%parallel_loop3A_665] : memref<32768xf32, #tpu.memory_space<vmem>>[vector<16xi32>], vector<16xf32>,
      %parallel_loop3A_674 = arith.constant 32 : i32
      %parallel_loop3A_675 = arith.muli %parallel_loop3A_656, %parallel_loop3A_674 : i32
      %parallel_loop3A_676 = arith.constant 16 : i32
      %parallel_loop3A_677 = arith.addi %parallel_loop3A_675, %parallel_loop3A_676 : i32
      %parallel_loop3A_678 = arith.index_cast %parallel_loop3A_677 : i32 to index
      %parallel_loop3A_679 = tpu.vector_load %arg10[%parallel_loop3A_678] {strides = array<i32>} : memref<15360xf32, #tpu.memory_space<vmem>>, vector<16xf32>,
      tpu.vector_store %arg10[%parallel_loop3A_678], %parallel_loop3A_673 {strides = array<i32>} : memref<15360xf32, #tpu.memory_space<vmem>>, vector<16xf32>,
    } {sc.loop_unroll_factor = 8 : i64, sc.parallel_access}
    %dma_start3A_592 = arith.constant 1 : i32
    %dma_start3A_593 = arith.constant 15360 : i32
    %dma_start3A_594 = tpu.memref_slice %arg4[%dma_start3A_592, %add3A_557, %dma_start3A_593] : memref<3x128x30720xf32, #tpu.memory_space<hbm>> -> memref<1x1x15360xf32, #tpu.memory_space<hbm>>
    %dma_start3A_595 = tpu.memref_squeeze %dma_start3A_594 : memref<1x1x15360xf32, #tpu.memory_space<hbm>> -> memref<15360xf32, #tpu.memory_space<hbm>>
    %dma_start3A_596 = arith.constant 15360 : i32
    %dma_start3A_597 = tpu.memref_slice %arg4[%dma_start3A_592, %add3A_557, %dma_start3A_596] : memref<3x128x30720xf32, #tpu.memory_space<hbm>> -> memref<1x1x15360xf32, #tpu.memory_space<hbm>>
    %dma_start3A_598 = tpu.memref_squeeze %dma_start3A_597 : memref<1x1x15360xf32, #tpu.memory_space<hbm>> -> memref<15360xf32, #tpu.memory_space<hbm>>
    tpu.enqueue_dma source(%arg10 : memref<15360xf32, #tpu.memory_space<vmem>>) target(%dma_start3A_598 : memref<15360xf32, #tpu.memory_space<hbm>>) target_semaphore(%arg16 : memref<!tpu.dma_semaphore, #tpu.memory_space<semaphore_mem>>)
    %add3A_599 = arith.constant 3 : i32
    %add3A_600 = arith.addi %mul3A_2, %add3A_599 : i32
    %dma_wait3A_601 = arith.constant 2 : i32
    %dma_wait3A_602 = arith.constant 0 : i32
    %dma_wait3A_603 = tpu.memref_slice %arg2[%dma_wait3A_601, %add3A_548, %dma_wait3A_602] : memref<3x128x32768xf32, #tpu.memory_space<hbm>> -> memref<1x1x32768xf32, #tpu.memory_space<hbm>>
    %dma_wait3A_604 = tpu.memref_squeeze %dma_wait3A_603 : memref<1x1x32768xf32, #tpu.memory_space<hbm>> -> memref<32768xf32, #tpu.memory_space<hbm>>
    %dma_wait3A_605 = arith.constant 0 : i32
    %dma_wait3A_606 = tpu.memref_slice %arg2[%dma_wait3A_601, %add3A_548, %dma_wait3A_605] : memref<3x128x32768xf32, #tpu.memory_space<hbm>> -> memref<1x1x32768xf32, #tpu.memory_space<hbm>>
    %dma_wait3A_607 = tpu.memref_squeeze %dma_wait3A_606 : memref<1x1x32768xf32, #tpu.memory_space<hbm>> -> memref<32768xf32, #tpu.memory_space<hbm>>
    tpu.wait_dma2 semaphore(%arg12 : memref<!tpu.dma_semaphore, #tpu.memory_space<semaphore_mem>>) src(%dma_wait3A_607 : memref<32768xf32, #tpu.memory_space<hbm>>) dst(%arg6 : memref<32768xf32, #tpu.memory_space<vmem>>)
    %dma_wait3A_608 = arith.constant 1 : i32
    %dma_wait3A_609 = arith.constant 0 : i32
    %dma_wait3A_610 = tpu.memref_slice %arg4[%dma_wait3A_608, %add3A_557, %dma_wait3A_609] : memref<3x128x30720xf32, #tpu.memory_space<hbm>> -> memref<1x1x15360xf32, #tpu.memory_space<hbm>>
    %dma_wait3A_611 = tpu.memref_squeeze %dma_wait3A_610 : memref<1x1x15360xf32, #tpu.memory_space<hbm>> -> memref<15360xf32, #tpu.memory_space<hbm>>
    %dma_wait3A_612 = arith.constant 0 : i32
    %dma_wait3A_613 = tpu.memref_slice %arg4[%dma_wait3A_608, %add3A_557, %dma_wait3A_612] : memref<3x128x30720xf32, #tpu.memory_space<hbm>> -> memref<1x1x15360xf32, #tpu.memory_space<hbm>>
    %dma_wait3A_614 = tpu.memref_squeeze %dma_wait3A_613 : memref<1x1x15360xf32, #tpu.memory_space<hbm>> -> memref<15360xf32, #tpu.memory_space<hbm>>
    tpu.wait_dma2 semaphore(%arg15 : memref<!tpu.dma_semaphore, #tpu.memory_space<semaphore_mem>>) src(%arg9 : memref<15360xf32, #tpu.memory_space<vmem>>) dst(%dma_wait3A_614 : memref<15360xf32, #tpu.memory_space<hbm>>)
    %parallel_loop3A_615 = arith.constant 0 : i32
    %parallel_loop3A_616 = arith.constant 480 : i32
    %parallel_loop3A_617 = arith.constant 1 : i32
    scf.for %parallel_loop3A_656 = %parallel_loop3A_615 to %parallel_loop3A_616 step %parallel_loop3A_617  : i32 {
      %parallel_loop3A_657 = arith.constant 16 : i32
      %parallel_loop3A_658 = arith.muli %parallel_loop3A_656, %parallel_loop3A_657 : i32
      %parallel_loop3A_659 = arith.constant 0 : i32
      %parallel_loop3A_660 = arith.addi %parallel_loop3A_659, %parallel_loop3A_658 : i32
      %parallel_loop3A_661 = arith.index_cast %parallel_loop3A_660 : i32 to index
      %parallel_loop3A_662 = tpu.vector_load %arg8[%parallel_loop3A_661] {strides = array<i32>} : memref<15360xi32, #tpu.memory_space<vmem>>, vector<16xi32>,
      %parallel_loop3A_663 = vector.bitcast %parallel_loop3A_662 : vector<16xi32> to vector<32xi16>
      %parallel_loop3A_664 = tpu.unpack_subelements %parallel_loop3A_663, 0 {pack_format = #tpu.pack_format<interleaved>} : vector<32xi16> -> vector<16xi32>
      %parallel_loop3A_665 = tpu.unpack_subelements %parallel_loop3A_663, 1 {pack_format = #tpu.pack_format<interleaved>} : vector<32xi16> -> vector<16xi32>
      %parallel_loop3A_666 = tpu.vector_load_idx %arg6[%parallel_loop3A_664] : memref<32768xf32, #tpu.memory_space<vmem>>[vector<16xi32>], vector<16xf32>,
      %parallel_loop3A_667 = arith.constant 32 : i32
      %parallel_loop3A_668 = arith.muli %parallel_loop3A_656, %parallel_loop3A_667 : i32
      %parallel_loop3A_669 = arith.constant 0 : i32
      %parallel_loop3A_670 = arith.addi %parallel_loop3A_668, %parallel_loop3A_669 : i32
      %parallel_loop3A_671 = arith.index_cast %parallel_loop3A_670 : i32 to index
      %parallel_loop3A_672 = tpu.vector_load %arg9[%parallel_loop3A_671] {strides = array<i32>} : memref<15360xf32, #tpu.memory_space<vmem>>, vector<16xf32>,
      tpu.vector_store %arg9[%parallel_loop3A_671], %parallel_loop3A_666 {strides = array<i32>} : memref<15360xf32, #tpu.memory_space<vmem>>, vector<16xf32>,
      %parallel_loop3A_673 = tpu.vector_load_idx %arg6[%parallel_loop3A_665] : memref<32768xf32, #tpu.memory_space<vmem>>[vector<16xi32>], vector<16xf32>,
      %parallel_loop3A_674 = arith.constant 32 : i32
      %parallel_loop3A_675 = arith.muli %parallel_loop3A_656, %parallel_loop3A_674 : i32
      %parallel_loop3A_676 = arith.constant 16 : i32
      %parallel_loop3A_677 = arith.addi %parallel_loop3A_675, %parallel_loop3A_676 : i32
      %parallel_loop3A_678 = arith.index_cast %parallel_loop3A_677 : i32 to index
      %parallel_loop3A_679 = tpu.vector_load %arg9[%parallel_loop3A_678] {strides = array<i32>} : memref<15360xf32, #tpu.memory_space<vmem>>, vector<16xf32>,
      tpu.vector_store %arg9[%parallel_loop3A_678], %parallel_loop3A_673 {strides = array<i32>} : memref<15360xf32, #tpu.memory_space<vmem>>, vector<16xf32>,
    } {sc.loop_unroll_factor = 8 : i64, sc.parallel_access}
    %dma_start3A_618 = arith.constant 2 : i32
    %dma_start3A_619 = arith.constant 0 : i32
    %dma_start3A_620 = tpu.memref_slice %arg4[%dma_start3A_618, %add3A_600, %dma_start3A_619] : memref<3x128x30720xf32, #tpu.memory_space<hbm>> -> memref<1x1x15360xf32, #tpu.memory_space<hbm>>
    %dma_start3A_621 = tpu.memref_squeeze %dma_start3A_620 : memref<1x1x15360xf32, #tpu.memory_space<hbm>> -> memref<15360xf32, #tpu.memory_space<hbm>>
    %dma_start3A_622 = arith.constant 0 : i32
    %dma_start3A_623 = tpu.memref_slice %arg4[%dma_start3A_618, %add3A_600, %dma_start3A_622] : memref<3x128x30720xf32, #tpu.memory_space<hbm>> -> memref<1x1x15360xf32, #tpu.memory_space<hbm>>
    %dma_start3A_624 = tpu.memref_squeeze %dma_start3A_623 : memref<1x1x15360xf32, #tpu.memory_space<hbm>> -> memref<15360xf32, #tpu.memory_space<hbm>>
    tpu.enqueue_dma source(%arg9 : memref<15360xf32, #tpu.memory_space<vmem>>) target(%dma_start3A_624 : memref<15360xf32, #tpu.memory_space<hbm>>) target_semaphore(%arg15 : memref<!tpu.dma_semaphore, #tpu.memory_space<semaphore_mem>>)
    %dma_wait3A_625 = arith.constant 1 : i32
    %dma_wait3A_626 = arith.constant 15360 : i32
    %dma_wait3A_627 = tpu.memref_slice %arg4[%dma_wait3A_625, %add3A_557, %dma_wait3A_626] : memref<3x128x30720xf32, #tpu.memory_space<hbm>> -> memref<1x1x15360xf32, #tpu.memory_space<hbm>>
    %dma_wait3A_628 = tpu.memref_squeeze %dma_wait3A_627 : memref<1x1x15360xf32, #tpu.memory_space<hbm>> -> memref<15360xf32, #tpu.memory_space<hbm>>
    %dma_wait3A_629 = arith.constant 15360 : i32
    %dma_wait3A_630 = tpu.memref_slice %arg4[%dma_wait3A_625, %add3A_557, %dma_wait3A_629] : memref<3x128x30720xf32, #tpu.memory_space<hbm>> -> memref<1x1x15360xf32, #tpu.memory_space<hbm>>
    %dma_wait3A_631 = tpu.memref_squeeze %dma_wait3A_630 : memref<1x1x15360xf32, #tpu.memory_space<hbm>> -> memref<15360xf32, #tpu.memory_space<hbm>>
    tpu.wait_dma2 semaphore(%arg16 : memref<!tpu.dma_semaphore, #tpu.memory_space<semaphore_mem>>) src(%arg10 : memref<15360xf32, #tpu.memory_space<vmem>>) dst(%dma_wait3A_631 : memref<15360xf32, #tpu.memory_space<hbm>>)
    %parallel_loop3A_632 = arith.constant 0 : i32
    %parallel_loop3A_633 = arith.constant 480 : i32
    %parallel_loop3A_634 = arith.constant 1 : i32
    scf.for %parallel_loop3A_656 = %parallel_loop3A_632 to %parallel_loop3A_633 step %parallel_loop3A_634  : i32 {
      %parallel_loop3A_657 = arith.constant 16 : i32
      %parallel_loop3A_658 = arith.muli %parallel_loop3A_656, %parallel_loop3A_657 : i32
      %parallel_loop3A_659 = arith.constant 7680 : i32
      %parallel_loop3A_660 = arith.addi %parallel_loop3A_659, %parallel_loop3A_658 : i32
      %parallel_loop3A_661 = arith.index_cast %parallel_loop3A_660 : i32 to index
      %parallel_loop3A_662 = tpu.vector_load %arg8[%parallel_loop3A_661] {strides = array<i32>} : memref<15360xi32, #tpu.memory_space<vmem>>, vector<16xi32>,
      %parallel_loop3A_663 = vector.bitcast %parallel_loop3A_662 : vector<16xi32> to vector<32xi16>
      %parallel_loop3A_664 = tpu.unpack_subelements %parallel_loop3A_663, 0 {pack_format = #tpu.pack_format<interleaved>} : vector<32xi16> -> vector<16xi32>
      %parallel_loop3A_665 = tpu.unpack_subelements %parallel_loop3A_663, 1 {pack_format = #tpu.pack_format<interleaved>} : vector<32xi16> -> vector<16xi32>
      %parallel_loop3A_666 = tpu.vector_load_idx %arg6[%parallel_loop3A_664] : memref<32768xf32, #tpu.memory_space<vmem>>[vector<16xi32>], vector<16xf32>,
      %parallel_loop3A_667 = arith.constant 32 : i32
      %parallel_loop3A_668 = arith.muli %parallel_loop3A_656, %parallel_loop3A_667 : i32
      %parallel_loop3A_669 = arith.constant 0 : i32
      %parallel_loop3A_670 = arith.addi %parallel_loop3A_668, %parallel_loop3A_669 : i32
      %parallel_loop3A_671 = arith.index_cast %parallel_loop3A_670 : i32 to index
      %parallel_loop3A_672 = tpu.vector_load %arg10[%parallel_loop3A_671] {strides = array<i32>} : memref<15360xf32, #tpu.memory_space<vmem>>, vector<16xf32>,
      tpu.vector_store %arg10[%parallel_loop3A_671], %parallel_loop3A_666 {strides = array<i32>} : memref<15360xf32, #tpu.memory_space<vmem>>, vector<16xf32>,
      %parallel_loop3A_673 = tpu.vector_load_idx %arg6[%parallel_loop3A_665] : memref<32768xf32, #tpu.memory_space<vmem>>[vector<16xi32>], vector<16xf32>,
      %parallel_loop3A_674 = arith.constant 32 : i32
      %parallel_loop3A_675 = arith.muli %parallel_loop3A_656, %parallel_loop3A_674 : i32
      %parallel_loop3A_676 = arith.constant 16 : i32
      %parallel_loop3A_677 = arith.addi %parallel_loop3A_675, %parallel_loop3A_676 : i32
      %parallel_loop3A_678 = arith.index_cast %parallel_loop3A_677 : i32 to index
      %parallel_loop3A_679 = tpu.vector_load %arg10[%parallel_loop3A_678] {strides = array<i32>} : memref<15360xf32, #tpu.memory_space<vmem>>, vector<16xf32>,
      tpu.vector_store %arg10[%parallel_loop3A_678], %parallel_loop3A_673 {strides = array<i32>} : memref<15360xf32, #tpu.memory_space<vmem>>, vector<16xf32>,
    } {sc.loop_unroll_factor = 8 : i64, sc.parallel_access}
    %dma_start3A_635 = arith.constant 2 : i32
    %dma_start3A_636 = arith.constant 15360 : i32
    %dma_start3A_637 = tpu.memref_slice %arg4[%dma_start3A_635, %add3A_600, %dma_start3A_636] : memref<3x128x30720xf32, #tpu.memory_space<hbm>> -> memref<1x1x15360xf32, #tpu.memory_space<hbm>>
    %dma_start3A_638 = tpu.memref_squeeze %dma_start3A_637 : memref<1x1x15360xf32, #tpu.memory_space<hbm>> -> memref<15360xf32, #tpu.memory_space<hbm>>
    %dma_start3A_639 = arith.constant 15360 : i32
    %dma_start3A_640 = tpu.memref_slice %arg4[%dma_start3A_635, %add3A_600, %dma_start3A_639] : memref<3x128x30720xf32, #tpu.memory_space<hbm>> -> memref<1x1x15360xf32, #tpu.memory_space<hbm>>
    %dma_start3A_641 = tpu.memref_squeeze %dma_start3A_640 : memref<1x1x15360xf32, #tpu.memory_space<hbm>> -> memref<15360xf32, #tpu.memory_space<hbm>>
    tpu.enqueue_dma source(%arg10 : memref<15360xf32, #tpu.memory_space<vmem>>) target(%dma_start3A_641 : memref<15360xf32, #tpu.memory_space<hbm>>) target_semaphore(%arg16 : memref<!tpu.dma_semaphore, #tpu.memory_space<semaphore_mem>>)
    %dma_wait3A_642 = arith.constant 2 : i32
    %dma_wait3A_643 = arith.constant 0 : i32
    %dma_wait3A_644 = tpu.memref_slice %arg4[%dma_wait3A_642, %add3A_600, %dma_wait3A_643] : memref<3x128x30720xf32, #tpu.memory_space<hbm>> -> memref<1x1x15360xf32, #tpu.memory_space<hbm>>
    %dma_wait3A_645 = tpu.memref_squeeze %dma_wait3A_644 : memref<1x1x15360xf32, #tpu.memory_space<hbm>> -> memref<15360xf32, #tpu.memory_space<hbm>>
    %dma_wait3A_646 = arith.constant 0 : i32
    %dma_wait3A_647 = tpu.memref_slice %arg4[%dma_wait3A_642, %add3A_600, %dma_wait3A_646] : memref<3x128x30720xf32, #tpu.memory_space<hbm>> -> memref<1x1x15360xf32, #tpu.memory_space<hbm>>
    %dma_wait3A_648 = tpu.memref_squeeze %dma_wait3A_647 : memref<1x1x15360xf32, #tpu.memory_space<hbm>> -> memref<15360xf32, #tpu.memory_space<hbm>>
    tpu.wait_dma2 semaphore(%arg15 : memref<!tpu.dma_semaphore, #tpu.memory_space<semaphore_mem>>) src(%arg9 : memref<15360xf32, #tpu.memory_space<vmem>>) dst(%dma_wait3A_648 : memref<15360xf32, #tpu.memory_space<hbm>>)
    %dma_wait3A_649 = arith.constant 2 : i32
    %dma_wait3A_650 = arith.constant 15360 : i32
    %dma_wait3A_651 = tpu.memref_slice %arg4[%dma_wait3A_649, %add3A_600, %dma_wait3A_650] : memref<3x128x30720xf32, #tpu.memory_space<hbm>> -> memref<1x1x15360xf32, #tpu.memory_space<hbm>>
    %dma_wait3A_652 = tpu.memref_squeeze %dma_wait3A_651 : memref<1x1x15360xf32, #tpu.memory_space<hbm>> -> memref<15360xf32, #tpu.memory_space<hbm>>
    %dma_wait3A_653 = arith.constant 15360 : i32
    %dma_wait3A_654 = tpu.memref_slice %arg4[%dma_wait3A_649, %add3A_600, %dma_wait3A_653] : memref<3x128x30720xf32, #tpu.memory_space<hbm>> -> memref<1x1x15360xf32, #tpu.memory_space<hbm>>
    %dma_wait3A_655 = tpu.memref_squeeze %dma_wait3A_654 : memref<1x1x15360xf32, #tpu.memory_space<hbm>> -> memref<15360xf32, #tpu.memory_space<hbm>>
    tpu.wait_dma2 semaphore(%arg16 : memref<!tpu.dma_semaphore, #tpu.memory_space<semaphore_mem>>) src(%arg10 : memref<15360xf32, #tpu.memory_space<vmem>>) dst(%dma_wait3A_655 : memref<15360xf32, #tpu.memory_space<hbm>>)
    return
  }
}

</mosaic_0001>

<sc_bundles>
// kernel: _gather.3.cloned.1.call-start
scs
__scs_entry_jumppad:
0x0: {  	(pc) =	sbr.rel $0x88, $3  }
0x1: {  	(tag) =	ssettag $0x0;
	lr =	simm.s32 $0x1  }
0x2: {  	[smem:$0x3F9F] =	sst lr;
	_ =	strace $0xD0000000  }
0x3: {  	_ = 	snop  }
0x4: {  	_ = 	snop  }
0x5: {  	_ = 	snop  }
0x6: {  	_ = 	snop  }
0x7: {  	_ = 	snop  }
__scs_overlays_trampoline_lowered:
0x8: {  	[smem:$0x3FAE] =	sst s0  }
0x9: {  	[smem:$0x3FAF] =	sst s1  }
0xa: {  	[smem:$0x3FB0] =	sst s2  }
0xb: {  	[smem:$0x3FB1] =	sst s3  }
0xc: {  	[smem:$0x3FB2] =	sst s4  }
0xd: {  	[smem:$0x3FB3] =	sst s5  }
0xe: {  	[smem:$0x3FB4] =	sst s6  }
0xf: {  	[smem:$0x3FB5] =	sst s7  }
0x10: {  	[smem:$0x3FB6] =	sst s8  }
0x11: {  	[smem:$0x3FB7] =	sst s9;
	s0 =	simm.s32 @!p0 $0x0  }
0x12: {  	s1 =	sld [smem:$0x3F9D];
	s0 =	simm.s32 @p0 $0x1  }
0x13: {  	[smem:$0x3FB8] =	sst s0;
	s0 =	simm.s32 @!p1 $0x0  }
0x14: {  	s2 =	sld [smem:$0x3F9C];
	s0 =	simm.s32 @p1 $0x1  }
0x15: {  	[smem:$0x3FB9] =	sst s0;
	s0 =	simm.s32 @!p2 $0x0  }
0x16: {  	s3 =	sld [smem:$0x3FDB];
	s0 =	simm.s32 @p2 $0x1  }
0x17: {  	s4 =	simm.s32 $0x1BF5;
	[smem:$0x3FBB] =	sst s0  }
0x18: {  	s0 =	sld [smem:$0x3F9E];
	_ =	swait.ge [sflag:s4], $0x0  }
0x19: {  	s7 =	sld [smem:$0x3F9F]  }
0x1a: {  	s8 =	sadd.s32 $0xFFFFE003, lr  }
0x1b: {  	s9 =	sadd.s32 $0xFFFFFEF7, lr;
	s5 =	simm.s32 $0xFFFFFFFF;
	p2 =	slt.u32 s8, $0xFFFFF086  }
0x1c: {  	p1 =	slt.u32 s9, $0xF7A;
	s5 =	simm.s32 @!p2 $0x0  }
0x1d: {  	s5 =	simm.s32 @p1 $0x1;
	p0 =	seq.s32 s7, s2  }
0x1e: {  	s7 =	smul.u32 @!p0 $0xF7A, s2;
	p2 =	seq.s32 @!p0 s5, $0x0  }
0x1f: {  	s9 =	smul.u32 $0xF7A, s1;
	s8 =	simm.s32 @!p0 $0x1BF5;
	p2 =	por !p2, p0  }
0x20: {  	[sflag:s8] =	ssyncset.s32 @!p0 $0xFFFFF086;
	s6 =	sadd.s32 @!p0 s3, s7;
	s7 =	simm.s32 @!p0 $0x108  }
0x21: {  	s3 =	sadd.s32 s3, s9;
	s6 =	sadd.s32 @!p0 $0x88, s6;
	s7 =	simm.s32 @p2 $0x1082  }
0x22: {  	[simem:s7], [sflag:s8] =	dma.local @!p0 [hbm:s6], $0xF7A  }
0x23: {  	s9 =	sor.u32 $0xD0000000, s2;
	s6 =	simm.s32 $0x108;
	_ =	swait.ge @!p0 [sflag:s8], $0x0  }
0x24: {  	s3 =	sadd.s32 $0x88, s3;
	s6 =	simm.s32 @!p1 $0x1082;
	[sflag:s4] =	ssyncset.s32 $0xFFFFF086  }
0x25: {  	[simem:s6], [sflag:s4] =	dma.local [hbm:s3], $0xF7A  }
0x26: {  	[smem:$0x3F9F] =	sst s1;
	(tag) =	ssettag s2;
	_ =	strace s9  }
0x27: {  	s1 =	sld [smem:$0x3FAF]  }
0x28: {  	s2 =	sld [smem:$0x3FB0]  }
0x29: {  	s4 =	sld [smem:$0x3FB2]  }
0x2a: {  	p0 =	seq.s32 s5, $0x0;
	s5 =	sld [smem:$0x3FB3]  }
0x2b: {  	s6 =	sld [smem:$0x3FB4]  }
0x2c: {  	s7 =	sld [smem:$0x3FB5]  }
0x2d: {  	s3 =	simm.s32 $0x108;
	s8 =	sld [smem:$0x3FB6]  }
0x2e: {  	s3 =	simm.s32 @!p0 $0x1082;
	s9 =	sld [smem:$0x3FB7]  }
0x2f: {  	lr =	sadd.s32 s0, s3;
	s0 =	sld [smem:$0x3FAE]  }
0x30: {  	s3 =	sld [smem:$0x3FB1]  }
0x31: {  	[smem:$0x3FBA] =	sst s10  }
0x32: {  	s10 =	sld [smem:$0x3FB8];
	_ =	sdelay $0x3  }
0x33: {  	p0 =	seq.s32 s10, $0x1;
	s10 =	sld [smem:$0x3FBA];
	_ =	sdelay $0x3  }
0x34: {  	[smem:$0x3FBA] =	sst s10  }
0x35: {  	s10 =	sld [smem:$0x3FB9];
	_ =	sdelay $0x3  }
0x36: {  	p1 =	seq.s32 s10, $0x1;
	s10 =	sld [smem:$0x3FBA];
	_ =	sdelay $0x3  }
0x37: {  	[smem:$0x3FBA] =	sst s10  }
0x38: {  	s10 =	sld [smem:$0x3FBB]  }
0x39: {  	_ = 	snop;
	(pc) =	sbr.ind lr, $3  }
0x3a: {  	_ = 	snop  }
0x3b: {  	_ = 	snop  }
0x3c: {  	p2 =	seq.s32 s10, $0x1;
	s10 =	sld [smem:$0x3FBA]  }
0x3d: {  	_ =	shalt  }
0x3e: {  	_ =	shalt  }
0x3f: {  	_ =	shalt  }
0x40: {  	_ =	shalt  }
0x41: {  	_ =	shalt  }
0x42: {  	_ =	shalt  }
0x43: {  	_ =	shalt  }
0x44: {  	_ =	shalt  }
0x45: {  	_ =	shalt  }
0x46: {  	_ =	shalt  }
0x47: {  	_ =	shalt  }
0x48: {  	_ =	shalt  }
0x49: {  	_ =	shalt  }
0x4a: {  	_ =	shalt  }
0x4b: {  	_ =	shalt  }
0x4c: {  	_ =	shalt  }
0x4d: {  	_ =	shalt  }
0x4e: {  	_ =	shalt  }
0x4f: {  	_ =	shalt  }
0x50: {  	_ =	shalt  }
0x51: {  	_ =	shalt  }
0x52: {  	_ =	shalt  }
0x53: {  	_ =	shalt  }
0x54: {  	_ =	shalt  }
0x55: {  	_ =	shalt  }
0x56: {  	_ =	shalt  }
0x57: {  	_ =	shalt  }
0x58: {  	_ =	shalt  }
0x59: {  	_ =	shalt  }
0x5a: {  	_ =	shalt  }
0x5b: {  	_ =	shalt  }
0x5c: {  	_ =	shalt  }
0x5d: {  	_ =	shalt  }
0x5e: {  	_ =	shalt  }
0x5f: {  	_ =	shalt  }
0x60: {  	_ =	shalt  }
0x61: {  	_ =	shalt  }
0x62: {  	_ =	shalt  }
0x63: {  	_ =	shalt  }
0x64: {  	_ =	shalt  }
0x65: {  	_ =	shalt  }
0x66: {  	_ =	shalt  }
0x67: {  	_ =	shalt  }
0x68: {  	_ =	shalt  }
0x69: {  	_ =	shalt  }
0x6a: {  	_ =	shalt  }
0x6b: {  	_ =	shalt  }
0x6c: {  	_ =	shalt  }
0x6d: {  	_ =	shalt  }
0x6e: {  	_ =	shalt  }
0x6f: {  	_ =	shalt  }
0x70: {  	_ =	shalt  }
0x71: {  	_ =	shalt  }
0x72: {  	_ =	shalt  }
0x73: {  	_ =	shalt  }
0x74: {  	_ =	shalt  }
0x75: {  	_ =	shalt  }
0x76: {  	_ =	shalt  }
0x77: {  	_ =	shalt  }
0x78: {  	_ =	shalt  }
0x79: {  	_ =	shalt  }
0x7a: {  	_ =	shalt  }
0x7b: {  	_ =	shalt  }
0x7c: {  	_ =	shalt  }
0x7d: {  	_ =	shalt  }
0x7e: {  	_ =	shalt  }
0x7f: {  	_ =	shalt  }
0x80: {  	_ =	shalt  }
0x81: {  	_ =	shalt  }
0x82: {  	_ =	shalt  }
0x83: {  	_ =	shalt  }
0x84: {  	_ =	shalt  }
0x85: {  	_ =	shalt  }
0x86: {  	_ =	shalt  }
0x87: {  	_ =	shalt  }
.Lfunc_end0:
.L_simem_size_0:
called_computation_lowered:
.L_overlay_start_0:
0x88: {  	s2 =	sld [smem:$0x3FD9]  }
0x89: {  	s3 =	sld [smem:$0x3FFE];
	_ =	sdelay $0x1  }
0x8a: {  	s1 =	srdreg.scid  }
0x8b: {  	s0 =	sand.u32 $0x1, s1  }
0x8c: {  	s18 =	sshll.u32 s0, $0xA;
	s2 =	sadd.s32 s3, s2  }
0x8d: {  	s2 =	sadd.s32 s2, s18  }
0x8e: {  	[smem:$0x3FC6] =	sst s2  }
0x8f: {  	_ = 	snop  }
0x90: {  	s2 =	sld [smem:$0x3FC9]  }
0x91: {  	s19 =	sld [smem:$0x3FC8]  }
0x92: {  	s4 =	sld [smem:$0x3FD0];
	(tm) =	ssettm $0x1  }
0x93: {  	s5 =	sld [smem:$0x3FFB];
	_ =	sdelay $0x3  }
0x94: {  	_ =	strace s5  }
0x95: {  	s5 =	sld [smem:$0x3FFC];
	_ =	sdelay $0x3  }
0x96: {  	_ =	strace s5  }
0x97: {  	s5 =	sld [smem:$0x3FFD];
	_ =	sdelay $0x3  }
0x98: {  	_ =	strace s5  }
0x99: {  	_ =	strace $0x8FFFFFFF  }
0x9a: {  	s20 =	sld [smem:$0x3FDB];
	_ =	sdelay $0x1  }
0x9b: {  	s6 =	simm.s32 $_scs_section_size  }
0x9c: {  	s7 =	simm.s32 $_size__tile_overlayer_lowered;
	s8 =	simm.s32 $_tile_overlayer_lowered  }
0x9d: {  	s23 =	simm.s32 $0x1BFF;
	s22 =	sshll.u32 s8, $0x1;
	s5 =	sadd.s32 s6, s20  }
0x9e: {  	s9 =	simm.s32 $0x0;
	s21 =	sshll.u32 s7, $0x1;
	s7 =	sadd.s32 s22, s5  }
0x9f: {  	[timem:s9], [sflag:s23] =	dma.local [hbm:s7], s21  }
0xa0: {  	_ =	swait.ge [sflag:s23], s21  }
0xa1: {  	s6 =	ssub.s32 $0x0, s21;
	[sflag:s23] =	ssyncset.done $0x0  }
0xa2: {  	[sflag:s23] =	ssyncadd.s32 s6;
	_ =	sdelay $0x1  }
0xa3: {  	s24 =	simm.s32 $0x1B8B  }
0xa4: {  	_ =	swait.ge [sflag:s24], $0x1  }
0xa5: {  	[sflag:s24] =	ssyncset.done $0x0  }
0xa6: {  	s25 =	simm.s32 $0x1B8E;
	[sflag:s24] =	ssyncadd.s32 $0xFFFFFFFF  }
0xa7: {  	s26 =	simm.s32 $execute0_lowered;
	[smem:$0x3FD2] =	sst s25  }
0xa8: {  	s6 =	sshll.u32 s26, $0x1;
	_ =	strace $0x80000046;
	[dreg:$0x1] =	wrdreg $0xFFFFFFFF  }
0xa9: {  	s28 =	simm.s32 $_size_execute0_lowered;
	s5 =	sadd.s32 s5, s6;
	[dreg:$0x0] =	wrdreg $0x0  }
0xaa: {  	s6 =	sshll.u32 s28, $0x1;
	[dreg:$0x2] =	wrdreg s5  }
0xab: {  	[dreg:$0x3] =	wrdreg s6  }
0xac: {  	[dreg:$0x4] =	wrdreg $0xC0  }
0xad: {  	_ =	task [dreg:s9], $0x5FFFF  }
0xae: {  	[dreg:$0x1] =	wrdreg $0xFFFFFFFF  }
0xaf: {  	[dreg:$0x0] =	wrdreg $0x60  }
0xb0: {  	[dreg:$0x2] =	wrdreg s2  }
0xb1: {  	[dreg:$0x3] =	wrdreg s19  }
0xb2: {  	[dreg:$0x4] =	wrdreg s4  }
0xb3: {  	[dreg:$0x5] =	wrdreg $0x9  }
0xb4: {  	_ =	task.clear_ibuf [dreg:s9], $0x6FFFF;
	_ =	strace $0x90000046  }
0xb5: {  	s29 =	simm.s32 $0x9;
	_ =	strace $0x80000048  }
0xb6: {  	_ =	swait.ge [sflag:s29], $0x1  }
0xb7: {  	[sflag:s29] =	ssyncadd.s32 $0xFFFFFFFF  }
0xb8: {  	_ =	strace $0x90000048  }
0xb9: {  	_ =	sfence  }
0xba: {  	s30 =	sld [smem:$0x0];
	_ =	sdelay $0x2  }
0xbb: {  	s31 =	sshll.u32 s1, $0xD;
	s1 =	sshrl.u32 s1, $0x2  }
0xbc: {  	s3 =	sand.u32 $0x4000, s31;
	s1 =	sadd.s32 s1, s30  }
0xbd: {  	s0 =	sor.u32 s3, s0;
	s1 =	sshll.u32 s1, $0x11  }
0xbe: {  	s0 =	sor.u32 s1, s0  }
0xbf: {  	s0 =	sadd.s32 $0x8F2B, s0  }
0xc0: {  	[sflag:s0] =	ssyncadd.remote.s32 $0x1  }
0xc1: {  	_ =	sfence.sel $0xFFFF  }
0xc2: {  	[dreg:$0x0] =	wrdreg $0xFFFFFFFF;
	(pc) =	sbr.abs _section_cstart, $3  }
0xc3: {  	[dreg:$0x1] =	wrdreg $0xFFFFFFFF  }
0xc4: {  	_ =	task.clear_ibuf [dreg:s9], $0x2FFFF;
	_ =	strace $0x9FFFFFFF  }
0xc5: {  	(tm) =	ssettm $0x7FFFFFFF  }
tec
execute0_lowered:
.L_overlay_start_1:
0x0: {  	(tag) =	ssettag $0x1  }
0x1: {  	s0 =	srdreg.scid;
	s2 =	rddreg [dreg:$0x0]  }
0x2: {  	s14 =	stileid.u32;
	s5 =	rddreg [dreg:$0x1]  }
0x3: {  	s31 =	rddreg [dreg:$0x2];
	s0 =	sand.u32 $0x1, s0;
	s4 =	sshll.u32 s14, $0x1  }
0x4: {  	s8 =	sshll.u32 s14, $0x12;
	s1 =	ssub.s32 $0x2, s0;
	s6 =	sor.u32 s0, s4  }
0x5: {  	s9 =	sor.u32 $0x400000, s8;
	s3 =	sshrl.u32 s1, $0x1;
	s7 =	sshll.u32 s6, $0x2  }
0x6: {  	s4 =	smul.u32 $0x1E00, s6;
	s6 =	sshllo.u32 s6, $0x2;
	s1 =	ssub.s32 s1, s3  }
0x7: {  	s3 =	sshll.u32 s0, $0x9;
	s10 =	sor.u32 $0x1, s7;
	s7 =	sor.u32 $0x2, s7  }
0x8: {  	s19 =	smul.u32 $0x780, s6;
	s6 =	sshll.u32 s6, $0x7;
	[dreg:$0x1e] =	wrdreg s1  }
0x9: {  	s0 =	sor.u32 s3, s8;
	s21 =	sor.u32 s3, s9;
	s12 =	smul.u32 $0x780, s10  }
0xa: {  	s1 =	smul.u32 $0x3C000, s14;
	s11 =	sadd.s32 s5, s4;
	s10 =	sshll.u32 s10, $0x7  }
0xb: {  	s15 =	smul.u32 $0x780, s7;
	s7 =	sshll.u32 s7, $0x7;
	s6 =	sand.u32 $0x380, s6  }
0xc: {  	s0 =	sshrl.u32 s0, $0x3;
	s13 =	sshrl.u32 s21, $0x3;
	s10 =	sand.u32 $0x280, s10  }
0xd: {  	s7 =	sand.u32 $0x300, s7;
	s0 =	sadd.s32 s2, s0;
	s22 =	sadd.s32 s2, s13  }
0xe: {  	s23 =	sadd.s32 s5, s12;
	s24 =	sor.u32 s3, s1;
	s12 =	sor.u32 $0x800000, s8  }
0xf: {  	s4 =	sadd.s32 $0x1E000, s1;
	s26 =	sor.u32 s8, s10;
	s28 =	sor.u32 s9, s10  }
0x10: {  	s16 =	sadd.s32 s5, s15;
	s18 =	sor.u32 s8, s7;
	[smem:$0x7FD] =	sst s0  }
0x11: {  	s21 =	sor.u32 s9, s7;
	s5 =	sadd.s32 s5, s19;
	[dreg:$0x1f] =	wrdreg s22  }
0x12: {  	[dreg:$0x4] =	wrdreg s23;
	s0 =	sshrl.u32 s24, $0x3;
	s25 =	sor.u32 s3, s12  }
0x13: {  	s14 =	sshrl.u32 s28, $0x3;
	[dreg:$0x8] =	wrdreg s16;
	s17 =	sor.u32 s12, s10  }
0x14: {  	[dreg:$0xb] =	wrdreg s5;
	s22 =	sor.u32 s12, s7;
	s23 =	sor.u32 s8, s6  }
0x15: {  	s24 =	sor.u32 s9, s6;
	s9 =	sadd.s32 $0x3C0000, s1;
	s16 =	sor.u32 s1, s10  }
0x16: {  	s29 =	sor.u32 s4, s6;
	s13 =	sshrl.u32 s25, $0x3;
	s5 =	sshrl.u32 s22, $0x3  }
0x17: {  	s25 =	sor.u32 s12, s6;
	s8 =	sor.u32 s3, s9;
	s19 =	sor.u32 s9, s10  }
0x18: {  	s22 =	sor.u32 s1, s7;
	s30 =	sor.u32 s9, s6;
	s0 =	sadd.s32 s31, s0  }
0x19: {  	s13 =	sadd.s32 s2, s13;
	s5 =	sadd.s32 s2, s5;
	[dreg:$0x11] =	wrdreg s0  }
0x1a: {  	s28 =	sshrl.u32 s25, $0x3;
	s8 =	sshrl.u32 s8, $0x3;
	[dreg:$0x5] =	wrdreg s13  }
0x1b: {  	s19 =	sshrl.u32 s19, $0x3;
	s13 =	sshrl.u32 s26, $0x3;
	[dreg:$0xd] =	wrdreg s5  }
0x1c: {  	s5 =	sshrl.u32 s23, $0x3;
	s26 =	sshrl.u32 s24, $0x3;
	s23 =	sor.u32 s4, s7  }
0x1d: {  	s24 =	sor.u32 s9, s7;
	s13 =	sadd.s32 s2, s13;
	s5 =	sadd.s32 s2, s5  }
0x1e: {  	[dreg:$0x6] =	wrdreg s13;
	s13 =	sadd.s32 s2, s14;
	s14 =	sshrl.u32 s18, $0x3  }
0x1f: {  	[dreg:$0xe] =	wrdreg s5;
	s5 =	sadd.s32 s2, s26;
	s18 =	sor.u32 s4, s10  }
0x20: {  	[dreg:$0x7] =	wrdreg s13;
	s13 =	sshrl.u32 s17, $0x3;
	s20 =	sadd.s32 s2, s14  }
0x21: {  	[dreg:$0xf] =	wrdreg s5;
	s5 =	sor.u32 s3, s4;
	s17 =	sadd.s32 $0x780000, s1  }
0x22: {  	s14 =	sadd.s32 $0x79E000, s1;
	s4 =	sadd.s32 s31, s8;
	s18 =	sshrl.u32 s18, $0x3  }
0x23: {  	s13 =	sadd.s32 s2, s13;
	[dreg:$0xa] =	wrdreg s20;
	s15 =	sor.u32 s3, s17  }
0x24: {  	s26 =	sor.u32 s17, s7;
	[dreg:$0x9] =	wrdreg s13;
	s13 =	sshrl.u32 s21, $0x3  }
0x25: {  	[dreg:$0x13] =	wrdreg s4;
	s21 =	sor.u32 s17, s10;
	s13 =	sadd.s32 s2, s13  }
0x26: {  	s2 =	sadd.s32 s2, s28;
	[dreg:$0xc] =	wrdreg s13;
	s13 =	sadd.s32 $0x3DE000, s1  }
0x27: {  	s28 =	sor.u32 s1, s6;
	[dreg:$0x10] =	wrdreg s2;
	s12 =	sor.u32 s3, s13  }
0x28: {  	s3 =	sor.u32 s3, s14;
	s20 =	sor.u32 s13, s10;
	s10 =	sor.u32 s14, s10  }
0x29: {  	s25 =	sor.u32 s13, s7;
	s7 =	sor.u32 s14, s7;
	s9 =	sor.u32 s13, s6  }
0x2a: {  	s13 =	sor.u32 s17, s6;
	s17 =	simm.s32 $0x0;
	s14 =	sor.u32 s14, s6  }
0x2b: {  	s6 =	sshrl.u32 s5, $0x3;
	[smem:$0x7FF] =	sst s17;
	s12 =	sshrl.u32 s12, $0x3  }
0x2c: {  	s0 =	sadd.s32 s31, s6;
	s6 =	sshrl.u32 s15, $0x3;
	s8 =	sshrl.u32 s3, $0x3  }
0x2d: {  	s20 =	sshrl.u32 s20, $0x3;
	s3 =	sadd.s32 s31, s19;
	s19 =	sshrl.u32 s26, $0x3  }
0x2e: {  	s26 =	sshrl.u32 s14, $0x3;
	s14 =	simm.s32 $0x400;
	[dreg:$0x12] =	wrdreg s0  }
0x2f: {  	s5 =	sadd.s32 s31, s12;
	s12 =	sshrl.u32 s16, $0x3;
	s0 =	sadd.s32 s31, s6  }
0x30: {  	s15 =	sadd.s32 s31, s8;
	[dreg:$0x19] =	wrdreg s3;
	s4 =	sadd.s32 s31, s20  }
0x31: {  	s6 =	sshrl.u32 s10, $0x3;
	s8 =	sshrl.u32 s22, $0x3;
	s20 =	sshrl.u32 s7, $0x3  }
0x32: {  	s3 =	sadd.s32 s31, s19;
	s22 =	sshrl.u32 s29, $0x3;
	[dreg:$0x14] =	wrdreg s5  }
0x33: {  	s29 =	smov.u32 s11;
	s19 =	simm.s32 $0x1B400;
	[dreg:$0x15] =	wrdreg s0  }
0x34: {  	[dreg:$0x16] =	wrdreg s15;
	s16 =	sadd.s32 s31, s12;
	s0 =	sadd.s32 s31, s18  }
0x35: {  	[dreg:$0x1a] =	wrdreg s4;
	s5 =	sshrl.u32 s21, $0x3;
	s10 =	sadd.s32 s31, s6  }
0x36: {  	s12 =	sadd.s32 s31, s8;
	s15 =	sshrl.u32 s23, $0x3;
	s18 =	sshrl.u32 s25, $0x3  }
0x37: {  	s21 =	sshrl.u32 s28, $0x3;
	s23 =	sshrl.u32 s30, $0x3;
	s30 =	sld [smem:$0x7FD]  }
0x38: {  	s4 =	sadd.s32 s31, s20;
	s6 =	sadd.s32 s31, s22;
	[dreg:$0x17] =	wrdreg s16  }
0x39: {  	s25 =	sshrl.u32 s13, $0x3;
	s13 =	simm.s32 $0x80;
	[dreg:$0x18] =	wrdreg s0  }
0x3a: {  	s20 =	simm.s32 $0x2;
	s22 =	simm.s32 $0x6;
	[dreg:$0x1c] =	wrdreg s10  }
0x3b: {  	s0 =	sadd.s32 s31, s5;
	[dreg:$0x1d] =	wrdreg s12;
	s16 =	sshrl.u32 s24, $0x3  }
0x3c: {  	s2 =	sadd.s32 s31, s18;
	s5 =	sadd.s32 s31, s21;
	s24 =	sshrl.u32 s9, $0x3  }
0x3d: {  	s7 =	sadd.s32 s31, s23;
	s9 =	sadd.s32 s31, s25;
	s10 =	sadd.s32 s31, s26  }
0x3e: {  	s12 =	simm.s32 $0x1;
	s18 =	simm.s32 $0x17800;
	s21 =	simm.s32 $0x5  }
0x3f: {  	[dreg:$0x1b] =	wrdreg s0;
	s0 =	sadd.s32 s31, s15;
	s1 =	sadd.s32 s31, s16  }
0x40: {  	s8 =	sadd.s32 s31, s24;
	s31 =	rddreg [dreg:$0x1f];
	_ =	strace $0x80000047  }
0x41: {  	s23 =	simm.s32 $0x4;
	s15 =	simm.s32 $0x8000;
	s28 =	rddreg [dreg:$0x1e]  }
0x42: {  	s16 =	simm.s32 $0x3;
	s24 =	simm.s32 $0x0;
	s11 =	smax.u32 s28, $0x1  }
.LBB2_1:
0x43: {  	s25 =	simm.s32 $0x10000  }
0x44: {  	[tilespmem:s25], [sflag:$0x3] =	stream.linear.gather [hbm4b:s29+s17], $0x3C00, $0x38;
	[tilespmem:$0x1F000] =	vst v63  }
0x45: {  	_ = 	snop  }
0x46: {  	[tilespmem:s17], [sflag:$0x1] =	stream.strided.gather [hbm4b:s30+s13], $0x8000, s14, s13, $0x38;
	[tilespmem:$0x1F000] =	vst v63  }
0x47: {  	_ = 	snop  }
0x48: {  	[tilespmem:s15], [sflag:$0x2] =	stream.strided.gather [hbm4b:s31+s13], $0x8000, s14, s13, $0x38;
	[tilespmem:$0x1F000] =	vst v63  }
0x49: {  	_ =	swait.ge [sflag:s16], $0x3C00  }
0x4a: {  	[sflag:s16] =	ssyncset.done $0x0  }
0x4b: {  	s26 =	simm.s32 $0x13C00;
	s25 =	rddreg [dreg:$0x4];
	[sflag:s16] =	ssyncadd.s32 $0xFFFFC400  }
0x4c: {  	[tilespmem:s26], [sflag:$0x4] =	stream.linear.gather [hbm4b:s25+s17], $0x3C00, $0x38;
	[tilespmem:$0x1F000] =	vst v63  }
0x4d: {  	_ =	swait.ge [sflag:s12], $0x8000  }
0x4e: {  	[sflag:s12] =	ssyncset.done $0x0  }
0x4f: {  	s26 =	simm.s32 $0x10040;
	[sflag:s12] =	ssyncadd.s32 $0xFFFF8000  }
0x50: {  	v0 =	vld [tilespmem:s26+$0x30]  }
0x51: {  	v1 =	vld [tilespmem:s26+$0xFFFFFFD0]  }
0x52: {  	v2 =	vld [tilespmem:s26+$0xFFFFFFE0]  }
0x53: {  	v3 =	vld [tilespmem:s26+$0xFFFFFFF0]  }
0x54: {  	v4 =	vld [tilespmem:s26+$0x0]  }
0x55: {  	v5 =	vld [tilespmem:s26+$0x10];
	v6 =	vunpack.i.l.s16.s32 v0  }
0x56: {  	v8 =	vld [tilespmem:s26+$0x20];
	v7 =	vunpack.i.l.s16.s32 v1  }
0x57: {  	v10 =	vld [tilespmem:s26+$0xFFFFFFC0];
	v9 =	vunpack.i.l.s16.s32 v2  }
0x58: {  	v11 =	vunpack.i.l.s16.s32 v3  }
0x59: {  	v12 =	vunpack.i.l.s16.s32 v4  }
0x5a: {  	v13 =	vunpack.i.l.s16.s32 v5;
	v6 =	vld.idx.msk [tilespmem:v6+s17+$0x0], $0xffff  }
0x5b: {  	v14 =	vunpack.i.l.s16.s32 v8;
	v7 =	vld.idx.msk [tilespmem:v7+s17+$0x0], $0xffff  }
0x5c: {  	v15 =	vunpack.i.l.s16.s32 v10;
	v9 =	vld.idx.msk [tilespmem:v9+s17+$0x0], $0xffff  }
0x5d: {  	v0 =	vunpack.i.u.s16.s32 v0;
	v11 =	vld.idx.msk [tilespmem:v11+s17+$0x0], $0xffff  }
0x5e: {  	v1 =	vunpack.i.u.s16.s32 v1;
	v12 =	vld.idx.msk [tilespmem:v12+s17+$0x0], $0xffff  }
0x5f: {  	s25 =	simm.s32 $0x17880;
	v16 =	vunpack.i.u.s16.s32 v2;
	v13 =	vld.idx.msk [tilespmem:v13+s17+$0x0], $0xffff  }
0x60: {  	v17 =	vunpack.i.u.s16.s32 v3;
	v14 =	vld.idx.msk [tilespmem:v14+s17+$0x0], $0xffff;
	[tilespmem:s25+$0x60] =	vst v6  }
0x61: {  	v2 =	vld.idx.msk [tilespmem:v15+s17+$0x0], $0xffff;
	v6 =	vunpack.i.u.s16.s32 v4;
	[tilespmem:s25+$0xFFFFFFA0] =	vst v7  }
0x62: {  	v7 =	vunpack.i.u.s16.s32 v5;
	[tilespmem:s25+$0xFFFFFFC0] =	vst v9;
	v18 =	vld.idx.msk [tilespmem:v0+s17+$0x0], $0xffff  }
0x63: {  	[tilespmem:s25+$0xFFFFFFE0] =	vst v11;
	v3 =	vld.idx.msk [tilespmem:v1+s17+$0x0], $0xffff  }
0x64: {  	[tilespmem:s25+$0x0] =	vst v12;
	v4 =	vld.idx.msk [tilespmem:v16+s17+$0x0], $0xffff  }
0x65: {  	[tilespmem:s25+$0x20] =	vst v13;
	v5 =	vld.idx.msk [tilespmem:v17+s17+$0x0], $0xffff  }
0x66: {  	[tilespmem:s25+$0x40] =	vst v14;
	v6 =	vld.idx.msk [tilespmem:v6+s17+$0x0], $0xffff  }
0x67: {  	s28 =	simm.s32 $0x100C0;
	s26 =	simm.s32 $0x0;
	v0 =	vunpack.i.u.s16.s32 v8;
	v1 =	vunpack.i.u.s16.s32 v10;
	v7 =	vld.idx.msk [tilespmem:v7+s17+$0x0], $0xffff;
	[tilespmem:s25+$0x70] =	vst v18  }
.LBB2_2:
0x68: {  	v8 =	vld [tilespmem:s28+$0x30];
	s26 =	sadd.s32 $0x8, s26;
	[tilespmem:s25+$0xFFFFFF80] =	vst v2  }
0x69: {  	v2 =	vld [tilespmem:s28+$0xFFFFFFD0];
	p0 =	slt.u32 s26, $0x1D8;
	[tilespmem:s25+$0xFFFFFFB0] =	vst v3  }
0x6a: {  	v3 =	vld [tilespmem:s28+$0xFFFFFFE0];
	[tilespmem:s25+$0xFFFFFFD0] =	vst v4  }
0x6b: {  	v4 =	vld [tilespmem:s28+$0xFFFFFFF0];
	[tilespmem:s25+$0xFFFFFFF0] =	vst v5  }
0x6c: {  	v5 =	vld [tilespmem:s28+$0x0];
	[tilespmem:s25+$0x10] =	vst v6  }
0x6d: {  	v6 =	vld [tilespmem:s28+$0x10];
	v9 =	vunpack.i.l.s16.s32 v8;
	[tilespmem:s25+$0x30] =	vst v7  }
0x6e: {  	v7 =	vunpack.i.u.s16.s32 v2;
	v2 =	vunpack.i.l.s16.s32 v2;
	v10 =	vld [tilespmem:s28+$0x20]  }
0x6f: {  	v11 =	vld [tilespmem:s28+$0xFFFFFFC0];
	v12 =	vunpack.i.u.s16.s32 v3;
	v3 =	vunpack.i.l.s16.s32 v3  }
0x70: {  	v13 =	vunpack.i.u.s16.s32 v4;
	v4 =	vunpack.i.l.s16.s32 v4;
	v14 =	vld.idx.msk [tilespmem:v1+s17+$0x0], $0xffff  }
0x71: {  	v15 =	vunpack.i.u.s16.s32 v5;
	v5 =	vunpack.i.l.s16.s32 v5;
	v16 =	vld.idx.msk [tilespmem:v0+s17+$0x0], $0xffff  }
0x72: {  	v17 =	vunpack.i.u.s16.s32 v6;
	v6 =	vunpack.i.l.s16.s32 v6;
	v9 =	vld.idx.msk [tilespmem:v9+s17+$0x0], $0xffff  }
0x73: {  	v2 =	vld.idx.msk [tilespmem:v2+s17+$0x0], $0xffff;
	v0 =	vunpack.i.u.s16.s32 v10;
	v10 =	vunpack.i.l.s16.s32 v10  }
0x74: {  	v8 =	vunpack.i.u.s16.s32 v8;
	v1 =	vunpack.i.u.s16.s32 v11;
	v11 =	vunpack.i.l.s16.s32 v11;
	v3 =	vld.idx.msk [tilespmem:v3+s17+$0x0], $0xffff  }
0x75: {  	v4 =	vld.idx.msk [tilespmem:v4+s17+$0x0], $0xffff  }
0x76: {  	v5 =	vld.idx.msk [tilespmem:v5+s17+$0x0], $0xffff;
	[tilespmem:s25+$0xFFFFFF90] =	vst v14  }
0x77: {  	v6 =	vld.idx.msk [tilespmem:v6+s17+$0x0], $0xffff;
	[tilespmem:s25+$0x50] =	vst v16;
	s25 =	sadd.s32 $0x100, s25  }
0x78: {  	v10 =	vld.idx.msk [tilespmem:v10+s17+$0x0], $0xffff;
	[tilespmem:s25+$0x60] =	vst v9  }
0x79: {  	[tilespmem:s25+$0xFFFFFFA0] =	vst v2;
	v8 =	vld.idx.msk [tilespmem:v8+s17+$0x0], $0xffff  }
0x7a: {  	v2 =	vld.idx.msk [tilespmem:v11+s17+$0x0], $0xffff;
	[tilespmem:s25+$0xFFFFFFC0] =	vst v3  }
.Ltmp0:
0x7b: {  	v3 =	vld.idx.msk [tilespmem:v7+s17+$0x0], $0xffff;
	[tilespmem:s25+$0xFFFFFFE0] =	vst v4;
	(pc) =	sbr.rel @p0 .LBB2_2-.Ltmp0, $4  }
0x7c: {  	v4 =	vld.idx.msk [tilespmem:v12+s17+$0x0], $0xffff;
	[tilespmem:s25+$0x0] =	vst v5  }
0x7d: {  	v5 =	vld.idx.msk [tilespmem:v13+s17+$0x0], $0xffff;
	[tilespmem:s25+$0x20] =	vst v6  }
0x7e: {  	v6 =	vld.idx.msk [tilespmem:v15+s17+$0x0], $0xffff;
	[tilespmem:s25+$0x40] =	vst v10  }
0x7f: {  	s28 =	sadd.s32 $0x80, s28;
	v7 =	vld.idx.msk [tilespmem:v17+s17+$0x0], $0xffff;
	[tilespmem:s25+$0x70] =	vst v8  }
0x80: {  	_ =	sdelay $0x2  }
0x81: {  	[tilespmem:s25+$0xFFFFFF80] =	vst v2  }
0x82: {  	[tilespmem:s25+$0xFFFFFFB0] =	vst v3;
	v0 =	vld.idx.msk [tilespmem:v0+s17+$0x0], $0xffff  }
0x83: {  	v1 =	vld.idx.msk [tilespmem:v1+s17+$0x0], $0xffff;
	[tilespmem:s25+$0xFFFFFFD0] =	vst v4  }
0x84: {  	[tilespmem:s25+$0xFFFFFFF0] =	vst v5  }
0x85: {  	[tilespmem:s25+$0x10] =	vst v6  }
0x86: {  	[tilespmem:s25+$0x30] =	vst v7  }
0x87: {  	[tilespmem:s25+$0x50] =	vst v0  }
0x88: {  	[tilespmem:s25+$0xFFFFFF90] =	vst v1  }
0x89: {  	s26 =	simm.s32 $0x11E70;
	s25 =	rddreg [dreg:$0x11]  }
0x8a: {  	[hbm4b:s25+s13] =	stream.strided.scatter [tilespmem:s18], [sflag:$0x5], $0x3C00, s14, s13, $0x38;
	[tilespmem:$0x1F000] =	vst v63  }
0x8b: {  	v0 =	vld [tilespmem:s26+$0x0]  }
0x8c: {  	v1 =	vld [tilespmem:s26+$0xFFFFFFA0]  }
0x8d: {  	v2 =	vld [tilespmem:s26+$0xFFFFFFB0]  }
0x8e: {  	v3 =	vld [tilespmem:s26+$0xFFFFFFC0]  }
0x8f: {  	v4 =	vld [tilespmem:s26+$0xFFFFFFD0]  }
0x90: {  	v5 =	vld [tilespmem:s26+$0xFFFFFFE0];
	v6 =	vunpack.i.l.s16.s32 v0  }
0x91: {  	v8 =	vld [tilespmem:s26+$0xFFFFFFF0];
	v7 =	vunpack.i.l.s16.s32 v1  }
0x92: {  	v10 =	vld [tilespmem:s26+$0xFFFFFF90];
	v9 =	vunpack.i.l.s16.s32 v2  }
0x93: {  	v11 =	vunpack.i.l.s16.s32 v3  }
0x94: {  	v12 =	vunpack.i.l.s16.s32 v4  }
0x95: {  	v13 =	vunpack.i.l.s16.s32 v5;
	v6 =	vld.idx.msk [tilespmem:v6+s17+$0x0], $0xffff  }
0x96: {  	v14 =	vunpack.i.l.s16.s32 v8;
	v7 =	vld.idx.msk [tilespmem:v7+s17+$0x0], $0xffff  }
0x97: {  	v15 =	vunpack.i.l.s16.s32 v10;
	v9 =	vld.idx.msk [tilespmem:v9+s17+$0x0], $0xffff  }
0x98: {  	v0 =	vunpack.i.u.s16.s32 v0;
	v11 =	vld.idx.msk [tilespmem:v11+s17+$0x0], $0xffff  }
0x99: {  	v1 =	vunpack.i.u.s16.s32 v1;
	v12 =	vld.idx.msk [tilespmem:v12+s17+$0x0], $0xffff  }
0x9a: {  	s25 =	simm.s32 $0x1B480;
	v16 =	vunpack.i.u.s16.s32 v2;
	v13 =	vld.idx.msk [tilespmem:v13+s17+$0x0], $0xffff  }
0x9b: {  	v17 =	vunpack.i.u.s16.s32 v3;
	v14 =	vld.idx.msk [tilespmem:v14+s17+$0x0], $0xffff;
	[tilespmem:s25+$0x60] =	vst v6  }
0x9c: {  	v2 =	vld.idx.msk [tilespmem:v15+s17+$0x0], $0xffff;
	v6 =	vunpack.i.u.s16.s32 v4;
	[tilespmem:s25+$0xFFFFFFA0] =	vst v7  }
0x9d: {  	v7 =	vunpack.i.u.s16.s32 v5;
	[tilespmem:s25+$0xFFFFFFC0] =	vst v9;
	v18 =	vld.idx.msk [tilespmem:v0+s17+$0x0], $0xffff  }
0x9e: {  	[tilespmem:s25+$0xFFFFFFE0] =	vst v11;
	v3 =	vld.idx.msk [tilespmem:v1+s17+$0x0], $0xffff  }
0x9f: {  	[tilespmem:s25+$0x0] =	vst v12;
	v4 =	vld.idx.msk [tilespmem:v16+s17+$0x0], $0xffff  }
0xa0: {  	[tilespmem:s25+$0x20] =	vst v13;
	v5 =	vld.idx.msk [tilespmem:v17+s17+$0x0], $0xffff  }
0xa1: {  	[tilespmem:s25+$0x40] =	vst v14;
	v6 =	vld.idx.msk [tilespmem:v6+s17+$0x0], $0xffff  }
0xa2: {  	s28 =	simm.s32 $0x11EF0;
	s26 =	simm.s32 $0x0;
	v0 =	vunpack.i.u.s16.s32 v8;
	v1 =	vunpack.i.u.s16.s32 v10;
	v7 =	vld.idx.msk [tilespmem:v7+s17+$0x0], $0xffff;
	[tilespmem:s25+$0x70] =	vst v18  }
.LBB2_4:
0xa3: {  	v8 =	vld [tilespmem:s28+$0x0];
	s26 =	sadd.s32 $0x8, s26;
	[tilespmem:s25+$0xFFFFFF80] =	vst v2  }
0xa4: {  	v2 =	vld [tilespmem:s28+$0xFFFFFFA0];
	p0 =	slt.u32 s26, $0x1D8;
	[tilespmem:s25+$0xFFFFFFB0] =	vst v3  }
0xa5: {  	v3 =	vld [tilespmem:s28+$0xFFFFFFB0];
	[tilespmem:s25+$0xFFFFFFD0] =	vst v4  }
0xa6: {  	v4 =	vld [tilespmem:s28+$0xFFFFFFC0];
	[tilespmem:s25+$0xFFFFFFF0] =	vst v5  }
0xa7: {  	v5 =	vld [tilespmem:s28+$0xFFFFFFD0];
	[tilespmem:s25+$0x10] =	vst v6  }
0xa8: {  	v6 =	vld [tilespmem:s28+$0xFFFFFFE0];
	v9 =	vunpack.i.l.s16.s32 v8;
	[tilespmem:s25+$0x30] =	vst v7  }
0xa9: {  	v7 =	vunpack.i.u.s16.s32 v2;
	v2 =	vunpack.i.l.s16.s32 v2;
	v10 =	vld [tilespmem:s28+$0xFFFFFFF0]  }
0xaa: {  	v11 =	vld [tilespmem:s28+$0xFFFFFF90];
	v12 =	vunpack.i.u.s16.s32 v3;
	v3 =	vunpack.i.l.s16.s32 v3  }
0xab: {  	v13 =	vunpack.i.u.s16.s32 v4;
	v4 =	vunpack.i.l.s16.s32 v4;
	v14 =	vld.idx.msk [tilespmem:v1+s17+$0x0], $0xffff  }
0xac: {  	v15 =	vunpack.i.u.s16.s32 v5;
	v5 =	vunpack.i.l.s16.s32 v5;
	v16 =	vld.idx.msk [tilespmem:v0+s17+$0x0], $0xffff  }
0xad: {  	v17 =	vunpack.i.u.s16.s32 v6;
	v6 =	vunpack.i.l.s16.s32 v6;
	v9 =	vld.idx.msk [tilespmem:v9+s17+$0x0], $0xffff  }
0xae: {  	v2 =	vld.idx.msk [tilespmem:v2+s17+$0x0], $0xffff;
	v0 =	vunpack.i.u.s16.s32 v10;
	v10 =	vunpack.i.l.s16.s32 v10  }
0xaf: {  	v8 =	vunpack.i.u.s16.s32 v8;
	v1 =	vunpack.i.u.s16.s32 v11;
	v11 =	vunpack.i.l.s16.s32 v11;
	v3 =	vld.idx.msk [tilespmem:v3+s17+$0x0], $0xffff  }
0xb0: {  	v4 =	vld.idx.msk [tilespmem:v4+s17+$0x0], $0xffff  }
0xb1: {  	v5 =	vld.idx.msk [tilespmem:v5+s17+$0x0], $0xffff;
	[tilespmem:s25+$0xFFFFFF90] =	vst v14  }
0xb2: {  	v6 =	vld.idx.msk [tilespmem:v6+s17+$0x0], $0xffff;
	[tilespmem:s25+$0x50] =	vst v16;
	s25 =	sadd.s32 $0x100, s25  }
0xb3: {  	v10 =	vld.idx.msk [tilespmem:v10+s17+$0x0], $0xffff;
	[tilespmem:s25+$0x60] =	vst v9  }
0xb4: {  	[tilespmem:s25+$0xFFFFFFA0] =	vst v2;
	v8 =	vld.idx.msk [tilespmem:v8+s17+$0x0], $0xffff  }
0xb5: {  	v2 =	vld.idx.msk [tilespmem:v11+s17+$0x0], $0xffff;
	[tilespmem:s25+$0xFFFFFFC0] =	vst v3  }
.Ltmp1:
0xb6: {  	v3 =	vld.idx.msk [tilespmem:v7+s17+$0x0], $0xffff;
	[tilespmem:s25+$0xFFFFFFE0] =	vst v4;
	(pc) =	sbr.rel @p0 .LBB2_4-.Ltmp1, $4  }
0xb7: {  	v4 =	vld.idx.msk [tilespmem:v12+s17+$0x0], $0xffff;
	[tilespmem:s25+$0x0] =	vst v5  }
0xb8: {  	v5 =	vld.idx.msk [tilespmem:v13+s17+$0x0], $0xffff;
	[tilespmem:s25+$0x20] =	vst v6  }
0xb9: {  	v6 =	vld.idx.msk [tilespmem:v15+s17+$0x0], $0xffff;
	[tilespmem:s25+$0x40] =	vst v10  }
0xba: {  	s28 =	sadd.s32 $0x80, s28;
	v7 =	vld.idx.msk [tilespmem:v17+s17+$0x0], $0xffff;
	[tilespmem:s25+$0x70] =	vst v8  }
0xbb: {  	_ =	sdelay $0x2  }
0xbc: {  	[tilespmem:s25+$0xFFFFFF80] =	vst v2  }
0xbd: {  	[tilespmem:s25+$0xFFFFFFB0] =	vst v3;
	v0 =	vld.idx.msk [tilespmem:v0+s17+$0x0], $0xffff  }
0xbe: {  	v1 =	vld.idx.msk [tilespmem:v1+s17+$0x0], $0xffff;
	[tilespmem:s25+$0xFFFFFFD0] =	vst v4  }
0xbf: {  	[tilespmem:s25+$0xFFFFFFF0] =	vst v5  }
0xc0: {  	[tilespmem:s25+$0x10] =	vst v6  }
0xc1: {  	[tilespmem:s25+$0x30] =	vst v7  }
0xc2: {  	[tilespmem:s25+$0x50] =	vst v0  }
0xc3: {  	[tilespmem:s25+$0xFFFFFF90] =	vst v1  }
0xc4: {  	s25 =	rddreg [dreg:$0x12]  }
0xc5: {  	[hbm4b:s25+s13] =	stream.strided.scatter [tilespmem:s19], [sflag:$0x6], $0x3C00, s14, s13, $0x38;
	[tilespmem:$0x1F000] =	vst v63  }
0xc6: {  	s26 =	rddreg [dreg:$0x5]  }
0xc7: {  	[tilespmem:s17], [sflag:$0x1] =	stream.strided.gather [hbm4b:s26+s13], $0x8000, s14, s13, $0x38;
	[tilespmem:$0x1F000] =	vst v63  }
0xc8: {  	_ =	swait.ge [sflag:s20], $0x8000  }
0xc9: {  	[sflag:s20] =	ssyncset.done $0x0  }
0xca: {  	[sflag:s20] =	ssyncadd.s32 $0xFFFF8000  }
0xcb: {  	_ =	swait.ge [sflag:s21], $0x3C00  }
0xcc: {  	[sflag:s21] =	ssyncset.done $0x0  }
0xcd: {  	s26 =	simm.s32 $0x10040;
	[sflag:s21] =	ssyncadd.s32 $0xFFFFC400  }
0xce: {  	v0 =	vld [tilespmem:s26+$0x30]  }
0xcf: {  	v1 =	vld [tilespmem:s26+$0xFFFFFFD0]  }
0xd0: {  	v2 =	vld [tilespmem:s26+$0xFFFFFFE0]  }
0xd1: {  	v3 =	vld [tilespmem:s26+$0xFFFFFFF0]  }
0xd2: {  	v4 =	vld [tilespmem:s26+$0x0]  }
0xd3: {  	v5 =	vld [tilespmem:s26+$0x10];
	v6 =	vunpack.i.l.s16.s32 v0  }
0xd4: {  	v8 =	vld [tilespmem:s26+$0x20];
	v7 =	vunpack.i.l.s16.s32 v1  }
0xd5: {  	v10 =	vld [tilespmem:s26+$0xFFFFFFC0];
	v9 =	vunpack.i.l.s16.s32 v2  }
0xd6: {  	v11 =	vunpack.i.l.s16.s32 v3  }
0xd7: {  	v12 =	vunpack.i.l.s16.s32 v4  }
0xd8: {  	v13 =	vunpack.i.l.s16.s32 v5;
	v6 =	vld.idx.msk [tilespmem:v6+s15+$0x0], $0xffff  }
0xd9: {  	v14 =	vunpack.i.l.s16.s32 v8;
	v7 =	vld.idx.msk [tilespmem:v7+s15+$0x0], $0xffff  }
0xda: {  	v15 =	vunpack.i.l.s16.s32 v10;
	v9 =	vld.idx.msk [tilespmem:v9+s15+$0x0], $0xffff  }
0xdb: {  	v0 =	vunpack.i.u.s16.s32 v0;
	v11 =	vld.idx.msk [tilespmem:v11+s15+$0x0], $0xffff  }
0xdc: {  	v1 =	vunpack.i.u.s16.s32 v1;
	v12 =	vld.idx.msk [tilespmem:v12+s15+$0x0], $0xffff  }
0xdd: {  	s25 =	simm.s32 $0x17880;
	v16 =	vunpack.i.u.s16.s32 v2;
	v13 =	vld.idx.msk [tilespmem:v13+s15+$0x0], $0xffff  }
0xde: {  	v17 =	vunpack.i.u.s16.s32 v3;
	v14 =	vld.idx.msk [tilespmem:v14+s15+$0x0], $0xffff;
	[tilespmem:s25+$0x60] =	vst v6  }
0xdf: {  	v2 =	vld.idx.msk [tilespmem:v15+s15+$0x0], $0xffff;
	v6 =	vunpack.i.u.s16.s32 v4;
	[tilespmem:s25+$0xFFFFFFA0] =	vst v7  }
0xe0: {  	v7 =	vunpack.i.u.s16.s32 v5;
	[tilespmem:s25+$0xFFFFFFC0] =	vst v9;
	v18 =	vld.idx.msk [tilespmem:v0+s15+$0x0], $0xffff  }
0xe1: {  	[tilespmem:s25+$0xFFFFFFE0] =	vst v11;
	v3 =	vld.idx.msk [tilespmem:v1+s15+$0x0], $0xffff  }
0xe2: {  	[tilespmem:s25+$0x0] =	vst v12;
	v4 =	vld.idx.msk [tilespmem:v16+s15+$0x0], $0xffff  }
0xe3: {  	[tilespmem:s25+$0x20] =	vst v13;
	v5 =	vld.idx.msk [tilespmem:v17+s15+$0x0], $0xffff  }
0xe4: {  	[tilespmem:s25+$0x40] =	vst v14;
	v6 =	vld.idx.msk [tilespmem:v6+s15+$0x0], $0xffff  }
0xe5: {  	s28 =	simm.s32 $0x100C0;
	s26 =	simm.s32 $0x0;
	v0 =	vunpack.i.u.s16.s32 v8;
	v1 =	vunpack.i.u.s16.s32 v10;
	v7 =	vld.idx.msk [tilespmem:v7+s15+$0x0], $0xffff;
	[tilespmem:s25+$0x70] =	vst v18  }
.LBB2_6:
0xe6: {  	v8 =	vld [tilespmem:s28+$0x30];
	s26 =	sadd.s32 $0x8, s26;
	[tilespmem:s25+$0xFFFFFF80] =	vst v2  }
0xe7: {  	v2 =	vld [tilespmem:s28+$0xFFFFFFD0];
	p0 =	slt.u32 s26, $0x1D8;
	[tilespmem:s25+$0xFFFFFFB0] =	vst v3  }
0xe8: {  	v3 =	vld [tilespmem:s28+$0xFFFFFFE0];
	[tilespmem:s25+$0xFFFFFFD0] =	vst v4  }
0xe9: {  	v4 =	vld [tilespmem:s28+$0xFFFFFFF0];
	[tilespmem:s25+$0xFFFFFFF0] =	vst v5  }
0xea: {  	v5 =	vld [tilespmem:s28+$0x0];
	[tilespmem:s25+$0x10] =	vst v6  }
0xeb: {  	v6 =	vld [tilespmem:s28+$0x10];
	v9 =	vunpack.i.l.s16.s32 v8;
	[tilespmem:s25+$0x30] =	vst v7  }
0xec: {  	v7 =	vunpack.i.u.s16.s32 v2;
	v2 =	vunpack.i.l.s16.s32 v2;
	v10 =	vld [tilespmem:s28+$0x20]  }
0xed: {  	v11 =	vld [tilespmem:s28+$0xFFFFFFC0];
	v12 =	vunpack.i.u.s16.s32 v3;
	v3 =	vunpack.i.l.s16.s32 v3  }
0xee: {  	v13 =	vunpack.i.u.s16.s32 v4;
	v4 =	vunpack.i.l.s16.s32 v4;
	v14 =	vld.idx.msk [tilespmem:v1+s15+$0x0], $0xffff  }
0xef: {  	v15 =	vunpack.i.u.s16.s32 v5;
	v5 =	vunpack.i.l.s16.s32 v5;
	v16 =	vld.idx.msk [tilespmem:v0+s15+$0x0], $0xffff  }
0xf0: {  	v17 =	vunpack.i.u.s16.s32 v6;
	v6 =	vunpack.i.l.s16.s32 v6;
	v9 =	vld.idx.msk [tilespmem:v9+s15+$0x0], $0xffff  }
0xf1: {  	v2 =	vld.idx.msk [tilespmem:v2+s15+$0x0], $0xffff;
	v0 =	vunpack.i.u.s16.s32 v10;
	v10 =	vunpack.i.l.s16.s32 v10  }
0xf2: {  	v8 =	vunpack.i.u.s16.s32 v8;
	v1 =	vunpack.i.u.s16.s32 v11;
	v11 =	vunpack.i.l.s16.s32 v11;
	v3 =	vld.idx.msk [tilespmem:v3+s15+$0x0], $0xffff  }
0xf3: {  	v4 =	vld.idx.msk [tilespmem:v4+s15+$0x0], $0xffff  }
0xf4: {  	v5 =	vld.idx.msk [tilespmem:v5+s15+$0x0], $0xffff;
	[tilespmem:s25+$0xFFFFFF90] =	vst v14  }
0xf5: {  	v6 =	vld.idx.msk [tilespmem:v6+s15+$0x0], $0xffff;
	[tilespmem:s25+$0x50] =	vst v16;
	s25 =	sadd.s32 $0x100, s25  }
0xf6: {  	v10 =	vld.idx.msk [tilespmem:v10+s15+$0x0], $0xffff;
	[tilespmem:s25+$0x60] =	vst v9  }
0xf7: {  	[tilespmem:s25+$0xFFFFFFA0] =	vst v2;
	v8 =	vld.idx.msk [tilespmem:v8+s15+$0x0], $0xffff  }
0xf8: {  	v2 =	vld.idx.msk [tilespmem:v11+s15+$0x0], $0xffff;
	[tilespmem:s25+$0xFFFFFFC0] =	vst v3  }
.Ltmp2:
0xf9: {  	v3 =	vld.idx.msk [tilespmem:v7+s15+$0x0], $0xffff;
	[tilespmem:s25+$0xFFFFFFE0] =	vst v4;
	(pc) =	sbr.rel @p0 .LBB2_6-.Ltmp2, $4  }
0xfa: {  	v4 =	vld.idx.msk [tilespmem:v12+s15+$0x0], $0xffff;
	[tilespmem:s25+$0x0] =	vst v5  }
0xfb: {  	v5 =	vld.idx.msk [tilespmem:v13+s15+$0x0], $0xffff;
	[tilespmem:s25+$0x20] =	vst v6  }
0xfc: {  	v6 =	vld.idx.msk [tilespmem:v15+s15+$0x0], $0xffff;
	[tilespmem:s25+$0x40] =	vst v10  }
0xfd: {  	s28 =	sadd.s32 $0x80, s28;
	v7 =	vld.idx.msk [tilespmem:v17+s15+$0x0], $0xffff;
	[tilespmem:s25+$0x70] =	vst v8  }
0xfe: {  	_ =	sdelay $0x2  }
0xff: {  	[tilespmem:s25+$0xFFFFFF80] =	vst v2  }
0x100: {  	[tilespmem:s25+$0xFFFFFFB0] =	vst v3;
	v0 =	vld.idx.msk [tilespmem:v0+s15+$0x0], $0xffff  }
0x101: {  	v1 =	vld.idx.msk [tilespmem:v1+s15+$0x0], $0xffff;
	[tilespmem:s25+$0xFFFFFFD0] =	vst v4  }
0x102: {  	[tilespmem:s25+$0xFFFFFFF0] =	vst v5  }
0x103: {  	[tilespmem:s25+$0x10] =	vst v6  }
0x104: {  	[tilespmem:s25+$0x30] =	vst v7  }
0x105: {  	[tilespmem:s25+$0x50] =	vst v0  }
0x106: {  	[tilespmem:s25+$0xFFFFFF90] =	vst v1  }
0x107: {  	s25 =	rddreg [dreg:$0x13]  }
0x108: {  	[hbm4b:s25+s13] =	stream.strided.scatter [tilespmem:s18], [sflag:$0x5], $0x3C00, s14, s13, $0x38;
	[tilespmem:$0x1F000] =	vst v63  }
0x109: {  	_ =	swait.ge [sflag:s22], $0x3C00  }
0x10a: {  	[sflag:s22] =	ssyncset.done $0x0  }
0x10b: {  	s26 =	simm.s32 $0x11E70;
	[sflag:s22] =	ssyncadd.s32 $0xFFFFC400  }
0x10c: {  	v0 =	vld [tilespmem:s26+$0x0]  }
0x10d: {  	v1 =	vld [tilespmem:s26+$0xFFFFFFA0]  }
0x10e: {  	v2 =	vld [tilespmem:s26+$0xFFFFFFB0]  }
0x10f: {  	v3 =	vld [tilespmem:s26+$0xFFFFFFC0]  }
0x110: {  	v4 =	vld [tilespmem:s26+$0xFFFFFFD0]  }
0x111: {  	v5 =	vld [tilespmem:s26+$0xFFFFFFE0];
	v6 =	vunpack.i.l.s16.s32 v0  }
0x112: {  	v8 =	vld [tilespmem:s26+$0xFFFFFFF0];
	v7 =	vunpack.i.l.s16.s32 v1  }
0x113: {  	v10 =	vld [tilespmem:s26+$0xFFFFFF90];
	v9 =	vunpack.i.l.s16.s32 v2  }
0x114: {  	v11 =	vunpack.i.l.s16.s32 v3  }
0x115: {  	v12 =	vunpack.i.l.s16.s32 v4  }
0x116: {  	v13 =	vunpack.i.l.s16.s32 v5;
	v6 =	vld.idx.msk [tilespmem:v6+s15+$0x0], $0xffff  }
0x117: {  	v14 =	vunpack.i.l.s16.s32 v8;
	v7 =	vld.idx.msk [tilespmem:v7+s15+$0x0], $0xffff  }
0x118: {  	v15 =	vunpack.i.l.s16.s32 v10;
	v9 =	vld.idx.msk [tilespmem:v9+s15+$0x0], $0xffff  }
0x119: {  	v0 =	vunpack.i.u.s16.s32 v0;
	v11 =	vld.idx.msk [tilespmem:v11+s15+$0x0], $0xffff  }
0x11a: {  	v1 =	vunpack.i.u.s16.s32 v1;
	v12 =	vld.idx.msk [tilespmem:v12+s15+$0x0], $0xffff  }
0x11b: {  	s25 =	simm.s32 $0x1B480;
	v16 =	vunpack.i.u.s16.s32 v2;
	v13 =	vld.idx.msk [tilespmem:v13+s15+$0x0], $0xffff  }
0x11c: {  	v17 =	vunpack.i.u.s16.s32 v3;
	v14 =	vld.idx.msk [tilespmem:v14+s15+$0x0], $0xffff;
	[tilespmem:s25+$0x60] =	vst v6  }
0x11d: {  	v2 =	vld.idx.msk [tilespmem:v15+s15+$0x0], $0xffff;
	v6 =	vunpack.i.u.s16.s32 v4;
	[tilespmem:s25+$0xFFFFFFA0] =	vst v7  }
0x11e: {  	v7 =	vunpack.i.u.s16.s32 v5;
	[tilespmem:s25+$0xFFFFFFC0] =	vst v9;
	v18 =	vld.idx.msk [tilespmem:v0+s15+$0x0], $0xffff  }
0x11f: {  	[tilespmem:s25+$0xFFFFFFE0] =	vst v11;
	v3 =	vld.idx.msk [tilespmem:v1+s15+$0x0], $0xffff  }
0x120: {  	[tilespmem:s25+$0x0] =	vst v12;
	v4 =	vld.idx.msk [tilespmem:v16+s15+$0x0], $0xffff  }
0x121: {  	[tilespmem:s25+$0x20] =	vst v13;
	v5 =	vld.idx.msk [tilespmem:v17+s15+$0x0], $0xffff  }
0x122: {  	[tilespmem:s25+$0x40] =	vst v14;
	v6 =	vld.idx.msk [tilespmem:v6+s15+$0x0], $0xffff  }
0x123: {  	s28 =	simm.s32 $0x11EF0;
	s26 =	simm.s32 $0x0;
	v0 =	vunpack.i.u.s16.s32 v8;
	v1 =	vunpack.i.u.s16.s32 v10;
	v7 =	vld.idx.msk [tilespmem:v7+s15+$0x0], $0xffff;
	[tilespmem:s25+$0x70] =	vst v18  }
.LBB2_8:
0x124: {  	v8 =	vld [tilespmem:s28+$0x0];
	s26 =	sadd.s32 $0x8, s26;
	[tilespmem:s25+$0xFFFFFF80] =	vst v2  }
0x125: {  	v2 =	vld [tilespmem:s28+$0xFFFFFFA0];
	p0 =	slt.u32 s26, $0x1D8;
	[tilespmem:s25+$0xFFFFFFB0] =	vst v3  }
0x126: {  	v3 =	vld [tilespmem:s28+$0xFFFFFFB0];
	[tilespmem:s25+$0xFFFFFFD0] =	vst v4  }
0x127: {  	v4 =	vld [tilespmem:s28+$0xFFFFFFC0];
	[tilespmem:s25+$0xFFFFFFF0] =	vst v5  }
0x128: {  	v5 =	vld [tilespmem:s28+$0xFFFFFFD0];
	[tilespmem:s25+$0x10] =	vst v6  }
0x129: {  	v6 =	vld [tilespmem:s28+$0xFFFFFFE0];
	v9 =	vunpack.i.l.s16.s32 v8;
	[tilespmem:s25+$0x30] =	vst v7  }
0x12a: {  	v7 =	vunpack.i.u.s16.s32 v2;
	v2 =	vunpack.i.l.s16.s32 v2;
	v10 =	vld [tilespmem:s28+$0xFFFFFFF0]  }
0x12b: {  	v11 =	vld [tilespmem:s28+$0xFFFFFF90];
	v12 =	vunpack.i.u.s16.s32 v3;
	v3 =	vunpack.i.l.s16.s32 v3  }
0x12c: {  	v13 =	vunpack.i.u.s16.s32 v4;
	v4 =	vunpack.i.l.s16.s32 v4;
	v14 =	vld.idx.msk [tilespmem:v1+s15+$0x0], $0xffff  }
0x12d: {  	v15 =	vunpack.i.u.s16.s32 v5;
	v5 =	vunpack.i.l.s16.s32 v5;
	v16 =	vld.idx.msk [tilespmem:v0+s15+$0x0], $0xffff  }
0x12e: {  	v17 =	vunpack.i.u.s16.s32 v6;
	v6 =	vunpack.i.l.s16.s32 v6;
	v9 =	vld.idx.msk [tilespmem:v9+s15+$0x0], $0xffff  }
0x12f: {  	v2 =	vld.idx.msk [tilespmem:v2+s15+$0x0], $0xffff;
	v0 =	vunpack.i.u.s16.s32 v10;
	v10 =	vunpack.i.l.s16.s32 v10  }
0x130: {  	v8 =	vunpack.i.u.s16.s32 v8;
	v1 =	vunpack.i.u.s16.s32 v11;
	v11 =	vunpack.i.l.s16.s32 v11;
	v3 =	vld.idx.msk [tilespmem:v3+s15+$0x0], $0xffff  }
0x131: {  	v4 =	vld.idx.msk [tilespmem:v4+s15+$0x0], $0xffff  }
0x132: {  	v5 =	vld.idx.msk [tilespmem:v5+s15+$0x0], $0xffff;
	[tilespmem:s25+$0xFFFFFF90] =	vst v14  }
0x133: {  	v6 =	vld.idx.msk [tilespmem:v6+s15+$0x0], $0xffff;
	[tilespmem:s25+$0x50] =	vst v16;
	s25 =	sadd.s32 $0x100, s25  }
0x134: {  	v10 =	vld.idx.msk [tilespmem:v10+s15+$0x0], $0xffff;
	[tilespmem:s25+$0x60] =	vst v9  }
0x135: {  	[tilespmem:s25+$0xFFFFFFA0] =	vst v2;
	v8 =	vld.idx.msk [tilespmem:v8+s15+$0x0], $0xffff  }
0x136: {  	v2 =	vld.idx.msk [tilespmem:v11+s15+$0x0], $0xffff;
	[tilespmem:s25+$0xFFFFFFC0] =	vst v3  }
.Ltmp3:
0x137: {  	v3 =	vld.idx.msk [tilespmem:v7+s15+$0x0], $0xffff;
	[tilespmem:s25+$0xFFFFFFE0] =	vst v4;
	(pc) =	sbr.rel @p0 .LBB2_8-.Ltmp3, $4  }
0x138: {  	v4 =	vld.idx.msk [tilespmem:v12+s15+$0x0], $0xffff;
	[tilespmem:s25+$0x0] =	vst v5  }
0x139: {  	v5 =	vld.idx.msk [tilespmem:v13+s15+$0x0], $0xffff;
	[tilespmem:s25+$0x20] =	vst v6  }
0x13a: {  	v6 =	vld.idx.msk [tilespmem:v15+s15+$0x0], $0xffff;
	[tilespmem:s25+$0x40] =	vst v10  }
0x13b: {  	s28 =	sadd.s32 $0x80, s28;
	v7 =	vld.idx.msk [tilespmem:v17+s15+$0x0], $0xffff;
	[tilespmem:s25+$0x70] =	vst v8  }
0x13c: {  	_ =	sdelay $0x2  }
0x13d: {  	[tilespmem:s25+$0xFFFFFF80] =	vst v2  }
0x13e: {  	[tilespmem:s25+$0xFFFFFFB0] =	vst v3;
	v0 =	vld.idx.msk [tilespmem:v0+s15+$0x0], $0xffff  }
0x13f: {  	v1 =	vld.idx.msk [tilespmem:v1+s15+$0x0], $0xffff;
	[tilespmem:s25+$0xFFFFFFD0] =	vst v4  }
0x140: {  	[tilespmem:s25+$0xFFFFFFF0] =	vst v5  }
0x141: {  	[tilespmem:s25+$0x10] =	vst v6  }
0x142: {  	[tilespmem:s25+$0x30] =	vst v7  }
0x143: {  	[tilespmem:s25+$0x50] =	vst v0  }
0x144: {  	[tilespmem:s25+$0xFFFFFF90] =	vst v1  }
0x145: {  	s25 =	rddreg [dreg:$0x14]  }
0x146: {  	[hbm4b:s25+s13] =	stream.strided.scatter [tilespmem:s19], [sflag:$0x6], $0x3C00, s14, s13, $0x38;
	[tilespmem:$0x1F000] =	vst v63  }
0x147: {  	s26 =	rddreg [dreg:$0x6]  }
0x148: {  	[tilespmem:s15], [sflag:$0x2] =	stream.strided.gather [hbm4b:s26+s13], $0x8000, s14, s13, $0x38;
	[tilespmem:$0x1F000] =	vst v63  }
0x149: {  	_ =	swait.ge [sflag:s12], $0x8000  }
0x14a: {  	[sflag:s12] =	ssyncset.done $0x0  }
0x14b: {  	[sflag:s12] =	ssyncadd.s32 $0xFFFF8000  }
0x14c: {  	_ =	swait.ge [sflag:s21], $0x3C00  }
0x14d: {  	[sflag:s21] =	ssyncset.done $0x0  }
0x14e: {  	s26 =	simm.s32 $0x10040;
	[sflag:s21] =	ssyncadd.s32 $0xFFFFC400  }
0x14f: {  	v0 =	vld [tilespmem:s26+$0x30]  }
0x150: {  	v1 =	vld [tilespmem:s26+$0xFFFFFFD0]  }
0x151: {  	v2 =	vld [tilespmem:s26+$0xFFFFFFE0]  }
0x152: {  	v3 =	vld [tilespmem:s26+$0xFFFFFFF0]  }
0x153: {  	v4 =	vld [tilespmem:s26+$0x0]  }
0x154: {  	v5 =	vld [tilespmem:s26+$0x10];
	v6 =	vunpack.i.l.s16.s32 v0  }
0x155: {  	v8 =	vld [tilespmem:s26+$0x20];
	v7 =	vunpack.i.l.s16.s32 v1  }
0x156: {  	v10 =	vld [tilespmem:s26+$0xFFFFFFC0];
	v9 =	vunpack.i.l.s16.s32 v2  }
0x157: {  	v11 =	vunpack.i.l.s16.s32 v3  }
0x158: {  	v12 =	vunpack.i.l.s16.s32 v4  }
0x159: {  	v13 =	vunpack.i.l.s16.s32 v5;
	v6 =	vld.idx.msk [tilespmem:v6+s17+$0x0], $0xffff  }
0x15a: {  	v14 =	vunpack.i.l.s16.s32 v8;
	v7 =	vld.idx.msk [tilespmem:v7+s17+$0x0], $0xffff  }
0x15b: {  	v15 =	vunpack.i.l.s16.s32 v10;
	v9 =	vld.idx.msk [tilespmem:v9+s17+$0x0], $0xffff  }
0x15c: {  	v0 =	vunpack.i.u.s16.s32 v0;
	v11 =	vld.idx.msk [tilespmem:v11+s17+$0x0], $0xffff  }
0x15d: {  	v1 =	vunpack.i.u.s16.s32 v1;
	v12 =	vld.idx.msk [tilespmem:v12+s17+$0x0], $0xffff  }
0x15e: {  	s25 =	simm.s32 $0x17880;
	v16 =	vunpack.i.u.s16.s32 v2;
	v13 =	vld.idx.msk [tilespmem:v13+s17+$0x0], $0xffff  }
0x15f: {  	v17 =	vunpack.i.u.s16.s32 v3;
	v14 =	vld.idx.msk [tilespmem:v14+s17+$0x0], $0xffff;
	[tilespmem:s25+$0x60] =	vst v6  }
0x160: {  	v2 =	vld.idx.msk [tilespmem:v15+s17+$0x0], $0xffff;
	v6 =	vunpack.i.u.s16.s32 v4;
	[tilespmem:s25+$0xFFFFFFA0] =	vst v7  }
0x161: {  	v7 =	vunpack.i.u.s16.s32 v5;
	[tilespmem:s25+$0xFFFFFFC0] =	vst v9;
	v18 =	vld.idx.msk [tilespmem:v0+s17+$0x0], $0xffff  }
0x162: {  	[tilespmem:s25+$0xFFFFFFE0] =	vst v11;
	v3 =	vld.idx.msk [tilespmem:v1+s17+$0x0], $0xffff  }
0x163: {  	[tilespmem:s25+$0x0] =	vst v12;
	v4 =	vld.idx.msk [tilespmem:v16+s17+$0x0], $0xffff  }
0x164: {  	[tilespmem:s25+$0x20] =	vst v13;
	v5 =	vld.idx.msk [tilespmem:v17+s17+$0x0], $0xffff  }
0x165: {  	[tilespmem:s25+$0x40] =	vst v14;
	v6 =	vld.idx.msk [tilespmem:v6+s17+$0x0], $0xffff  }
0x166: {  	s28 =	simm.s32 $0x100C0;
	s26 =	simm.s32 $0x0;
	v0 =	vunpack.i.u.s16.s32 v8;
	v1 =	vunpack.i.u.s16.s32 v10;
	v7 =	vld.idx.msk [tilespmem:v7+s17+$0x0], $0xffff;
	[tilespmem:s25+$0x70] =	vst v18  }
.LBB2_10:
0x167: {  	v8 =	vld [tilespmem:s28+$0x30];
	s26 =	sadd.s32 $0x8, s26;
	[tilespmem:s25+$0xFFFFFF80] =	vst v2  }
0x168: {  	v2 =	vld [tilespmem:s28+$0xFFFFFFD0];
	p0 =	slt.u32 s26, $0x1D8;
	[tilespmem:s25+$0xFFFFFFB0] =	vst v3  }
0x169: {  	v3 =	vld [tilespmem:s28+$0xFFFFFFE0];
	[tilespmem:s25+$0xFFFFFFD0] =	vst v4  }
0x16a: {  	v4 =	vld [tilespmem:s28+$0xFFFFFFF0];
	[tilespmem:s25+$0xFFFFFFF0] =	vst v5  }
0x16b: {  	v5 =	vld [tilespmem:s28+$0x0];
	[tilespmem:s25+$0x10] =	vst v6  }
0x16c: {  	v6 =	vld [tilespmem:s28+$0x10];
	v9 =	vunpack.i.l.s16.s32 v8;
	[tilespmem:s25+$0x30] =	vst v7  }
0x16d: {  	v7 =	vunpack.i.u.s16.s32 v2;
	v2 =	vunpack.i.l.s16.s32 v2;
	v10 =	vld [tilespmem:s28+$0x20]  }
0x16e: {  	v11 =	vld [tilespmem:s28+$0xFFFFFFC0];
	v12 =	vunpack.i.u.s16.s32 v3;
	v3 =	vunpack.i.l.s16.s32 v3  }
0x16f: {  	v13 =	vunpack.i.u.s16.s32 v4;
	v4 =	vunpack.i.l.s16.s32 v4;
	v14 =	vld.idx.msk [tilespmem:v1+s17+$0x0], $0xffff  }
0x170: {  	v15 =	vunpack.i.u.s16.s32 v5;
	v5 =	vunpack.i.l.s16.s32 v5;
	v16 =	vld.idx.msk [tilespmem:v0+s17+$0x0], $0xffff  }
0x171: {  	v17 =	vunpack.i.u.s16.s32 v6;
	v6 =	vunpack.i.l.s16.s32 v6;
	v9 =	vld.idx.msk [tilespmem:v9+s17+$0x0], $0xffff  }
0x172: {  	v2 =	vld.idx.msk [tilespmem:v2+s17+$0x0], $0xffff;
	v0 =	vunpack.i.u.s16.s32 v10;
	v10 =	vunpack.i.l.s16.s32 v10  }
0x173: {  	v8 =	vunpack.i.u.s16.s32 v8;
	v1 =	vunpack.i.u.s16.s32 v11;
	v11 =	vunpack.i.l.s16.s32 v11;
	v3 =	vld.idx.msk [tilespmem:v3+s17+$0x0], $0xffff  }
0x174: {  	v4 =	vld.idx.msk [tilespmem:v4+s17+$0x0], $0xffff  }
0x175: {  	v5 =	vld.idx.msk [tilespmem:v5+s17+$0x0], $0xffff;
	[tilespmem:s25+$0xFFFFFF90] =	vst v14  }
0x176: {  	v6 =	vld.idx.msk [tilespmem:v6+s17+$0x0], $0xffff;
	[tilespmem:s25+$0x50] =	vst v16;
	s25 =	sadd.s32 $0x100, s25  }
0x177: {  	v10 =	vld.idx.msk [tilespmem:v10+s17+$0x0], $0xffff;
	[tilespmem:s25+$0x60] =	vst v9  }
0x178: {  	[tilespmem:s25+$0xFFFFFFA0] =	vst v2;
	v8 =	vld.idx.msk [tilespmem:v8+s17+$0x0], $0xffff  }
0x179: {  	v2 =	vld.idx.msk [tilespmem:v11+s17+$0x0], $0xffff;
	[tilespmem:s25+$0xFFFFFFC0] =	vst v3  }
.Ltmp4:
0x17a: {  	v3 =	vld.idx.msk [tilespmem:v7+s17+$0x0], $0xffff;
	[tilespmem:s25+$0xFFFFFFE0] =	vst v4;
	(pc) =	sbr.rel @p0 .LBB2_10-.Ltmp4, $4  }
0x17b: {  	v4 =	vld.idx.msk [tilespmem:v12+s17+$0x0], $0xffff;
	[tilespmem:s25+$0x0] =	vst v5  }
0x17c: {  	v5 =	vld.idx.msk [tilespmem:v13+s17+$0x0], $0xffff;
	[tilespmem:s25+$0x20] =	vst v6  }
0x17d: {  	v6 =	vld.idx.msk [tilespmem:v15+s17+$0x0], $0xffff;
	[tilespmem:s25+$0x40] =	vst v10  }
0x17e: {  	s28 =	sadd.s32 $0x80, s28;
	v7 =	vld.idx.msk [tilespmem:v17+s17+$0x0], $0xffff;
	[tilespmem:s25+$0x70] =	vst v8  }
0x17f: {  	_ =	sdelay $0x2  }
0x180: {  	[tilespmem:s25+$0xFFFFFF80] =	vst v2  }
0x181: {  	[tilespmem:s25+$0xFFFFFFB0] =	vst v3;
	v0 =	vld.idx.msk [tilespmem:v0+s17+$0x0], $0xffff  }
0x182: {  	v1 =	vld.idx.msk [tilespmem:v1+s17+$0x0], $0xffff;
	[tilespmem:s25+$0xFFFFFFD0] =	vst v4  }
0x183: {  	[tilespmem:s25+$0xFFFFFFF0] =	vst v5  }
0x184: {  	[tilespmem:s25+$0x10] =	vst v6  }
0x185: {  	[tilespmem:s25+$0x30] =	vst v7  }
0x186: {  	[tilespmem:s25+$0x50] =	vst v0  }
0x187: {  	[tilespmem:s25+$0xFFFFFF90] =	vst v1  }
0x188: {  	s25 =	rddreg [dreg:$0x15]  }
0x189: {  	[hbm4b:s25+s13] =	stream.strided.scatter [tilespmem:s18], [sflag:$0x5], $0x3C00, s14, s13, $0x38;
	[tilespmem:$0x1F000] =	vst v63  }
0x18a: {  	_ =	swait.ge [sflag:s22], $0x3C00  }
0x18b: {  	[sflag:s22] =	ssyncset.done $0x0  }
0x18c: {  	s26 =	simm.s32 $0x11E70;
	[sflag:s22] =	ssyncadd.s32 $0xFFFFC400  }
0x18d: {  	v0 =	vld [tilespmem:s26+$0x0]  }
0x18e: {  	v1 =	vld [tilespmem:s26+$0xFFFFFFA0]  }
0x18f: {  	v2 =	vld [tilespmem:s26+$0xFFFFFFB0]  }
0x190: {  	v3 =	vld [tilespmem:s26+$0xFFFFFFC0]  }
0x191: {  	v4 =	vld [tilespmem:s26+$0xFFFFFFD0]  }
0x192: {  	v5 =	vld [tilespmem:s26+$0xFFFFFFE0];
	v6 =	vunpack.i.l.s16.s32 v0  }
0x193: {  	v8 =	vld [tilespmem:s26+$0xFFFFFFF0];
	v7 =	vunpack.i.l.s16.s32 v1  }
0x194: {  	v10 =	vld [tilespmem:s26+$0xFFFFFF90];
	v9 =	vunpack.i.l.s16.s32 v2  }
0x195: {  	v11 =	vunpack.i.l.s16.s32 v3  }
0x196: {  	v12 =	vunpack.i.l.s16.s32 v4  }
0x197: {  	v13 =	vunpack.i.l.s16.s32 v5;
	v6 =	vld.idx.msk [tilespmem:v6+s17+$0x0], $0xffff  }
0x198: {  	v14 =	vunpack.i.l.s16.s32 v8;
	v7 =	vld.idx.msk [tilespmem:v7+s17+$0x0], $0xffff  }
0x199: {  	v15 =	vunpack.i.l.s16.s32 v10;
	v9 =	vld.idx.msk [tilespmem:v9+s17+$0x0], $0xffff  }
0x19a: {  	v0 =	vunpack.i.u.s16.s32 v0;
	v11 =	vld.idx.msk [tilespmem:v11+s17+$0x0], $0xffff  }
0x19b: {  	v1 =	vunpack.i.u.s16.s32 v1;
	v12 =	vld.idx.msk [tilespmem:v12+s17+$0x0], $0xffff  }
0x19c: {  	s25 =	simm.s32 $0x1B480;
	v16 =	vunpack.i.u.s16.s32 v2;
	v13 =	vld.idx.msk [tilespmem:v13+s17+$0x0], $0xffff  }
0x19d: {  	v17 =	vunpack.i.u.s16.s32 v3;
	v14 =	vld.idx.msk [tilespmem:v14+s17+$0x0], $0xffff;
	[tilespmem:s25+$0x60] =	vst v6  }
0x19e: {  	v2 =	vld.idx.msk [tilespmem:v15+s17+$0x0], $0xffff;
	v6 =	vunpack.i.u.s16.s32 v4;
	[tilespmem:s25+$0xFFFFFFA0] =	vst v7  }
0x19f: {  	v7 =	vunpack.i.u.s16.s32 v5;
	[tilespmem:s25+$0xFFFFFFC0] =	vst v9;
	v18 =	vld.idx.msk [tilespmem:v0+s17+$0x0], $0xffff  }
0x1a0: {  	[tilespmem:s25+$0xFFFFFFE0] =	vst v11;
	v3 =	vld.idx.msk [tilespmem:v1+s17+$0x0], $0xffff  }
0x1a1: {  	[tilespmem:s25+$0x0] =	vst v12;
	v4 =	vld.idx.msk [tilespmem:v16+s17+$0x0], $0xffff  }
0x1a2: {  	[tilespmem:s25+$0x20] =	vst v13;
	v5 =	vld.idx.msk [tilespmem:v17+s17+$0x0], $0xffff  }
0x1a3: {  	[tilespmem:s25+$0x40] =	vst v14;
	v6 =	vld.idx.msk [tilespmem:v6+s17+$0x0], $0xffff  }
0x1a4: {  	s28 =	simm.s32 $0x11EF0;
	s26 =	simm.s32 $0x0;
	v0 =	vunpack.i.u.s16.s32 v8;
	v1 =	vunpack.i.u.s16.s32 v10;
	v7 =	vld.idx.msk [tilespmem:v7+s17+$0x0], $0xffff;
	[tilespmem:s25+$0x70] =	vst v18  }
.LBB2_12:
0x1a5: {  	v8 =	vld [tilespmem:s28+$0x0];
	s26 =	sadd.s32 $0x8, s26;
	[tilespmem:s25+$0xFFFFFF80] =	vst v2  }
0x1a6: {  	v2 =	vld [tilespmem:s28+$0xFFFFFFA0];
	p0 =	slt.u32 s26, $0x1D8;
	[tilespmem:s25+$0xFFFFFFB0] =	vst v3  }
0x1a7: {  	v3 =	vld [tilespmem:s28+$0xFFFFFFB0];
	[tilespmem:s25+$0xFFFFFFD0] =	vst v4  }
0x1a8: {  	v4 =	vld [tilespmem:s28+$0xFFFFFFC0];
	[tilespmem:s25+$0xFFFFFFF0] =	vst v5  }
0x1a9: {  	v5 =	vld [tilespmem:s28+$0xFFFFFFD0];
	[tilespmem:s25+$0x10] =	vst v6  }
0x1aa: {  	v6 =	vld [tilespmem:s28+$0xFFFFFFE0];
	v9 =	vunpack.i.l.s16.s32 v8;
	[tilespmem:s25+$0x30] =	vst v7  }
0x1ab: {  	v7 =	vunpack.i.u.s16.s32 v2;
	v2 =	vunpack.i.l.s16.s32 v2;
	v10 =	vld [tilespmem:s28+$0xFFFFFFF0]  }
0x1ac: {  	v11 =	vld [tilespmem:s28+$0xFFFFFF90];
	v12 =	vunpack.i.u.s16.s32 v3;
	v3 =	vunpack.i.l.s16.s32 v3  }
0x1ad: {  	v13 =	vunpack.i.u.s16.s32 v4;
	v4 =	vunpack.i.l.s16.s32 v4;
	v14 =	vld.idx.msk [tilespmem:v1+s17+$0x0], $0xffff  }
0x1ae: {  	v15 =	vunpack.i.u.s16.s32 v5;
	v5 =	vunpack.i.l.s16.s32 v5;
	v16 =	vld.idx.msk [tilespmem:v0+s17+$0x0], $0xffff  }
0x1af: {  	v17 =	vunpack.i.u.s16.s32 v6;
	v6 =	vunpack.i.l.s16.s32 v6;
	v9 =	vld.idx.msk [tilespmem:v9+s17+$0x0], $0xffff  }
0x1b0: {  	v2 =	vld.idx.msk [tilespmem:v2+s17+$0x0], $0xffff;
	v0 =	vunpack.i.u.s16.s32 v10;
	v10 =	vunpack.i.l.s16.s32 v10  }
0x1b1: {  	v8 =	vunpack.i.u.s16.s32 v8;
	v1 =	vunpack.i.u.s16.s32 v11;
	v11 =	vunpack.i.l.s16.s32 v11;
	v3 =	vld.idx.msk [tilespmem:v3+s17+$0x0], $0xffff  }
0x1b2: {  	v4 =	vld.idx.msk [tilespmem:v4+s17+$0x0], $0xffff  }
0x1b3: {  	v5 =	vld.idx.msk [tilespmem:v5+s17+$0x0], $0xffff;
	[tilespmem:s25+$0xFFFFFF90] =	vst v14  }
0x1b4: {  	v6 =	vld.idx.msk [tilespmem:v6+s17+$0x0], $0xffff;
	[tilespmem:s25+$0x50] =	vst v16;
	s25 =	sadd.s32 $0x100, s25  }
0x1b5: {  	v10 =	vld.idx.msk [tilespmem:v10+s17+$0x0], $0xffff;
	[tilespmem:s25+$0x60] =	vst v9  }
0x1b6: {  	[tilespmem:s25+$0xFFFFFFA0] =	vst v2;
	v8 =	vld.idx.msk [tilespmem:v8+s17+$0x0], $0xffff  }
0x1b7: {  	v2 =	vld.idx.msk [tilespmem:v11+s17+$0x0], $0xffff;
	[tilespmem:s25+$0xFFFFFFC0] =	vst v3  }
.Ltmp5:
0x1b8: {  	v3 =	vld.idx.msk [tilespmem:v7+s17+$0x0], $0xffff;
	[tilespmem:s25+$0xFFFFFFE0] =	vst v4;
	(pc) =	sbr.rel @p0 .LBB2_12-.Ltmp5, $4  }
0x1b9: {  	v4 =	vld.idx.msk [tilespmem:v12+s17+$0x0], $0xffff;
	[tilespmem:s25+$0x0] =	vst v5  }
0x1ba: {  	v5 =	vld.idx.msk [tilespmem:v13+s17+$0x0], $0xffff;
	[tilespmem:s25+$0x20] =	vst v6  }
0x1bb: {  	v6 =	vld.idx.msk [tilespmem:v15+s17+$0x0], $0xffff;
	[tilespmem:s25+$0x40] =	vst v10  }
0x1bc: {  	s28 =	sadd.s32 $0x80, s28;
	v7 =	vld.idx.msk [tilespmem:v17+s17+$0x0], $0xffff;
	[tilespmem:s25+$0x70] =	vst v8  }
0x1bd: {  	_ =	sdelay $0x2  }
0x1be: {  	[tilespmem:s25+$0xFFFFFF80] =	vst v2  }
0x1bf: {  	[tilespmem:s25+$0xFFFFFFB0] =	vst v3;
	v0 =	vld.idx.msk [tilespmem:v0+s17+$0x0], $0xffff  }
0x1c0: {  	v1 =	vld.idx.msk [tilespmem:v1+s17+$0x0], $0xffff;
	[tilespmem:s25+$0xFFFFFFD0] =	vst v4  }
0x1c1: {  	[tilespmem:s25+$0xFFFFFFF0] =	vst v5  }
0x1c2: {  	[tilespmem:s25+$0x10] =	vst v6  }
0x1c3: {  	[tilespmem:s25+$0x30] =	vst v7  }
0x1c4: {  	[tilespmem:s25+$0x50] =	vst v0  }
0x1c5: {  	[tilespmem:s25+$0xFFFFFF90] =	vst v1  }
0x1c6: {  	s25 =	rddreg [dreg:$0x16]  }
0x1c7: {  	[hbm4b:s25+s13] =	stream.strided.scatter [tilespmem:s19], [sflag:$0x6], $0x3C00, s14, s13, $0x38;
	[tilespmem:$0x1F000] =	vst v63  }
0x1c8: {  	s26 =	rddreg [dreg:$0x7]  }
0x1c9: {  	[tilespmem:s17], [sflag:$0x1] =	stream.strided.gather [hbm4b:s26+s13], $0x8000, s14, s13, $0x38;
	[tilespmem:$0x1F000] =	vst v63  }
0x1ca: {  	_ =	swait.ge [sflag:s23], $0x3C00  }
0x1cb: {  	[sflag:s23] =	ssyncset.done $0x0  }
0x1cc: {  	s26 =	simm.s32 $0x10000;
	s25 =	rddreg [dreg:$0x8];
	[sflag:s23] =	ssyncadd.s32 $0xFFFFC400  }
0x1cd: {  	[tilespmem:s26], [sflag:$0x3] =	stream.linear.gather [hbm4b:s25+s17], $0x3C00, $0x38;
	[tilespmem:$0x1F000] =	vst v63  }
0x1ce: {  	_ =	swait.ge [sflag:s20], $0x8000  }
0x1cf: {  	[sflag:s20] =	ssyncset.done $0x0  }
0x1d0: {  	[sflag:s20] =	ssyncadd.s32 $0xFFFF8000  }
0x1d1: {  	_ =	swait.ge [sflag:s21], $0x3C00  }
0x1d2: {  	[sflag:s21] =	ssyncset.done $0x0  }
0x1d3: {  	s26 =	simm.s32 $0x13C40;
	[sflag:s21] =	ssyncadd.s32 $0xFFFFC400  }
0x1d4: {  	v0 =	vld [tilespmem:s26+$0x30]  }
0x1d5: {  	v1 =	vld [tilespmem:s26+$0xFFFFFFD0]  }
0x1d6: {  	v2 =	vld [tilespmem:s26+$0xFFFFFFE0]  }
0x1d7: {  	v3 =	vld [tilespmem:s26+$0xFFFFFFF0]  }
0x1d8: {  	v4 =	vld [tilespmem:s26+$0x0]  }
0x1d9: {  	v5 =	vld [tilespmem:s26+$0x10];
	v6 =	vunpack.i.l.s16.s32 v0  }
0x1da: {  	v8 =	vld [tilespmem:s26+$0x20];
	v7 =	vunpack.i.l.s16.s32 v1  }
0x1db: {  	v10 =	vld [tilespmem:s26+$0xFFFFFFC0];
	v9 =	vunpack.i.l.s16.s32 v2  }
0x1dc: {  	v11 =	vunpack.i.l.s16.s32 v3  }
0x1dd: {  	v12 =	vunpack.i.l.s16.s32 v4  }
0x1de: {  	v13 =	vunpack.i.l.s16.s32 v5;
	v6 =	vld.idx.msk [tilespmem:v6+s15+$0x0], $0xffff  }
0x1df: {  	v14 =	vunpack.i.l.s16.s32 v8;
	v7 =	vld.idx.msk [tilespmem:v7+s15+$0x0], $0xffff  }
0x1e0: {  	v15 =	vunpack.i.l.s16.s32 v10;
	v9 =	vld.idx.msk [tilespmem:v9+s15+$0x0], $0xffff  }
0x1e1: {  	v0 =	vunpack.i.u.s16.s32 v0;
	v11 =	vld.idx.msk [tilespmem:v11+s15+$0x0], $0xffff  }
0x1e2: {  	v1 =	vunpack.i.u.s16.s32 v1;
	v12 =	vld.idx.msk [tilespmem:v12+s15+$0x0], $0xffff  }
0x1e3: {  	s25 =	simm.s32 $0x17880;
	v16 =	vunpack.i.u.s16.s32 v2;
	v13 =	vld.idx.msk [tilespmem:v13+s15+$0x0], $0xffff  }
0x1e4: {  	v17 =	vunpack.i.u.s16.s32 v3;
	v14 =	vld.idx.msk [tilespmem:v14+s15+$0x0], $0xffff;
	[tilespmem:s25+$0x60] =	vst v6  }
0x1e5: {  	v2 =	vld.idx.msk [tilespmem:v15+s15+$0x0], $0xffff;
	v6 =	vunpack.i.u.s16.s32 v4;
	[tilespmem:s25+$0xFFFFFFA0] =	vst v7  }
0x1e6: {  	v7 =	vunpack.i.u.s16.s32 v5;
	[tilespmem:s25+$0xFFFFFFC0] =	vst v9;
	v18 =	vld.idx.msk [tilespmem:v0+s15+$0x0], $0xffff  }
0x1e7: {  	[tilespmem:s25+$0xFFFFFFE0] =	vst v11;
	v3 =	vld.idx.msk [tilespmem:v1+s15+$0x0], $0xffff  }
0x1e8: {  	[tilespmem:s25+$0x0] =	vst v12;
	v4 =	vld.idx.msk [tilespmem:v16+s15+$0x0], $0xffff  }
0x1e9: {  	[tilespmem:s25+$0x20] =	vst v13;
	v5 =	vld.idx.msk [tilespmem:v17+s15+$0x0], $0xffff  }
0x1ea: {  	[tilespmem:s25+$0x40] =	vst v14;
	v6 =	vld.idx.msk [tilespmem:v6+s15+$0x0], $0xffff  }
0x1eb: {  	s28 =	simm.s32 $0x13CC0;
	s26 =	simm.s32 $0x0;
	v0 =	vunpack.i.u.s16.s32 v8;
	v1 =	vunpack.i.u.s16.s32 v10;
	v7 =	vld.idx.msk [tilespmem:v7+s15+$0x0], $0xffff;
	[tilespmem:s25+$0x70] =	vst v18  }
.LBB2_14:
0x1ec: {  	v8 =	vld [tilespmem:s28+$0x30];
	s26 =	sadd.s32 $0x8, s26;
	[tilespmem:s25+$0xFFFFFF80] =	vst v2  }
0x1ed: {  	v2 =	vld [tilespmem:s28+$0xFFFFFFD0];
	p0 =	slt.u32 s26, $0x1D8;
	[tilespmem:s25+$0xFFFFFFB0] =	vst v3  }
0x1ee: {  	v3 =	vld [tilespmem:s28+$0xFFFFFFE0];
	[tilespmem:s25+$0xFFFFFFD0] =	vst v4  }
0x1ef: {  	v4 =	vld [tilespmem:s28+$0xFFFFFFF0];
	[tilespmem:s25+$0xFFFFFFF0] =	vst v5  }
0x1f0: {  	v5 =	vld [tilespmem:s28+$0x0];
	[tilespmem:s25+$0x10] =	vst v6  }
0x1f1: {  	v6 =	vld [tilespmem:s28+$0x10];
	v9 =	vunpack.i.l.s16.s32 v8;
	[tilespmem:s25+$0x30] =	vst v7  }
0x1f2: {  	v7 =	vunpack.i.u.s16.s32 v2;
	v2 =	vunpack.i.l.s16.s32 v2;
	v10 =	vld [tilespmem:s28+$0x20]  }
0x1f3: {  	v11 =	vld [tilespmem:s28+$0xFFFFFFC0];
	v12 =	vunpack.i.u.s16.s32 v3;
	v3 =	vunpack.i.l.s16.s32 v3  }
0x1f4: {  	v13 =	vunpack.i.u.s16.s32 v4;
	v4 =	vunpack.i.l.s16.s32 v4;
	v14 =	vld.idx.msk [tilespmem:v1+s15+$0x0], $0xffff  }
0x1f5: {  	v15 =	vunpack.i.u.s16.s32 v5;
	v5 =	vunpack.i.l.s16.s32 v5;
	v16 =	vld.idx.msk [tilespmem:v0+s15+$0x0], $0xffff  }
0x1f6: {  	v17 =	vunpack.i.u.s16.s32 v6;
	v6 =	vunpack.i.l.s16.s32 v6;
	v9 =	vld.idx.msk [tilespmem:v9+s15+$0x0], $0xffff  }
0x1f7: {  	v2 =	vld.idx.msk [tilespmem:v2+s15+$0x0], $0xffff;
	v0 =	vunpack.i.u.s16.s32 v10;
	v10 =	vunpack.i.l.s16.s32 v10  }
0x1f8: {  	v8 =	vunpack.i.u.s16.s32 v8;
	v1 =	vunpack.i.u.s16.s32 v11;
	v11 =	vunpack.i.l.s16.s32 v11;
	v3 =	vld.idx.msk [tilespmem:v3+s15+$0x0], $0xffff  }
0x1f9: {  	v4 =	vld.idx.msk [tilespmem:v4+s15+$0x0], $0xffff  }
0x1fa: {  	v5 =	vld.idx.msk [tilespmem:v5+s15+$0x0], $0xffff;
	[tilespmem:s25+$0xFFFFFF90] =	vst v14  }
0x1fb: {  	v6 =	vld.idx.msk [tilespmem:v6+s15+$0x0], $0xffff;
	[tilespmem:s25+$0x50] =	vst v16;
	s25 =	sadd.s32 $0x100, s25  }
0x1fc: {  	v10 =	vld.idx.msk [tilespmem:v10+s15+$0x0], $0xffff;
	[tilespmem:s25+$0x60] =	vst v9  }
0x1fd: {  	[tilespmem:s25+$0xFFFFFFA0] =	vst v2;
	v8 =	vld.idx.msk [tilespmem:v8+s15+$0x0], $0xffff  }
0x1fe: {  	v2 =	vld.idx.msk [tilespmem:v11+s15+$0x0], $0xffff;
	[tilespmem:s25+$0xFFFFFFC0] =	vst v3  }
.Ltmp6:
0x1ff: {  	v3 =	vld.idx.msk [tilespmem:v7+s15+$0x0], $0xffff;
	[tilespmem:s25+$0xFFFFFFE0] =	vst v4;
	(pc) =	sbr.rel @p0 .LBB2_14-.Ltmp6, $4  }
0x200: {  	v4 =	vld.idx.msk [tilespmem:v12+s15+$0x0], $0xffff;
	[tilespmem:s25+$0x0] =	vst v5  }
0x201: {  	v5 =	vld.idx.msk [tilespmem:v13+s15+$0x0], $0xffff;
	[tilespmem:s25+$0x20] =	vst v6  }
0x202: {  	v6 =	vld.idx.msk [tilespmem:v15+s15+$0x0], $0xffff;
	[tilespmem:s25+$0x40] =	vst v10  }
0x203: {  	s28 =	sadd.s32 $0x80, s28;
	v7 =	vld.idx.msk [tilespmem:v17+s15+$0x0], $0xffff;
	[tilespmem:s25+$0x70] =	vst v8  }
0x204: {  	_ =	sdelay $0x2  }
0x205: {  	[tilespmem:s25+$0xFFFFFF80] =	vst v2  }
0x206: {  	[tilespmem:s25+$0xFFFFFFB0] =	vst v3;
	v0 =	vld.idx.msk [tilespmem:v0+s15+$0x0], $0xffff  }
0x207: {  	v1 =	vld.idx.msk [tilespmem:v1+s15+$0x0], $0xffff;
	[tilespmem:s25+$0xFFFFFFD0] =	vst v4  }
0x208: {  	[tilespmem:s25+$0xFFFFFFF0] =	vst v5  }
0x209: {  	[tilespmem:s25+$0x10] =	vst v6  }
0x20a: {  	[tilespmem:s25+$0x30] =	vst v7  }
0x20b: {  	[tilespmem:s25+$0x50] =	vst v0  }
0x20c: {  	[tilespmem:s25+$0xFFFFFF90] =	vst v1  }
0x20d: {  	s25 =	rddreg [dreg:$0x17]  }
0x20e: {  	[hbm4b:s25+s13] =	stream.strided.scatter [tilespmem:s18], [sflag:$0x5], $0x3C00, s14, s13, $0x38;
	[tilespmem:$0x1F000] =	vst v63  }
0x20f: {  	_ =	swait.ge [sflag:s22], $0x3C00  }
0x210: {  	[sflag:s22] =	ssyncset.done $0x0  }
0x211: {  	s26 =	simm.s32 $0x15A70;
	[sflag:s22] =	ssyncadd.s32 $0xFFFFC400  }
0x212: {  	v0 =	vld [tilespmem:s26+$0x0]  }
0x213: {  	v1 =	vld [tilespmem:s26+$0xFFFFFFA0]  }
0x214: {  	v2 =	vld [tilespmem:s26+$0xFFFFFFB0]  }
0x215: {  	v3 =	vld [tilespmem:s26+$0xFFFFFFC0]  }
0x216: {  	v4 =	vld [tilespmem:s26+$0xFFFFFFD0]  }
0x217: {  	v5 =	vld [tilespmem:s26+$0xFFFFFFE0];
	v6 =	vunpack.i.l.s16.s32 v0  }
0x218: {  	v8 =	vld [tilespmem:s26+$0xFFFFFFF0];
	v7 =	vunpack.i.l.s16.s32 v1  }
0x219: {  	v10 =	vld [tilespmem:s26+$0xFFFFFF90];
	v9 =	vunpack.i.l.s16.s32 v2  }
0x21a: {  	v11 =	vunpack.i.l.s16.s32 v3  }
0x21b: {  	v12 =	vunpack.i.l.s16.s32 v4  }
0x21c: {  	v13 =	vunpack.i.l.s16.s32 v5;
	v6 =	vld.idx.msk [tilespmem:v6+s15+$0x0], $0xffff  }
0x21d: {  	v14 =	vunpack.i.l.s16.s32 v8;
	v7 =	vld.idx.msk [tilespmem:v7+s15+$0x0], $0xffff  }
0x21e: {  	v15 =	vunpack.i.l.s16.s32 v10;
	v9 =	vld.idx.msk [tilespmem:v9+s15+$0x0], $0xffff  }
0x21f: {  	v0 =	vunpack.i.u.s16.s32 v0;
	v11 =	vld.idx.msk [tilespmem:v11+s15+$0x0], $0xffff  }
0x220: {  	v1 =	vunpack.i.u.s16.s32 v1;
	v12 =	vld.idx.msk [tilespmem:v12+s15+$0x0], $0xffff  }
0x221: {  	s25 =	simm.s32 $0x1B480;
	v16 =	vunpack.i.u.s16.s32 v2;
	v13 =	vld.idx.msk [tilespmem:v13+s15+$0x0], $0xffff  }
0x222: {  	v17 =	vunpack.i.u.s16.s32 v3;
	v14 =	vld.idx.msk [tilespmem:v14+s15+$0x0], $0xffff;
	[tilespmem:s25+$0x60] =	vst v6  }
0x223: {  	v2 =	vld.idx.msk [tilespmem:v15+s15+$0x0], $0xffff;
	v6 =	vunpack.i.u.s16.s32 v4;
	[tilespmem:s25+$0xFFFFFFA0] =	vst v7  }
0x224: {  	v7 =	vunpack.i.u.s16.s32 v5;
	[tilespmem:s25+$0xFFFFFFC0] =	vst v9;
	v18 =	vld.idx.msk [tilespmem:v0+s15+$0x0], $0xffff  }
0x225: {  	[tilespmem:s25+$0xFFFFFFE0] =	vst v11;
	v3 =	vld.idx.msk [tilespmem:v1+s15+$0x0], $0xffff  }
0x226: {  	[tilespmem:s25+$0x0] =	vst v12;
	v4 =	vld.idx.msk [tilespmem:v16+s15+$0x0], $0xffff  }
0x227: {  	[tilespmem:s25+$0x20] =	vst v13;
	v5 =	vld.idx.msk [tilespmem:v17+s15+$0x0], $0xffff  }
0x228: {  	[tilespmem:s25+$0x40] =	vst v14;
	v6 =	vld.idx.msk [tilespmem:v6+s15+$0x0], $0xffff  }
0x229: {  	s28 =	simm.s32 $0x15AF0;
	s26 =	simm.s32 $0x0;
	v0 =	vunpack.i.u.s16.s32 v8;
	v1 =	vunpack.i.u.s16.s32 v10;
	v7 =	vld.idx.msk [tilespmem:v7+s15+$0x0], $0xffff;
	[tilespmem:s25+$0x70] =	vst v18  }
.LBB2_16:
0x22a: {  	v8 =	vld [tilespmem:s28+$0x0];
	s26 =	sadd.s32 $0x8, s26;
	[tilespmem:s25+$0xFFFFFF80] =	vst v2  }
0x22b: {  	v2 =	vld [tilespmem:s28+$0xFFFFFFA0];
	p0 =	slt.u32 s26, $0x1D8;
	[tilespmem:s25+$0xFFFFFFB0] =	vst v3  }
0x22c: {  	v3 =	vld [tilespmem:s28+$0xFFFFFFB0];
	[tilespmem:s25+$0xFFFFFFD0] =	vst v4  }
0x22d: {  	v4 =	vld [tilespmem:s28+$0xFFFFFFC0];
	[tilespmem:s25+$0xFFFFFFF0] =	vst v5  }
0x22e: {  	v5 =	vld [tilespmem:s28+$0xFFFFFFD0];
	[tilespmem:s25+$0x10] =	vst v6  }
0x22f: {  	v6 =	vld [tilespmem:s28+$0xFFFFFFE0];
	v9 =	vunpack.i.l.s16.s32 v8;
	[tilespmem:s25+$0x30] =	vst v7  }
0x230: {  	v7 =	vunpack.i.u.s16.s32 v2;
	v2 =	vunpack.i.l.s16.s32 v2;
	v10 =	vld [tilespmem:s28+$0xFFFFFFF0]  }
0x231: {  	v11 =	vld [tilespmem:s28+$0xFFFFFF90];
	v12 =	vunpack.i.u.s16.s32 v3;
	v3 =	vunpack.i.l.s16.s32 v3  }
0x232: {  	v13 =	vunpack.i.u.s16.s32 v4;
	v4 =	vunpack.i.l.s16.s32 v4;
	v14 =	vld.idx.msk [tilespmem:v1+s15+$0x0], $0xffff  }
0x233: {  	v15 =	vunpack.i.u.s16.s32 v5;
	v5 =	vunpack.i.l.s16.s32 v5;
	v16 =	vld.idx.msk [tilespmem:v0+s15+$0x0], $0xffff  }
0x234: {  	v17 =	vunpack.i.u.s16.s32 v6;
	v6 =	vunpack.i.l.s16.s32 v6;
	v9 =	vld.idx.msk [tilespmem:v9+s15+$0x0], $0xffff  }
0x235: {  	v2 =	vld.idx.msk [tilespmem:v2+s15+$0x0], $0xffff;
	v0 =	vunpack.i.u.s16.s32 v10;
	v10 =	vunpack.i.l.s16.s32 v10  }
0x236: {  	v8 =	vunpack.i.u.s16.s32 v8;
	v1 =	vunpack.i.u.s16.s32 v11;
	v11 =	vunpack.i.l.s16.s32 v11;
	v3 =	vld.idx.msk [tilespmem:v3+s15+$0x0], $0xffff  }
0x237: {  	v4 =	vld.idx.msk [tilespmem:v4+s15+$0x0], $0xffff  }
0x238: {  	v5 =	vld.idx.msk [tilespmem:v5+s15+$0x0], $0xffff;
	[tilespmem:s25+$0xFFFFFF90] =	vst v14  }
0x239: {  	v6 =	vld.idx.msk [tilespmem:v6+s15+$0x0], $0xffff;
	[tilespmem:s25+$0x50] =	vst v16;
	s25 =	sadd.s32 $0x100, s25  }
0x23a: {  	v10 =	vld.idx.msk [tilespmem:v10+s15+$0x0], $0xffff;
	[tilespmem:s25+$0x60] =	vst v9  }
0x23b: {  	[tilespmem:s25+$0xFFFFFFA0] =	vst v2;
	v8 =	vld.idx.msk [tilespmem:v8+s15+$0x0], $0xffff  }
0x23c: {  	v2 =	vld.idx.msk [tilespmem:v11+s15+$0x0], $0xffff;
	[tilespmem:s25+$0xFFFFFFC0] =	vst v3  }
.Ltmp7:
0x23d: {  	v3 =	vld.idx.msk [tilespmem:v7+s15+$0x0], $0xffff;
	[tilespmem:s25+$0xFFFFFFE0] =	vst v4;
	(pc) =	sbr.rel @p0 .LBB2_16-.Ltmp7, $4  }
0x23e: {  	v4 =	vld.idx.msk [tilespmem:v12+s15+$0x0], $0xffff;
	[tilespmem:s25+$0x0] =	vst v5  }
0x23f: {  	v5 =	vld.idx.msk [tilespmem:v13+s15+$0x0], $0xffff;
	[tilespmem:s25+$0x20] =	vst v6  }
0x240: {  	v6 =	vld.idx.msk [tilespmem:v15+s15+$0x0], $0xffff;
	[tilespmem:s25+$0x40] =	vst v10  }
0x241: {  	s28 =	sadd.s32 $0x80, s28;
	v7 =	vld.idx.msk [tilespmem:v17+s15+$0x0], $0xffff;
	[tilespmem:s25+$0x70] =	vst v8  }
0x242: {  	_ =	sdelay $0x2  }
0x243: {  	[tilespmem:s25+$0xFFFFFF80] =	vst v2  }
0x244: {  	[tilespmem:s25+$0xFFFFFFB0] =	vst v3;
	v0 =	vld.idx.msk [tilespmem:v0+s15+$0x0], $0xffff  }
0x245: {  	v1 =	vld.idx.msk [tilespmem:v1+s15+$0x0], $0xffff;
	[tilespmem:s25+$0xFFFFFFD0] =	vst v4  }
0x246: {  	[tilespmem:s25+$0xFFFFFFF0] =	vst v5  }
0x247: {  	[tilespmem:s25+$0x10] =	vst v6  }
0x248: {  	[tilespmem:s25+$0x30] =	vst v7  }
0x249: {  	[tilespmem:s25+$0x50] =	vst v0  }
0x24a: {  	[tilespmem:s25+$0xFFFFFF90] =	vst v1  }
0x24b: {  	s25 =	rddreg [dreg:$0x18]  }
0x24c: {  	[hbm4b:s25+s13] =	stream.strided.scatter [tilespmem:s19], [sflag:$0x6], $0x3C00, s14, s13, $0x38;
	[tilespmem:$0x1F000] =	vst v63  }
0x24d: {  	s26 =	rddreg [dreg:$0x9]  }
0x24e: {  	[tilespmem:s15], [sflag:$0x2] =	stream.strided.gather [hbm4b:s26+s13], $0x8000, s14, s13, $0x38;
	[tilespmem:$0x1F000] =	vst v63  }
0x24f: {  	_ =	swait.ge [sflag:s12], $0x8000  }
0x250: {  	[sflag:s12] =	ssyncset.done $0x0  }
0x251: {  	[sflag:s12] =	ssyncadd.s32 $0xFFFF8000  }
0x252: {  	_ =	swait.ge [sflag:s21], $0x3C00  }
0x253: {  	[sflag:s21] =	ssyncset.done $0x0  }
0x254: {  	s26 =	simm.s32 $0x13C40;
	[sflag:s21] =	ssyncadd.s32 $0xFFFFC400  }
0x255: {  	v0 =	vld [tilespmem:s26+$0x30]  }
0x256: {  	v1 =	vld [tilespmem:s26+$0xFFFFFFD0]  }
0x257: {  	v2 =	vld [tilespmem:s26+$0xFFFFFFE0]  }
0x258: {  	v3 =	vld [tilespmem:s26+$0xFFFFFFF0]  }
0x259: {  	v4 =	vld [tilespmem:s26+$0x0]  }
0x25a: {  	v5 =	vld [tilespmem:s26+$0x10];
	v6 =	vunpack.i.l.s16.s32 v0  }
0x25b: {  	v8 =	vld [tilespmem:s26+$0x20];
	v7 =	vunpack.i.l.s16.s32 v1  }
0x25c: {  	v10 =	vld [tilespmem:s26+$0xFFFFFFC0];
	v9 =	vunpack.i.l.s16.s32 v2  }
0x25d: {  	v11 =	vunpack.i.l.s16.s32 v3  }
0x25e: {  	v12 =	vunpack.i.l.s16.s32 v4  }
0x25f: {  	v13 =	vunpack.i.l.s16.s32 v5;
	v6 =	vld.idx.msk [tilespmem:v6+s17+$0x0], $0xffff  }
0x260: {  	v14 =	vunpack.i.l.s16.s32 v8;
	v7 =	vld.idx.msk [tilespmem:v7+s17+$0x0], $0xffff  }
0x261: {  	v15 =	vunpack.i.l.s16.s32 v10;
	v9 =	vld.idx.msk [tilespmem:v9+s17+$0x0], $0xffff  }
0x262: {  	v0 =	vunpack.i.u.s16.s32 v0;
	v11 =	vld.idx.msk [tilespmem:v11+s17+$0x0], $0xffff  }
0x263: {  	v1 =	vunpack.i.u.s16.s32 v1;
	v12 =	vld.idx.msk [tilespmem:v12+s17+$0x0], $0xffff  }
0x264: {  	s25 =	simm.s32 $0x17880;
	v16 =	vunpack.i.u.s16.s32 v2;
	v13 =	vld.idx.msk [tilespmem:v13+s17+$0x0], $0xffff  }
0x265: {  	v17 =	vunpack.i.u.s16.s32 v3;
	v14 =	vld.idx.msk [tilespmem:v14+s17+$0x0], $0xffff;
	[tilespmem:s25+$0x60] =	vst v6  }
0x266: {  	v2 =	vld.idx.msk [tilespmem:v15+s17+$0x0], $0xffff;
	v6 =	vunpack.i.u.s16.s32 v4;
	[tilespmem:s25+$0xFFFFFFA0] =	vst v7  }
0x267: {  	v7 =	vunpack.i.u.s16.s32 v5;
	[tilespmem:s25+$0xFFFFFFC0] =	vst v9;
	v18 =	vld.idx.msk [tilespmem:v0+s17+$0x0], $0xffff  }
0x268: {  	[tilespmem:s25+$0xFFFFFFE0] =	vst v11;
	v3 =	vld.idx.msk [tilespmem:v1+s17+$0x0], $0xffff  }
0x269: {  	[tilespmem:s25+$0x0] =	vst v12;
	v4 =	vld.idx.msk [tilespmem:v16+s17+$0x0], $0xffff  }
0x26a: {  	[tilespmem:s25+$0x20] =	vst v13;
	v5 =	vld.idx.msk [tilespmem:v17+s17+$0x0], $0xffff  }
0x26b: {  	[tilespmem:s25+$0x40] =	vst v14;
	v6 =	vld.idx.msk [tilespmem:v6+s17+$0x0], $0xffff  }
0x26c: {  	s28 =	simm.s32 $0x13CC0;
	s26 =	simm.s32 $0x0;
	v0 =	vunpack.i.u.s16.s32 v8;
	v1 =	vunpack.i.u.s16.s32 v10;
	v7 =	vld.idx.msk [tilespmem:v7+s17+$0x0], $0xffff;
	[tilespmem:s25+$0x70] =	vst v18  }
.LBB2_18:
0x26d: {  	v8 =	vld [tilespmem:s28+$0x30];
	s26 =	sadd.s32 $0x8, s26;
	[tilespmem:s25+$0xFFFFFF80] =	vst v2  }
0x26e: {  	v2 =	vld [tilespmem:s28+$0xFFFFFFD0];
	p0 =	slt.u32 s26, $0x1D8;
	[tilespmem:s25+$0xFFFFFFB0] =	vst v3  }
0x26f: {  	v3 =	vld [tilespmem:s28+$0xFFFFFFE0];
	[tilespmem:s25+$0xFFFFFFD0] =	vst v4  }
0x270: {  	v4 =	vld [tilespmem:s28+$0xFFFFFFF0];
	[tilespmem:s25+$0xFFFFFFF0] =	vst v5  }
0x271: {  	v5 =	vld [tilespmem:s28+$0x0];
	[tilespmem:s25+$0x10] =	vst v6  }
0x272: {  	v6 =	vld [tilespmem:s28+$0x10];
	v9 =	vunpack.i.l.s16.s32 v8;
	[tilespmem:s25+$0x30] =	vst v7  }
0x273: {  	v7 =	vunpack.i.u.s16.s32 v2;
	v2 =	vunpack.i.l.s16.s32 v2;
	v10 =	vld [tilespmem:s28+$0x20]  }
0x274: {  	v11 =	vld [tilespmem:s28+$0xFFFFFFC0];
	v12 =	vunpack.i.u.s16.s32 v3;
	v3 =	vunpack.i.l.s16.s32 v3  }
0x275: {  	v13 =	vunpack.i.u.s16.s32 v4;
	v4 =	vunpack.i.l.s16.s32 v4;
	v14 =	vld.idx.msk [tilespmem:v1+s17+$0x0], $0xffff  }
0x276: {  	v15 =	vunpack.i.u.s16.s32 v5;
	v5 =	vunpack.i.l.s16.s32 v5;
	v16 =	vld.idx.msk [tilespmem:v0+s17+$0x0], $0xffff  }
0x277: {  	v17 =	vunpack.i.u.s16.s32 v6;
	v6 =	vunpack.i.l.s16.s32 v6;
	v9 =	vld.idx.msk [tilespmem:v9+s17+$0x0], $0xffff  }
0x278: {  	v2 =	vld.idx.msk [tilespmem:v2+s17+$0x0], $0xffff;
	v0 =	vunpack.i.u.s16.s32 v10;
	v10 =	vunpack.i.l.s16.s32 v10  }
0x279: {  	v8 =	vunpack.i.u.s16.s32 v8;
	v1 =	vunpack.i.u.s16.s32 v11;
	v11 =	vunpack.i.l.s16.s32 v11;
	v3 =	vld.idx.msk [tilespmem:v3+s17+$0x0], $0xffff  }
0x27a: {  	v4 =	vld.idx.msk [tilespmem:v4+s17+$0x0], $0xffff  }
0x27b: {  	v5 =	vld.idx.msk [tilespmem:v5+s17+$0x0], $0xffff;
	[tilespmem:s25+$0xFFFFFF90] =	vst v14  }
0x27c: {  	v6 =	vld.idx.msk [tilespmem:v6+s17+$0x0], $0xffff;
	[tilespmem:s25+$0x50] =	vst v16;
	s25 =	sadd.s32 $0x100, s25  }
0x27d: {  	v10 =	vld.idx.msk [tilespmem:v10+s17+$0x0], $0xffff;
	[tilespmem:s25+$0x60] =	vst v9  }
0x27e: {  	[tilespmem:s25+$0xFFFFFFA0] =	vst v2;
	v8 =	vld.idx.msk [tilespmem:v8+s17+$0x0], $0xffff  }
0x27f: {  	v2 =	vld.idx.msk [tilespmem:v11+s17+$0x0], $0xffff;
	[tilespmem:s25+$0xFFFFFFC0] =	vst v3  }
.Ltmp8:
0x280: {  	v3 =	vld.idx.msk [tilespmem:v7+s17+$0x0], $0xffff;
	[tilespmem:s25+$0xFFFFFFE0] =	vst v4;
	(pc) =	sbr.rel @p0 .LBB2_18-.Ltmp8, $4  }
0x281: {  	v4 =	vld.idx.msk [tilespmem:v12+s17+$0x0], $0xffff;
	[tilespmem:s25+$0x0] =	vst v5  }
0x282: {  	v5 =	vld.idx.msk [tilespmem:v13+s17+$0x0], $0xffff;
	[tilespmem:s25+$0x20] =	vst v6  }
0x283: {  	v6 =	vld.idx.msk [tilespmem:v15+s17+$0x0], $0xffff;
	[tilespmem:s25+$0x40] =	vst v10  }
0x284: {  	s28 =	sadd.s32 $0x80, s28;
	v7 =	vld.idx.msk [tilespmem:v17+s17+$0x0], $0xffff;
	[tilespmem:s25+$0x70] =	vst v8  }
0x285: {  	_ =	sdelay $0x2  }
0x286: {  	[tilespmem:s25+$0xFFFFFF80] =	vst v2  }
0x287: {  	[tilespmem:s25+$0xFFFFFFB0] =	vst v3;
	v0 =	vld.idx.msk [tilespmem:v0+s17+$0x0], $0xffff  }
0x288: {  	v1 =	vld.idx.msk [tilespmem:v1+s17+$0x0], $0xffff;
	[tilespmem:s25+$0xFFFFFFD0] =	vst v4  }
0x289: {  	[tilespmem:s25+$0xFFFFFFF0] =	vst v5  }
0x28a: {  	[tilespmem:s25+$0x10] =	vst v6  }
0x28b: {  	[tilespmem:s25+$0x30] =	vst v7  }
0x28c: {  	[tilespmem:s25+$0x50] =	vst v0  }
0x28d: {  	[tilespmem:s25+$0xFFFFFF90] =	vst v1  }
0x28e: {  	s25 =	rddreg [dreg:$0x19]  }
0x28f: {  	[hbm4b:s25+s13] =	stream.strided.scatter [tilespmem:s18], [sflag:$0x5], $0x3C00, s14, s13, $0x38;
	[tilespmem:$0x1F000] =	vst v63  }
0x290: {  	_ =	swait.ge [sflag:s22], $0x3C00  }
0x291: {  	[sflag:s22] =	ssyncset.done $0x0  }
0x292: {  	s26 =	simm.s32 $0x15A70;
	[sflag:s22] =	ssyncadd.s32 $0xFFFFC400  }
0x293: {  	v0 =	vld [tilespmem:s26+$0x0]  }
0x294: {  	v1 =	vld [tilespmem:s26+$0xFFFFFFA0]  }
0x295: {  	v2 =	vld [tilespmem:s26+$0xFFFFFFB0]  }
0x296: {  	v3 =	vld [tilespmem:s26+$0xFFFFFFC0]  }
0x297: {  	v4 =	vld [tilespmem:s26+$0xFFFFFFD0]  }
0x298: {  	v5 =	vld [tilespmem:s26+$0xFFFFFFE0];
	v6 =	vunpack.i.l.s16.s32 v0  }
0x299: {  	v8 =	vld [tilespmem:s26+$0xFFFFFFF0];
	v7 =	vunpack.i.l.s16.s32 v1  }
0x29a: {  	v10 =	vld [tilespmem:s26+$0xFFFFFF90];
	v9 =	vunpack.i.l.s16.s32 v2  }
0x29b: {  	v11 =	vunpack.i.l.s16.s32 v3  }
0x29c: {  	v12 =	vunpack.i.l.s16.s32 v4  }
0x29d: {  	v13 =	vunpack.i.l.s16.s32 v5;
	v6 =	vld.idx.msk [tilespmem:v6+s17+$0x0], $0xffff  }
0x29e: {  	v14 =	vunpack.i.l.s16.s32 v8;
	v7 =	vld.idx.msk [tilespmem:v7+s17+$0x0], $0xffff  }
0x29f: {  	v15 =	vunpack.i.l.s16.s32 v10;
	v9 =	vld.idx.msk [tilespmem:v9+s17+$0x0], $0xffff  }
0x2a0: {  	v0 =	vunpack.i.u.s16.s32 v0;
	v11 =	vld.idx.msk [tilespmem:v11+s17+$0x0], $0xffff  }
0x2a1: {  	v1 =	vunpack.i.u.s16.s32 v1;
	v12 =	vld.idx.msk [tilespmem:v12+s17+$0x0], $0xffff  }
0x2a2: {  	s25 =	simm.s32 $0x1B480;
	v16 =	vunpack.i.u.s16.s32 v2;
	v13 =	vld.idx.msk [tilespmem:v13+s17+$0x0], $0xffff  }
0x2a3: {  	v17 =	vunpack.i.u.s16.s32 v3;
	v14 =	vld.idx.msk [tilespmem:v14+s17+$0x0], $0xffff;
	[tilespmem:s25+$0x60] =	vst v6  }
0x2a4: {  	v2 =	vld.idx.msk [tilespmem:v15+s17+$0x0], $0xffff;
	v6 =	vunpack.i.u.s16.s32 v4;
	[tilespmem:s25+$0xFFFFFFA0] =	vst v7  }
0x2a5: {  	v7 =	vunpack.i.u.s16.s32 v5;
	[tilespmem:s25+$0xFFFFFFC0] =	vst v9;
	v18 =	vld.idx.msk [tilespmem:v0+s17+$0x0], $0xffff  }
0x2a6: {  	[tilespmem:s25+$0xFFFFFFE0] =	vst v11;
	v3 =	vld.idx.msk [tilespmem:v1+s17+$0x0], $0xffff  }
0x2a7: {  	[tilespmem:s25+$0x0] =	vst v12;
	v4 =	vld.idx.msk [tilespmem:v16+s17+$0x0], $0xffff  }
0x2a8: {  	[tilespmem:s25+$0x20] =	vst v13;
	v5 =	vld.idx.msk [tilespmem:v17+s17+$0x0], $0xffff  }
0x2a9: {  	[tilespmem:s25+$0x40] =	vst v14;
	v6 =	vld.idx.msk [tilespmem:v6+s17+$0x0], $0xffff  }
0x2aa: {  	s28 =	simm.s32 $0x15AF0;
	s26 =	simm.s32 $0x0;
	v0 =	vunpack.i.u.s16.s32 v8;
	v1 =	vunpack.i.u.s16.s32 v10;
	v7 =	vld.idx.msk [tilespmem:v7+s17+$0x0], $0xffff;
	[tilespmem:s25+$0x70] =	vst v18  }
.LBB2_20:
0x2ab: {  	v8 =	vld [tilespmem:s28+$0x0];
	s26 =	sadd.s32 $0x8, s26;
	[tilespmem:s25+$0xFFFFFF80] =	vst v2  }
0x2ac: {  	v2 =	vld [tilespmem:s28+$0xFFFFFFA0];
	p0 =	slt.u32 s26, $0x1D8;
	[tilespmem:s25+$0xFFFFFFB0] =	vst v3  }
0x2ad: {  	v3 =	vld [tilespmem:s28+$0xFFFFFFB0];
	[tilespmem:s25+$0xFFFFFFD0] =	vst v4  }
0x2ae: {  	v4 =	vld [tilespmem:s28+$0xFFFFFFC0];
	[tilespmem:s25+$0xFFFFFFF0] =	vst v5  }
0x2af: {  	v5 =	vld [tilespmem:s28+$0xFFFFFFD0];
	[tilespmem:s25+$0x10] =	vst v6  }
0x2b0: {  	v6 =	vld [tilespmem:s28+$0xFFFFFFE0];
	v9 =	vunpack.i.l.s16.s32 v8;
	[tilespmem:s25+$0x30] =	vst v7  }
0x2b1: {  	v7 =	vunpack.i.u.s16.s32 v2;
	v2 =	vunpack.i.l.s16.s32 v2;
	v10 =	vld [tilespmem:s28+$0xFFFFFFF0]  }
0x2b2: {  	v11 =	vld [tilespmem:s28+$0xFFFFFF90];
	v12 =	vunpack.i.u.s16.s32 v3;
	v3 =	vunpack.i.l.s16.s32 v3  }
0x2b3: {  	v13 =	vunpack.i.u.s16.s32 v4;
	v4 =	vunpack.i.l.s16.s32 v4;
	v14 =	vld.idx.msk [tilespmem:v1+s17+$0x0], $0xffff  }
0x2b4: {  	v15 =	vunpack.i.u.s16.s32 v5;
	v5 =	vunpack.i.l.s16.s32 v5;
	v16 =	vld.idx.msk [tilespmem:v0+s17+$0x0], $0xffff  }
0x2b5: {  	v17 =	vunpack.i.u.s16.s32 v6;
	v6 =	vunpack.i.l.s16.s32 v6;
	v9 =	vld.idx.msk [tilespmem:v9+s17+$0x0], $0xffff  }
0x2b6: {  	v2 =	vld.idx.msk [tilespmem:v2+s17+$0x0], $0xffff;
	v0 =	vunpack.i.u.s16.s32 v10;
	v10 =	vunpack.i.l.s16.s32 v10  }
0x2b7: {  	v8 =	vunpack.i.u.s16.s32 v8;
	v1 =	vunpack.i.u.s16.s32 v11;
	v11 =	vunpack.i.l.s16.s32 v11;
	v3 =	vld.idx.msk [tilespmem:v3+s17+$0x0], $0xffff  }
0x2b8: {  	v4 =	vld.idx.msk [tilespmem:v4+s17+$0x0], $0xffff  }
0x2b9: {  	v5 =	vld.idx.msk [tilespmem:v5+s17+$0x0], $0xffff;
	[tilespmem:s25+$0xFFFFFF90] =	vst v14  }
0x2ba: {  	v6 =	vld.idx.msk [tilespmem:v6+s17+$0x0], $0xffff;
	[tilespmem:s25+$0x50] =	vst v16;
	s25 =	sadd.s32 $0x100, s25  }
0x2bb: {  	v10 =	vld.idx.msk [tilespmem:v10+s17+$0x0], $0xffff;
	[tilespmem:s25+$0x60] =	vst v9  }
0x2bc: {  	[tilespmem:s25+$0xFFFFFFA0] =	vst v2;
	v8 =	vld.idx.msk [tilespmem:v8+s17+$0x0], $0xffff  }
0x2bd: {  	v2 =	vld.idx.msk [tilespmem:v11+s17+$0x0], $0xffff;
	[tilespmem:s25+$0xFFFFFFC0] =	vst v3  }
.Ltmp9:
0x2be: {  	v3 =	vld.idx.msk [tilespmem:v7+s17+$0x0], $0xffff;
	[tilespmem:s25+$0xFFFFFFE0] =	vst v4;
	(pc) =	sbr.rel @p0 .LBB2_20-.Ltmp9, $4  }
0x2bf: {  	v4 =	vld.idx.msk [tilespmem:v12+s17+$0x0], $0xffff;
	[tilespmem:s25+$0x0] =	vst v5  }
0x2c0: {  	v5 =	vld.idx.msk [tilespmem:v13+s17+$0x0], $0xffff;
	[tilespmem:s25+$0x20] =	vst v6  }
0x2c1: {  	v6 =	vld.idx.msk [tilespmem:v15+s17+$0x0], $0xffff;
	[tilespmem:s25+$0x40] =	vst v10  }
0x2c2: {  	s28 =	sadd.s32 $0x80, s28;
	v7 =	vld.idx.msk [tilespmem:v17+s17+$0x0], $0xffff;
	[tilespmem:s25+$0x70] =	vst v8  }
0x2c3: {  	_ =	sdelay $0x2  }
0x2c4: {  	[tilespmem:s25+$0xFFFFFF80] =	vst v2  }
0x2c5: {  	[tilespmem:s25+$0xFFFFFFB0] =	vst v3;
	v0 =	vld.idx.msk [tilespmem:v0+s17+$0x0], $0xffff  }
0x2c6: {  	v1 =	vld.idx.msk [tilespmem:v1+s17+$0x0], $0xffff;
	[tilespmem:s25+$0xFFFFFFD0] =	vst v4  }
0x2c7: {  	[tilespmem:s25+$0xFFFFFFF0] =	vst v5  }
0x2c8: {  	[tilespmem:s25+$0x10] =	vst v6  }
0x2c9: {  	[tilespmem:s25+$0x30] =	vst v7  }
0x2ca: {  	[tilespmem:s25+$0x50] =	vst v0  }
0x2cb: {  	[tilespmem:s25+$0xFFFFFF90] =	vst v1  }
0x2cc: {  	s25 =	rddreg [dreg:$0x1a]  }
0x2cd: {  	[hbm4b:s25+s13] =	stream.strided.scatter [tilespmem:s19], [sflag:$0x6], $0x3C00, s14, s13, $0x38;
	[tilespmem:$0x1F000] =	vst v63  }
0x2ce: {  	s26 =	rddreg [dreg:$0xa]  }
0x2cf: {  	[tilespmem:s17], [sflag:$0x1] =	stream.strided.gather [hbm4b:s26+s13], $0x8000, s14, s13, $0x38;
	[tilespmem:$0x1F000] =	vst v63  }
0x2d0: {  	_ =	swait.ge [sflag:s20], $0x8000  }
0x2d1: {  	[sflag:s20] =	ssyncset.done $0x0  }
0x2d2: {  	[sflag:s20] =	ssyncadd.s32 $0xFFFF8000  }
0x2d3: {  	_ =	swait.ge [sflag:s21], $0x3C00  }
0x2d4: {  	[sflag:s21] =	ssyncset.done $0x0  }
0x2d5: {  	s26 =	simm.s32 $0x13C40;
	[sflag:s21] =	ssyncadd.s32 $0xFFFFC400  }
0x2d6: {  	v0 =	vld [tilespmem:s26+$0x30]  }
0x2d7: {  	v1 =	vld [tilespmem:s26+$0xFFFFFFD0]  }
0x2d8: {  	v2 =	vld [tilespmem:s26+$0xFFFFFFE0]  }
0x2d9: {  	v3 =	vld [tilespmem:s26+$0xFFFFFFF0]  }
0x2da: {  	v4 =	vld [tilespmem:s26+$0x0]  }
0x2db: {  	v5 =	vld [tilespmem:s26+$0x10];
	v6 =	vunpack.i.l.s16.s32 v0  }
0x2dc: {  	v8 =	vld [tilespmem:s26+$0x20];
	v7 =	vunpack.i.l.s16.s32 v1  }
0x2dd: {  	v10 =	vld [tilespmem:s26+$0xFFFFFFC0];
	v9 =	vunpack.i.l.s16.s32 v2  }
0x2de: {  	v11 =	vunpack.i.l.s16.s32 v3  }
0x2df: {  	v12 =	vunpack.i.l.s16.s32 v4  }
0x2e0: {  	v13 =	vunpack.i.l.s16.s32 v5;
	v6 =	vld.idx.msk [tilespmem:v6+s15+$0x0], $0xffff  }
0x2e1: {  	v14 =	vunpack.i.l.s16.s32 v8;
	v7 =	vld.idx.msk [tilespmem:v7+s15+$0x0], $0xffff  }
0x2e2: {  	v15 =	vunpack.i.l.s16.s32 v10;
	v9 =	vld.idx.msk [tilespmem:v9+s15+$0x0], $0xffff  }
0x2e3: {  	v0 =	vunpack.i.u.s16.s32 v0;
	v11 =	vld.idx.msk [tilespmem:v11+s15+$0x0], $0xffff  }
0x2e4: {  	v1 =	vunpack.i.u.s16.s32 v1;
	v12 =	vld.idx.msk [tilespmem:v12+s15+$0x0], $0xffff  }
0x2e5: {  	s25 =	simm.s32 $0x17880;
	v16 =	vunpack.i.u.s16.s32 v2;
	v13 =	vld.idx.msk [tilespmem:v13+s15+$0x0], $0xffff  }
0x2e6: {  	v17 =	vunpack.i.u.s16.s32 v3;
	v14 =	vld.idx.msk [tilespmem:v14+s15+$0x0], $0xffff;
	[tilespmem:s25+$0x60] =	vst v6  }
0x2e7: {  	v2 =	vld.idx.msk [tilespmem:v15+s15+$0x0], $0xffff;
	v6 =	vunpack.i.u.s16.s32 v4;
	[tilespmem:s25+$0xFFFFFFA0] =	vst v7  }
0x2e8: {  	v7 =	vunpack.i.u.s16.s32 v5;
	[tilespmem:s25+$0xFFFFFFC0] =	vst v9;
	v18 =	vld.idx.msk [tilespmem:v0+s15+$0x0], $0xffff  }
0x2e9: {  	[tilespmem:s25+$0xFFFFFFE0] =	vst v11;
	v3 =	vld.idx.msk [tilespmem:v1+s15+$0x0], $0xffff  }
0x2ea: {  	[tilespmem:s25+$0x0] =	vst v12;
	v4 =	vld.idx.msk [tilespmem:v16+s15+$0x0], $0xffff  }
0x2eb: {  	[tilespmem:s25+$0x20] =	vst v13;
	v5 =	vld.idx.msk [tilespmem:v17+s15+$0x0], $0xffff  }
0x2ec: {  	[tilespmem:s25+$0x40] =	vst v14;
	v6 =	vld.idx.msk [tilespmem:v6+s15+$0x0], $0xffff  }
0x2ed: {  	s28 =	simm.s32 $0x13CC0;
	s26 =	simm.s32 $0x0;
	v0 =	vunpack.i.u.s16.s32 v8;
	v1 =	vunpack.i.u.s16.s32 v10;
	v7 =	vld.idx.msk [tilespmem:v7+s15+$0x0], $0xffff;
	[tilespmem:s25+$0x70] =	vst v18  }
.LBB2_22:
0x2ee: {  	v8 =	vld [tilespmem:s28+$0x30];
	s26 =	sadd.s32 $0x8, s26;
	[tilespmem:s25+$0xFFFFFF80] =	vst v2  }
0x2ef: {  	v2 =	vld [tilespmem:s28+$0xFFFFFFD0];
	p0 =	slt.u32 s26, $0x1D8;
	[tilespmem:s25+$0xFFFFFFB0] =	vst v3  }
0x2f0: {  	v3 =	vld [tilespmem:s28+$0xFFFFFFE0];
	[tilespmem:s25+$0xFFFFFFD0] =	vst v4  }
0x2f1: {  	v4 =	vld [tilespmem:s28+$0xFFFFFFF0];
	[tilespmem:s25+$0xFFFFFFF0] =	vst v5  }
0x2f2: {  	v5 =	vld [tilespmem:s28+$0x0];
	[tilespmem:s25+$0x10] =	vst v6  }
0x2f3: {  	v6 =	vld [tilespmem:s28+$0x10];
	v9 =	vunpack.i.l.s16.s32 v8;
	[tilespmem:s25+$0x30] =	vst v7  }
0x2f4: {  	v7 =	vunpack.i.u.s16.s32 v2;
	v2 =	vunpack.i.l.s16.s32 v2;
	v10 =	vld [tilespmem:s28+$0x20]  }
0x2f5: {  	v11 =	vld [tilespmem:s28+$0xFFFFFFC0];
	v12 =	vunpack.i.u.s16.s32 v3;
	v3 =	vunpack.i.l.s16.s32 v3  }
0x2f6: {  	v13 =	vunpack.i.u.s16.s32 v4;
	v4 =	vunpack.i.l.s16.s32 v4;
	v14 =	vld.idx.msk [tilespmem:v1+s15+$0x0], $0xffff  }
0x2f7: {  	v15 =	vunpack.i.u.s16.s32 v5;
	v5 =	vunpack.i.l.s16.s32 v5;
	v16 =	vld.idx.msk [tilespmem:v0+s15+$0x0], $0xffff  }
0x2f8: {  	v17 =	vunpack.i.u.s16.s32 v6;
	v6 =	vunpack.i.l.s16.s32 v6;
	v9 =	vld.idx.msk [tilespmem:v9+s15+$0x0], $0xffff  }
0x2f9: {  	v2 =	vld.idx.msk [tilespmem:v2+s15+$0x0], $0xffff;
	v0 =	vunpack.i.u.s16.s32 v10;
	v10 =	vunpack.i.l.s16.s32 v10  }
0x2fa: {  	v8 =	vunpack.i.u.s16.s32 v8;
	v1 =	vunpack.i.u.s16.s32 v11;
	v11 =	vunpack.i.l.s16.s32 v11;
	v3 =	vld.idx.msk [tilespmem:v3+s15+$0x0], $0xffff  }
0x2fb: {  	v4 =	vld.idx.msk [tilespmem:v4+s15+$0x0], $0xffff  }
0x2fc: {  	v5 =	vld.idx.msk [tilespmem:v5+s15+$0x0], $0xffff;
	[tilespmem:s25+$0xFFFFFF90] =	vst v14  }
0x2fd: {  	v6 =	vld.idx.msk [tilespmem:v6+s15+$0x0], $0xffff;
	[tilespmem:s25+$0x50] =	vst v16;
	s25 =	sadd.s32 $0x100, s25  }
0x2fe: {  	v10 =	vld.idx.msk [tilespmem:v10+s15+$0x0], $0xffff;
	[tilespmem:s25+$0x60] =	vst v9  }
0x2ff: {  	[tilespmem:s25+$0xFFFFFFA0] =	vst v2;
	v8 =	vld.idx.msk [tilespmem:v8+s15+$0x0], $0xffff  }
0x300: {  	v2 =	vld.idx.msk [tilespmem:v11+s15+$0x0], $0xffff;
	[tilespmem:s25+$0xFFFFFFC0] =	vst v3  }
.Ltmp10:
0x301: {  	v3 =	vld.idx.msk [tilespmem:v7+s15+$0x0], $0xffff;
	[tilespmem:s25+$0xFFFFFFE0] =	vst v4;
	(pc) =	sbr.rel @p0 .LBB2_22-.Ltmp10, $4  }
0x302: {  	v4 =	vld.idx.msk [tilespmem:v12+s15+$0x0], $0xffff;
	[tilespmem:s25+$0x0] =	vst v5  }
0x303: {  	v5 =	vld.idx.msk [tilespmem:v13+s15+$0x0], $0xffff;
	[tilespmem:s25+$0x20] =	vst v6  }
0x304: {  	v6 =	vld.idx.msk [tilespmem:v15+s15+$0x0], $0xffff;
	[tilespmem:s25+$0x40] =	vst v10  }
0x305: {  	s28 =	sadd.s32 $0x80, s28;
	v7 =	vld.idx.msk [tilespmem:v17+s15+$0x0], $0xffff;
	[tilespmem:s25+$0x70] =	vst v8  }
0x306: {  	_ =	sdelay $0x2  }
0x307: {  	[tilespmem:s25+$0xFFFFFF80] =	vst v2  }
0x308: {  	[tilespmem:s25+$0xFFFFFFB0] =	vst v3;
	v0 =	vld.idx.msk [tilespmem:v0+s15+$0x0], $0xffff  }
0x309: {  	v1 =	vld.idx.msk [tilespmem:v1+s15+$0x0], $0xffff;
	[tilespmem:s25+$0xFFFFFFD0] =	vst v4  }
0x30a: {  	[tilespmem:s25+$0xFFFFFFF0] =	vst v5  }
0x30b: {  	[tilespmem:s25+$0x10] =	vst v6  }
0x30c: {  	[tilespmem:s25+$0x30] =	vst v7  }
0x30d: {  	[tilespmem:s25+$0x50] =	vst v0  }
0x30e: {  	[tilespmem:s25+$0xFFFFFF90] =	vst v1  }
0x30f: {  	s25 =	rddreg [dreg:$0x1b]  }
0x310: {  	[hbm4b:s25+s13] =	stream.strided.scatter [tilespmem:s18], [sflag:$0x5], $0x3C00, s14, s13, $0x38;
	[tilespmem:$0x1F000] =	vst v63  }
0x311: {  	_ =	swait.ge [sflag:s22], $0x3C00  }
0x312: {  	[sflag:s22] =	ssyncset.done $0x0  }
0x313: {  	s26 =	simm.s32 $0x15A70;
	[sflag:s22] =	ssyncadd.s32 $0xFFFFC400  }
0x314: {  	v0 =	vld [tilespmem:s26+$0x0]  }
0x315: {  	v1 =	vld [tilespmem:s26+$0xFFFFFFA0]  }
0x316: {  	v2 =	vld [tilespmem:s26+$0xFFFFFFB0]  }
0x317: {  	v3 =	vld [tilespmem:s26+$0xFFFFFFC0]  }
0x318: {  	v4 =	vld [tilespmem:s26+$0xFFFFFFD0]  }
0x319: {  	v5 =	vld [tilespmem:s26+$0xFFFFFFE0];
	v6 =	vunpack.i.l.s16.s32 v0  }
0x31a: {  	v8 =	vld [tilespmem:s26+$0xFFFFFFF0];
	v7 =	vunpack.i.l.s16.s32 v1  }
0x31b: {  	v10 =	vld [tilespmem:s26+$0xFFFFFF90];
	v9 =	vunpack.i.l.s16.s32 v2  }
0x31c: {  	v11 =	vunpack.i.l.s16.s32 v3  }
0x31d: {  	v12 =	vunpack.i.l.s16.s32 v4  }
0x31e: {  	v13 =	vunpack.i.l.s16.s32 v5;
	v6 =	vld.idx.msk [tilespmem:v6+s15+$0x0], $0xffff  }
0x31f: {  	v14 =	vunpack.i.l.s16.s32 v8;
	v7 =	vld.idx.msk [tilespmem:v7+s15+$0x0], $0xffff  }
0x320: {  	v15 =	vunpack.i.l.s16.s32 v10;
	v9 =	vld.idx.msk [tilespmem:v9+s15+$0x0], $0xffff  }
0x321: {  	v0 =	vunpack.i.u.s16.s32 v0;
	v11 =	vld.idx.msk [tilespmem:v11+s15+$0x0], $0xffff  }
0x322: {  	v1 =	vunpack.i.u.s16.s32 v1;
	v12 =	vld.idx.msk [tilespmem:v12+s15+$0x0], $0xffff  }
0x323: {  	s25 =	simm.s32 $0x1B480;
	v16 =	vunpack.i.u.s16.s32 v2;
	v13 =	vld.idx.msk [tilespmem:v13+s15+$0x0], $0xffff  }
0x324: {  	v17 =	vunpack.i.u.s16.s32 v3;
	v14 =	vld.idx.msk [tilespmem:v14+s15+$0x0], $0xffff;
	[tilespmem:s25+$0x60] =	vst v6  }
0x325: {  	v2 =	vld.idx.msk [tilespmem:v15+s15+$0x0], $0xffff;
	v6 =	vunpack.i.u.s16.s32 v4;
	[tilespmem:s25+$0xFFFFFFA0] =	vst v7  }
0x326: {  	v7 =	vunpack.i.u.s16.s32 v5;
	[tilespmem:s25+$0xFFFFFFC0] =	vst v9;
	v18 =	vld.idx.msk [tilespmem:v0+s15+$0x0], $0xffff  }
0x327: {  	[tilespmem:s25+$0xFFFFFFE0] =	vst v11;
	v3 =	vld.idx.msk [tilespmem:v1+s15+$0x0], $0xffff  }
0x328: {  	[tilespmem:s25+$0x0] =	vst v12;
	v4 =	vld.idx.msk [tilespmem:v16+s15+$0x0], $0xffff  }
0x329: {  	[tilespmem:s25+$0x20] =	vst v13;
	v5 =	vld.idx.msk [tilespmem:v17+s15+$0x0], $0xffff  }
0x32a: {  	[tilespmem:s25+$0x40] =	vst v14;
	v6 =	vld.idx.msk [tilespmem:v6+s15+$0x0], $0xffff  }
0x32b: {  	s28 =	simm.s32 $0x15AF0;
	s26 =	simm.s32 $0x0;
	v0 =	vunpack.i.u.s16.s32 v8;
	v1 =	vunpack.i.u.s16.s32 v10;
	v7 =	vld.idx.msk [tilespmem:v7+s15+$0x0], $0xffff;
	[tilespmem:s25+$0x70] =	vst v18  }
.LBB2_24:
0x32c: {  	v8 =	vld [tilespmem:s28+$0x0];
	s26 =	sadd.s32 $0x8, s26;
	[tilespmem:s25+$0xFFFFFF80] =	vst v2  }
0x32d: {  	v2 =	vld [tilespmem:s28+$0xFFFFFFA0];
	p0 =	slt.u32 s26, $0x1D8;
	[tilespmem:s25+$0xFFFFFFB0] =	vst v3  }
0x32e: {  	v3 =	vld [tilespmem:s28+$0xFFFFFFB0];
	[tilespmem:s25+$0xFFFFFFD0] =	vst v4  }
0x32f: {  	v4 =	vld [tilespmem:s28+$0xFFFFFFC0];
	[tilespmem:s25+$0xFFFFFFF0] =	vst v5  }
0x330: {  	v5 =	vld [tilespmem:s28+$0xFFFFFFD0];
	[tilespmem:s25+$0x10] =	vst v6  }
0x331: {  	v6 =	vld [tilespmem:s28+$0xFFFFFFE0];
	v9 =	vunpack.i.l.s16.s32 v8;
	[tilespmem:s25+$0x30] =	vst v7  }
0x332: {  	v7 =	vunpack.i.u.s16.s32 v2;
	v2 =	vunpack.i.l.s16.s32 v2;
	v10 =	vld [tilespmem:s28+$0xFFFFFFF0]  }
0x333: {  	v11 =	vld [tilespmem:s28+$0xFFFFFF90];
	v12 =	vunpack.i.u.s16.s32 v3;
	v3 =	vunpack.i.l.s16.s32 v3  }
0x334: {  	v13 =	vunpack.i.u.s16.s32 v4;
	v4 =	vunpack.i.l.s16.s32 v4;
	v14 =	vld.idx.msk [tilespmem:v1+s15+$0x0], $0xffff  }
0x335: {  	v15 =	vunpack.i.u.s16.s32 v5;
	v5 =	vunpack.i.l.s16.s32 v5;
	v16 =	vld.idx.msk [tilespmem:v0+s15+$0x0], $0xffff  }
0x336: {  	v17 =	vunpack.i.u.s16.s32 v6;
	v6 =	vunpack.i.l.s16.s32 v6;
	v9 =	vld.idx.msk [tilespmem:v9+s15+$0x0], $0xffff  }
0x337: {  	v2 =	vld.idx.msk [tilespmem:v2+s15+$0x0], $0xffff;
	v0 =	vunpack.i.u.s16.s32 v10;
	v10 =	vunpack.i.l.s16.s32 v10  }
0x338: {  	v8 =	vunpack.i.u.s16.s32 v8;
	v1 =	vunpack.i.u.s16.s32 v11;
	v11 =	vunpack.i.l.s16.s32 v11;
	v3 =	vld.idx.msk [tilespmem:v3+s15+$0x0], $0xffff  }
0x339: {  	v4 =	vld.idx.msk [tilespmem:v4+s15+$0x0], $0xffff  }
0x33a: {  	v5 =	vld.idx.msk [tilespmem:v5+s15+$0x0], $0xffff;
	[tilespmem:s25+$0xFFFFFF90] =	vst v14  }
0x33b: {  	v6 =	vld.idx.msk [tilespmem:v6+s15+$0x0], $0xffff;
	[tilespmem:s25+$0x50] =	vst v16;
	s25 =	sadd.s32 $0x100, s25  }
0x33c: {  	v10 =	vld.idx.msk [tilespmem:v10+s15+$0x0], $0xffff;
	[tilespmem:s25+$0x60] =	vst v9  }
0x33d: {  	[tilespmem:s25+$0xFFFFFFA0] =	vst v2;
	v8 =	vld.idx.msk [tilespmem:v8+s15+$0x0], $0xffff  }
0x33e: {  	v2 =	vld.idx.msk [tilespmem:v11+s15+$0x0], $0xffff;
	[tilespmem:s25+$0xFFFFFFC0] =	vst v3  }
.Ltmp11:
0x33f: {  	v3 =	vld.idx.msk [tilespmem:v7+s15+$0x0], $0xffff;
	[tilespmem:s25+$0xFFFFFFE0] =	vst v4;
	(pc) =	sbr.rel @p0 .LBB2_24-.Ltmp11, $4  }
0x340: {  	v4 =	vld.idx.msk [tilespmem:v12+s15+$0x0], $0xffff;
	[tilespmem:s25+$0x0] =	vst v5  }
0x341: {  	v5 =	vld.idx.msk [tilespmem:v13+s15+$0x0], $0xffff;
	[tilespmem:s25+$0x20] =	vst v6  }
0x342: {  	v6 =	vld.idx.msk [tilespmem:v15+s15+$0x0], $0xffff;
	[tilespmem:s25+$0x40] =	vst v10  }
0x343: {  	s28 =	sadd.s32 $0x80, s28;
	v7 =	vld.idx.msk [tilespmem:v17+s15+$0x0], $0xffff;
	[tilespmem:s25+$0x70] =	vst v8  }
0x344: {  	_ =	sdelay $0x2  }
0x345: {  	[tilespmem:s25+$0xFFFFFF80] =	vst v2  }
0x346: {  	[tilespmem:s25+$0xFFFFFFB0] =	vst v3;
	v0 =	vld.idx.msk [tilespmem:v0+s15+$0x0], $0xffff  }
0x347: {  	v1 =	vld.idx.msk [tilespmem:v1+s15+$0x0], $0xffff;
	[tilespmem:s25+$0xFFFFFFD0] =	vst v4  }
0x348: {  	[tilespmem:s25+$0xFFFFFFF0] =	vst v5  }
0x349: {  	[tilespmem:s25+$0x10] =	vst v6  }
0x34a: {  	[tilespmem:s25+$0x30] =	vst v7  }
0x34b: {  	[tilespmem:s25+$0x50] =	vst v0  }
0x34c: {  	[tilespmem:s25+$0xFFFFFF90] =	vst v1  }
0x34d: {  	s25 =	rddreg [dreg:$0x1c]  }
0x34e: {  	[hbm4b:s25+s13] =	stream.strided.scatter [tilespmem:s19], [sflag:$0x6], $0x3C00, s14, s13, $0x38;
	[tilespmem:$0x1F000] =	vst v63  }
0x34f: {  	s26 =	rddreg [dreg:$0xc]  }
0x350: {  	[tilespmem:s15], [sflag:$0x2] =	stream.strided.gather [hbm4b:s26+s13], $0x8000, s14, s13, $0x38;
	[tilespmem:$0x1F000] =	vst v63  }
0x351: {  	_ =	swait.ge [sflag:s16], $0x3C00  }
0x352: {  	[sflag:s16] =	ssyncset.done $0x0  }
0x353: {  	s26 =	simm.s32 $0x13C00;
	s25 =	rddreg [dreg:$0xb];
	[sflag:s16] =	ssyncadd.s32 $0xFFFFC400  }
0x354: {  	[tilespmem:s26], [sflag:$0x4] =	stream.linear.gather [hbm4b:s25+s17], $0x3C00, $0x38;
	[tilespmem:$0x1F000] =	vst v63  }
0x355: {  	_ =	swait.ge [sflag:s12], $0x8000  }
0x356: {  	[sflag:s12] =	ssyncset.done $0x0  }
0x357: {  	[sflag:s12] =	ssyncadd.s32 $0xFFFF8000  }
0x358: {  	_ =	swait.ge [sflag:s21], $0x3C00  }
0x359: {  	[sflag:s21] =	ssyncset.done $0x0  }
0x35a: {  	s26 =	simm.s32 $0x10040;
	[sflag:s21] =	ssyncadd.s32 $0xFFFFC400  }
0x35b: {  	v0 =	vld [tilespmem:s26+$0x30]  }
0x35c: {  	v1 =	vld [tilespmem:s26+$0xFFFFFFD0]  }
0x35d: {  	v2 =	vld [tilespmem:s26+$0xFFFFFFE0]  }
0x35e: {  	v3 =	vld [tilespmem:s26+$0xFFFFFFF0]  }
0x35f: {  	v4 =	vld [tilespmem:s26+$0x0]  }
0x360: {  	v5 =	vld [tilespmem:s26+$0x10];
	v6 =	vunpack.i.l.s16.s32 v0  }
0x361: {  	v8 =	vld [tilespmem:s26+$0x20];
	v7 =	vunpack.i.l.s16.s32 v1  }
0x362: {  	v10 =	vld [tilespmem:s26+$0xFFFFFFC0];
	v9 =	vunpack.i.l.s16.s32 v2  }
0x363: {  	v11 =	vunpack.i.l.s16.s32 v3  }
0x364: {  	v12 =	vunpack.i.l.s16.s32 v4  }
0x365: {  	v13 =	vunpack.i.l.s16.s32 v5;
	v6 =	vld.idx.msk [tilespmem:v6+s17+$0x0], $0xffff  }
0x366: {  	v14 =	vunpack.i.l.s16.s32 v8;
	v7 =	vld.idx.msk [tilespmem:v7+s17+$0x0], $0xffff  }
0x367: {  	v15 =	vunpack.i.l.s16.s32 v10;
	v9 =	vld.idx.msk [tilespmem:v9+s17+$0x0], $0xffff  }
0x368: {  	v0 =	vunpack.i.u.s16.s32 v0;
	v11 =	vld.idx.msk [tilespmem:v11+s17+$0x0], $0xffff  }
0x369: {  	v1 =	vunpack.i.u.s16.s32 v1;
	v12 =	vld.idx.msk [tilespmem:v12+s17+$0x0], $0xffff  }
0x36a: {  	s25 =	simm.s32 $0x17880;
	v16 =	vunpack.i.u.s16.s32 v2;
	v13 =	vld.idx.msk [tilespmem:v13+s17+$0x0], $0xffff  }
0x36b: {  	v17 =	vunpack.i.u.s16.s32 v3;
	v14 =	vld.idx.msk [tilespmem:v14+s17+$0x0], $0xffff;
	[tilespmem:s25+$0x60] =	vst v6  }
0x36c: {  	v2 =	vld.idx.msk [tilespmem:v15+s17+$0x0], $0xffff;
	v6 =	vunpack.i.u.s16.s32 v4;
	[tilespmem:s25+$0xFFFFFFA0] =	vst v7  }
0x36d: {  	v7 =	vunpack.i.u.s16.s32 v5;
	[tilespmem:s25+$0xFFFFFFC0] =	vst v9;
	v18 =	vld.idx.msk [tilespmem:v0+s17+$0x0], $0xffff  }
0x36e: {  	[tilespmem:s25+$0xFFFFFFE0] =	vst v11;
	v3 =	vld.idx.msk [tilespmem:v1+s17+$0x0], $0xffff  }
0x36f: {  	[tilespmem:s25+$0x0] =	vst v12;
	v4 =	vld.idx.msk [tilespmem:v16+s17+$0x0], $0xffff  }
0x370: {  	[tilespmem:s25+$0x20] =	vst v13;
	v5 =	vld.idx.msk [tilespmem:v17+s17+$0x0], $0xffff  }
0x371: {  	[tilespmem:s25+$0x40] =	vst v14;
	v6 =	vld.idx.msk [tilespmem:v6+s17+$0x0], $0xffff  }
0x372: {  	s28 =	simm.s32 $0x100C0;
	s26 =	simm.s32 $0x0;
	v0 =	vunpack.i.u.s16.s32 v8;
	v1 =	vunpack.i.u.s16.s32 v10;
	v7 =	vld.idx.msk [tilespmem:v7+s17+$0x0], $0xffff;
	[tilespmem:s25+$0x70] =	vst v18  }
.LBB2_26:
0x373: {  	v8 =	vld [tilespmem:s28+$0x30];
	s26 =	sadd.s32 $0x8, s26;
	[tilespmem:s25+$0xFFFFFF80] =	vst v2  }
0x374: {  	v2 =	vld [tilespmem:s28+$0xFFFFFFD0];
	p0 =	slt.u32 s26, $0x1D8;
	[tilespmem:s25+$0xFFFFFFB0] =	vst v3  }
0x375: {  	v3 =	vld [tilespmem:s28+$0xFFFFFFE0];
	[tilespmem:s25+$0xFFFFFFD0] =	vst v4  }
0x376: {  	v4 =	vld [tilespmem:s28+$0xFFFFFFF0];
	[tilespmem:s25+$0xFFFFFFF0] =	vst v5  }
0x377: {  	v5 =	vld [tilespmem:s28+$0x0];
	[tilespmem:s25+$0x10] =	vst v6  }
0x378: {  	v6 =	vld [tilespmem:s28+$0x10];
	v9 =	vunpack.i.l.s16.s32 v8;
	[tilespmem:s25+$0x30] =	vst v7  }
0x379: {  	v7 =	vunpack.i.u.s16.s32 v2;
	v2 =	vunpack.i.l.s16.s32 v2;
	v10 =	vld [tilespmem:s28+$0x20]  }
0x37a: {  	v11 =	vld [tilespmem:s28+$0xFFFFFFC0];
	v12 =	vunpack.i.u.s16.s32 v3;
	v3 =	vunpack.i.l.s16.s32 v3  }
0x37b: {  	v13 =	vunpack.i.u.s16.s32 v4;
	v4 =	vunpack.i.l.s16.s32 v4;
	v14 =	vld.idx.msk [tilespmem:v1+s17+$0x0], $0xffff  }
0x37c: {  	v15 =	vunpack.i.u.s16.s32 v5;
	v5 =	vunpack.i.l.s16.s32 v5;
	v16 =	vld.idx.msk [tilespmem:v0+s17+$0x0], $0xffff  }
0x37d: {  	v17 =	vunpack.i.u.s16.s32 v6;
	v6 =	vunpack.i.l.s16.s32 v6;
	v9 =	vld.idx.msk [tilespmem:v9+s17+$0x0], $0xffff  }
0x37e: {  	v2 =	vld.idx.msk [tilespmem:v2+s17+$0x0], $0xffff;
	v0 =	vunpack.i.u.s16.s32 v10;
	v10 =	vunpack.i.l.s16.s32 v10  }
0x37f: {  	v8 =	vunpack.i.u.s16.s32 v8;
	v1 =	vunpack.i.u.s16.s32 v11;
	v11 =	vunpack.i.l.s16.s32 v11;
	v3 =	vld.idx.msk [tilespmem:v3+s17+$0x0], $0xffff  }
0x380: {  	v4 =	vld.idx.msk [tilespmem:v4+s17+$0x0], $0xffff  }
0x381: {  	v5 =	vld.idx.msk [tilespmem:v5+s17+$0x0], $0xffff;
	[tilespmem:s25+$0xFFFFFF90] =	vst v14  }
0x382: {  	v6 =	vld.idx.msk [tilespmem:v6+s17+$0x0], $0xffff;
	[tilespmem:s25+$0x50] =	vst v16;
	s25 =	sadd.s32 $0x100, s25  }
0x383: {  	v10 =	vld.idx.msk [tilespmem:v10+s17+$0x0], $0xffff;
	[tilespmem:s25+$0x60] =	vst v9  }
0x384: {  	[tilespmem:s25+$0xFFFFFFA0] =	vst v2;
	v8 =	vld.idx.msk [tilespmem:v8+s17+$0x0], $0xffff  }
0x385: {  	v2 =	vld.idx.msk [tilespmem:v11+s17+$0x0], $0xffff;
	[tilespmem:s25+$0xFFFFFFC0] =	vst v3  }
.Ltmp12:
0x386: {  	v3 =	vld.idx.msk [tilespmem:v7+s17+$0x0], $0xffff;
	[tilespmem:s25+$0xFFFFFFE0] =	vst v4;
	(pc) =	sbr.rel @p0 .LBB2_26-.Ltmp12, $4  }
0x387: {  	v4 =	vld.idx.msk [tilespmem:v12+s17+$0x0], $0xffff;
	[tilespmem:s25+$0x0] =	vst v5  }
0x388: {  	v5 =	vld.idx.msk [tilespmem:v13+s17+$0x0], $0xffff;
	[tilespmem:s25+$0x20] =	vst v6  }
0x389: {  	v6 =	vld.idx.msk [tilespmem:v15+s17+$0x0], $0xffff;
	[tilespmem:s25+$0x40] =	vst v10  }
0x38a: {  	s28 =	sadd.s32 $0x80, s28;
	v7 =	vld.idx.msk [tilespmem:v17+s17+$0x0], $0xffff;
	[tilespmem:s25+$0x70] =	vst v8  }
0x38b: {  	_ =	sdelay $0x2  }
0x38c: {  	[tilespmem:s25+$0xFFFFFF80] =	vst v2  }
0x38d: {  	[tilespmem:s25+$0xFFFFFFB0] =	vst v3;
	v0 =	vld.idx.msk [tilespmem:v0+s17+$0x0], $0xffff  }
0x38e: {  	v1 =	vld.idx.msk [tilespmem:v1+s17+$0x0], $0xffff;
	[tilespmem:s25+$0xFFFFFFD0] =	vst v4  }
0x38f: {  	[tilespmem:s25+$0xFFFFFFF0] =	vst v5  }
0x390: {  	[tilespmem:s25+$0x10] =	vst v6  }
0x391: {  	[tilespmem:s25+$0x30] =	vst v7  }
0x392: {  	[tilespmem:s25+$0x50] =	vst v0  }
0x393: {  	[tilespmem:s25+$0xFFFFFF90] =	vst v1  }
0x394: {  	s25 =	rddreg [dreg:$0x1d]  }
0x395: {  	[hbm4b:s25+s13] =	stream.strided.scatter [tilespmem:s18], [sflag:$0x5], $0x3C00, s14, s13, $0x38;
	[tilespmem:$0x1F000] =	vst v63  }
0x396: {  	_ =	swait.ge [sflag:s22], $0x3C00  }
0x397: {  	[sflag:s22] =	ssyncset.done $0x0  }
0x398: {  	s26 =	simm.s32 $0x11E70;
	[sflag:s22] =	ssyncadd.s32 $0xFFFFC400  }
0x399: {  	v0 =	vld [tilespmem:s26+$0x0]  }
0x39a: {  	v1 =	vld [tilespmem:s26+$0xFFFFFFA0]  }
0x39b: {  	v2 =	vld [tilespmem:s26+$0xFFFFFFB0]  }
0x39c: {  	v3 =	vld [tilespmem:s26+$0xFFFFFFC0]  }
0x39d: {  	v4 =	vld [tilespmem:s26+$0xFFFFFFD0]  }
0x39e: {  	v5 =	vld [tilespmem:s26+$0xFFFFFFE0];
	v6 =	vunpack.i.l.s16.s32 v0  }
0x39f: {  	v8 =	vld [tilespmem:s26+$0xFFFFFFF0];
	v7 =	vunpack.i.l.s16.s32 v1  }
0x3a0: {  	v10 =	vld [tilespmem:s26+$0xFFFFFF90];
	v9 =	vunpack.i.l.s16.s32 v2  }
0x3a1: {  	v11 =	vunpack.i.l.s16.s32 v3  }
0x3a2: {  	v12 =	vunpack.i.l.s16.s32 v4  }
0x3a3: {  	v13 =	vunpack.i.l.s16.s32 v5;
	v6 =	vld.idx.msk [tilespmem:v6+s17+$0x0], $0xffff  }
0x3a4: {  	v14 =	vunpack.i.l.s16.s32 v8;
	v7 =	vld.idx.msk [tilespmem:v7+s17+$0x0], $0xffff  }
0x3a5: {  	v15 =	vunpack.i.l.s16.s32 v10;
	v9 =	vld.idx.msk [tilespmem:v9+s17+$0x0], $0xffff  }
0x3a6: {  	v0 =	vunpack.i.u.s16.s32 v0;
	v11 =	vld.idx.msk [tilespmem:v11+s17+$0x0], $0xffff  }
0x3a7: {  	v1 =	vunpack.i.u.s16.s32 v1;
	v12 =	vld.idx.msk [tilespmem:v12+s17+$0x0], $0xffff  }
0x3a8: {  	s25 =	simm.s32 $0x1B480;
	v16 =	vunpack.i.u.s16.s32 v2;
	v13 =	vld.idx.msk [tilespmem:v13+s17+$0x0], $0xffff  }
0x3a9: {  	v17 =	vunpack.i.u.s16.s32 v3;
	v14 =	vld.idx.msk [tilespmem:v14+s17+$0x0], $0xffff;
	[tilespmem:s25+$0x60] =	vst v6  }
0x3aa: {  	v2 =	vld.idx.msk [tilespmem:v15+s17+$0x0], $0xffff;
	v6 =	vunpack.i.u.s16.s32 v4;
	[tilespmem:s25+$0xFFFFFFA0] =	vst v7  }
0x3ab: {  	v7 =	vunpack.i.u.s16.s32 v5;
	[tilespmem:s25+$0xFFFFFFC0] =	vst v9;
	v18 =	vld.idx.msk [tilespmem:v0+s17+$0x0], $0xffff  }
0x3ac: {  	[tilespmem:s25+$0xFFFFFFE0] =	vst v11;
	v3 =	vld.idx.msk [tilespmem:v1+s17+$0x0], $0xffff  }
0x3ad: {  	[tilespmem:s25+$0x0] =	vst v12;
	v4 =	vld.idx.msk [tilespmem:v16+s17+$0x0], $0xffff  }
0x3ae: {  	[tilespmem:s25+$0x20] =	vst v13;
	v5 =	vld.idx.msk [tilespmem:v17+s17+$0x0], $0xffff  }
0x3af: {  	[tilespmem:s25+$0x40] =	vst v14;
	v6 =	vld.idx.msk [tilespmem:v6+s17+$0x0], $0xffff  }
0x3b0: {  	s28 =	simm.s32 $0x11EF0;
	s26 =	simm.s32 $0x0;
	v0 =	vunpack.i.u.s16.s32 v8;
	v1 =	vunpack.i.u.s16.s32 v10;
	v7 =	vld.idx.msk [tilespmem:v7+s17+$0x0], $0xffff;
	[tilespmem:s25+$0x70] =	vst v18  }
.LBB2_28:
0x3b1: {  	v8 =	vld [tilespmem:s28+$0x0];
	s26 =	sadd.s32 $0x8, s26;
	[tilespmem:s25+$0xFFFFFF80] =	vst v2  }
0x3b2: {  	v2 =	vld [tilespmem:s28+$0xFFFFFFA0];
	p0 =	slt.u32 s26, $0x1D8;
	[tilespmem:s25+$0xFFFFFFB0] =	vst v3  }
0x3b3: {  	v3 =	vld [tilespmem:s28+$0xFFFFFFB0];
	[tilespmem:s25+$0xFFFFFFD0] =	vst v4  }
0x3b4: {  	v4 =	vld [tilespmem:s28+$0xFFFFFFC0];
	[tilespmem:s25+$0xFFFFFFF0] =	vst v5  }
0x3b5: {  	v5 =	vld [tilespmem:s28+$0xFFFFFFD0];
	[tilespmem:s25+$0x10] =	vst v6  }
0x3b6: {  	v6 =	vld [tilespmem:s28+$0xFFFFFFE0];
	v9 =	vunpack.i.l.s16.s32 v8;
	[tilespmem:s25+$0x30] =	vst v7  }
0x3b7: {  	v7 =	vunpack.i.u.s16.s32 v2;
	v2 =	vunpack.i.l.s16.s32 v2;
	v10 =	vld [tilespmem:s28+$0xFFFFFFF0]  }
0x3b8: {  	v11 =	vld [tilespmem:s28+$0xFFFFFF90];
	v12 =	vunpack.i.u.s16.s32 v3;
	v3 =	vunpack.i.l.s16.s32 v3  }
0x3b9: {  	v13 =	vunpack.i.u.s16.s32 v4;
	v4 =	vunpack.i.l.s16.s32 v4;
	v14 =	vld.idx.msk [tilespmem:v1+s17+$0x0], $0xffff  }
0x3ba: {  	v15 =	vunpack.i.u.s16.s32 v5;
	v5 =	vunpack.i.l.s16.s32 v5;
	v16 =	vld.idx.msk [tilespmem:v0+s17+$0x0], $0xffff  }
0x3bb: {  	v17 =	vunpack.i.u.s16.s32 v6;
	v6 =	vunpack.i.l.s16.s32 v6;
	v9 =	vld.idx.msk [tilespmem:v9+s17+$0x0], $0xffff  }
0x3bc: {  	v2 =	vld.idx.msk [tilespmem:v2+s17+$0x0], $0xffff;
	v0 =	vunpack.i.u.s16.s32 v10;
	v10 =	vunpack.i.l.s16.s32 v10  }
0x3bd: {  	v8 =	vunpack.i.u.s16.s32 v8;
	v1 =	vunpack.i.u.s16.s32 v11;
	v11 =	vunpack.i.l.s16.s32 v11;
	v3 =	vld.idx.msk [tilespmem:v3+s17+$0x0], $0xffff  }
0x3be: {  	v4 =	vld.idx.msk [tilespmem:v4+s17+$0x0], $0xffff  }
0x3bf: {  	v5 =	vld.idx.msk [tilespmem:v5+s17+$0x0], $0xffff;
	[tilespmem:s25+$0xFFFFFF90] =	vst v14  }
0x3c0: {  	v6 =	vld.idx.msk [tilespmem:v6+s17+$0x0], $0xffff;
	[tilespmem:s25+$0x50] =	vst v16;
	s25 =	sadd.s32 $0x100, s25  }
0x3c1: {  	v10 =	vld.idx.msk [tilespmem:v10+s17+$0x0], $0xffff;
	[tilespmem:s25+$0x60] =	vst v9  }
0x3c2: {  	[tilespmem:s25+$0xFFFFFFA0] =	vst v2;
	v8 =	vld.idx.msk [tilespmem:v8+s17+$0x0], $0xffff  }
0x3c3: {  	v2 =	vld.idx.msk [tilespmem:v11+s17+$0x0], $0xffff;
	[tilespmem:s25+$0xFFFFFFC0] =	vst v3  }
.Ltmp13:
0x3c4: {  	v3 =	vld.idx.msk [tilespmem:v7+s17+$0x0], $0xffff;
	[tilespmem:s25+$0xFFFFFFE0] =	vst v4;
	(pc) =	sbr.rel @p0 .LBB2_28-.Ltmp13, $4  }
0x3c5: {  	v4 =	vld.idx.msk [tilespmem:v12+s17+$0x0], $0xffff;
	[tilespmem:s25+$0x0] =	vst v5  }
0x3c6: {  	v5 =	vld.idx.msk [tilespmem:v13+s17+$0x0], $0xffff;
	[tilespmem:s25+$0x20] =	vst v6  }
0x3c7: {  	v6 =	vld.idx.msk [tilespmem:v15+s17+$0x0], $0xffff;
	[tilespmem:s25+$0x40] =	vst v10  }
0x3c8: {  	s28 =	sadd.s32 $0x80, s28;
	v7 =	vld.idx.msk [tilespmem:v17+s17+$0x0], $0xffff;
	[tilespmem:s25+$0x70] =	vst v8  }
0x3c9: {  	_ =	sdelay $0x2  }
0x3ca: {  	[tilespmem:s25+$0xFFFFFF80] =	vst v2  }
0x3cb: {  	[tilespmem:s25+$0xFFFFFFB0] =	vst v3;
	v0 =	vld.idx.msk [tilespmem:v0+s17+$0x0], $0xffff  }
0x3cc: {  	v1 =	vld.idx.msk [tilespmem:v1+s17+$0x0], $0xffff;
	[tilespmem:s25+$0xFFFFFFD0] =	vst v4  }
0x3cd: {  	[tilespmem:s25+$0xFFFFFFF0] =	vst v5  }
0x3ce: {  	[tilespmem:s25+$0x10] =	vst v6  }
0x3cf: {  	[tilespmem:s25+$0x30] =	vst v7  }
0x3d0: {  	[tilespmem:s25+$0x50] =	vst v0  }
0x3d1: {  	[tilespmem:s25+$0xFFFFFF90] =	vst v1  }
0x3d2: {  	[hbm4b:s0+s13] =	stream.strided.scatter [tilespmem:s19], [sflag:$0x6], $0x3C00, s14, s13, $0x38;
	[tilespmem:$0x1F000] =	vst v63  }
0x3d3: {  	s25 =	rddreg [dreg:$0xd]  }
0x3d4: {  	[tilespmem:s17], [sflag:$0x1] =	stream.strided.gather [hbm4b:s25+s13], $0x8000, s14, s13, $0x38;
	[tilespmem:$0x1F000] =	vst v63  }
0x3d5: {  	_ =	swait.ge [sflag:s20], $0x8000  }
0x3d6: {  	[sflag:s20] =	ssyncset.done $0x0  }
0x3d7: {  	[sflag:s20] =	ssyncadd.s32 $0xFFFF8000  }
0x3d8: {  	_ =	swait.ge [sflag:s21], $0x3C00  }
0x3d9: {  	[sflag:s21] =	ssyncset.done $0x0  }
0x3da: {  	s26 =	simm.s32 $0x10040;
	[sflag:s21] =	ssyncadd.s32 $0xFFFFC400  }
0x3db: {  	v0 =	vld [tilespmem:s26+$0x30]  }
0x3dc: {  	v1 =	vld [tilespmem:s26+$0xFFFFFFD0]  }
0x3dd: {  	v2 =	vld [tilespmem:s26+$0xFFFFFFE0]  }
0x3de: {  	v3 =	vld [tilespmem:s26+$0xFFFFFFF0]  }
0x3df: {  	v4 =	vld [tilespmem:s26+$0x0]  }
0x3e0: {  	v5 =	vld [tilespmem:s26+$0x10];
	v6 =	vunpack.i.l.s16.s32 v0  }
0x3e1: {  	v8 =	vld [tilespmem:s26+$0x20];
	v7 =	vunpack.i.l.s16.s32 v1  }
0x3e2: {  	v10 =	vld [tilespmem:s26+$0xFFFFFFC0];
	v9 =	vunpack.i.l.s16.s32 v2  }
0x3e3: {  	v11 =	vunpack.i.l.s16.s32 v3  }
0x3e4: {  	v12 =	vunpack.i.l.s16.s32 v4  }
0x3e5: {  	v13 =	vunpack.i.l.s16.s32 v5;
	v6 =	vld.idx.msk [tilespmem:v6+s15+$0x0], $0xffff  }
0x3e6: {  	v14 =	vunpack.i.l.s16.s32 v8;
	v7 =	vld.idx.msk [tilespmem:v7+s15+$0x0], $0xffff  }
0x3e7: {  	v15 =	vunpack.i.l.s16.s32 v10;
	v9 =	vld.idx.msk [tilespmem:v9+s15+$0x0], $0xffff  }
0x3e8: {  	v0 =	vunpack.i.u.s16.s32 v0;
	v11 =	vld.idx.msk [tilespmem:v11+s15+$0x0], $0xffff  }
0x3e9: {  	v1 =	vunpack.i.u.s16.s32 v1;
	v12 =	vld.idx.msk [tilespmem:v12+s15+$0x0], $0xffff  }
0x3ea: {  	s25 =	simm.s32 $0x17880;
	v16 =	vunpack.i.u.s16.s32 v2;
	v13 =	vld.idx.msk [tilespmem:v13+s15+$0x0], $0xffff  }
0x3eb: {  	v17 =	vunpack.i.u.s16.s32 v3;
	v14 =	vld.idx.msk [tilespmem:v14+s15+$0x0], $0xffff;
	[tilespmem:s25+$0x60] =	vst v6  }
0x3ec: {  	v2 =	vld.idx.msk [tilespmem:v15+s15+$0x0], $0xffff;
	v6 =	vunpack.i.u.s16.s32 v4;
	[tilespmem:s25+$0xFFFFFFA0] =	vst v7  }
0x3ed: {  	v7 =	vunpack.i.u.s16.s32 v5;
	[tilespmem:s25+$0xFFFFFFC0] =	vst v9;
	v18 =	vld.idx.msk [tilespmem:v0+s15+$0x0], $0xffff  }
0x3ee: {  	[tilespmem:s25+$0xFFFFFFE0] =	vst v11;
	v3 =	vld.idx.msk [tilespmem:v1+s15+$0x0], $0xffff  }
0x3ef: {  	[tilespmem:s25+$0x0] =	vst v12;
	v4 =	vld.idx.msk [tilespmem:v16+s15+$0x0], $0xffff  }
0x3f0: {  	[tilespmem:s25+$0x20] =	vst v13;
	v5 =	vld.idx.msk [tilespmem:v17+s15+$0x0], $0xffff  }
0x3f1: {  	[tilespmem:s25+$0x40] =	vst v14;
	v6 =	vld.idx.msk [tilespmem:v6+s15+$0x0], $0xffff  }
0x3f2: {  	s28 =	simm.s32 $0x100C0;
	s26 =	simm.s32 $0x0;
	v0 =	vunpack.i.u.s16.s32 v8;
	v1 =	vunpack.i.u.s16.s32 v10;
	v7 =	vld.idx.msk [tilespmem:v7+s15+$0x0], $0xffff;
	[tilespmem:s25+$0x70] =	vst v18  }
.LBB2_30:
0x3f3: {  	v8 =	vld [tilespmem:s28+$0x30];
	s26 =	sadd.s32 $0x8, s26;
	[tilespmem:s25+$0xFFFFFF80] =	vst v2  }
0x3f4: {  	v2 =	vld [tilespmem:s28+$0xFFFFFFD0];
	p0 =	slt.u32 s26, $0x1D8;
	[tilespmem:s25+$0xFFFFFFB0] =	vst v3  }
0x3f5: {  	v3 =	vld [tilespmem:s28+$0xFFFFFFE0];
	[tilespmem:s25+$0xFFFFFFD0] =	vst v4  }
0x3f6: {  	v4 =	vld [tilespmem:s28+$0xFFFFFFF0];
	[tilespmem:s25+$0xFFFFFFF0] =	vst v5  }
0x3f7: {  	v5 =	vld [tilespmem:s28+$0x0];
	[tilespmem:s25+$0x10] =	vst v6  }
0x3f8: {  	v6 =	vld [tilespmem:s28+$0x10];
	v9 =	vunpack.i.l.s16.s32 v8;
	[tilespmem:s25+$0x30] =	vst v7  }
0x3f9: {  	v7 =	vunpack.i.u.s16.s32 v2;
	v2 =	vunpack.i.l.s16.s32 v2;
	v10 =	vld [tilespmem:s28+$0x20]  }
0x3fa: {  	v11 =	vld [tilespmem:s28+$0xFFFFFFC0];
	v12 =	vunpack.i.u.s16.s32 v3;
	v3 =	vunpack.i.l.s16.s32 v3  }
0x3fb: {  	v13 =	vunpack.i.u.s16.s32 v4;
	v4 =	vunpack.i.l.s16.s32 v4;
	v14 =	vld.idx.msk [tilespmem:v1+s15+$0x0], $0xffff  }
0x3fc: {  	v15 =	vunpack.i.u.s16.s32 v5;
	v5 =	vunpack.i.l.s16.s32 v5;
	v16 =	vld.idx.msk [tilespmem:v0+s15+$0x0], $0xffff  }
0x3fd: {  	v17 =	vunpack.i.u.s16.s32 v6;
	v6 =	vunpack.i.l.s16.s32 v6;
	v9 =	vld.idx.msk [tilespmem:v9+s15+$0x0], $0xffff  }
0x3fe: {  	v2 =	vld.idx.msk [tilespmem:v2+s15+$0x0], $0xffff;
	v0 =	vunpack.i.u.s16.s32 v10;
	v10 =	vunpack.i.l.s16.s32 v10  }
0x3ff: {  	v8 =	vunpack.i.u.s16.s32 v8;
	v1 =	vunpack.i.u.s16.s32 v11;
	v11 =	vunpack.i.l.s16.s32 v11;
	v3 =	vld.idx.msk [tilespmem:v3+s15+$0x0], $0xffff  }
0x400: {  	v4 =	vld.idx.msk [tilespmem:v4+s15+$0x0], $0xffff  }
0x401: {  	v5 =	vld.idx.msk [tilespmem:v5+s15+$0x0], $0xffff;
	[tilespmem:s25+$0xFFFFFF90] =	vst v14  }
0x402: {  	v6 =	vld.idx.msk [tilespmem:v6+s15+$0x0], $0xffff;
	[tilespmem:s25+$0x50] =	vst v16;
	s25 =	sadd.s32 $0x100, s25  }
0x403: {  	v10 =	vld.idx.msk [tilespmem:v10+s15+$0x0], $0xffff;
	[tilespmem:s25+$0x60] =	vst v9  }
0x404: {  	[tilespmem:s25+$0xFFFFFFA0] =	vst v2;
	v8 =	vld.idx.msk [tilespmem:v8+s15+$0x0], $0xffff  }
0x405: {  	v2 =	vld.idx.msk [tilespmem:v11+s15+$0x0], $0xffff;
	[tilespmem:s25+$0xFFFFFFC0] =	vst v3  }
.Ltmp14:
0x406: {  	v3 =	vld.idx.msk [tilespmem:v7+s15+$0x0], $0xffff;
	[tilespmem:s25+$0xFFFFFFE0] =	vst v4;
	(pc) =	sbr.rel @p0 .LBB2_30-.Ltmp14, $4  }
0x407: {  	v4 =	vld.idx.msk [tilespmem:v12+s15+$0x0], $0xffff;
	[tilespmem:s25+$0x0] =	vst v5  }
0x408: {  	v5 =	vld.idx.msk [tilespmem:v13+s15+$0x0], $0xffff;
	[tilespmem:s25+$0x20] =	vst v6  }
0x409: {  	v6 =	vld.idx.msk [tilespmem:v15+s15+$0x0], $0xffff;
	[tilespmem:s25+$0x40] =	vst v10  }
0x40a: {  	s28 =	sadd.s32 $0x80, s28;
	v7 =	vld.idx.msk [tilespmem:v17+s15+$0x0], $0xffff;
	[tilespmem:s25+$0x70] =	vst v8  }
0x40b: {  	_ =	sdelay $0x2  }
0x40c: {  	[tilespmem:s25+$0xFFFFFF80] =	vst v2  }
0x40d: {  	[tilespmem:s25+$0xFFFFFFB0] =	vst v3;
	v0 =	vld.idx.msk [tilespmem:v0+s15+$0x0], $0xffff  }
0x40e: {  	v1 =	vld.idx.msk [tilespmem:v1+s15+$0x0], $0xffff;
	[tilespmem:s25+$0xFFFFFFD0] =	vst v4  }
0x40f: {  	[tilespmem:s25+$0xFFFFFFF0] =	vst v5  }
0x410: {  	[tilespmem:s25+$0x10] =	vst v6  }
0x411: {  	[tilespmem:s25+$0x30] =	vst v7  }
0x412: {  	[tilespmem:s25+$0x50] =	vst v0  }
0x413: {  	[tilespmem:s25+$0xFFFFFF90] =	vst v1  }
0x414: {  	[hbm4b:s1+s13] =	stream.strided.scatter [tilespmem:s18], [sflag:$0x5], $0x3C00, s14, s13, $0x38;
	[tilespmem:$0x1F000] =	vst v63  }
0x415: {  	_ =	swait.ge [sflag:s22], $0x3C00  }
0x416: {  	[sflag:s22] =	ssyncset.done $0x0  }
0x417: {  	s26 =	simm.s32 $0x11E70;
	[sflag:s22] =	ssyncadd.s32 $0xFFFFC400  }
0x418: {  	v0 =	vld [tilespmem:s26+$0x0]  }
0x419: {  	v1 =	vld [tilespmem:s26+$0xFFFFFFA0]  }
0x41a: {  	v2 =	vld [tilespmem:s26+$0xFFFFFFB0]  }
0x41b: {  	v3 =	vld [tilespmem:s26+$0xFFFFFFC0]  }
0x41c: {  	v4 =	vld [tilespmem:s26+$0xFFFFFFD0]  }
0x41d: {  	v5 =	vld [tilespmem:s26+$0xFFFFFFE0];
	v6 =	vunpack.i.l.s16.s32 v0  }
0x41e: {  	v8 =	vld [tilespmem:s26+$0xFFFFFFF0];
	v7 =	vunpack.i.l.s16.s32 v1  }
0x41f: {  	v10 =	vld [tilespmem:s26+$0xFFFFFF90];
	v9 =	vunpack.i.l.s16.s32 v2  }
0x420: {  	v11 =	vunpack.i.l.s16.s32 v3  }
0x421: {  	v12 =	vunpack.i.l.s16.s32 v4  }
0x422: {  	v13 =	vunpack.i.l.s16.s32 v5;
	v6 =	vld.idx.msk [tilespmem:v6+s15+$0x0], $0xffff  }
0x423: {  	v14 =	vunpack.i.l.s16.s32 v8;
	v7 =	vld.idx.msk [tilespmem:v7+s15+$0x0], $0xffff  }
0x424: {  	v15 =	vunpack.i.l.s16.s32 v10;
	v9 =	vld.idx.msk [tilespmem:v9+s15+$0x0], $0xffff  }
0x425: {  	v0 =	vunpack.i.u.s16.s32 v0;
	v11 =	vld.idx.msk [tilespmem:v11+s15+$0x0], $0xffff  }
0x426: {  	v1 =	vunpack.i.u.s16.s32 v1;
	v12 =	vld.idx.msk [tilespmem:v12+s15+$0x0], $0xffff  }
0x427: {  	s25 =	simm.s32 $0x1B480;
	v16 =	vunpack.i.u.s16.s32 v2;
	v13 =	vld.idx.msk [tilespmem:v13+s15+$0x0], $0xffff  }
0x428: {  	v17 =	vunpack.i.u.s16.s32 v3;
	v14 =	vld.idx.msk [tilespmem:v14+s15+$0x0], $0xffff;
	[tilespmem:s25+$0x60] =	vst v6  }
0x429: {  	v2 =	vld.idx.msk [tilespmem:v15+s15+$0x0], $0xffff;
	v6 =	vunpack.i.u.s16.s32 v4;
	[tilespmem:s25+$0xFFFFFFA0] =	vst v7  }
0x42a: {  	v7 =	vunpack.i.u.s16.s32 v5;
	[tilespmem:s25+$0xFFFFFFC0] =	vst v9;
	v18 =	vld.idx.msk [tilespmem:v0+s15+$0x0], $0xffff  }
0x42b: {  	[tilespmem:s25+$0xFFFFFFE0] =	vst v11;
	v3 =	vld.idx.msk [tilespmem:v1+s15+$0x0], $0xffff  }
0x42c: {  	[tilespmem:s25+$0x0] =	vst v12;
	v4 =	vld.idx.msk [tilespmem:v16+s15+$0x0], $0xffff  }
0x42d: {  	[tilespmem:s25+$0x20] =	vst v13;
	v5 =	vld.idx.msk [tilespmem:v17+s15+$0x0], $0xffff  }
0x42e: {  	[tilespmem:s25+$0x40] =	vst v14;
	v6 =	vld.idx.msk [tilespmem:v6+s15+$0x0], $0xffff  }
0x42f: {  	s28 =	simm.s32 $0x11EF0;
	s26 =	simm.s32 $0x0;
	v0 =	vunpack.i.u.s16.s32 v8;
	v1 =	vunpack.i.u.s16.s32 v10;
	v7 =	vld.idx.msk [tilespmem:v7+s15+$0x0], $0xffff;
	[tilespmem:s25+$0x70] =	vst v18  }
.LBB2_32:
0x430: {  	v8 =	vld [tilespmem:s28+$0x0];
	s26 =	sadd.s32 $0x8, s26;
	[tilespmem:s25+$0xFFFFFF80] =	vst v2  }
0x431: {  	v2 =	vld [tilespmem:s28+$0xFFFFFFA0];
	p0 =	slt.u32 s26, $0x1D8;
	[tilespmem:s25+$0xFFFFFFB0] =	vst v3  }
0x432: {  	v3 =	vld [tilespmem:s28+$0xFFFFFFB0];
	[tilespmem:s25+$0xFFFFFFD0] =	vst v4  }
0x433: {  	v4 =	vld [tilespmem:s28+$0xFFFFFFC0];
	[tilespmem:s25+$0xFFFFFFF0] =	vst v5  }
0x434: {  	v5 =	vld [tilespmem:s28+$0xFFFFFFD0];
	[tilespmem:s25+$0x10] =	vst v6  }
0x435: {  	v6 =	vld [tilespmem:s28+$0xFFFFFFE0];
	v9 =	vunpack.i.l.s16.s32 v8;
	[tilespmem:s25+$0x30] =	vst v7  }
0x436: {  	v7 =	vunpack.i.u.s16.s32 v2;
	v2 =	vunpack.i.l.s16.s32 v2;
	v10 =	vld [tilespmem:s28+$0xFFFFFFF0]  }
0x437: {  	v11 =	vld [tilespmem:s28+$0xFFFFFF90];
	v12 =	vunpack.i.u.s16.s32 v3;
	v3 =	vunpack.i.l.s16.s32 v3  }
0x438: {  	v13 =	vunpack.i.u.s16.s32 v4;
	v4 =	vunpack.i.l.s16.s32 v4;
	v14 =	vld.idx.msk [tilespmem:v1+s15+$0x0], $0xffff  }
0x439: {  	v15 =	vunpack.i.u.s16.s32 v5;
	v5 =	vunpack.i.l.s16.s32 v5;
	v16 =	vld.idx.msk [tilespmem:v0+s15+$0x0], $0xffff  }
0x43a: {  	v17 =	vunpack.i.u.s16.s32 v6;
	v6 =	vunpack.i.l.s16.s32 v6;
	v9 =	vld.idx.msk [tilespmem:v9+s15+$0x0], $0xffff  }
0x43b: {  	v2 =	vld.idx.msk [tilespmem:v2+s15+$0x0], $0xffff;
	v0 =	vunpack.i.u.s16.s32 v10;
	v10 =	vunpack.i.l.s16.s32 v10  }
0x43c: {  	v8 =	vunpack.i.u.s16.s32 v8;
	v1 =	vunpack.i.u.s16.s32 v11;
	v11 =	vunpack.i.l.s16.s32 v11;
	v3 =	vld.idx.msk [tilespmem:v3+s15+$0x0], $0xffff  }
0x43d: {  	v4 =	vld.idx.msk [tilespmem:v4+s15+$0x0], $0xffff  }
0x43e: {  	v5 =	vld.idx.msk [tilespmem:v5+s15+$0x0], $0xffff;
	[tilespmem:s25+$0xFFFFFF90] =	vst v14  }
0x43f: {  	v6 =	vld.idx.msk [tilespmem:v6+s15+$0x0], $0xffff;
	[tilespmem:s25+$0x50] =	vst v16;
	s25 =	sadd.s32 $0x100, s25  }
0x440: {  	v10 =	vld.idx.msk [tilespmem:v10+s15+$0x0], $0xffff;
	[tilespmem:s25+$0x60] =	vst v9  }
0x441: {  	[tilespmem:s25+$0xFFFFFFA0] =	vst v2;
	v8 =	vld.idx.msk [tilespmem:v8+s15+$0x0], $0xffff  }
0x442: {  	v2 =	vld.idx.msk [tilespmem:v11+s15+$0x0], $0xffff;
	[tilespmem:s25+$0xFFFFFFC0] =	vst v3  }
.Ltmp15:
0x443: {  	v3 =	vld.idx.msk [tilespmem:v7+s15+$0x0], $0xffff;
	[tilespmem:s25+$0xFFFFFFE0] =	vst v4;
	(pc) =	sbr.rel @p0 .LBB2_32-.Ltmp15, $4  }
0x444: {  	v4 =	vld.idx.msk [tilespmem:v12+s15+$0x0], $0xffff;
	[tilespmem:s25+$0x0] =	vst v5  }
0x445: {  	v5 =	vld.idx.msk [tilespmem:v13+s15+$0x0], $0xffff;
	[tilespmem:s25+$0x20] =	vst v6  }
0x446: {  	v6 =	vld.idx.msk [tilespmem:v15+s15+$0x0], $0xffff;
	[tilespmem:s25+$0x40] =	vst v10  }
0x447: {  	s28 =	sadd.s32 $0x80, s28;
	v7 =	vld.idx.msk [tilespmem:v17+s15+$0x0], $0xffff;
	[tilespmem:s25+$0x70] =	vst v8  }
0x448: {  	_ =	sdelay $0x2  }
0x449: {  	[tilespmem:s25+$0xFFFFFF80] =	vst v2  }
0x44a: {  	[tilespmem:s25+$0xFFFFFFB0] =	vst v3;
	v0 =	vld.idx.msk [tilespmem:v0+s15+$0x0], $0xffff  }
0x44b: {  	v1 =	vld.idx.msk [tilespmem:v1+s15+$0x0], $0xffff;
	[tilespmem:s25+$0xFFFFFFD0] =	vst v4  }
0x44c: {  	[tilespmem:s25+$0xFFFFFFF0] =	vst v5  }
0x44d: {  	[tilespmem:s25+$0x10] =	vst v6  }
0x44e: {  	[tilespmem:s25+$0x30] =	vst v7  }
0x44f: {  	[tilespmem:s25+$0x50] =	vst v0  }
0x450: {  	[tilespmem:s25+$0xFFFFFF90] =	vst v1  }
0x451: {  	[hbm4b:s2+s13] =	stream.strided.scatter [tilespmem:s19], [sflag:$0x6], $0x3C00, s14, s13, $0x38;
	[tilespmem:$0x1F000] =	vst v63  }
0x452: {  	s25 =	rddreg [dreg:$0xe]  }
0x453: {  	[tilespmem:s15], [sflag:$0x2] =	stream.strided.gather [hbm4b:s25+s13], $0x8000, s14, s13, $0x38;
	[tilespmem:$0x1F000] =	vst v63  }
0x454: {  	_ =	swait.ge [sflag:s12], $0x8000  }
0x455: {  	[sflag:s12] =	ssyncset.done $0x0  }
0x456: {  	[sflag:s12] =	ssyncadd.s32 $0xFFFF8000  }
0x457: {  	_ =	swait.ge [sflag:s21], $0x3C00  }
0x458: {  	[sflag:s21] =	ssyncset.done $0x0  }
0x459: {  	s26 =	simm.s32 $0x10040;
	[sflag:s21] =	ssyncadd.s32 $0xFFFFC400  }
0x45a: {  	v0 =	vld [tilespmem:s26+$0x30]  }
0x45b: {  	v1 =	vld [tilespmem:s26+$0xFFFFFFD0]  }
0x45c: {  	v2 =	vld [tilespmem:s26+$0xFFFFFFE0]  }
0x45d: {  	v3 =	vld [tilespmem:s26+$0xFFFFFFF0]  }
0x45e: {  	v4 =	vld [tilespmem:s26+$0x0]  }
0x45f: {  	v5 =	vld [tilespmem:s26+$0x10];
	v6 =	vunpack.i.l.s16.s32 v0  }
0x460: {  	v8 =	vld [tilespmem:s26+$0x20];
	v7 =	vunpack.i.l.s16.s32 v1  }
0x461: {  	v10 =	vld [tilespmem:s26+$0xFFFFFFC0];
	v9 =	vunpack.i.l.s16.s32 v2  }
0x462: {  	v11 =	vunpack.i.l.s16.s32 v3  }
0x463: {  	v12 =	vunpack.i.l.s16.s32 v4  }
0x464: {  	v13 =	vunpack.i.l.s16.s32 v5;
	v6 =	vld.idx.msk [tilespmem:v6+s17+$0x0], $0xffff  }
0x465: {  	v14 =	vunpack.i.l.s16.s32 v8;
	v7 =	vld.idx.msk [tilespmem:v7+s17+$0x0], $0xffff  }
0x466: {  	v15 =	vunpack.i.l.s16.s32 v10;
	v9 =	vld.idx.msk [tilespmem:v9+s17+$0x0], $0xffff  }
0x467: {  	v0 =	vunpack.i.u.s16.s32 v0;
	v11 =	vld.idx.msk [tilespmem:v11+s17+$0x0], $0xffff  }
0x468: {  	v1 =	vunpack.i.u.s16.s32 v1;
	v12 =	vld.idx.msk [tilespmem:v12+s17+$0x0], $0xffff  }
0x469: {  	s25 =	simm.s32 $0x17880;
	v16 =	vunpack.i.u.s16.s32 v2;
	v13 =	vld.idx.msk [tilespmem:v13+s17+$0x0], $0xffff  }
0x46a: {  	v17 =	vunpack.i.u.s16.s32 v3;
	v14 =	vld.idx.msk [tilespmem:v14+s17+$0x0], $0xffff;
	[tilespmem:s25+$0x60] =	vst v6  }
0x46b: {  	v2 =	vld.idx.msk [tilespmem:v15+s17+$0x0], $0xffff;
	v6 =	vunpack.i.u.s16.s32 v4;
	[tilespmem:s25+$0xFFFFFFA0] =	vst v7  }
0x46c: {  	v7 =	vunpack.i.u.s16.s32 v5;
	[tilespmem:s25+$0xFFFFFFC0] =	vst v9;
	v18 =	vld.idx.msk [tilespmem:v0+s17+$0x0], $0xffff  }
0x46d: {  	[tilespmem:s25+$0xFFFFFFE0] =	vst v11;
	v3 =	vld.idx.msk [tilespmem:v1+s17+$0x0], $0xffff  }
0x46e: {  	[tilespmem:s25+$0x0] =	vst v12;
	v4 =	vld.idx.msk [tilespmem:v16+s17+$0x0], $0xffff  }
0x46f: {  	[tilespmem:s25+$0x20] =	vst v13;
	v5 =	vld.idx.msk [tilespmem:v17+s17+$0x0], $0xffff  }
0x470: {  	[tilespmem:s25+$0x40] =	vst v14;
	v6 =	vld.idx.msk [tilespmem:v6+s17+$0x0], $0xffff  }
0x471: {  	s28 =	simm.s32 $0x100C0;
	s26 =	simm.s32 $0x0;
	v0 =	vunpack.i.u.s16.s32 v8;
	v1 =	vunpack.i.u.s16.s32 v10;
	v7 =	vld.idx.msk [tilespmem:v7+s17+$0x0], $0xffff;
	[tilespmem:s25+$0x70] =	vst v18  }
.LBB2_34:
0x472: {  	v8 =	vld [tilespmem:s28+$0x30];
	s26 =	sadd.s32 $0x8, s26;
	[tilespmem:s25+$0xFFFFFF80] =	vst v2  }
0x473: {  	v2 =	vld [tilespmem:s28+$0xFFFFFFD0];
	p0 =	slt.u32 s26, $0x1D8;
	[tilespmem:s25+$0xFFFFFFB0] =	vst v3  }
0x474: {  	v3 =	vld [tilespmem:s28+$0xFFFFFFE0];
	[tilespmem:s25+$0xFFFFFFD0] =	vst v4  }
0x475: {  	v4 =	vld [tilespmem:s28+$0xFFFFFFF0];
	[tilespmem:s25+$0xFFFFFFF0] =	vst v5  }
0x476: {  	v5 =	vld [tilespmem:s28+$0x0];
	[tilespmem:s25+$0x10] =	vst v6  }
0x477: {  	v6 =	vld [tilespmem:s28+$0x10];
	v9 =	vunpack.i.l.s16.s32 v8;
	[tilespmem:s25+$0x30] =	vst v7  }
0x478: {  	v7 =	vunpack.i.u.s16.s32 v2;
	v2 =	vunpack.i.l.s16.s32 v2;
	v10 =	vld [tilespmem:s28+$0x20]  }
0x479: {  	v11 =	vld [tilespmem:s28+$0xFFFFFFC0];
	v12 =	vunpack.i.u.s16.s32 v3;
	v3 =	vunpack.i.l.s16.s32 v3  }
0x47a: {  	v13 =	vunpack.i.u.s16.s32 v4;
	v4 =	vunpack.i.l.s16.s32 v4;
	v14 =	vld.idx.msk [tilespmem:v1+s17+$0x0], $0xffff  }
0x47b: {  	v15 =	vunpack.i.u.s16.s32 v5;
	v5 =	vunpack.i.l.s16.s32 v5;
	v16 =	vld.idx.msk [tilespmem:v0+s17+$0x0], $0xffff  }
0x47c: {  	v17 =	vunpack.i.u.s16.s32 v6;
	v6 =	vunpack.i.l.s16.s32 v6;
	v9 =	vld.idx.msk [tilespmem:v9+s17+$0x0], $0xffff  }
0x47d: {  	v2 =	vld.idx.msk [tilespmem:v2+s17+$0x0], $0xffff;
	v0 =	vunpack.i.u.s16.s32 v10;
	v10 =	vunpack.i.l.s16.s32 v10  }
0x47e: {  	v8 =	vunpack.i.u.s16.s32 v8;
	v1 =	vunpack.i.u.s16.s32 v11;
	v11 =	vunpack.i.l.s16.s32 v11;
	v3 =	vld.idx.msk [tilespmem:v3+s17+$0x0], $0xffff  }
0x47f: {  	v4 =	vld.idx.msk [tilespmem:v4+s17+$0x0], $0xffff  }
0x480: {  	v5 =	vld.idx.msk [tilespmem:v5+s17+$0x0], $0xffff;
	[tilespmem:s25+$0xFFFFFF90] =	vst v14  }
0x481: {  	v6 =	vld.idx.msk [tilespmem:v6+s17+$0x0], $0xffff;
	[tilespmem:s25+$0x50] =	vst v16;
	s25 =	sadd.s32 $0x100, s25  }
0x482: {  	v10 =	vld.idx.msk [tilespmem:v10+s17+$0x0], $0xffff;
	[tilespmem:s25+$0x60] =	vst v9  }
0x483: {  	[tilespmem:s25+$0xFFFFFFA0] =	vst v2;
	v8 =	vld.idx.msk [tilespmem:v8+s17+$0x0], $0xffff  }
0x484: {  	v2 =	vld.idx.msk [tilespmem:v11+s17+$0x0], $0xffff;
	[tilespmem:s25+$0xFFFFFFC0] =	vst v3  }
.Ltmp16:
0x485: {  	v3 =	vld.idx.msk [tilespmem:v7+s17+$0x0], $0xffff;
	[tilespmem:s25+$0xFFFFFFE0] =	vst v4;
	(pc) =	sbr.rel @p0 .LBB2_34-.Ltmp16, $4  }
0x486: {  	v4 =	vld.idx.msk [tilespmem:v12+s17+$0x0], $0xffff;
	[tilespmem:s25+$0x0] =	vst v5  }
0x487: {  	v5 =	vld.idx.msk [tilespmem:v13+s17+$0x0], $0xffff;
	[tilespmem:s25+$0x20] =	vst v6  }
0x488: {  	v6 =	vld.idx.msk [tilespmem:v15+s17+$0x0], $0xffff;
	[tilespmem:s25+$0x40] =	vst v10  }
0x489: {  	s28 =	sadd.s32 $0x80, s28;
	v7 =	vld.idx.msk [tilespmem:v17+s17+$0x0], $0xffff;
	[tilespmem:s25+$0x70] =	vst v8  }
0x48a: {  	_ =	sdelay $0x2  }
0x48b: {  	[tilespmem:s25+$0xFFFFFF80] =	vst v2  }
0x48c: {  	[tilespmem:s25+$0xFFFFFFB0] =	vst v3;
	v0 =	vld.idx.msk [tilespmem:v0+s17+$0x0], $0xffff  }
0x48d: {  	v1 =	vld.idx.msk [tilespmem:v1+s17+$0x0], $0xffff;
	[tilespmem:s25+$0xFFFFFFD0] =	vst v4  }
0x48e: {  	[tilespmem:s25+$0xFFFFFFF0] =	vst v5  }
0x48f: {  	[tilespmem:s25+$0x10] =	vst v6  }
0x490: {  	[tilespmem:s25+$0x30] =	vst v7  }
0x491: {  	[tilespmem:s25+$0x50] =	vst v0  }
0x492: {  	[tilespmem:s25+$0xFFFFFF90] =	vst v1  }
0x493: {  	[hbm4b:s3+s13] =	stream.strided.scatter [tilespmem:s18], [sflag:$0x5], $0x3C00, s14, s13, $0x38;
	[tilespmem:$0x1F000] =	vst v63  }
0x494: {  	_ =	swait.ge [sflag:s22], $0x3C00  }
0x495: {  	[sflag:s22] =	ssyncset.done $0x0  }
0x496: {  	s26 =	simm.s32 $0x11E70;
	[sflag:s22] =	ssyncadd.s32 $0xFFFFC400  }
0x497: {  	v0 =	vld [tilespmem:s26+$0x0]  }
0x498: {  	v1 =	vld [tilespmem:s26+$0xFFFFFFA0]  }
0x499: {  	v2 =	vld [tilespmem:s26+$0xFFFFFFB0]  }
0x49a: {  	v3 =	vld [tilespmem:s26+$0xFFFFFFC0]  }
0x49b: {  	v4 =	vld [tilespmem:s26+$0xFFFFFFD0]  }
0x49c: {  	v5 =	vld [tilespmem:s26+$0xFFFFFFE0];
	v6 =	vunpack.i.l.s16.s32 v0  }
0x49d: {  	v8 =	vld [tilespmem:s26+$0xFFFFFFF0];
	v7 =	vunpack.i.l.s16.s32 v1  }
0x49e: {  	v10 =	vld [tilespmem:s26+$0xFFFFFF90];
	v9 =	vunpack.i.l.s16.s32 v2  }
0x49f: {  	v11 =	vunpack.i.l.s16.s32 v3  }
0x4a0: {  	v12 =	vunpack.i.l.s16.s32 v4  }
0x4a1: {  	v13 =	vunpack.i.l.s16.s32 v5;
	v6 =	vld.idx.msk [tilespmem:v6+s17+$0x0], $0xffff  }
0x4a2: {  	v14 =	vunpack.i.l.s16.s32 v8;
	v7 =	vld.idx.msk [tilespmem:v7+s17+$0x0], $0xffff  }
0x4a3: {  	v15 =	vunpack.i.l.s16.s32 v10;
	v9 =	vld.idx.msk [tilespmem:v9+s17+$0x0], $0xffff  }
0x4a4: {  	v0 =	vunpack.i.u.s16.s32 v0;
	v11 =	vld.idx.msk [tilespmem:v11+s17+$0x0], $0xffff  }
0x4a5: {  	v1 =	vunpack.i.u.s16.s32 v1;
	v12 =	vld.idx.msk [tilespmem:v12+s17+$0x0], $0xffff  }
0x4a6: {  	s25 =	simm.s32 $0x1B480;
	v16 =	vunpack.i.u.s16.s32 v2;
	v13 =	vld.idx.msk [tilespmem:v13+s17+$0x0], $0xffff  }
0x4a7: {  	v17 =	vunpack.i.u.s16.s32 v3;
	v14 =	vld.idx.msk [tilespmem:v14+s17+$0x0], $0xffff;
	[tilespmem:s25+$0x60] =	vst v6  }
0x4a8: {  	v2 =	vld.idx.msk [tilespmem:v15+s17+$0x0], $0xffff;
	v6 =	vunpack.i.u.s16.s32 v4;
	[tilespmem:s25+$0xFFFFFFA0] =	vst v7  }
0x4a9: {  	v7 =	vunpack.i.u.s16.s32 v5;
	[tilespmem:s25+$0xFFFFFFC0] =	vst v9;
	v18 =	vld.idx.msk [tilespmem:v0+s17+$0x0], $0xffff  }
0x4aa: {  	[tilespmem:s25+$0xFFFFFFE0] =	vst v11;
	v3 =	vld.idx.msk [tilespmem:v1+s17+$0x0], $0xffff  }
0x4ab: {  	[tilespmem:s25+$0x0] =	vst v12;
	v4 =	vld.idx.msk [tilespmem:v16+s17+$0x0], $0xffff  }
0x4ac: {  	[tilespmem:s25+$0x20] =	vst v13;
	v5 =	vld.idx.msk [tilespmem:v17+s17+$0x0], $0xffff  }
0x4ad: {  	[tilespmem:s25+$0x40] =	vst v14;
	v6 =	vld.idx.msk [tilespmem:v6+s17+$0x0], $0xffff  }
0x4ae: {  	s28 =	simm.s32 $0x11EF0;
	s26 =	simm.s32 $0x0;
	v0 =	vunpack.i.u.s16.s32 v8;
	v1 =	vunpack.i.u.s16.s32 v10;
	v7 =	vld.idx.msk [tilespmem:v7+s17+$0x0], $0xffff;
	[tilespmem:s25+$0x70] =	vst v18  }
.LBB2_36:
0x4af: {  	v8 =	vld [tilespmem:s28+$0x0];
	s26 =	sadd.s32 $0x8, s26;
	[tilespmem:s25+$0xFFFFFF80] =	vst v2  }
0x4b0: {  	v2 =	vld [tilespmem:s28+$0xFFFFFFA0];
	p0 =	slt.u32 s26, $0x1D8;
	[tilespmem:s25+$0xFFFFFFB0] =	vst v3  }
0x4b1: {  	v3 =	vld [tilespmem:s28+$0xFFFFFFB0];
	[tilespmem:s25+$0xFFFFFFD0] =	vst v4  }
0x4b2: {  	v4 =	vld [tilespmem:s28+$0xFFFFFFC0];
	[tilespmem:s25+$0xFFFFFFF0] =	vst v5  }
0x4b3: {  	v5 =	vld [tilespmem:s28+$0xFFFFFFD0];
	[tilespmem:s25+$0x10] =	vst v6  }
0x4b4: {  	v6 =	vld [tilespmem:s28+$0xFFFFFFE0];
	v9 =	vunpack.i.l.s16.s32 v8;
	[tilespmem:s25+$0x30] =	vst v7  }
0x4b5: {  	v7 =	vunpack.i.u.s16.s32 v2;
	v2 =	vunpack.i.l.s16.s32 v2;
	v10 =	vld [tilespmem:s28+$0xFFFFFFF0]  }
0x4b6: {  	v11 =	vld [tilespmem:s28+$0xFFFFFF90];
	v12 =	vunpack.i.u.s16.s32 v3;
	v3 =	vunpack.i.l.s16.s32 v3  }
0x4b7: {  	v13 =	vunpack.i.u.s16.s32 v4;
	v4 =	vunpack.i.l.s16.s32 v4;
	v14 =	vld.idx.msk [tilespmem:v1+s17+$0x0], $0xffff  }
0x4b8: {  	v15 =	vunpack.i.u.s16.s32 v5;
	v5 =	vunpack.i.l.s16.s32 v5;
	v16 =	vld.idx.msk [tilespmem:v0+s17+$0x0], $0xffff  }
0x4b9: {  	v17 =	vunpack.i.u.s16.s32 v6;
	v6 =	vunpack.i.l.s16.s32 v6;
	v9 =	vld.idx.msk [tilespmem:v9+s17+$0x0], $0xffff  }
0x4ba: {  	v2 =	vld.idx.msk [tilespmem:v2+s17+$0x0], $0xffff;
	v0 =	vunpack.i.u.s16.s32 v10;
	v10 =	vunpack.i.l.s16.s32 v10  }
0x4bb: {  	v8 =	vunpack.i.u.s16.s32 v8;
	v1 =	vunpack.i.u.s16.s32 v11;
	v11 =	vunpack.i.l.s16.s32 v11;
	v3 =	vld.idx.msk [tilespmem:v3+s17+$0x0], $0xffff  }
0x4bc: {  	v4 =	vld.idx.msk [tilespmem:v4+s17+$0x0], $0xffff  }
0x4bd: {  	v5 =	vld.idx.msk [tilespmem:v5+s17+$0x0], $0xffff;
	[tilespmem:s25+$0xFFFFFF90] =	vst v14  }
0x4be: {  	v6 =	vld.idx.msk [tilespmem:v6+s17+$0x0], $0xffff;
	[tilespmem:s25+$0x50] =	vst v16;
	s25 =	sadd.s32 $0x100, s25  }
0x4bf: {  	v10 =	vld.idx.msk [tilespmem:v10+s17+$0x0], $0xffff;
	[tilespmem:s25+$0x60] =	vst v9  }
0x4c0: {  	[tilespmem:s25+$0xFFFFFFA0] =	vst v2;
	v8 =	vld.idx.msk [tilespmem:v8+s17+$0x0], $0xffff  }
0x4c1: {  	v2 =	vld.idx.msk [tilespmem:v11+s17+$0x0], $0xffff;
	[tilespmem:s25+$0xFFFFFFC0] =	vst v3  }
.Ltmp17:
0x4c2: {  	v3 =	vld.idx.msk [tilespmem:v7+s17+$0x0], $0xffff;
	[tilespmem:s25+$0xFFFFFFE0] =	vst v4;
	(pc) =	sbr.rel @p0 .LBB2_36-.Ltmp17, $4  }
0x4c3: {  	v4 =	vld.idx.msk [tilespmem:v12+s17+$0x0], $0xffff;
	[tilespmem:s25+$0x0] =	vst v5  }
0x4c4: {  	v5 =	vld.idx.msk [tilespmem:v13+s17+$0x0], $0xffff;
	[tilespmem:s25+$0x20] =	vst v6  }
0x4c5: {  	v6 =	vld.idx.msk [tilespmem:v15+s17+$0x0], $0xffff;
	[tilespmem:s25+$0x40] =	vst v10  }
0x4c6: {  	s28 =	sadd.s32 $0x80, s28;
	v7 =	vld.idx.msk [tilespmem:v17+s17+$0x0], $0xffff;
	[tilespmem:s25+$0x70] =	vst v8  }
0x4c7: {  	_ =	sdelay $0x2  }
0x4c8: {  	[tilespmem:s25+$0xFFFFFF80] =	vst v2  }
0x4c9: {  	[tilespmem:s25+$0xFFFFFFB0] =	vst v3;
	v0 =	vld.idx.msk [tilespmem:v0+s17+$0x0], $0xffff  }
0x4ca: {  	v1 =	vld.idx.msk [tilespmem:v1+s17+$0x0], $0xffff;
	[tilespmem:s25+$0xFFFFFFD0] =	vst v4  }
0x4cb: {  	[tilespmem:s25+$0xFFFFFFF0] =	vst v5  }
0x4cc: {  	[tilespmem:s25+$0x10] =	vst v6  }
0x4cd: {  	[tilespmem:s25+$0x30] =	vst v7  }
0x4ce: {  	[tilespmem:s25+$0x50] =	vst v0  }
0x4cf: {  	[tilespmem:s25+$0xFFFFFF90] =	vst v1  }
0x4d0: {  	[hbm4b:s4+s13] =	stream.strided.scatter [tilespmem:s19], [sflag:$0x6], $0x3C00, s14, s13, $0x38;
	[tilespmem:$0x1F000] =	vst v63  }
0x4d1: {  	s25 =	rddreg [dreg:$0xf]  }
0x4d2: {  	[tilespmem:s17], [sflag:$0x1] =	stream.strided.gather [hbm4b:s25+s13], $0x8000, s14, s13, $0x38;
	[tilespmem:$0x1F000] =	vst v63  }
0x4d3: {  	_ =	swait.ge [sflag:s23], $0x3C00  }
0x4d4: {  	[sflag:s23] =	ssyncset.done $0x0  }
0x4d5: {  	[sflag:s23] =	ssyncadd.s32 $0xFFFFC400  }
0x4d6: {  	_ =	swait.ge [sflag:s20], $0x8000  }
0x4d7: {  	[sflag:s20] =	ssyncset.done $0x0  }
0x4d8: {  	[sflag:s20] =	ssyncadd.s32 $0xFFFF8000  }
0x4d9: {  	_ =	swait.ge [sflag:s21], $0x3C00  }
0x4da: {  	[sflag:s21] =	ssyncset.done $0x0  }
0x4db: {  	s26 =	simm.s32 $0x13C40;
	[sflag:s21] =	ssyncadd.s32 $0xFFFFC400  }
0x4dc: {  	v0 =	vld [tilespmem:s26+$0x30]  }
0x4dd: {  	v1 =	vld [tilespmem:s26+$0xFFFFFFD0]  }
0x4de: {  	v2 =	vld [tilespmem:s26+$0xFFFFFFE0]  }
0x4df: {  	v3 =	vld [tilespmem:s26+$0xFFFFFFF0]  }
0x4e0: {  	v4 =	vld [tilespmem:s26+$0x0]  }
0x4e1: {  	v5 =	vld [tilespmem:s26+$0x10];
	v6 =	vunpack.i.l.s16.s32 v0  }
0x4e2: {  	v8 =	vld [tilespmem:s26+$0x20];
	v7 =	vunpack.i.l.s16.s32 v1  }
0x4e3: {  	v10 =	vld [tilespmem:s26+$0xFFFFFFC0];
	v9 =	vunpack.i.l.s16.s32 v2  }
0x4e4: {  	v11 =	vunpack.i.l.s16.s32 v3  }
0x4e5: {  	v12 =	vunpack.i.l.s16.s32 v4  }
0x4e6: {  	v13 =	vunpack.i.l.s16.s32 v5;
	v6 =	vld.idx.msk [tilespmem:v6+s15+$0x0], $0xffff  }
0x4e7: {  	v14 =	vunpack.i.l.s16.s32 v8;
	v7 =	vld.idx.msk [tilespmem:v7+s15+$0x0], $0xffff  }
0x4e8: {  	v15 =	vunpack.i.l.s16.s32 v10;
	v9 =	vld.idx.msk [tilespmem:v9+s15+$0x0], $0xffff  }
0x4e9: {  	v0 =	vunpack.i.u.s16.s32 v0;
	v11 =	vld.idx.msk [tilespmem:v11+s15+$0x0], $0xffff  }
0x4ea: {  	v1 =	vunpack.i.u.s16.s32 v1;
	v12 =	vld.idx.msk [tilespmem:v12+s15+$0x0], $0xffff  }
0x4eb: {  	s25 =	simm.s32 $0x17880;
	v16 =	vunpack.i.u.s16.s32 v2;
	v13 =	vld.idx.msk [tilespmem:v13+s15+$0x0], $0xffff  }
0x4ec: {  	v17 =	vunpack.i.u.s16.s32 v3;
	v14 =	vld.idx.msk [tilespmem:v14+s15+$0x0], $0xffff;
	[tilespmem:s25+$0x60] =	vst v6  }
0x4ed: {  	v2 =	vld.idx.msk [tilespmem:v15+s15+$0x0], $0xffff;
	v6 =	vunpack.i.u.s16.s32 v4;
	[tilespmem:s25+$0xFFFFFFA0] =	vst v7  }
0x4ee: {  	v7 =	vunpack.i.u.s16.s32 v5;
	[tilespmem:s25+$0xFFFFFFC0] =	vst v9;
	v18 =	vld.idx.msk [tilespmem:v0+s15+$0x0], $0xffff  }
0x4ef: {  	[tilespmem:s25+$0xFFFFFFE0] =	vst v11;
	v3 =	vld.idx.msk [tilespmem:v1+s15+$0x0], $0xffff  }
0x4f0: {  	[tilespmem:s25+$0x0] =	vst v12;
	v4 =	vld.idx.msk [tilespmem:v16+s15+$0x0], $0xffff  }
0x4f1: {  	[tilespmem:s25+$0x20] =	vst v13;
	v5 =	vld.idx.msk [tilespmem:v17+s15+$0x0], $0xffff  }
0x4f2: {  	[tilespmem:s25+$0x40] =	vst v14;
	v6 =	vld.idx.msk [tilespmem:v6+s15+$0x0], $0xffff  }
0x4f3: {  	s28 =	simm.s32 $0x13CC0;
	s26 =	simm.s32 $0x0;
	v0 =	vunpack.i.u.s16.s32 v8;
	v1 =	vunpack.i.u.s16.s32 v10;
	v7 =	vld.idx.msk [tilespmem:v7+s15+$0x0], $0xffff;
	[tilespmem:s25+$0x70] =	vst v18  }
.LBB2_38:
0x4f4: {  	v8 =	vld [tilespmem:s28+$0x30];
	s26 =	sadd.s32 $0x8, s26;
	[tilespmem:s25+$0xFFFFFF80] =	vst v2  }
0x4f5: {  	v2 =	vld [tilespmem:s28+$0xFFFFFFD0];
	p0 =	slt.u32 s26, $0x1D8;
	[tilespmem:s25+$0xFFFFFFB0] =	vst v3  }
0x4f6: {  	v3 =	vld [tilespmem:s28+$0xFFFFFFE0];
	[tilespmem:s25+$0xFFFFFFD0] =	vst v4  }
0x4f7: {  	v4 =	vld [tilespmem:s28+$0xFFFFFFF0];
	[tilespmem:s25+$0xFFFFFFF0] =	vst v5  }
0x4f8: {  	v5 =	vld [tilespmem:s28+$0x0];
	[tilespmem:s25+$0x10] =	vst v6  }
0x4f9: {  	v6 =	vld [tilespmem:s28+$0x10];
	v9 =	vunpack.i.l.s16.s32 v8;
	[tilespmem:s25+$0x30] =	vst v7  }
0x4fa: {  	v7 =	vunpack.i.u.s16.s32 v2;
	v2 =	vunpack.i.l.s16.s32 v2;
	v10 =	vld [tilespmem:s28+$0x20]  }
0x4fb: {  	v11 =	vld [tilespmem:s28+$0xFFFFFFC0];
	v12 =	vunpack.i.u.s16.s32 v3;
	v3 =	vunpack.i.l.s16.s32 v3  }
0x4fc: {  	v13 =	vunpack.i.u.s16.s32 v4;
	v4 =	vunpack.i.l.s16.s32 v4;
	v14 =	vld.idx.msk [tilespmem:v1+s15+$0x0], $0xffff  }
0x4fd: {  	v15 =	vunpack.i.u.s16.s32 v5;
	v5 =	vunpack.i.l.s16.s32 v5;
	v16 =	vld.idx.msk [tilespmem:v0+s15+$0x0], $0xffff  }
0x4fe: {  	v17 =	vunpack.i.u.s16.s32 v6;
	v6 =	vunpack.i.l.s16.s32 v6;
	v9 =	vld.idx.msk [tilespmem:v9+s15+$0x0], $0xffff  }
0x4ff: {  	v2 =	vld.idx.msk [tilespmem:v2+s15+$0x0], $0xffff;
	v0 =	vunpack.i.u.s16.s32 v10;
	v10 =	vunpack.i.l.s16.s32 v10  }
0x500: {  	v8 =	vunpack.i.u.s16.s32 v8;
	v1 =	vunpack.i.u.s16.s32 v11;
	v11 =	vunpack.i.l.s16.s32 v11;
	v3 =	vld.idx.msk [tilespmem:v3+s15+$0x0], $0xffff  }
0x501: {  	v4 =	vld.idx.msk [tilespmem:v4+s15+$0x0], $0xffff  }
0x502: {  	v5 =	vld.idx.msk [tilespmem:v5+s15+$0x0], $0xffff;
	[tilespmem:s25+$0xFFFFFF90] =	vst v14  }
0x503: {  	v6 =	vld.idx.msk [tilespmem:v6+s15+$0x0], $0xffff;
	[tilespmem:s25+$0x50] =	vst v16;
	s25 =	sadd.s32 $0x100, s25  }
0x504: {  	v10 =	vld.idx.msk [tilespmem:v10+s15+$0x0], $0xffff;
	[tilespmem:s25+$0x60] =	vst v9  }
0x505: {  	[tilespmem:s25+$0xFFFFFFA0] =	vst v2;
	v8 =	vld.idx.msk [tilespmem:v8+s15+$0x0], $0xffff  }
0x506: {  	v2 =	vld.idx.msk [tilespmem:v11+s15+$0x0], $0xffff;
	[tilespmem:s25+$0xFFFFFFC0] =	vst v3  }
.Ltmp18:
0x507: {  	v3 =	vld.idx.msk [tilespmem:v7+s15+$0x0], $0xffff;
	[tilespmem:s25+$0xFFFFFFE0] =	vst v4;
	(pc) =	sbr.rel @p0 .LBB2_38-.Ltmp18, $4  }
0x508: {  	v4 =	vld.idx.msk [tilespmem:v12+s15+$0x0], $0xffff;
	[tilespmem:s25+$0x0] =	vst v5  }
0x509: {  	v5 =	vld.idx.msk [tilespmem:v13+s15+$0x0], $0xffff;
	[tilespmem:s25+$0x20] =	vst v6  }
0x50a: {  	v6 =	vld.idx.msk [tilespmem:v15+s15+$0x0], $0xffff;
	[tilespmem:s25+$0x40] =	vst v10  }
0x50b: {  	s28 =	sadd.s32 $0x80, s28;
	v7 =	vld.idx.msk [tilespmem:v17+s15+$0x0], $0xffff;
	[tilespmem:s25+$0x70] =	vst v8  }
0x50c: {  	_ =	sdelay $0x2  }
0x50d: {  	[tilespmem:s25+$0xFFFFFF80] =	vst v2  }
0x50e: {  	[tilespmem:s25+$0xFFFFFFB0] =	vst v3;
	v0 =	vld.idx.msk [tilespmem:v0+s15+$0x0], $0xffff  }
0x50f: {  	v1 =	vld.idx.msk [tilespmem:v1+s15+$0x0], $0xffff;
	[tilespmem:s25+$0xFFFFFFD0] =	vst v4  }
0x510: {  	[tilespmem:s25+$0xFFFFFFF0] =	vst v5  }
0x511: {  	[tilespmem:s25+$0x10] =	vst v6  }
0x512: {  	[tilespmem:s25+$0x30] =	vst v7  }
0x513: {  	[tilespmem:s25+$0x50] =	vst v0  }
0x514: {  	[tilespmem:s25+$0xFFFFFF90] =	vst v1  }
0x515: {  	[hbm4b:s5+s13] =	stream.strided.scatter [tilespmem:s18], [sflag:$0x5], $0x3C00, s14, s13, $0x38;
	[tilespmem:$0x1F000] =	vst v63  }
0x516: {  	_ =	swait.ge [sflag:s22], $0x3C00  }
0x517: {  	[sflag:s22] =	ssyncset.done $0x0  }
0x518: {  	s26 =	simm.s32 $0x15A70;
	[sflag:s22] =	ssyncadd.s32 $0xFFFFC400  }
0x519: {  	v0 =	vld [tilespmem:s26+$0x0]  }
0x51a: {  	v1 =	vld [tilespmem:s26+$0xFFFFFFA0]  }
0x51b: {  	v2 =	vld [tilespmem:s26+$0xFFFFFFB0]  }
0x51c: {  	v3 =	vld [tilespmem:s26+$0xFFFFFFC0]  }
0x51d: {  	v4 =	vld [tilespmem:s26+$0xFFFFFFD0]  }
0x51e: {  	v5 =	vld [tilespmem:s26+$0xFFFFFFE0];
	v6 =	vunpack.i.l.s16.s32 v0  }
0x51f: {  	v8 =	vld [tilespmem:s26+$0xFFFFFFF0];
	v7 =	vunpack.i.l.s16.s32 v1  }
0x520: {  	v10 =	vld [tilespmem:s26+$0xFFFFFF90];
	v9 =	vunpack.i.l.s16.s32 v2  }
0x521: {  	v11 =	vunpack.i.l.s16.s32 v3  }
0x522: {  	v12 =	vunpack.i.l.s16.s32 v4  }
0x523: {  	v13 =	vunpack.i.l.s16.s32 v5;
	v6 =	vld.idx.msk [tilespmem:v6+s15+$0x0], $0xffff  }
0x524: {  	v14 =	vunpack.i.l.s16.s32 v8;
	v7 =	vld.idx.msk [tilespmem:v7+s15+$0x0], $0xffff  }
0x525: {  	v15 =	vunpack.i.l.s16.s32 v10;
	v9 =	vld.idx.msk [tilespmem:v9+s15+$0x0], $0xffff  }
0x526: {  	v0 =	vunpack.i.u.s16.s32 v0;
	v11 =	vld.idx.msk [tilespmem:v11+s15+$0x0], $0xffff  }
0x527: {  	v1 =	vunpack.i.u.s16.s32 v1;
	v12 =	vld.idx.msk [tilespmem:v12+s15+$0x0], $0xffff  }
0x528: {  	s25 =	simm.s32 $0x1B480;
	v16 =	vunpack.i.u.s16.s32 v2;
	v13 =	vld.idx.msk [tilespmem:v13+s15+$0x0], $0xffff  }
0x529: {  	v17 =	vunpack.i.u.s16.s32 v3;
	v14 =	vld.idx.msk [tilespmem:v14+s15+$0x0], $0xffff;
	[tilespmem:s25+$0x60] =	vst v6  }
0x52a: {  	v2 =	vld.idx.msk [tilespmem:v15+s15+$0x0], $0xffff;
	v6 =	vunpack.i.u.s16.s32 v4;
	[tilespmem:s25+$0xFFFFFFA0] =	vst v7  }
0x52b: {  	v7 =	vunpack.i.u.s16.s32 v5;
	[tilespmem:s25+$0xFFFFFFC0] =	vst v9;
	v18 =	vld.idx.msk [tilespmem:v0+s15+$0x0], $0xffff  }
0x52c: {  	[tilespmem:s25+$0xFFFFFFE0] =	vst v11;
	v3 =	vld.idx.msk [tilespmem:v1+s15+$0x0], $0xffff  }
0x52d: {  	[tilespmem:s25+$0x0] =	vst v12;
	v4 =	vld.idx.msk [tilespmem:v16+s15+$0x0], $0xffff  }
0x52e: {  	[tilespmem:s25+$0x20] =	vst v13;
	v5 =	vld.idx.msk [tilespmem:v17+s15+$0x0], $0xffff  }
0x52f: {  	[tilespmem:s25+$0x40] =	vst v14;
	v6 =	vld.idx.msk [tilespmem:v6+s15+$0x0], $0xffff  }
0x530: {  	s28 =	simm.s32 $0x15AF0;
	s26 =	simm.s32 $0x0;
	v0 =	vunpack.i.u.s16.s32 v8;
	v1 =	vunpack.i.u.s16.s32 v10;
	v7 =	vld.idx.msk [tilespmem:v7+s15+$0x0], $0xffff;
	[tilespmem:s25+$0x70] =	vst v18  }
.LBB2_40:
0x531: {  	v8 =	vld [tilespmem:s28+$0x0];
	s26 =	sadd.s32 $0x8, s26;
	[tilespmem:s25+$0xFFFFFF80] =	vst v2  }
0x532: {  	v2 =	vld [tilespmem:s28+$0xFFFFFFA0];
	p0 =	slt.u32 s26, $0x1D8;
	[tilespmem:s25+$0xFFFFFFB0] =	vst v3  }
0x533: {  	v3 =	vld [tilespmem:s28+$0xFFFFFFB0];
	[tilespmem:s25+$0xFFFFFFD0] =	vst v4  }
0x534: {  	v4 =	vld [tilespmem:s28+$0xFFFFFFC0];
	[tilespmem:s25+$0xFFFFFFF0] =	vst v5  }
0x535: {  	v5 =	vld [tilespmem:s28+$0xFFFFFFD0];
	[tilespmem:s25+$0x10] =	vst v6  }
0x536: {  	v6 =	vld [tilespmem:s28+$0xFFFFFFE0];
	v9 =	vunpack.i.l.s16.s32 v8;
	[tilespmem:s25+$0x30] =	vst v7  }
0x537: {  	v7 =	vunpack.i.u.s16.s32 v2;
	v2 =	vunpack.i.l.s16.s32 v2;
	v10 =	vld [tilespmem:s28+$0xFFFFFFF0]  }
0x538: {  	v11 =	vld [tilespmem:s28+$0xFFFFFF90];
	v12 =	vunpack.i.u.s16.s32 v3;
	v3 =	vunpack.i.l.s16.s32 v3  }
0x539: {  	v13 =	vunpack.i.u.s16.s32 v4;
	v4 =	vunpack.i.l.s16.s32 v4;
	v14 =	vld.idx.msk [tilespmem:v1+s15+$0x0], $0xffff  }
0x53a: {  	v15 =	vunpack.i.u.s16.s32 v5;
	v5 =	vunpack.i.l.s16.s32 v5;
	v16 =	vld.idx.msk [tilespmem:v0+s15+$0x0], $0xffff  }
0x53b: {  	v17 =	vunpack.i.u.s16.s32 v6;
	v6 =	vunpack.i.l.s16.s32 v6;
	v9 =	vld.idx.msk [tilespmem:v9+s15+$0x0], $0xffff  }
0x53c: {  	v2 =	vld.idx.msk [tilespmem:v2+s15+$0x0], $0xffff;
	v0 =	vunpack.i.u.s16.s32 v10;
	v10 =	vunpack.i.l.s16.s32 v10  }
0x53d: {  	v8 =	vunpack.i.u.s16.s32 v8;
	v1 =	vunpack.i.u.s16.s32 v11;
	v11 =	vunpack.i.l.s16.s32 v11;
	v3 =	vld.idx.msk [tilespmem:v3+s15+$0x0], $0xffff  }
0x53e: {  	v4 =	vld.idx.msk [tilespmem:v4+s15+$0x0], $0xffff  }
0x53f: {  	v5 =	vld.idx.msk [tilespmem:v5+s15+$0x0], $0xffff;
	[tilespmem:s25+$0xFFFFFF90] =	vst v14  }
0x540: {  	v6 =	vld.idx.msk [tilespmem:v6+s15+$0x0], $0xffff;
	[tilespmem:s25+$0x50] =	vst v16;
	s25 =	sadd.s32 $0x100, s25  }
0x541: {  	v10 =	vld.idx.msk [tilespmem:v10+s15+$0x0], $0xffff;
	[tilespmem:s25+$0x60] =	vst v9  }
0x542: {  	[tilespmem:s25+$0xFFFFFFA0] =	vst v2;
	v8 =	vld.idx.msk [tilespmem:v8+s15+$0x0], $0xffff  }
0x543: {  	v2 =	vld.idx.msk [tilespmem:v11+s15+$0x0], $0xffff;
	[tilespmem:s25+$0xFFFFFFC0] =	vst v3  }
.Ltmp19:
0x544: {  	v3 =	vld.idx.msk [tilespmem:v7+s15+$0x0], $0xffff;
	[tilespmem:s25+$0xFFFFFFE0] =	vst v4;
	(pc) =	sbr.rel @p0 .LBB2_40-.Ltmp19, $4  }
0x545: {  	v4 =	vld.idx.msk [tilespmem:v12+s15+$0x0], $0xffff;
	[tilespmem:s25+$0x0] =	vst v5  }
0x546: {  	v5 =	vld.idx.msk [tilespmem:v13+s15+$0x0], $0xffff;
	[tilespmem:s25+$0x20] =	vst v6  }
0x547: {  	v6 =	vld.idx.msk [tilespmem:v15+s15+$0x0], $0xffff;
	[tilespmem:s25+$0x40] =	vst v10  }
0x548: {  	s28 =	sadd.s32 $0x80, s28;
	v7 =	vld.idx.msk [tilespmem:v17+s15+$0x0], $0xffff;
	[tilespmem:s25+$0x70] =	vst v8  }
0x549: {  	_ =	sdelay $0x2  }
0x54a: {  	[tilespmem:s25+$0xFFFFFF80] =	vst v2  }
0x54b: {  	[tilespmem:s25+$0xFFFFFFB0] =	vst v3;
	v0 =	vld.idx.msk [tilespmem:v0+s15+$0x0], $0xffff  }
0x54c: {  	v1 =	vld.idx.msk [tilespmem:v1+s15+$0x0], $0xffff;
	[tilespmem:s25+$0xFFFFFFD0] =	vst v4  }
0x54d: {  	[tilespmem:s25+$0xFFFFFFF0] =	vst v5  }
0x54e: {  	[tilespmem:s25+$0x10] =	vst v6  }
0x54f: {  	[tilespmem:s25+$0x30] =	vst v7  }
0x550: {  	[tilespmem:s25+$0x50] =	vst v0  }
0x551: {  	[tilespmem:s25+$0xFFFFFF90] =	vst v1  }
0x552: {  	[hbm4b:s6+s13] =	stream.strided.scatter [tilespmem:s19], [sflag:$0x6], $0x3C00, s14, s13, $0x38;
	[tilespmem:$0x1F000] =	vst v63  }
0x553: {  	s25 =	rddreg [dreg:$0x10]  }
0x554: {  	[tilespmem:s15], [sflag:$0x2] =	stream.strided.gather [hbm4b:s25+s13], $0x8000, s14, s13, $0x38;
	[tilespmem:$0x1F000] =	vst v63  }
0x555: {  	_ =	swait.ge [sflag:s12], $0x8000  }
0x556: {  	[sflag:s12] =	ssyncset.done $0x0  }
0x557: {  	[sflag:s12] =	ssyncadd.s32 $0xFFFF8000  }
0x558: {  	_ =	swait.ge [sflag:s21], $0x3C00  }
0x559: {  	[sflag:s21] =	ssyncset.done $0x0  }
0x55a: {  	s26 =	simm.s32 $0x13C40;
	[sflag:s21] =	ssyncadd.s32 $0xFFFFC400  }
0x55b: {  	v0 =	vld [tilespmem:s26+$0x30]  }
0x55c: {  	v1 =	vld [tilespmem:s26+$0xFFFFFFD0]  }
0x55d: {  	v2 =	vld [tilespmem:s26+$0xFFFFFFE0]  }
0x55e: {  	v3 =	vld [tilespmem:s26+$0xFFFFFFF0]  }
0x55f: {  	v4 =	vld [tilespmem:s26+$0x0]  }
0x560: {  	v5 =	vld [tilespmem:s26+$0x10];
	v6 =	vunpack.i.l.s16.s32 v0  }
0x561: {  	v8 =	vld [tilespmem:s26+$0x20];
	v7 =	vunpack.i.l.s16.s32 v1  }
0x562: {  	v10 =	vld [tilespmem:s26+$0xFFFFFFC0];
	v9 =	vunpack.i.l.s16.s32 v2  }
0x563: {  	v11 =	vunpack.i.l.s16.s32 v3  }
0x564: {  	v12 =	vunpack.i.l.s16.s32 v4  }
0x565: {  	v13 =	vunpack.i.l.s16.s32 v5;
	v6 =	vld.idx.msk [tilespmem:v6+s17+$0x0], $0xffff  }
0x566: {  	v14 =	vunpack.i.l.s16.s32 v8;
	v7 =	vld.idx.msk [tilespmem:v7+s17+$0x0], $0xffff  }
0x567: {  	v15 =	vunpack.i.l.s16.s32 v10;
	v9 =	vld.idx.msk [tilespmem:v9+s17+$0x0], $0xffff  }
0x568: {  	v0 =	vunpack.i.u.s16.s32 v0;
	v11 =	vld.idx.msk [tilespmem:v11+s17+$0x0], $0xffff  }
0x569: {  	v1 =	vunpack.i.u.s16.s32 v1;
	v12 =	vld.idx.msk [tilespmem:v12+s17+$0x0], $0xffff  }
0x56a: {  	s25 =	simm.s32 $0x17880;
	v16 =	vunpack.i.u.s16.s32 v2;
	v13 =	vld.idx.msk [tilespmem:v13+s17+$0x0], $0xffff  }
0x56b: {  	v17 =	vunpack.i.u.s16.s32 v3;
	v14 =	vld.idx.msk [tilespmem:v14+s17+$0x0], $0xffff;
	[tilespmem:s25+$0x60] =	vst v6  }
0x56c: {  	v2 =	vld.idx.msk [tilespmem:v15+s17+$0x0], $0xffff;
	v6 =	vunpack.i.u.s16.s32 v4;
	[tilespmem:s25+$0xFFFFFFA0] =	vst v7  }
0x56d: {  	v7 =	vunpack.i.u.s16.s32 v5;
	[tilespmem:s25+$0xFFFFFFC0] =	vst v9;
	v18 =	vld.idx.msk [tilespmem:v0+s17+$0x0], $0xffff  }
0x56e: {  	[tilespmem:s25+$0xFFFFFFE0] =	vst v11;
	v3 =	vld.idx.msk [tilespmem:v1+s17+$0x0], $0xffff  }
0x56f: {  	[tilespmem:s25+$0x0] =	vst v12;
	v4 =	vld.idx.msk [tilespmem:v16+s17+$0x0], $0xffff  }
0x570: {  	[tilespmem:s25+$0x20] =	vst v13;
	v5 =	vld.idx.msk [tilespmem:v17+s17+$0x0], $0xffff  }
0x571: {  	[tilespmem:s25+$0x40] =	vst v14;
	v6 =	vld.idx.msk [tilespmem:v6+s17+$0x0], $0xffff  }
0x572: {  	s28 =	simm.s32 $0x13CC0;
	s26 =	simm.s32 $0x0;
	v0 =	vunpack.i.u.s16.s32 v8;
	v1 =	vunpack.i.u.s16.s32 v10;
	v7 =	vld.idx.msk [tilespmem:v7+s17+$0x0], $0xffff;
	[tilespmem:s25+$0x70] =	vst v18  }
.LBB2_42:
0x573: {  	v8 =	vld [tilespmem:s28+$0x30];
	s26 =	sadd.s32 $0x8, s26;
	[tilespmem:s25+$0xFFFFFF80] =	vst v2  }
0x574: {  	v2 =	vld [tilespmem:s28+$0xFFFFFFD0];
	p0 =	slt.u32 s26, $0x1D8;
	[tilespmem:s25+$0xFFFFFFB0] =	vst v3  }
0x575: {  	v3 =	vld [tilespmem:s28+$0xFFFFFFE0];
	[tilespmem:s25+$0xFFFFFFD0] =	vst v4  }
0x576: {  	v4 =	vld [tilespmem:s28+$0xFFFFFFF0];
	[tilespmem:s25+$0xFFFFFFF0] =	vst v5  }
0x577: {  	v5 =	vld [tilespmem:s28+$0x0];
	[tilespmem:s25+$0x10] =	vst v6  }
0x578: {  	v6 =	vld [tilespmem:s28+$0x10];
	v9 =	vunpack.i.l.s16.s32 v8;
	[tilespmem:s25+$0x30] =	vst v7  }
0x579: {  	v7 =	vunpack.i.u.s16.s32 v2;
	v2 =	vunpack.i.l.s16.s32 v2;
	v10 =	vld [tilespmem:s28+$0x20]  }
0x57a: {  	v11 =	vld [tilespmem:s28+$0xFFFFFFC0];
	v12 =	vunpack.i.u.s16.s32 v3;
	v3 =	vunpack.i.l.s16.s32 v3  }
0x57b: {  	v13 =	vunpack.i.u.s16.s32 v4;
	v4 =	vunpack.i.l.s16.s32 v4;
	v14 =	vld.idx.msk [tilespmem:v1+s17+$0x0], $0xffff  }
0x57c: {  	v15 =	vunpack.i.u.s16.s32 v5;
	v5 =	vunpack.i.l.s16.s32 v5;
	v16 =	vld.idx.msk [tilespmem:v0+s17+$0x0], $0xffff  }
0x57d: {  	v17 =	vunpack.i.u.s16.s32 v6;
	v6 =	vunpack.i.l.s16.s32 v6;
	v9 =	vld.idx.msk [tilespmem:v9+s17+$0x0], $0xffff  }
0x57e: {  	v2 =	vld.idx.msk [tilespmem:v2+s17+$0x0], $0xffff;
	v0 =	vunpack.i.u.s16.s32 v10;
	v10 =	vunpack.i.l.s16.s32 v10  }
0x57f: {  	v8 =	vunpack.i.u.s16.s32 v8;
	v1 =	vunpack.i.u.s16.s32 v11;
	v11 =	vunpack.i.l.s16.s32 v11;
	v3 =	vld.idx.msk [tilespmem:v3+s17+$0x0], $0xffff  }
0x580: {  	v4 =	vld.idx.msk [tilespmem:v4+s17+$0x0], $0xffff  }
0x581: {  	v5 =	vld.idx.msk [tilespmem:v5+s17+$0x0], $0xffff;
	[tilespmem:s25+$0xFFFFFF90] =	vst v14  }
0x582: {  	v6 =	vld.idx.msk [tilespmem:v6+s17+$0x0], $0xffff;
	[tilespmem:s25+$0x50] =	vst v16;
	s25 =	sadd.s32 $0x100, s25  }
0x583: {  	v10 =	vld.idx.msk [tilespmem:v10+s17+$0x0], $0xffff;
	[tilespmem:s25+$0x60] =	vst v9  }
0x584: {  	[tilespmem:s25+$0xFFFFFFA0] =	vst v2;
	v8 =	vld.idx.msk [tilespmem:v8+s17+$0x0], $0xffff  }
0x585: {  	v2 =	vld.idx.msk [tilespmem:v11+s17+$0x0], $0xffff;
	[tilespmem:s25+$0xFFFFFFC0] =	vst v3  }
.Ltmp20:
0x586: {  	v3 =	vld.idx.msk [tilespmem:v7+s17+$0x0], $0xffff;
	[tilespmem:s25+$0xFFFFFFE0] =	vst v4;
	(pc) =	sbr.rel @p0 .LBB2_42-.Ltmp20, $4  }
0x587: {  	v4 =	vld.idx.msk [tilespmem:v12+s17+$0x0], $0xffff;
	[tilespmem:s25+$0x0] =	vst v5  }
0x588: {  	v5 =	vld.idx.msk [tilespmem:v13+s17+$0x0], $0xffff;
	[tilespmem:s25+$0x20] =	vst v6  }
0x589: {  	v6 =	vld.idx.msk [tilespmem:v15+s17+$0x0], $0xffff;
	[tilespmem:s25+$0x40] =	vst v10  }
0x58a: {  	s28 =	sadd.s32 $0x80, s28;
	v7 =	vld.idx.msk [tilespmem:v17+s17+$0x0], $0xffff;
	[tilespmem:s25+$0x70] =	vst v8  }
0x58b: {  	_ =	sdelay $0x2  }
0x58c: {  	[tilespmem:s25+$0xFFFFFF80] =	vst v2  }
0x58d: {  	[tilespmem:s25+$0xFFFFFFB0] =	vst v3;
	v0 =	vld.idx.msk [tilespmem:v0+s17+$0x0], $0xffff  }
0x58e: {  	v1 =	vld.idx.msk [tilespmem:v1+s17+$0x0], $0xffff;
	[tilespmem:s25+$0xFFFFFFD0] =	vst v4  }
0x58f: {  	[tilespmem:s25+$0xFFFFFFF0] =	vst v5  }
0x590: {  	[tilespmem:s25+$0x10] =	vst v6  }
0x591: {  	[tilespmem:s25+$0x30] =	vst v7  }
0x592: {  	[tilespmem:s25+$0x50] =	vst v0  }
0x593: {  	[tilespmem:s25+$0xFFFFFF90] =	vst v1  }
0x594: {  	[hbm4b:s7+s13] =	stream.strided.scatter [tilespmem:s18], [sflag:$0x5], $0x3C00, s14, s13, $0x38;
	[tilespmem:$0x1F000] =	vst v63  }
0x595: {  	_ =	swait.ge [sflag:s22], $0x3C00  }
0x596: {  	[sflag:s22] =	ssyncset.done $0x0  }
0x597: {  	s26 =	simm.s32 $0x15A70;
	[sflag:s22] =	ssyncadd.s32 $0xFFFFC400  }
0x598: {  	v0 =	vld [tilespmem:s26+$0x0]  }
0x599: {  	v1 =	vld [tilespmem:s26+$0xFFFFFFA0]  }
0x59a: {  	v2 =	vld [tilespmem:s26+$0xFFFFFFB0]  }
0x59b: {  	v3 =	vld [tilespmem:s26+$0xFFFFFFC0]  }
0x59c: {  	v4 =	vld [tilespmem:s26+$0xFFFFFFD0]  }
0x59d: {  	v5 =	vld [tilespmem:s26+$0xFFFFFFE0];
	v6 =	vunpack.i.l.s16.s32 v0  }
0x59e: {  	v8 =	vld [tilespmem:s26+$0xFFFFFFF0];
	v7 =	vunpack.i.l.s16.s32 v1  }
0x59f: {  	v10 =	vld [tilespmem:s26+$0xFFFFFF90];
	v9 =	vunpack.i.l.s16.s32 v2  }
0x5a0: {  	v11 =	vunpack.i.l.s16.s32 v3  }
0x5a1: {  	v12 =	vunpack.i.l.s16.s32 v4  }
0x5a2: {  	v13 =	vunpack.i.l.s16.s32 v5;
	v6 =	vld.idx.msk [tilespmem:v6+s17+$0x0], $0xffff  }
0x5a3: {  	v14 =	vunpack.i.l.s16.s32 v8;
	v7 =	vld.idx.msk [tilespmem:v7+s17+$0x0], $0xffff  }
0x5a4: {  	v15 =	vunpack.i.l.s16.s32 v10;
	v9 =	vld.idx.msk [tilespmem:v9+s17+$0x0], $0xffff  }
0x5a5: {  	v0 =	vunpack.i.u.s16.s32 v0;
	v11 =	vld.idx.msk [tilespmem:v11+s17+$0x0], $0xffff  }
0x5a6: {  	v1 =	vunpack.i.u.s16.s32 v1;
	v12 =	vld.idx.msk [tilespmem:v12+s17+$0x0], $0xffff  }
0x5a7: {  	s25 =	simm.s32 $0x1B480;
	v16 =	vunpack.i.u.s16.s32 v2;
	v13 =	vld.idx.msk [tilespmem:v13+s17+$0x0], $0xffff  }
0x5a8: {  	v17 =	vunpack.i.u.s16.s32 v3;
	v14 =	vld.idx.msk [tilespmem:v14+s17+$0x0], $0xffff;
	[tilespmem:s25+$0x60] =	vst v6  }
0x5a9: {  	v2 =	vld.idx.msk [tilespmem:v15+s17+$0x0], $0xffff;
	v6 =	vunpack.i.u.s16.s32 v4;
	[tilespmem:s25+$0xFFFFFFA0] =	vst v7  }
0x5aa: {  	v7 =	vunpack.i.u.s16.s32 v5;
	[tilespmem:s25+$0xFFFFFFC0] =	vst v9;
	v18 =	vld.idx.msk [tilespmem:v0+s17+$0x0], $0xffff  }
0x5ab: {  	[tilespmem:s25+$0xFFFFFFE0] =	vst v11;
	v3 =	vld.idx.msk [tilespmem:v1+s17+$0x0], $0xffff  }
0x5ac: {  	[tilespmem:s25+$0x0] =	vst v12;
	v4 =	vld.idx.msk [tilespmem:v16+s17+$0x0], $0xffff  }
0x5ad: {  	[tilespmem:s25+$0x20] =	vst v13;
	v5 =	vld.idx.msk [tilespmem:v17+s17+$0x0], $0xffff  }
0x5ae: {  	[tilespmem:s25+$0x40] =	vst v14;
	v6 =	vld.idx.msk [tilespmem:v6+s17+$0x0], $0xffff  }
0x5af: {  	s28 =	simm.s32 $0x15AF0;
	s26 =	simm.s32 $0x0;
	v0 =	vunpack.i.u.s16.s32 v8;
	v1 =	vunpack.i.u.s16.s32 v10;
	v7 =	vld.idx.msk [tilespmem:v7+s17+$0x0], $0xffff;
	[tilespmem:s25+$0x70] =	vst v18  }
.LBB2_44:
0x5b0: {  	v8 =	vld [tilespmem:s28+$0x0];
	s26 =	sadd.s32 $0x8, s26;
	[tilespmem:s25+$0xFFFFFF80] =	vst v2  }
0x5b1: {  	v2 =	vld [tilespmem:s28+$0xFFFFFFA0];
	p0 =	slt.u32 s26, $0x1D8;
	[tilespmem:s25+$0xFFFFFFB0] =	vst v3  }
0x5b2: {  	v3 =	vld [tilespmem:s28+$0xFFFFFFB0];
	[tilespmem:s25+$0xFFFFFFD0] =	vst v4  }
0x5b3: {  	v4 =	vld [tilespmem:s28+$0xFFFFFFC0];
	[tilespmem:s25+$0xFFFFFFF0] =	vst v5  }
0x5b4: {  	v5 =	vld [tilespmem:s28+$0xFFFFFFD0];
	[tilespmem:s25+$0x10] =	vst v6  }
0x5b5: {  	v6 =	vld [tilespmem:s28+$0xFFFFFFE0];
	v9 =	vunpack.i.l.s16.s32 v8;
	[tilespmem:s25+$0x30] =	vst v7  }
0x5b6: {  	v7 =	vunpack.i.u.s16.s32 v2;
	v2 =	vunpack.i.l.s16.s32 v2;
	v10 =	vld [tilespmem:s28+$0xFFFFFFF0]  }
0x5b7: {  	v11 =	vld [tilespmem:s28+$0xFFFFFF90];
	v12 =	vunpack.i.u.s16.s32 v3;
	v3 =	vunpack.i.l.s16.s32 v3  }
0x5b8: {  	v13 =	vunpack.i.u.s16.s32 v4;
	v4 =	vunpack.i.l.s16.s32 v4;
	v14 =	vld.idx.msk [tilespmem:v1+s17+$0x0], $0xffff  }
0x5b9: {  	v15 =	vunpack.i.u.s16.s32 v5;
	v5 =	vunpack.i.l.s16.s32 v5;
	v16 =	vld.idx.msk [tilespmem:v0+s17+$0x0], $0xffff  }
0x5ba: {  	v17 =	vunpack.i.u.s16.s32 v6;
	v6 =	vunpack.i.l.s16.s32 v6;
	v9 =	vld.idx.msk [tilespmem:v9+s17+$0x0], $0xffff  }
0x5bb: {  	v2 =	vld.idx.msk [tilespmem:v2+s17+$0x0], $0xffff;
	v0 =	vunpack.i.u.s16.s32 v10;
	v10 =	vunpack.i.l.s16.s32 v10  }
0x5bc: {  	v8 =	vunpack.i.u.s16.s32 v8;
	v1 =	vunpack.i.u.s16.s32 v11;
	v11 =	vunpack.i.l.s16.s32 v11;
	v3 =	vld.idx.msk [tilespmem:v3+s17+$0x0], $0xffff  }
0x5bd: {  	v4 =	vld.idx.msk [tilespmem:v4+s17+$0x0], $0xffff  }
0x5be: {  	v5 =	vld.idx.msk [tilespmem:v5+s17+$0x0], $0xffff;
	[tilespmem:s25+$0xFFFFFF90] =	vst v14  }
0x5bf: {  	v6 =	vld.idx.msk [tilespmem:v6+s17+$0x0], $0xffff;
	[tilespmem:s25+$0x50] =	vst v16;
	s25 =	sadd.s32 $0x100, s25  }
0x5c0: {  	v10 =	vld.idx.msk [tilespmem:v10+s17+$0x0], $0xffff;
	[tilespmem:s25+$0x60] =	vst v9  }
0x5c1: {  	[tilespmem:s25+$0xFFFFFFA0] =	vst v2;
	v8 =	vld.idx.msk [tilespmem:v8+s17+$0x0], $0xffff  }
0x5c2: {  	v2 =	vld.idx.msk [tilespmem:v11+s17+$0x0], $0xffff;
	[tilespmem:s25+$0xFFFFFFC0] =	vst v3  }
.Ltmp21:
0x5c3: {  	v3 =	vld.idx.msk [tilespmem:v7+s17+$0x0], $0xffff;
	[tilespmem:s25+$0xFFFFFFE0] =	vst v4;
	(pc) =	sbr.rel @p0 .LBB2_44-.Ltmp21, $4  }
0x5c4: {  	v4 =	vld.idx.msk [tilespmem:v12+s17+$0x0], $0xffff;
	[tilespmem:s25+$0x0] =	vst v5  }
0x5c5: {  	v5 =	vld.idx.msk [tilespmem:v13+s17+$0x0], $0xffff;
	[tilespmem:s25+$0x20] =	vst v6  }
0x5c6: {  	v6 =	vld.idx.msk [tilespmem:v15+s17+$0x0], $0xffff;
	[tilespmem:s25+$0x40] =	vst v10  }
0x5c7: {  	s28 =	sadd.s32 $0x80, s28;
	v7 =	vld.idx.msk [tilespmem:v17+s17+$0x0], $0xffff;
	[tilespmem:s25+$0x70] =	vst v8  }
0x5c8: {  	_ =	sdelay $0x2  }
0x5c9: {  	[tilespmem:s25+$0xFFFFFF80] =	vst v2  }
0x5ca: {  	[tilespmem:s25+$0xFFFFFFB0] =	vst v3;
	v0 =	vld.idx.msk [tilespmem:v0+s17+$0x0], $0xffff  }
0x5cb: {  	v1 =	vld.idx.msk [tilespmem:v1+s17+$0x0], $0xffff;
	[tilespmem:s25+$0xFFFFFFD0] =	vst v4  }
0x5cc: {  	[tilespmem:s25+$0xFFFFFFF0] =	vst v5  }
0x5cd: {  	[tilespmem:s25+$0x10] =	vst v6  }
0x5ce: {  	[tilespmem:s25+$0x30] =	vst v7  }
0x5cf: {  	[tilespmem:s25+$0x50] =	vst v0  }
0x5d0: {  	[tilespmem:s25+$0xFFFFFF90] =	vst v1  }
0x5d1: {  	[hbm4b:s8+s13] =	stream.strided.scatter [tilespmem:s19], [sflag:$0x6], $0x3C00, s14, s13, $0x38;
	[tilespmem:$0x1F000] =	vst v63  }
0x5d2: {  	_ =	swait.ge [sflag:s20], $0x8000  }
0x5d3: {  	[sflag:s20] =	ssyncset.done $0x0  }
0x5d4: {  	[sflag:s20] =	ssyncadd.s32 $0xFFFF8000  }
0x5d5: {  	_ =	swait.ge [sflag:s21], $0x3C00  }
0x5d6: {  	[sflag:s21] =	ssyncset.done $0x0  }
0x5d7: {  	s26 =	simm.s32 $0x13C40;
	[sflag:s21] =	ssyncadd.s32 $0xFFFFC400  }
0x5d8: {  	v0 =	vld [tilespmem:s26+$0x30]  }
0x5d9: {  	v1 =	vld [tilespmem:s26+$0xFFFFFFD0]  }
0x5da: {  	v2 =	vld [tilespmem:s26+$0xFFFFFFE0]  }
0x5db: {  	v3 =	vld [tilespmem:s26+$0xFFFFFFF0]  }
0x5dc: {  	v4 =	vld [tilespmem:s26+$0x0]  }
0x5dd: {  	v5 =	vld [tilespmem:s26+$0x10];
	v6 =	vunpack.i.l.s16.s32 v0  }
0x5de: {  	v8 =	vld [tilespmem:s26+$0x20];
	v7 =	vunpack.i.l.s16.s32 v1  }
0x5df: {  	v10 =	vld [tilespmem:s26+$0xFFFFFFC0];
	v9 =	vunpack.i.l.s16.s32 v2  }
0x5e0: {  	v11 =	vunpack.i.l.s16.s32 v3  }
0x5e1: {  	v12 =	vunpack.i.l.s16.s32 v4  }
0x5e2: {  	v13 =	vunpack.i.l.s16.s32 v5;
	v6 =	vld.idx.msk [tilespmem:v6+s15+$0x0], $0xffff  }
0x5e3: {  	v14 =	vunpack.i.l.s16.s32 v8;
	v7 =	vld.idx.msk [tilespmem:v7+s15+$0x0], $0xffff  }
0x5e4: {  	v15 =	vunpack.i.l.s16.s32 v10;
	v9 =	vld.idx.msk [tilespmem:v9+s15+$0x0], $0xffff  }
0x5e5: {  	v0 =	vunpack.i.u.s16.s32 v0;
	v11 =	vld.idx.msk [tilespmem:v11+s15+$0x0], $0xffff  }
0x5e6: {  	v1 =	vunpack.i.u.s16.s32 v1;
	v12 =	vld.idx.msk [tilespmem:v12+s15+$0x0], $0xffff  }
0x5e7: {  	s25 =	simm.s32 $0x17880;
	v16 =	vunpack.i.u.s16.s32 v2;
	v13 =	vld.idx.msk [tilespmem:v13+s15+$0x0], $0xffff  }
0x5e8: {  	v17 =	vunpack.i.u.s16.s32 v3;
	v14 =	vld.idx.msk [tilespmem:v14+s15+$0x0], $0xffff;
	[tilespmem:s25+$0x60] =	vst v6  }
0x5e9: {  	v2 =	vld.idx.msk [tilespmem:v15+s15+$0x0], $0xffff;
	v6 =	vunpack.i.u.s16.s32 v4;
	[tilespmem:s25+$0xFFFFFFA0] =	vst v7  }
0x5ea: {  	v7 =	vunpack.i.u.s16.s32 v5;
	[tilespmem:s25+$0xFFFFFFC0] =	vst v9;
	v18 =	vld.idx.msk [tilespmem:v0+s15+$0x0], $0xffff  }
0x5eb: {  	[tilespmem:s25+$0xFFFFFFE0] =	vst v11;
	v3 =	vld.idx.msk [tilespmem:v1+s15+$0x0], $0xffff  }
0x5ec: {  	[tilespmem:s25+$0x0] =	vst v12;
	v4 =	vld.idx.msk [tilespmem:v16+s15+$0x0], $0xffff  }
0x5ed: {  	[tilespmem:s25+$0x20] =	vst v13;
	v5 =	vld.idx.msk [tilespmem:v17+s15+$0x0], $0xffff  }
0x5ee: {  	[tilespmem:s25+$0x40] =	vst v14;
	v6 =	vld.idx.msk [tilespmem:v6+s15+$0x0], $0xffff  }
0x5ef: {  	s28 =	simm.s32 $0x13CC0;
	s26 =	simm.s32 $0x0;
	v0 =	vunpack.i.u.s16.s32 v8;
	v1 =	vunpack.i.u.s16.s32 v10;
	v7 =	vld.idx.msk [tilespmem:v7+s15+$0x0], $0xffff;
	[tilespmem:s25+$0x70] =	vst v18  }
.LBB2_46:
0x5f0: {  	v8 =	vld [tilespmem:s28+$0x30];
	s26 =	sadd.s32 $0x8, s26;
	[tilespmem:s25+$0xFFFFFF80] =	vst v2  }
0x5f1: {  	v2 =	vld [tilespmem:s28+$0xFFFFFFD0];
	p0 =	slt.u32 s26, $0x1D8;
	[tilespmem:s25+$0xFFFFFFB0] =	vst v3  }
0x5f2: {  	v3 =	vld [tilespmem:s28+$0xFFFFFFE0];
	[tilespmem:s25+$0xFFFFFFD0] =	vst v4  }
0x5f3: {  	v4 =	vld [tilespmem:s28+$0xFFFFFFF0];
	[tilespmem:s25+$0xFFFFFFF0] =	vst v5  }
0x5f4: {  	v5 =	vld [tilespmem:s28+$0x0];
	[tilespmem:s25+$0x10] =	vst v6  }
0x5f5: {  	v6 =	vld [tilespmem:s28+$0x10];
	v9 =	vunpack.i.l.s16.s32 v8;
	[tilespmem:s25+$0x30] =	vst v7  }
0x5f6: {  	v7 =	vunpack.i.u.s16.s32 v2;
	v2 =	vunpack.i.l.s16.s32 v2;
	v10 =	vld [tilespmem:s28+$0x20]  }
0x5f7: {  	v11 =	vld [tilespmem:s28+$0xFFFFFFC0];
	v12 =	vunpack.i.u.s16.s32 v3;
	v3 =	vunpack.i.l.s16.s32 v3  }
0x5f8: {  	v13 =	vunpack.i.u.s16.s32 v4;
	v4 =	vunpack.i.l.s16.s32 v4;
	v14 =	vld.idx.msk [tilespmem:v1+s15+$0x0], $0xffff  }
0x5f9: {  	v15 =	vunpack.i.u.s16.s32 v5;
	v5 =	vunpack.i.l.s16.s32 v5;
	v16 =	vld.idx.msk [tilespmem:v0+s15+$0x0], $0xffff  }
0x5fa: {  	v17 =	vunpack.i.u.s16.s32 v6;
	v6 =	vunpack.i.l.s16.s32 v6;
	v9 =	vld.idx.msk [tilespmem:v9+s15+$0x0], $0xffff  }
0x5fb: {  	v2 =	vld.idx.msk [tilespmem:v2+s15+$0x0], $0xffff;
	v0 =	vunpack.i.u.s16.s32 v10;
	v10 =	vunpack.i.l.s16.s32 v10  }
0x5fc: {  	v8 =	vunpack.i.u.s16.s32 v8;
	v1 =	vunpack.i.u.s16.s32 v11;
	v11 =	vunpack.i.l.s16.s32 v11;
	v3 =	vld.idx.msk [tilespmem:v3+s15+$0x0], $0xffff  }
0x5fd: {  	v4 =	vld.idx.msk [tilespmem:v4+s15+$0x0], $0xffff  }
0x5fe: {  	v5 =	vld.idx.msk [tilespmem:v5+s15+$0x0], $0xffff;
	[tilespmem:s25+$0xFFFFFF90] =	vst v14  }
0x5ff: {  	v6 =	vld.idx.msk [tilespmem:v6+s15+$0x0], $0xffff;
	[tilespmem:s25+$0x50] =	vst v16;
	s25 =	sadd.s32 $0x100, s25  }
0x600: {  	v10 =	vld.idx.msk [tilespmem:v10+s15+$0x0], $0xffff;
	[tilespmem:s25+$0x60] =	vst v9  }
0x601: {  	[tilespmem:s25+$0xFFFFFFA0] =	vst v2;
	v8 =	vld.idx.msk [tilespmem:v8+s15+$0x0], $0xffff  }
0x602: {  	v2 =	vld.idx.msk [tilespmem:v11+s15+$0x0], $0xffff;
	[tilespmem:s25+$0xFFFFFFC0] =	vst v3  }
.Ltmp22:
0x603: {  	v3 =	vld.idx.msk [tilespmem:v7+s15+$0x0], $0xffff;
	[tilespmem:s25+$0xFFFFFFE0] =	vst v4;
	(pc) =	sbr.rel @p0 .LBB2_46-.Ltmp22, $4  }
0x604: {  	v4 =	vld.idx.msk [tilespmem:v12+s15+$0x0], $0xffff;
	[tilespmem:s25+$0x0] =	vst v5  }
0x605: {  	v5 =	vld.idx.msk [tilespmem:v13+s15+$0x0], $0xffff;
	[tilespmem:s25+$0x20] =	vst v6  }
0x606: {  	v6 =	vld.idx.msk [tilespmem:v15+s15+$0x0], $0xffff;
	[tilespmem:s25+$0x40] =	vst v10  }
0x607: {  	s28 =	sadd.s32 $0x80, s28;
	v7 =	vld.idx.msk [tilespmem:v17+s15+$0x0], $0xffff;
	[tilespmem:s25+$0x70] =	vst v8  }
0x608: {  	_ =	sdelay $0x2  }
0x609: {  	[tilespmem:s25+$0xFFFFFF80] =	vst v2  }
0x60a: {  	[tilespmem:s25+$0xFFFFFFB0] =	vst v3;
	v0 =	vld.idx.msk [tilespmem:v0+s15+$0x0], $0xffff  }
0x60b: {  	v1 =	vld.idx.msk [tilespmem:v1+s15+$0x0], $0xffff;
	[tilespmem:s25+$0xFFFFFFD0] =	vst v4  }
0x60c: {  	[tilespmem:s25+$0xFFFFFFF0] =	vst v5  }
0x60d: {  	[tilespmem:s25+$0x10] =	vst v6  }
0x60e: {  	[tilespmem:s25+$0x30] =	vst v7  }
0x60f: {  	[tilespmem:s25+$0x50] =	vst v0  }
0x610: {  	[tilespmem:s25+$0xFFFFFF90] =	vst v1  }
0x611: {  	[hbm4b:s9+s13] =	stream.strided.scatter [tilespmem:s18], [sflag:$0x5], $0x3C00, s14, s13, $0x38;
	[tilespmem:$0x1F000] =	vst v63  }
0x612: {  	_ =	swait.ge [sflag:s22], $0x3C00  }
0x613: {  	[sflag:s22] =	ssyncset.done $0x0  }
0x614: {  	s26 =	simm.s32 $0x15A70;
	[sflag:s22] =	ssyncadd.s32 $0xFFFFC400  }
0x615: {  	v0 =	vld [tilespmem:s26+$0x0]  }
0x616: {  	v1 =	vld [tilespmem:s26+$0xFFFFFFA0]  }
0x617: {  	v2 =	vld [tilespmem:s26+$0xFFFFFFB0]  }
0x618: {  	v3 =	vld [tilespmem:s26+$0xFFFFFFC0]  }
0x619: {  	v4 =	vld [tilespmem:s26+$0xFFFFFFD0]  }
0x61a: {  	v5 =	vld [tilespmem:s26+$0xFFFFFFE0];
	v6 =	vunpack.i.l.s16.s32 v0  }
0x61b: {  	v8 =	vld [tilespmem:s26+$0xFFFFFFF0];
	v7 =	vunpack.i.l.s16.s32 v1  }
0x61c: {  	v10 =	vld [tilespmem:s26+$0xFFFFFF90];
	v9 =	vunpack.i.l.s16.s32 v2  }
0x61d: {  	v11 =	vunpack.i.l.s16.s32 v3  }
0x61e: {  	v12 =	vunpack.i.l.s16.s32 v4  }
0x61f: {  	v13 =	vunpack.i.l.s16.s32 v5;
	v6 =	vld.idx.msk [tilespmem:v6+s15+$0x0], $0xffff  }
0x620: {  	v14 =	vunpack.i.l.s16.s32 v8;
	v7 =	vld.idx.msk [tilespmem:v7+s15+$0x0], $0xffff  }
0x621: {  	v15 =	vunpack.i.l.s16.s32 v10;
	v9 =	vld.idx.msk [tilespmem:v9+s15+$0x0], $0xffff  }
0x622: {  	v0 =	vunpack.i.u.s16.s32 v0;
	v11 =	vld.idx.msk [tilespmem:v11+s15+$0x0], $0xffff  }
0x623: {  	v1 =	vunpack.i.u.s16.s32 v1;
	v12 =	vld.idx.msk [tilespmem:v12+s15+$0x0], $0xffff  }
0x624: {  	s25 =	simm.s32 $0x1B480;
	v16 =	vunpack.i.u.s16.s32 v2;
	v13 =	vld.idx.msk [tilespmem:v13+s15+$0x0], $0xffff  }
0x625: {  	v17 =	vunpack.i.u.s16.s32 v3;
	v14 =	vld.idx.msk [tilespmem:v14+s15+$0x0], $0xffff;
	[tilespmem:s25+$0x60] =	vst v6  }
0x626: {  	v2 =	vld.idx.msk [tilespmem:v15+s15+$0x0], $0xffff;
	v6 =	vunpack.i.u.s16.s32 v4;
	[tilespmem:s25+$0xFFFFFFA0] =	vst v7  }
0x627: {  	v7 =	vunpack.i.u.s16.s32 v5;
	[tilespmem:s25+$0xFFFFFFC0] =	vst v9;
	v18 =	vld.idx.msk [tilespmem:v0+s15+$0x0], $0xffff  }
0x628: {  	[tilespmem:s25+$0xFFFFFFE0] =	vst v11;
	v3 =	vld.idx.msk [tilespmem:v1+s15+$0x0], $0xffff  }
0x629: {  	[tilespmem:s25+$0x0] =	vst v12;
	v4 =	vld.idx.msk [tilespmem:v16+s15+$0x0], $0xffff  }
0x62a: {  	[tilespmem:s25+$0x20] =	vst v13;
	v5 =	vld.idx.msk [tilespmem:v17+s15+$0x0], $0xffff  }
0x62b: {  	[tilespmem:s25+$0x40] =	vst v14;
	v6 =	vld.idx.msk [tilespmem:v6+s15+$0x0], $0xffff  }
0x62c: {  	s28 =	simm.s32 $0x15AF0;
	s26 =	simm.s32 $0x0;
	v0 =	vunpack.i.u.s16.s32 v8;
	v1 =	vunpack.i.u.s16.s32 v10;
	v7 =	vld.idx.msk [tilespmem:v7+s15+$0x0], $0xffff;
	[tilespmem:s25+$0x70] =	vst v18  }
.LBB2_48:
0x62d: {  	v8 =	vld [tilespmem:s28+$0x0];
	s26 =	sadd.s32 $0x8, s26;
	[tilespmem:s25+$0xFFFFFF80] =	vst v2  }
0x62e: {  	v2 =	vld [tilespmem:s28+$0xFFFFFFA0];
	p0 =	slt.u32 s26, $0x1D8;
	[tilespmem:s25+$0xFFFFFFB0] =	vst v3  }
0x62f: {  	v3 =	vld [tilespmem:s28+$0xFFFFFFB0];
	[tilespmem:s25+$0xFFFFFFD0] =	vst v4  }
0x630: {  	v4 =	vld [tilespmem:s28+$0xFFFFFFC0];
	[tilespmem:s25+$0xFFFFFFF0] =	vst v5  }
0x631: {  	v5 =	vld [tilespmem:s28+$0xFFFFFFD0];
	[tilespmem:s25+$0x10] =	vst v6  }
0x632: {  	v6 =	vld [tilespmem:s28+$0xFFFFFFE0];
	v9 =	vunpack.i.l.s16.s32 v8;
	[tilespmem:s25+$0x30] =	vst v7  }
0x633: {  	v7 =	vunpack.i.u.s16.s32 v2;
	v2 =	vunpack.i.l.s16.s32 v2;
	v10 =	vld [tilespmem:s28+$0xFFFFFFF0]  }
0x634: {  	v11 =	vld [tilespmem:s28+$0xFFFFFF90];
	v12 =	vunpack.i.u.s16.s32 v3;
	v3 =	vunpack.i.l.s16.s32 v3  }
0x635: {  	v13 =	vunpack.i.u.s16.s32 v4;
	v4 =	vunpack.i.l.s16.s32 v4;
	v14 =	vld.idx.msk [tilespmem:v1+s15+$0x0], $0xffff  }
0x636: {  	v15 =	vunpack.i.u.s16.s32 v5;
	v5 =	vunpack.i.l.s16.s32 v5;
	v16 =	vld.idx.msk [tilespmem:v0+s15+$0x0], $0xffff  }
0x637: {  	v17 =	vunpack.i.u.s16.s32 v6;
	v6 =	vunpack.i.l.s16.s32 v6;
	v9 =	vld.idx.msk [tilespmem:v9+s15+$0x0], $0xffff  }
0x638: {  	v2 =	vld.idx.msk [tilespmem:v2+s15+$0x0], $0xffff;
	v0 =	vunpack.i.u.s16.s32 v10;
	v10 =	vunpack.i.l.s16.s32 v10  }
0x639: {  	v8 =	vunpack.i.u.s16.s32 v8;
	v1 =	vunpack.i.u.s16.s32 v11;
	v11 =	vunpack.i.l.s16.s32 v11;
	v3 =	vld.idx.msk [tilespmem:v3+s15+$0x0], $0xffff  }
0x63a: {  	v4 =	vld.idx.msk [tilespmem:v4+s15+$0x0], $0xffff  }
0x63b: {  	v5 =	vld.idx.msk [tilespmem:v5+s15+$0x0], $0xffff;
	[tilespmem:s25+$0xFFFFFF90] =	vst v14  }
0x63c: {  	v6 =	vld.idx.msk [tilespmem:v6+s15+$0x0], $0xffff;
	[tilespmem:s25+$0x50] =	vst v16;
	s25 =	sadd.s32 $0x100, s25  }
0x63d: {  	v10 =	vld.idx.msk [tilespmem:v10+s15+$0x0], $0xffff;
	[tilespmem:s25+$0x60] =	vst v9  }
0x63e: {  	[tilespmem:s25+$0xFFFFFFA0] =	vst v2;
	v8 =	vld.idx.msk [tilespmem:v8+s15+$0x0], $0xffff  }
0x63f: {  	v2 =	vld.idx.msk [tilespmem:v11+s15+$0x0], $0xffff;
	[tilespmem:s25+$0xFFFFFFC0] =	vst v3  }
.Ltmp23:
0x640: {  	v3 =	vld.idx.msk [tilespmem:v7+s15+$0x0], $0xffff;
	[tilespmem:s25+$0xFFFFFFE0] =	vst v4;
	(pc) =	sbr.rel @p0 .LBB2_48-.Ltmp23, $4  }
0x641: {  	v4 =	vld.idx.msk [tilespmem:v12+s15+$0x0], $0xffff;
	[tilespmem:s25+$0x0] =	vst v5  }
0x642: {  	v5 =	vld.idx.msk [tilespmem:v13+s15+$0x0], $0xffff;
	[tilespmem:s25+$0x20] =	vst v6  }
0x643: {  	v6 =	vld.idx.msk [tilespmem:v15+s15+$0x0], $0xffff;
	[tilespmem:s25+$0x40] =	vst v10  }
0x644: {  	s28 =	sadd.s32 $0x80, s28;
	v7 =	vld.idx.msk [tilespmem:v17+s15+$0x0], $0xffff;
	[tilespmem:s25+$0x70] =	vst v8  }
0x645: {  	_ =	sdelay $0x2  }
0x646: {  	[tilespmem:s25+$0xFFFFFF80] =	vst v2  }
0x647: {  	[tilespmem:s25+$0xFFFFFFB0] =	vst v3;
	v0 =	vld.idx.msk [tilespmem:v0+s15+$0x0], $0xffff  }
0x648: {  	v1 =	vld.idx.msk [tilespmem:v1+s15+$0x0], $0xffff;
	[tilespmem:s25+$0xFFFFFFD0] =	vst v4  }
0x649: {  	[tilespmem:s25+$0xFFFFFFF0] =	vst v5  }
0x64a: {  	[tilespmem:s25+$0x10] =	vst v6  }
0x64b: {  	[tilespmem:s25+$0x30] =	vst v7  }
0x64c: {  	[tilespmem:s25+$0x50] =	vst v0  }
0x64d: {  	s24 =	sadd.s32 $0x1, s24;
	[tilespmem:s25+$0xFFFFFF90] =	vst v1  }
0x64e: {  	[hbm4b:s10+s13] =	stream.strided.scatter [tilespmem:s19], [sflag:$0x6], $0x3C00, s14, s13, $0x38;
	[tilespmem:$0x1F000] =	vst v63  }
0x64f: {  	p0 =	sne.s32 s24, s11;
	_ =	swait.ge [sflag:s21], $0x3C00  }
.Ltmp24:
0x650: {  	[sflag:s21] =	ssyncset.done $0x0;
	(pc) =	sbr.rel @p0 .LBB2_1-.Ltmp24, $4  }
0x651: {  	[sflag:s21] =	ssyncadd.s32 $0xFFFFC400  }
0x652: {  	_ =	swait.ge [sflag:s22], $0x3C00  }
0x653: {  	[sflag:s22] =	ssyncset.done $0x0  }
0x654: {  	[sflag:s22] =	ssyncadd.s32 $0xFFFFC400  }
0x655: {  	_ =	sfence.sel $0x180000  }
0x656: {  	[bflag:$0x0] =	sbarrier.arrive $0xFFFF  }
0x657: {  	_ =	strace $0x90000047  }
0x658: {  	s0 =	stileid.u32;
	[bflag:$0x2] =	sbarrier.arrive $0xFFFF  }
0x659: {  	p0 =	sne.s32 s0, $0x0;
	s0 =	rddreg [dreg:$0x3]  }
0x65a: {  	s0 =	sadd.s32 @!p0 $0x100000, s0  }
0x65b: {  	[sflag:s0] =	ssyncadd.tile.s32 @!p0 $0x1;
	_ =	shalt  }
.Lfunc_end2:
_tile_overlayer_lowered:
.L_overlay_start_2:
0x65c: {  	(tag) =	ssettag $0x2  }
0x65d: {  	s0 =	rddreg [dreg:$0x0];
	s2 =	stileid.u32  }
0x65e: {  	s1 =	rddreg [dreg:$0x1];
	p0 =	sne.s32 s2, $0x0  }
0x65f: {  	s3 =	rddreg [dreg:$0x2];
	[bflag:$0x3] =	sbarrier.arrive $0xFFFF;
	s2 =	simm.s32 @!p0 $0x1C07  }
0x660: {  	[timem:s3], [sflag:s2] =	dma.local @!p0 [hbm:s0], s1  }
0x661: {  	s0 =	simm.s32 @!p0 $0x7  }
0x662: {  	_ =	swait.ge @!p0 [sflag:s0], s1  }
0x663: {  	s1 =	ssub.s32 @!p0 $0x0, s1;
	[sflag:s0] =	ssyncset.done @!p0 $0x0  }
0x664: {  	[sflag:s0] =	ssyncadd.s32 @!p0 s1  }
0x665: {  	[bflag:$0x3] =	sbarrier.arrive $0xFFFF  }
0x666: {  	_ =	shalt  }

</sc_bundles>
